<compile_context>
chip_gen: v7x
topology: tpu7x:2x2x1
jax: 0.10.2.dev20260603
libtpu: 0.0.44.dev20260713+nightly
codegen_flags: <defaults>
</compile_context>

<pallas_src>
import functools

import jax
import jax.numpy as jnp
import numpy as np
from jax import lax
from jax.experimental import pallas as pl
from jax.experimental.pallas import tpu as pltpu
from jax.experimental.pallas import tpu_sc as plsc

SEQ = 2048
BATCH = 64
DIM = 128
LANES = 16
VPR = DIM // LANES

NC = 2
NS = 16
NW = NC * NS

N = SEQ * BATCH
ROWS_W = N // NW
POS_W = SEQ // NW
CHUNK = 64
POS_CHUNK = CHUNK // BATCH
NCHUNK = ROWS_W // CHUNK
NBUF = 8
UNROLL = 4


def _make_pe():
    pos = np.arange(SEQ, dtype=np.float32)[:, None]
    div_term = 1.0 / np.power(
        10000.0, np.arange(0, DIM * 2, 2, dtype=np.float32) / DIM
    )
    pe = pos * div_term[None, :]
    pe[:, 0::2] = np.sin(pe[:, 0::2])
    pe[:, 1::2] = np.cos(pe[:, 1::2])
    return jnp.asarray(pe)


@functools.partial(
    pl.kernel,
    mesh=plsc.VectorSubcoreMesh(core_axis_name="c", subcore_axis_name="s"),
    out_type=jax.ShapeDtypeStruct((N, DIM), jnp.float32),
    scratch_types=(
        [pltpu.VMEM((ROWS_W,), jnp.int32)]
        + [pltpu.VMEM((CHUNK, DIM), jnp.float32) for _ in range(NBUF)]
        + [pltpu.VMEM((POS_W, DIM), jnp.float32)]
        + [pltpu.SemaphoreType.DMA for _ in range(2 * NBUF)]
    ),
)
def _emb_lookup(idx_hbm, table_hbm, pe_hbm, out_hbm, idx_v, *rest):
    rows = rest[:NBUF]
    pe_v = rest[NBUF]
    gsem = rest[NBUF + 1:NBUF + 1 + NBUF]
    wsem = rest[NBUF + 1 + NBUF:]

    wid = lax.axis_index("s") * NC + lax.axis_index("c")
    base = wid * ROWS_W
    pltpu.sync_copy(idx_hbm.at[pl.ds(base, ROWS_W)], idx_v)

    def start_gather(c, b):
        return pltpu.async_copy(
            table_hbm.at[idx_v.at[pl.ds(c * CHUNK, CHUNK)]], rows[b], gsem[b]
        )

    def start_wb(c, b):
        return pltpu.async_copy(
            rows[b], out_hbm.at[pl.ds(base + c * CHUNK, CHUNK)], wsem[b]
        )

    def add_pe(c, b):
        def pos_body(p, _):
            lp = c * POS_CHUNK + p
            pe_vecs = tuple(
                pe_v[lp, pl.ds(v * LANES, LANES)] for v in range(VPR)
            )

            def row_body(r, _):
                row = p * BATCH + r * UNROLL
                for u in range(UNROLL):
                    for v in range(VPR):
                        plsc.addupdate(
                            rows[b].at[row + u, pl.ds(v * LANES, LANES)],
                            pe_vecs[v],
                        )
                return 0

            lax.fori_loop(0, BATCH // UNROLL, row_body, 0)
            return 0

        lax.fori_loop(0, POS_CHUNK, pos_body, 0)

    for b in range(NBUF - 1):
        start_gather(b, b)
    pltpu.sync_copy(pe_hbm.at[pl.ds(wid * POS_W, POS_W)], pe_v)

    def ring_body(t, _):
        for b in range(NBUF):
            c = t * NBUF + b
            pltpu.make_async_copy(
                table_hbm.at[idx_v.at[pl.ds(0, CHUNK)]], rows[b], gsem[b]
            ).wait()
            add_pe(c, b)
            start_wb(c, b)
            nb = (b + NBUF - 1) % NBUF
            nc = c + NBUF - 1

            @pl.when(nc < NCHUNK)
            def _():
                @pl.when(nc >= NBUF)
                def _():
                    pltpu.make_async_copy(
                        rows[nb], out_hbm.at[pl.ds(base, CHUNK)], wsem[nb]
                    ).wait()

                start_gather(nc, nb)

        return 0

    lax.fori_loop(0, NCHUNK // NBUF, ring_body, 0)

    for b in range(NBUF):
        pltpu.make_async_copy(
            rows[b], out_hbm.at[pl.ds(base, CHUNK)], wsem[b]
        ).wait()


def kernel(input, table):
    idx = input.reshape(N)
    pe = _make_pe()
    out = _emb_lookup(idx, table, pe)
    return out.reshape(SEQ, BATCH, DIM)

# --- scband reference (transcript-rebuilt; emitter-appended) ---
"""Pipeline reference for scband-embeddings-76622216560927 (READ-ONLY COPY).

The authoritative reference and input builder live on the scoring server;
editing this copy changes nothing except your own understanding.
"""

import jax, jax.numpy as jnp
import numpy as np

VOCAB = 100000
DIM = 128
MAX_LEN = 5000


def make_pe(max_len, dim):
    pos = jnp.arange(max_len, dtype=jnp.float32)[:, None]
    div_term = 1.0 / jnp.power(10000.0, jnp.arange(0, dim * 2, 2, dtype=jnp.float32) / dim)
    pe = pos * div_term[None, :]
    pe = pe.at[:, 0::2].set(jnp.sin(pe[:, 0::2]))
    pe = pe.at[:, 1::2].set(jnp.cos(pe[:, 1::2]))
    return pe[:, None, :]  # [max_len, 1, dim]


def setup_inputs(seed: int = 0) -> dict:
    key = jax.random.key(seed)
    k_idx, k_tab = jax.random.split(key)
    inp = jax.random.randint(k_idx, (2048, 64, 1), 0, VOCAB, dtype=jnp.int64 if jax.config.jax_enable_x64 else jnp.int32).astype(jnp.int32)
    table = jax.random.normal(k_tab, (VOCAB, DIM), dtype=jnp.float32)
    table = table.at[0].set(0.0)  # padding_idx=0 row zeroed like nn.Embedding
    return {"input": inp, "table": table}


def reference(input, table):
    # emb_luts: single word embedding lookup (no extra features)
    idx = input[..., 0]               # [len, batch]
    emb = jnp.take(table, idx, axis=0)  # [len, batch, dim]
    # PositionalEncoding (dropout p=0.0 is identity)
    pe = make_pe(MAX_LEN, DIM)
    emb = emb + pe[: emb.shape[0], :1, : emb.shape[2]]
    return emb

if __name__ == "__main__":
    import jax
    _d = setup_inputs()
    print(jax.jit(kernel)(*tuple(_d.values())))

</pallas_src>

<mosaic_0001>
#map = affine_map<(d0, d1) -> (0)>
#map1 = affine_map<(d0, d1) -> (0, 0)>
module attributes {stable_mosaic.version = 14 : i64} {
  func.func @_emb_lookup(%arg0: i32, %arg1: i32, %arg2: memref<131072xi32, #tpu.memory_space<hbm>>, %arg3: memref<100000x128xf32, #tpu.memory_space<hbm>>, %arg4: memref<2048x128xf32, #tpu.memory_space<hbm>>, %arg5: memref<131072x128xf32, #tpu.memory_space<hbm>>, %arg6: memref<4096xi32, #tpu.memory_space<vmem>>, %arg7: memref<64x128xf32, #tpu.memory_space<vmem>>, %arg8: memref<64x128xf32, #tpu.memory_space<vmem>>, %arg9: memref<64x128xf32, #tpu.memory_space<vmem>>, %arg10: memref<64x128xf32, #tpu.memory_space<vmem>>, %arg11: memref<64x128xf32, #tpu.memory_space<vmem>>, %arg12: memref<64x128xf32, #tpu.memory_space<vmem>>, %arg13: memref<64x128xf32, #tpu.memory_space<vmem>>, %arg14: memref<64x128xf32, #tpu.memory_space<vmem>>, %arg15: memref<64x128xf32, #tpu.memory_space<vmem>>, %arg16: memref<!tpu.dma_semaphore, #tpu.memory_space<semaphore_mem>>, %arg17: memref<!tpu.dma_semaphore, #tpu.memory_space<semaphore_mem>>, %arg18: memref<!tpu.dma_semaphore, #tpu.memory_space<semaphore_mem>>, %arg19: memref<!tpu.dma_semaphore, #tpu.memory_space<semaphore_mem>>, %arg20: memref<!tpu.dma_semaphore, #tpu.memory_space<semaphore_mem>>, %arg21: memref<!tpu.dma_semaphore, #tpu.memory_space<semaphore_mem>>, %arg22: memref<!tpu.dma_semaphore, #tpu.memory_space<semaphore_mem>>, %arg23: memref<!tpu.dma_semaphore, #tpu.memory_space<semaphore_mem>>, %arg24: memref<!tpu.dma_semaphore, #tpu.memory_space<semaphore_mem>>, %arg25: memref<!tpu.dma_semaphore, #tpu.memory_space<semaphore_mem>>, %arg26: memref<!tpu.dma_semaphore, #tpu.memory_space<semaphore_mem>>, %arg27: memref<!tpu.dma_semaphore, #tpu.memory_space<semaphore_mem>>, %arg28: memref<!tpu.dma_semaphore, #tpu.memory_space<semaphore_mem>>, %arg29: memref<!tpu.dma_semaphore, #tpu.memory_space<semaphore_mem>>, %arg30: memref<!tpu.dma_semaphore, #tpu.memory_space<semaphore_mem>>, %arg31: memref<!tpu.dma_semaphore, #tpu.memory_space<semaphore_mem>>) attributes {dimension_semantics = [#tpu.dimension_semantics<core_parallel>, #tpu.dimension_semantics<subcore_parallel>], iteration_bounds = array<i64: 2, 16>, scalar_prefetch = 0 : i64, scratch_operands = 26 : i64, tpu.core_type = #tpu.core_type<sc_vector_subcore>, window_params = [{transform_indices = #map}, {transform_indices = #map1}, {transform_indices = #map1}, {transform_indices = #map1}]} {
    %mul3A = arith.constant 2 : i32
    %mul3A_0 = arith.muli %arg1, %mul3A : i32
    %add3A = arith.addi %mul3A_0, %arg0 : i32
    %mul3A_1 = arith.constant 4096 : i32
    %mul3A_2 = arith.muli %add3A, %mul3A_1 : i32
    "tpu.region"() ({
      %run_scoped3A = tpu.sem_alloc : memref<!tpu.dma_semaphore, #tpu.memory_space<semaphore_mem>>
      %dma_start3A_76 = tpu.memref_slice %arg2[%mul3A_2] : memref<131072xi32, #tpu.memory_space<hbm>> -> memref<4096xi32, #tpu.memory_space<hbm>>
      %dma_start3A_77 = tpu.memref_slice %arg2[%mul3A_2] : memref<131072xi32, #tpu.memory_space<hbm>> -> memref<4096xi32, #tpu.memory_space<hbm>>
      tpu.enqueue_dma source(%dma_start3A_77 : memref<4096xi32, #tpu.memory_space<hbm>>) target(%arg6 : memref<4096xi32, #tpu.memory_space<vmem>>) target_semaphore(%run_scoped3A : memref<!tpu.dma_semaphore, #tpu.memory_space<semaphore_mem>>)
      %dma_wait3A_78 = tpu.memref_slice %arg2[%mul3A_2] : memref<131072xi32, #tpu.memory_space<hbm>> -> memref<4096xi32, #tpu.memory_space<hbm>>
      %dma_wait3A_79 = tpu.memref_slice %arg2[%mul3A_2] : memref<131072xi32, #tpu.memory_space<hbm>> -> memref<4096xi32, #tpu.memory_space<hbm>>
      tpu.wait_dma2 semaphore(%run_scoped3A : memref<!tpu.dma_semaphore, #tpu.memory_space<semaphore_mem>>) src(%dma_wait3A_79 : memref<4096xi32, #tpu.memory_space<hbm>>) dst(%arg6 : memref<4096xi32, #tpu.memory_space<vmem>>)
      tpu.yield
    }) : () -> ()
    %dma_start3A = arith.constant 0 : i32
    %dma_start3A_3 = tpu.memref_slice %arg6[%dma_start3A] : memref<4096xi32, #tpu.memory_space<vmem>> -> memref<64xi32, #tpu.memory_space<vmem>>
    %dma_start3A_4 = arith.constant 0 : i32
    %dma_start3A_5 = arith.constant 0 : i32
    %dma_start3A_6 = tpu.memref_slice %arg3[%dma_start3A_4, %dma_start3A_5] : memref<100000x128xf32, #tpu.memory_space<hbm>> -> memref<100000x128xf32, #tpu.memory_space<hbm>>
    tpu.enqueue_indirect_dma source(%dma_start3A_6 : memref<100000x128xf32, #tpu.memory_space<hbm>>) target(%arg7 : memref<64x128xf32, #tpu.memory_space<vmem>>) offsets(%dma_start3A_3 : memref<64xi32, #tpu.memory_space<vmem>>) semaphore(%arg16 : memref<!tpu.dma_semaphore, #tpu.memory_space<semaphore_mem>>)
    %dma_start3A_7 = arith.constant 64 : i32
    %dma_start3A_8 = tpu.memref_slice %arg6[%dma_start3A_7] : memref<4096xi32, #tpu.memory_space<vmem>> -> memref<64xi32, #tpu.memory_space<vmem>>
    %dma_start3A_9 = arith.constant 0 : i32
    %dma_start3A_10 = arith.constant 0 : i32
    %dma_start3A_11 = tpu.memref_slice %arg3[%dma_start3A_9, %dma_start3A_10] : memref<100000x128xf32, #tpu.memory_space<hbm>> -> memref<100000x128xf32, #tpu.memory_space<hbm>>
    tpu.enqueue_indirect_dma source(%dma_start3A_11 : memref<100000x128xf32, #tpu.memory_space<hbm>>) target(%arg8 : memref<64x128xf32, #tpu.memory_space<vmem>>) offsets(%dma_start3A_8 : memref<64xi32, #tpu.memory_space<vmem>>) semaphore(%arg17 : memref<!tpu.dma_semaphore, #tpu.memory_space<semaphore_mem>>)
    %dma_start3A_12 = arith.constant 128 : i32
    %dma_start3A_13 = tpu.memref_slice %arg6[%dma_start3A_12] : memref<4096xi32, #tpu.memory_space<vmem>> -> memref<64xi32, #tpu.memory_space<vmem>>
    %dma_start3A_14 = arith.constant 0 : i32
    %dma_start3A_15 = arith.constant 0 : i32
    %dma_start3A_16 = tpu.memref_slice %arg3[%dma_start3A_14, %dma_start3A_15] : memref<100000x128xf32, #tpu.memory_space<hbm>> -> memref<100000x128xf32, #tpu.memory_space<hbm>>
    tpu.enqueue_indirect_dma source(%dma_start3A_16 : memref<100000x128xf32, #tpu.memory_space<hbm>>) target(%arg9 : memref<64x128xf32, #tpu.memory_space<vmem>>) offsets(%dma_start3A_13 : memref<64xi32, #tpu.memory_space<vmem>>) semaphore(%arg18 : memref<!tpu.dma_semaphore, #tpu.memory_space<semaphore_mem>>)
    %dma_start3A_17 = arith.constant 192 : i32
    %dma_start3A_18 = tpu.memref_slice %arg6[%dma_start3A_17] : memref<4096xi32, #tpu.memory_space<vmem>> -> memref<64xi32, #tpu.memory_space<vmem>>
    %dma_start3A_19 = arith.constant 0 : i32
    %dma_start3A_20 = arith.constant 0 : i32
    %dma_start3A_21 = tpu.memref_slice %arg3[%dma_start3A_19, %dma_start3A_20] : memref<100000x128xf32, #tpu.memory_space<hbm>> -> memref<100000x128xf32, #tpu.memory_space<hbm>>
    tpu.enqueue_indirect_dma source(%dma_start3A_21 : memref<100000x128xf32, #tpu.memory_space<hbm>>) target(%arg10 : memref<64x128xf32, #tpu.memory_space<vmem>>) offsets(%dma_start3A_18 : memref<64xi32, #tpu.memory_space<vmem>>) semaphore(%arg19 : memref<!tpu.dma_semaphore, #tpu.memory_space<semaphore_mem>>)
    %dma_start3A_22 = arith.constant 256 : i32
    %dma_start3A_23 = tpu.memref_slice %arg6[%dma_start3A_22] : memref<4096xi32, #tpu.memory_space<vmem>> -> memref<64xi32, #tpu.memory_space<vmem>>
    %dma_start3A_24 = arith.constant 0 : i32
    %dma_start3A_25 = arith.constant 0 : i32
    %dma_start3A_26 = tpu.memref_slice %arg3[%dma_start3A_24, %dma_start3A_25] : memref<100000x128xf32, #tpu.memory_space<hbm>> -> memref<100000x128xf32, #tpu.memory_space<hbm>>
    tpu.enqueue_indirect_dma source(%dma_start3A_26 : memref<100000x128xf32, #tpu.memory_space<hbm>>) target(%arg11 : memref<64x128xf32, #tpu.memory_space<vmem>>) offsets(%dma_start3A_23 : memref<64xi32, #tpu.memory_space<vmem>>) semaphore(%arg20 : memref<!tpu.dma_semaphore, #tpu.memory_space<semaphore_mem>>)
    %dma_start3A_27 = arith.constant 320 : i32
    %dma_start3A_28 = tpu.memref_slice %arg6[%dma_start3A_27] : memref<4096xi32, #tpu.memory_space<vmem>> -> memref<64xi32, #tpu.memory_space<vmem>>
    %dma_start3A_29 = arith.constant 0 : i32
    %dma_start3A_30 = arith.constant 0 : i32
    %dma_start3A_31 = tpu.memref_slice %arg3[%dma_start3A_29, %dma_start3A_30] : memref<100000x128xf32, #tpu.memory_space<hbm>> -> memref<100000x128xf32, #tpu.memory_space<hbm>>
    tpu.enqueue_indirect_dma source(%dma_start3A_31 : memref<100000x128xf32, #tpu.memory_space<hbm>>) target(%arg12 : memref<64x128xf32, #tpu.memory_space<vmem>>) offsets(%dma_start3A_28 : memref<64xi32, #tpu.memory_space<vmem>>) semaphore(%arg21 : memref<!tpu.dma_semaphore, #tpu.memory_space<semaphore_mem>>)
    %dma_start3A_32 = arith.constant 384 : i32
    %dma_start3A_33 = tpu.memref_slice %arg6[%dma_start3A_32] : memref<4096xi32, #tpu.memory_space<vmem>> -> memref<64xi32, #tpu.memory_space<vmem>>
    %dma_start3A_34 = arith.constant 0 : i32
    %dma_start3A_35 = arith.constant 0 : i32
    %dma_start3A_36 = tpu.memref_slice %arg3[%dma_start3A_34, %dma_start3A_35] : memref<100000x128xf32, #tpu.memory_space<hbm>> -> memref<100000x128xf32, #tpu.memory_space<hbm>>
    tpu.enqueue_indirect_dma source(%dma_start3A_36 : memref<100000x128xf32, #tpu.memory_space<hbm>>) target(%arg13 : memref<64x128xf32, #tpu.memory_space<vmem>>) offsets(%dma_start3A_33 : memref<64xi32, #tpu.memory_space<vmem>>) semaphore(%arg22 : memref<!tpu.dma_semaphore, #tpu.memory_space<semaphore_mem>>)
    %mul3A_37 = arith.constant 64 : i32
    %mul3A_38 = arith.muli %add3A, %mul3A_37 : i32
    "tpu.region"() ({
      %run_scoped3A = tpu.sem_alloc : memref<!tpu.dma_semaphore, #tpu.memory_space<semaphore_mem>>
      %dma_start3A_76 = arith.constant 0 : i32
      %dma_start3A_77 = tpu.memref_slice %arg4[%mul3A_38, %dma_start3A_76] : memref<2048x128xf32, #tpu.memory_space<hbm>> -> memref<64x128xf32, #tpu.memory_space<hbm>>
      %dma_start3A_78 = arith.constant 0 : i32
      %dma_start3A_79 = tpu.memref_slice %arg4[%mul3A_38, %dma_start3A_78] : memref<2048x128xf32, #tpu.memory_space<hbm>> -> memref<64x128xf32, #tpu.memory_space<hbm>>
      tpu.enqueue_dma source(%dma_start3A_79 : memref<64x128xf32, #tpu.memory_space<hbm>>) target(%arg15 : memref<64x128xf32, #tpu.memory_space<vmem>>) target_semaphore(%run_scoped3A : memref<!tpu.dma_semaphore, #tpu.memory_space<semaphore_mem>>)
      %dma_wait3A_80 = arith.constant 0 : i32
      %dma_wait3A_81 = tpu.memref_slice %arg4[%mul3A_38, %dma_wait3A_80] : memref<2048x128xf32, #tpu.memory_space<hbm>> -> memref<64x128xf32, #tpu.memory_space<hbm>>
      %dma_wait3A_82 = arith.constant 0 : i32
      %dma_wait3A_83 = tpu.memref_slice %arg4[%mul3A_38, %dma_wait3A_82] : memref<2048x128xf32, #tpu.memory_space<hbm>> -> memref<64x128xf32, #tpu.memory_space<hbm>>
      tpu.wait_dma2 semaphore(%run_scoped3A : memref<!tpu.dma_semaphore, #tpu.memory_space<semaphore_mem>>) src(%dma_wait3A_83 : memref<64x128xf32, #tpu.memory_space<hbm>>) dst(%arg15 : memref<64x128xf32, #tpu.memory_space<vmem>>)
      tpu.yield
    }) : () -> ()
    %scan3A = arith.constant 0 : i32
    %scan3A_39 = arith.constant 0 : i32
    %scan3A_40 = arith.constant 8 : i32
    %scan3A_41 = arith.addi %scan3A_39, %scan3A_40 : i32
    %scan3A_42 = arith.constant 1 : i32
    %scan3A_43 = scf.for %scan3A_76 = %scan3A_39 to %scan3A_41 step %scan3A_42 iter_args(%scan3A_77 = %scan3A) -> (i32)  : i32 {
      %mul3A_78 = arith.constant 8 : i32
      %mul3A_79 = arith.muli %scan3A_76, %mul3A_78 : i32
      %add3A_80 = arith.constant 0 : i32
      %add3A_81 = arith.addi %mul3A_79, %add3A_80 : i32
      %dma_wait3A_82 = arith.constant 0 : i32
      %dma_wait3A_83 = tpu.memref_slice %arg6[%dma_wait3A_82] : memref<4096xi32, #tpu.memory_space<vmem>> -> memref<64xi32, #tpu.memory_space<vmem>>
      %dma_wait3A_84 = arith.constant 0 : i32
      %dma_wait3A_85 = arith.constant 0 : i32
      %dma_wait3A_86 = tpu.memref_slice %arg3[%dma_wait3A_84, %dma_wait3A_85] : memref<100000x128xf32, #tpu.memory_space<hbm>> -> memref<100000x128xf32, #tpu.memory_space<hbm>>
      tpu.wait_indirect_dma semaphore(%arg16 : memref<!tpu.dma_semaphore, #tpu.memory_space<semaphore_mem>>) src(%dma_wait3A_86 : memref<100000x128xf32, #tpu.memory_space<hbm>>) dst(%arg7 : memref<64x128xf32, #tpu.memory_space<vmem>>)
      %scan3A_87 = arith.constant 0 : i32
      %scan3A_88 = arith.constant 0 : i32
      %mul3A_89 = arith.constant 1 : i32
      %mul3A_90 = arith.muli %add3A_81, %mul3A_89 : i32
      %add3A_91 = arith.addi %mul3A_90, %scan3A_88 : i32
      %get3A = arith.index_cast %add3A_91 : i32 to index
      %get3A_92 = arith.constant 0 : index
      %get3A_93 = tpu.vector_load %arg15[%get3A, %get3A_92] {strides = array<i32>} : memref<64x128xf32, #tpu.memory_space<vmem>>, vector<1x16xf32>,
      %get3A_94 = vector.shape_cast %get3A_93 : vector<1x16xf32> to vector<16xf32>
      %get3A_95 = arith.index_cast %add3A_91 : i32 to index
      %get3A_96 = arith.constant 16 : index
      %get3A_97 = tpu.vector_load %arg15[%get3A_95, %get3A_96] {strides = array<i32>} : memref<64x128xf32, #tpu.memory_space<vmem>>, vector<1x16xf32>,
      %get3A_98 = vector.shape_cast %get3A_97 : vector<1x16xf32> to vector<16xf32>
      %get3A_99 = arith.index_cast %add3A_91 : i32 to index
      %get3A_100 = arith.constant 32 : index
      %get3A_101 = tpu.vector_load %arg15[%get3A_99, %get3A_100] {strides = array<i32>} : memref<64x128xf32, #tpu.memory_space<vmem>>, vector<1x16xf32>,
      %get3A_102 = vector.shape_cast %get3A_101 : vector<1x16xf32> to vector<16xf32>
      %get3A_103 = arith.index_cast %add3A_91 : i32 to index
      %get3A_104 = arith.constant 48 : index
      %get3A_105 = tpu.vector_load %arg15[%get3A_103, %get3A_104] {strides = array<i32>} : memref<64x128xf32, #tpu.memory_space<vmem>>, vector<1x16xf32>,
      %get3A_106 = vector.shape_cast %get3A_105 : vector<1x16xf32> to vector<16xf32>
      %get3A_107 = arith.index_cast %add3A_91 : i32 to index
      %get3A_108 = arith.constant 64 : index
      %get3A_109 = tpu.vector_load %arg15[%get3A_107, %get3A_108] {strides = array<i32>} : memref<64x128xf32, #tpu.memory_space<vmem>>, vector<1x16xf32>,
      %get3A_110 = vector.shape_cast %get3A_109 : vector<1x16xf32> to vector<16xf32>
      %get3A_111 = arith.index_cast %add3A_91 : i32 to index
      %get3A_112 = arith.constant 80 : index
      %get3A_113 = tpu.vector_load %arg15[%get3A_111, %get3A_112] {strides = array<i32>} : memref<64x128xf32, #tpu.memory_space<vmem>>, vector<1x16xf32>,
      %get3A_114 = vector.shape_cast %get3A_113 : vector<1x16xf32> to vector<16xf32>
      %get3A_115 = arith.index_cast %add3A_91 : i32 to index
      %get3A_116 = arith.constant 96 : index
      %get3A_117 = tpu.vector_load %arg15[%get3A_115, %get3A_116] {strides = array<i32>} : memref<64x128xf32, #tpu.memory_space<vmem>>, vector<1x16xf32>,
      %get3A_118 = vector.shape_cast %get3A_117 : vector<1x16xf32> to vector<16xf32>
      %get3A_119 = arith.index_cast %add3A_91 : i32 to index
      %get3A_120 = arith.constant 112 : index
      %get3A_121 = tpu.vector_load %arg15[%get3A_119, %get3A_120] {strides = array<i32>} : memref<64x128xf32, #tpu.memory_space<vmem>>, vector<1x16xf32>,
      %get3A_122 = vector.shape_cast %get3A_121 : vector<1x16xf32> to vector<16xf32>
      %scan3A_123 = arith.constant 0 : i32
      %scan3A_124 = arith.constant 0 : i32
      %scan3A_125 = arith.constant 16 : i32
      %scan3A_126 = arith.addi %scan3A_124, %scan3A_125 : i32
      %scan3A_127 = arith.constant 1 : i32
      %scan3A_128 = scf.for %scan3A_642 = %scan3A_124 to %scan3A_126 step %scan3A_127 iter_args(%scan3A_643 = %scan3A_123) -> (i32)  : i32 {
        %mul3A_644 = arith.constant 64 : i32
        %mul3A_645 = arith.muli %scan3A_88, %mul3A_644 : i32
        %mul3A_646 = arith.constant 4 : i32
        %mul3A_647 = arith.muli %scan3A_642, %mul3A_646 : i32
        %add3A_648 = arith.addi %mul3A_645, %mul3A_647 : i32
        %add3A_649 = arith.constant 0 : i32
        %add3A_650 = arith.addi %add3A_648, %add3A_649 : i32
        %swap3A = arith.index_cast %add3A_650 : i32 to index
        %swap3A_651 = arith.constant 0 : index
        %swap3A_652 = tpu.vector_load %arg7[%swap3A, %swap3A_651] {strides = array<i32>} : memref<64x128xf32, #tpu.memory_space<vmem>>, vector<1x16xf32>,
        %swap3A_653 = vector.shape_cast %swap3A_652 : vector<1x16xf32> to vector<16xf32>
        %swap3A_654 = vector.shape_cast %get3A_94 : vector<16xf32> to vector<1x16xf32>
        tpu.vector_store %arg7[%swap3A, %swap3A_651], %swap3A_654 {add = true, strides = array<i32>} : memref<64x128xf32, #tpu.memory_space<vmem>>, vector<1x16xf32>,
        %add3A_655 = arith.constant 0 : i32
        %add3A_656 = arith.addi %add3A_648, %add3A_655 : i32
        %swap3A_657 = arith.index_cast %add3A_656 : i32 to index
        %swap3A_658 = arith.constant 16 : index
        %swap3A_659 = tpu.vector_load %arg7[%swap3A_657, %swap3A_658] {strides = array<i32>} : memref<64x128xf32, #tpu.memory_space<vmem>>, vector<1x16xf32>,
        %swap3A_660 = vector.shape_cast %swap3A_659 : vector<1x16xf32> to vector<16xf32>
        %swap3A_661 = vector.shape_cast %get3A_98 : vector<16xf32> to vector<1x16xf32>
        tpu.vector_store %arg7[%swap3A_657, %swap3A_658], %swap3A_661 {add = true, strides = array<i32>} : memref<64x128xf32, #tpu.memory_space<vmem>>, vector<1x16xf32>,
        %add3A_662 = arith.constant 0 : i32
        %add3A_663 = arith.addi %add3A_648, %add3A_662 : i32
        %swap3A_664 = arith.index_cast %add3A_663 : i32 to index
        %swap3A_665 = arith.constant 32 : index
        %swap3A_666 = tpu.vector_load %arg7[%swap3A_664, %swap3A_665] {strides = array<i32>} : memref<64x128xf32, #tpu.memory_space<vmem>>, vector<1x16xf32>,
        %swap3A_667 = vector.shape_cast %swap3A_666 : vector<1x16xf32> to vector<16xf32>
        %swap3A_668 = vector.shape_cast %get3A_102 : vector<16xf32> to vector<1x16xf32>
        tpu.vector_store %arg7[%swap3A_664, %swap3A_665], %swap3A_668 {add = true, strides = array<i32>} : memref<64x128xf32, #tpu.memory_space<vmem>>, vector<1x16xf32>,
        %add3A_669 = arith.constant 0 : i32
        %add3A_670 = arith.addi %add3A_648, %add3A_669 : i32
        %swap3A_671 = arith.index_cast %add3A_670 : i32 to index
        %swap3A_672 = arith.constant 48 : index
        %swap3A_673 = tpu.vector_load %arg7[%swap3A_671, %swap3A_672] {strides = array<i32>} : memref<64x128xf32, #tpu.memory_space<vmem>>, vector<1x16xf32>,
        %swap3A_674 = vector.shape_cast %swap3A_673 : vector<1x16xf32> to vector<16xf32>
        %swap3A_675 = vector.shape_cast %get3A_106 : vector<16xf32> to vector<1x16xf32>
        tpu.vector_store %arg7[%swap3A_671, %swap3A_672], %swap3A_675 {add = true, strides = array<i32>} : memref<64x128xf32, #tpu.memory_space<vmem>>, vector<1x16xf32>,
        %add3A_676 = arith.constant 0 : i32
        %add3A_677 = arith.addi %add3A_648, %add3A_676 : i32
        %swap3A_678 = arith.index_cast %add3A_677 : i32 to index
        %swap3A_679 = arith.constant 64 : index
        %swap3A_680 = tpu.vector_load %arg7[%swap3A_678, %swap3A_679] {strides = array<i32>} : memref<64x128xf32, #tpu.memory_space<vmem>>, vector<1x16xf32>,
        %swap3A_681 = vector.shape_cast %swap3A_680 : vector<1x16xf32> to vector<16xf32>
        %swap3A_682 = vector.shape_cast %get3A_110 : vector<16xf32> to vector<1x16xf32>
        tpu.vector_store %arg7[%swap3A_678, %swap3A_679], %swap3A_682 {add = true, strides = array<i32>} : memref<64x128xf32, #tpu.memory_space<vmem>>, vector<1x16xf32>,
        %add3A_683 = arith.constant 0 : i32
        %add3A_684 = arith.addi %add3A_648, %add3A_683 : i32
        %swap3A_685 = arith.index_cast %add3A_684 : i32 to index
        %swap3A_686 = arith.constant 80 : index
        %swap3A_687 = tpu.vector_load %arg7[%swap3A_685, %swap3A_686] {strides = array<i32>} : memref<64x128xf32, #tpu.memory_space<vmem>>, vector<1x16xf32>,
        %swap3A_688 = vector.shape_cast %swap3A_687 : vector<1x16xf32> to vector<16xf32>
        %swap3A_689 = vector.shape_cast %get3A_114 : vector<16xf32> to vector<1x16xf32>
        tpu.vector_store %arg7[%swap3A_685, %swap3A_686], %swap3A_689 {add = true, strides = array<i32>} : memref<64x128xf32, #tpu.memory_space<vmem>>, vector<1x16xf32>,
        %add3A_690 = arith.constant 0 : i32
        %add3A_691 = arith.addi %add3A_648, %add3A_690 : i32
        %swap3A_692 = arith.index_cast %add3A_691 : i32 to index
        %swap3A_693 = arith.constant 96 : index
        %swap3A_694 = tpu.vector_load %arg7[%swap3A_692, %swap3A_693] {strides = array<i32>} : memref<64x128xf32, #tpu.memory_space<vmem>>, vector<1x16xf32>,
        %swap3A_695 = vector.shape_cast %swap3A_694 : vector<1x16xf32> to vector<16xf32>
        %swap3A_696 = vector.shape_cast %get3A_118 : vector<16xf32> to vector<1x16xf32>
        tpu.vector_store %arg7[%swap3A_692, %swap3A_693], %swap3A_696 {add = true, strides = array<i32>} : memref<64x128xf32, #tpu.memory_space<vmem>>, vector<1x16xf32>,
        %add3A_697 = arith.constant 0 : i32
        %add3A_698 = arith.addi %add3A_648, %add3A_697 : i32
        %swap3A_699 = arith.index_cast %add3A_698 : i32 to index
        %swap3A_700 = arith.constant 112 : index
        %swap3A_701 = tpu.vector_load %arg7[%swap3A_699, %swap3A_700] {strides = array<i32>} : memref<64x128xf32, #tpu.memory_space<vmem>>, vector<1x16xf32>,
        %swap3A_702 = vector.shape_cast %swap3A_701 : vector<1x16xf32> to vector<16xf32>
        %swap3A_703 = vector.shape_cast %get3A_122 : vector<16xf32> to vector<1x16xf32>
        tpu.vector_store %arg7[%swap3A_699, %swap3A_700], %swap3A_703 {add = true, strides = array<i32>} : memref<64x128xf32, #tpu.memory_space<vmem>>, vector<1x16xf32>,
        %add3A_704 = arith.constant 1 : i32
        %add3A_705 = arith.addi %add3A_648, %add3A_704 : i32
        %swap3A_706 = arith.index_cast %add3A_705 : i32 to index
        %swap3A_707 = arith.constant 0 : index
        %swap3A_708 = tpu.vector_load %arg7[%swap3A_706, %swap3A_707] {strides = array<i32>} : memref<64x128xf32, #tpu.memory_space<vmem>>, vector<1x16xf32>,
        %swap3A_709 = vector.shape_cast %swap3A_708 : vector<1x16xf32> to vector<16xf32>
        %swap3A_710 = vector.shape_cast %get3A_94 : vector<16xf32> to vector<1x16xf32>
        tpu.vector_store %arg7[%swap3A_706, %swap3A_707], %swap3A_710 {add = true, strides = array<i32>} : memref<64x128xf32, #tpu.memory_space<vmem>>, vector<1x16xf32>,
        %add3A_711 = arith.constant 1 : i32
        %add3A_712 = arith.addi %add3A_648, %add3A_711 : i32
        %swap3A_713 = arith.index_cast %add3A_712 : i32 to index
        %swap3A_714 = arith.constant 16 : index
        %swap3A_715 = tpu.vector_load %arg7[%swap3A_713, %swap3A_714] {strides = array<i32>} : memref<64x128xf32, #tpu.memory_space<vmem>>, vector<1x16xf32>,
        %swap3A_716 = vector.shape_cast %swap3A_715 : vector<1x16xf32> to vector<16xf32>
        %swap3A_717 = vector.shape_cast %get3A_98 : vector<16xf32> to vector<1x16xf32>
        tpu.vector_store %arg7[%swap3A_713, %swap3A_714], %swap3A_717 {add = true, strides = array<i32>} : memref<64x128xf32, #tpu.memory_space<vmem>>, vector<1x16xf32>,
        %add3A_718 = arith.constant 1 : i32
        %add3A_719 = arith.addi %add3A_648, %add3A_718 : i32
        %swap3A_720 = arith.index_cast %add3A_719 : i32 to index
        %swap3A_721 = arith.constant 32 : index
        %swap3A_722 = tpu.vector_load %arg7[%swap3A_720, %swap3A_721] {strides = array<i32>} : memref<64x128xf32, #tpu.memory_space<vmem>>, vector<1x16xf32>,
        %swap3A_723 = vector.shape_cast %swap3A_722 : vector<1x16xf32> to vector<16xf32>
        %swap3A_724 = vector.shape_cast %get3A_102 : vector<16xf32> to vector<1x16xf32>
        tpu.vector_store %arg7[%swap3A_720, %swap3A_721], %swap3A_724 {add = true, strides = array<i32>} : memref<64x128xf32, #tpu.memory_space<vmem>>, vector<1x16xf32>,
        %add3A_725 = arith.constant 1 : i32
        %add3A_726 = arith.addi %add3A_648, %add3A_725 : i32
        %swap3A_727 = arith.index_cast %add3A_726 : i32 to index
        %swap3A_728 = arith.constant 48 : index
        %swap3A_729 = tpu.vector_load %arg7[%swap3A_727, %swap3A_728] {strides = array<i32>} : memref<64x128xf32, #tpu.memory_space<vmem>>, vector<1x16xf32>,
        %swap3A_730 = vector.shape_cast %swap3A_729 : vector<1x16xf32> to vector<16xf32>
        %swap3A_731 = vector.shape_cast %get3A_106 : vector<16xf32> to vector<1x16xf32>
        tpu.vector_store %arg7[%swap3A_727, %swap3A_728], %swap3A_731 {add = true, strides = array<i32>} : memref<64x128xf32, #tpu.memory_space<vmem>>, vector<1x16xf32>,
        %add3A_732 = arith.constant 1 : i32
        %add3A_733 = arith.addi %add3A_648, %add3A_732 : i32
        %swap3A_734 = arith.index_cast %add3A_733 : i32 to index
        %swap3A_735 = arith.constant 64 : index
        %swap3A_736 = tpu.vector_load %arg7[%swap3A_734, %swap3A_735] {strides = array<i32>} : memref<64x128xf32, #tpu.memory_space<vmem>>, vector<1x16xf32>,
        %swap3A_737 = vector.shape_cast %swap3A_736 : vector<1x16xf32> to vector<16xf32>
        %swap3A_738 = vector.shape_cast %get3A_110 : vector<16xf32> to vector<1x16xf32>
        tpu.vector_store %arg7[%swap3A_734, %swap3A_735], %swap3A_738 {add = true, strides = array<i32>} : memref<64x128xf32, #tpu.memory_space<vmem>>, vector<1x16xf32>,
        %add3A_739 = arith.constant 1 : i32
        %add3A_740 = arith.addi %add3A_648, %add3A_739 : i32
        %swap3A_741 = arith.index_cast %add3A_740 : i32 to index
        %swap3A_742 = arith.constant 80 : index
        %swap3A_743 = tpu.vector_load %arg7[%swap3A_741, %swap3A_742] {strides = array<i32>} : memref<64x128xf32, #tpu.memory_space<vmem>>, vector<1x16xf32>,
        %swap3A_744 = vector.shape_cast %swap3A_743 : vector<1x16xf32> to vector<16xf32>
        %swap3A_745 = vector.shape_cast %get3A_114 : vector<16xf32> to vector<1x16xf32>
        tpu.vector_store %arg7[%swap3A_741, %swap3A_742], %swap3A_745 {add = true, strides = array<i32>} : memref<64x128xf32, #tpu.memory_space<vmem>>, vector<1x16xf32>,
        %add3A_746 = arith.constant 1 : i32
        %add3A_747 = arith.addi %add3A_648, %add3A_746 : i32
        %swap3A_748 = arith.index_cast %add3A_747 : i32 to index
        %swap3A_749 = arith.constant 96 : index
        %swap3A_750 = tpu.vector_load %arg7[%swap3A_748, %swap3A_749] {strides = array<i32>} : memref<64x128xf32, #tpu.memory_space<vmem>>, vector<1x16xf32>,
        %swap3A_751 = vector.shape_cast %swap3A_750 : vector<1x16xf32> to vector<16xf32>
        %swap3A_752 = vector.shape_cast %get3A_118 : vector<16xf32> to vector<1x16xf32>
        tpu.vector_store %arg7[%swap3A_748, %swap3A_749], %swap3A_752 {add = true, strides = array<i32>} : memref<64x128xf32, #tpu.memory_space<vmem>>, vector<1x16xf32>,
        %add3A_753 = arith.constant 1 : i32
        %add3A_754 = arith.addi %add3A_648, %add3A_753 : i32
        %swap3A_755 = arith.index_cast %add3A_754 : i32 to index
        %swap3A_756 = arith.constant 112 : index
        %swap3A_757 = tpu.vector_load %arg7[%swap3A_755, %swap3A_756] {strides = array<i32>} : memref<64x128xf32, #tpu.memory_space<vmem>>, vector<1x16xf32>,
        %swap3A_758 = vector.shape_cast %swap3A_757 : vector<1x16xf32> to vector<16xf32>
        %swap3A_759 = vector.shape_cast %get3A_122 : vector<16xf32> to vector<1x16xf32>
        tpu.vector_store %arg7[%swap3A_755, %swap3A_756], %swap3A_759 {add = true, strides = array<i32>} : memref<64x128xf32, #tpu.memory_space<vmem>>, vector<1x16xf32>,
        %add3A_760 = arith.constant 2 : i32
        %add3A_761 = arith.addi %add3A_648, %add3A_760 : i32
        %swap3A_762 = arith.index_cast %add3A_761 : i32 to index
        %swap3A_763 = arith.constant 0 : index
        %swap3A_764 = tpu.vector_load %arg7[%swap3A_762, %swap3A_763] {strides = array<i32>} : memref<64x128xf32, #tpu.memory_space<vmem>>, vector<1x16xf32>,
        %swap3A_765 = vector.shape_cast %swap3A_764 : vector<1x16xf32> to vector<16xf32>
        %swap3A_766 = vector.shape_cast %get3A_94 : vector<16xf32> to vector<1x16xf32>
        tpu.vector_store %arg7[%swap3A_762, %swap3A_763], %swap3A_766 {add = true, strides = array<i32>} : memref<64x128xf32, #tpu.memory_space<vmem>>, vector<1x16xf32>,
        %add3A_767 = arith.constant 2 : i32
        %add3A_768 = arith.addi %add3A_648, %add3A_767 : i32
        %swap3A_769 = arith.index_cast %add3A_768 : i32 to index
        %swap3A_770 = arith.constant 16 : index
        %swap3A_771 = tpu.vector_load %arg7[%swap3A_769, %swap3A_770] {strides = array<i32>} : memref<64x128xf32, #tpu.memory_space<vmem>>, vector<1x16xf32>,
        %swap3A_772 = vector.shape_cast %swap3A_771 : vector<1x16xf32> to vector<16xf32>
        %swap3A_773 = vector.shape_cast %get3A_98 : vector<16xf32> to vector<1x16xf32>
        tpu.vector_store %arg7[%swap3A_769, %swap3A_770], %swap3A_773 {add = true, strides = array<i32>} : memref<64x128xf32, #tpu.memory_space<vmem>>, vector<1x16xf32>,
        %add3A_774 = arith.constant 2 : i32
        %add3A_775 = arith.addi %add3A_648, %add3A_774 : i32
        %swap3A_776 = arith.index_cast %add3A_775 : i32 to index
        %swap3A_777 = arith.constant 32 : index
        %swap3A_778 = tpu.vector_load %arg7[%swap3A_776, %swap3A_777] {strides = array<i32>} : memref<64x128xf32, #tpu.memory_space<vmem>>, vector<1x16xf32>,
        %swap3A_779 = vector.shape_cast %swap3A_778 : vector<1x16xf32> to vector<16xf32>
        %swap3A_780 = vector.shape_cast %get3A_102 : vector<16xf32> to vector<1x16xf32>
        tpu.vector_store %arg7[%swap3A_776, %swap3A_777], %swap3A_780 {add = true, strides = array<i32>} : memref<64x128xf32, #tpu.memory_space<vmem>>, vector<1x16xf32>,
        %add3A_781 = arith.constant 2 : i32
        %add3A_782 = arith.addi %add3A_648, %add3A_781 : i32
        %swap3A_783 = arith.index_cast %add3A_782 : i32 to index
        %swap3A_784 = arith.constant 48 : index
        %swap3A_785 = tpu.vector_load %arg7[%swap3A_783, %swap3A_784] {strides = array<i32>} : memref<64x128xf32, #tpu.memory_space<vmem>>, vector<1x16xf32>,
        %swap3A_786 = vector.shape_cast %swap3A_785 : vector<1x16xf32> to vector<16xf32>
        %swap3A_787 = vector.shape_cast %get3A_106 : vector<16xf32> to vector<1x16xf32>
        tpu.vector_store %arg7[%swap3A_783, %swap3A_784], %swap3A_787 {add = true, strides = array<i32>} : memref<64x128xf32, #tpu.memory_space<vmem>>, vector<1x16xf32>,
        %add3A_788 = arith.constant 2 : i32
        %add3A_789 = arith.addi %add3A_648, %add3A_788 : i32
        %swap3A_790 = arith.index_cast %add3A_789 : i32 to index
        %swap3A_791 = arith.constant 64 : index
        %swap3A_792 = tpu.vector_load %arg7[%swap3A_790, %swap3A_791] {strides = array<i32>} : memref<64x128xf32, #tpu.memory_space<vmem>>, vector<1x16xf32>,
        %swap3A_793 = vector.shape_cast %swap3A_792 : vector<1x16xf32> to vector<16xf32>
        %swap3A_794 = vector.shape_cast %get3A_110 : vector<16xf32> to vector<1x16xf32>
        tpu.vector_store %arg7[%swap3A_790, %swap3A_791], %swap3A_794 {add = true, strides = array<i32>} : memref<64x128xf32, #tpu.memory_space<vmem>>, vector<1x16xf32>,
        %add3A_795 = arith.constant 2 : i32
        %add3A_796 = arith.addi %add3A_648, %add3A_795 : i32
        %swap3A_797 = arith.index_cast %add3A_796 : i32 to index
        %swap3A_798 = arith.constant 80 : index
        %swap3A_799 = tpu.vector_load %arg7[%swap3A_797, %swap3A_798] {strides = array<i32>} : memref<64x128xf32, #tpu.memory_space<vmem>>, vector<1x16xf32>,
        %swap3A_800 = vector.shape_cast %swap3A_799 : vector<1x16xf32> to vector<16xf32>
        %swap3A_801 = vector.shape_cast %get3A_114 : vector<16xf32> to vector<1x16xf32>
        tpu.vector_store %arg7[%swap3A_797, %swap3A_798], %swap3A_801 {add = true, strides = array<i32>} : memref<64x128xf32, #tpu.memory_space<vmem>>, vector<1x16xf32>,
        %add3A_802 = arith.constant 2 : i32
        %add3A_803 = arith.addi %add3A_648, %add3A_802 : i32
        %swap3A_804 = arith.index_cast %add3A_803 : i32 to index
        %swap3A_805 = arith.constant 96 : index
        %swap3A_806 = tpu.vector_load %arg7[%swap3A_804, %swap3A_805] {strides = array<i32>} : memref<64x128xf32, #tpu.memory_space<vmem>>, vector<1x16xf32>,
        %swap3A_807 = vector.shape_cast %swap3A_806 : vector<1x16xf32> to vector<16xf32>
        %swap3A_808 = vector.shape_cast %get3A_118 : vector<16xf32> to vector<1x16xf32>
        tpu.vector_store %arg7[%swap3A_804, %swap3A_805], %swap3A_808 {add = true, strides = array<i32>} : memref<64x128xf32, #tpu.memory_space<vmem>>, vector<1x16xf32>,
        %add3A_809 = arith.constant 2 : i32
        %add3A_810 = arith.addi %add3A_648, %add3A_809 : i32
        %swap3A_811 = arith.index_cast %add3A_810 : i32 to index
        %swap3A_812 = arith.constant 112 : index
        %swap3A_813 = tpu.vector_load %arg7[%swap3A_811, %swap3A_812] {strides = array<i32>} : memref<64x128xf32, #tpu.memory_space<vmem>>, vector<1x16xf32>,
        %swap3A_814 = vector.shape_cast %swap3A_813 : vector<1x16xf32> to vector<16xf32>
        %swap3A_815 = vector.shape_cast %get3A_122 : vector<16xf32> to vector<1x16xf32>
        tpu.vector_store %arg7[%swap3A_811, %swap3A_812], %swap3A_815 {add = true, strides = array<i32>} : memref<64x128xf32, #tpu.memory_space<vmem>>, vector<1x16xf32>,
        %add3A_816 = arith.constant 3 : i32
        %add3A_817 = arith.addi %add3A_648, %add3A_816 : i32
        %swap3A_818 = arith.index_cast %add3A_817 : i32 to index
        %swap3A_819 = arith.constant 0 : index
        %swap3A_820 = tpu.vector_load %arg7[%swap3A_818, %swap3A_819] {strides = array<i32>} : memref<64x128xf32, #tpu.memory_space<vmem>>, vector<1x16xf32>,
        %swap3A_821 = vector.shape_cast %swap3A_820 : vector<1x16xf32> to vector<16xf32>
        %swap3A_822 = vector.shape_cast %get3A_94 : vector<16xf32> to vector<1x16xf32>
        tpu.vector_store %arg7[%swap3A_818, %swap3A_819], %swap3A_822 {add = true, strides = array<i32>} : memref<64x128xf32, #tpu.memory_space<vmem>>, vector<1x16xf32>,
        %add3A_823 = arith.constant 3 : i32
        %add3A_824 = arith.addi %add3A_648, %add3A_823 : i32
        %swap3A_825 = arith.index_cast %add3A_824 : i32 to index
        %swap3A_826 = arith.constant 16 : index
        %swap3A_827 = tpu.vector_load %arg7[%swap3A_825, %swap3A_826] {strides = array<i32>} : memref<64x128xf32, #tpu.memory_space<vmem>>, vector<1x16xf32>,
        %swap3A_828 = vector.shape_cast %swap3A_827 : vector<1x16xf32> to vector<16xf32>
        %swap3A_829 = vector.shape_cast %get3A_98 : vector<16xf32> to vector<1x16xf32>
        tpu.vector_store %arg7[%swap3A_825, %swap3A_826], %swap3A_829 {add = true, strides = array<i32>} : memref<64x128xf32, #tpu.memory_space<vmem>>, vector<1x16xf32>,
        %add3A_830 = arith.constant 3 : i32
        %add3A_831 = arith.addi %add3A_648, %add3A_830 : i32
        %swap3A_832 = arith.index_cast %add3A_831 : i32 to index
        %swap3A_833 = arith.constant 32 : index
        %swap3A_834 = tpu.vector_load %arg7[%swap3A_832, %swap3A_833] {strides = array<i32>} : memref<64x128xf32, #tpu.memory_space<vmem>>, vector<1x16xf32>,
        %swap3A_835 = vector.shape_cast %swap3A_834 : vector<1x16xf32> to vector<16xf32>
        %swap3A_836 = vector.shape_cast %get3A_102 : vector<16xf32> to vector<1x16xf32>
        tpu.vector_store %arg7[%swap3A_832, %swap3A_833], %swap3A_836 {add = true, strides = array<i32>} : memref<64x128xf32, #tpu.memory_space<vmem>>, vector<1x16xf32>,
        %add3A_837 = arith.constant 3 : i32
        %add3A_838 = arith.addi %add3A_648, %add3A_837 : i32
        %swap3A_839 = arith.index_cast %add3A_838 : i32 to index
        %swap3A_840 = arith.constant 48 : index
        %swap3A_841 = tpu.vector_load %arg7[%swap3A_839, %swap3A_840] {strides = array<i32>} : memref<64x128xf32, #tpu.memory_space<vmem>>, vector<1x16xf32>,
        %swap3A_842 = vector.shape_cast %swap3A_841 : vector<1x16xf32> to vector<16xf32>
        %swap3A_843 = vector.shape_cast %get3A_106 : vector<16xf32> to vector<1x16xf32>
        tpu.vector_store %arg7[%swap3A_839, %swap3A_840], %swap3A_843 {add = true, strides = array<i32>} : memref<64x128xf32, #tpu.memory_space<vmem>>, vector<1x16xf32>,
        %add3A_844 = arith.constant 3 : i32
        %add3A_845 = arith.addi %add3A_648, %add3A_844 : i32
        %swap3A_846 = arith.index_cast %add3A_845 : i32 to index
        %swap3A_847 = arith.constant 64 : index
        %swap3A_848 = tpu.vector_load %arg7[%swap3A_846, %swap3A_847] {strides = array<i32>} : memref<64x128xf32, #tpu.memory_space<vmem>>, vector<1x16xf32>,
        %swap3A_849 = vector.shape_cast %swap3A_848 : vector<1x16xf32> to vector<16xf32>
        %swap3A_850 = vector.shape_cast %get3A_110 : vector<16xf32> to vector<1x16xf32>
        tpu.vector_store %arg7[%swap3A_846, %swap3A_847], %swap3A_850 {add = true, strides = array<i32>} : memref<64x128xf32, #tpu.memory_space<vmem>>, vector<1x16xf32>,
        %add3A_851 = arith.constant 3 : i32
        %add3A_852 = arith.addi %add3A_648, %add3A_851 : i32
        %swap3A_853 = arith.index_cast %add3A_852 : i32 to index
        %swap3A_854 = arith.constant 80 : index
        %swap3A_855 = tpu.vector_load %arg7[%swap3A_853, %swap3A_854] {strides = array<i32>} : memref<64x128xf32, #tpu.memory_space<vmem>>, vector<1x16xf32>,
        %swap3A_856 = vector.shape_cast %swap3A_855 : vector<1x16xf32> to vector<16xf32>
        %swap3A_857 = vector.shape_cast %get3A_114 : vector<16xf32> to vector<1x16xf32>
        tpu.vector_store %arg7[%swap3A_853, %swap3A_854], %swap3A_857 {add = true, strides = array<i32>} : memref<64x128xf32, #tpu.memory_space<vmem>>, vector<1x16xf32>,
        %add3A_858 = arith.constant 3 : i32
        %add3A_859 = arith.addi %add3A_648, %add3A_858 : i32
        %swap3A_860 = arith.index_cast %add3A_859 : i32 to index
        %swap3A_861 = arith.constant 96 : index
        %swap3A_862 = tpu.vector_load %arg7[%swap3A_860, %swap3A_861] {strides = array<i32>} : memref<64x128xf32, #tpu.memory_space<vmem>>, vector<1x16xf32>,
        %swap3A_863 = vector.shape_cast %swap3A_862 : vector<1x16xf32> to vector<16xf32>
        %swap3A_864 = vector.shape_cast %get3A_118 : vector<16xf32> to vector<1x16xf32>
        tpu.vector_store %arg7[%swap3A_860, %swap3A_861], %swap3A_864 {add = true, strides = array<i32>} : memref<64x128xf32, #tpu.memory_space<vmem>>, vector<1x16xf32>,
        %add3A_865 = arith.constant 3 : i32
        %add3A_866 = arith.addi %add3A_648, %add3A_865 : i32
        %swap3A_867 = arith.index_cast %add3A_866 : i32 to index
        %swap3A_868 = arith.constant 112 : index
        %swap3A_869 = tpu.vector_load %arg7[%swap3A_867, %swap3A_868] {strides = array<i32>} : memref<64x128xf32, #tpu.memory_space<vmem>>, vector<1x16xf32>,
        %swap3A_870 = vector.shape_cast %swap3A_869 : vector<1x16xf32> to vector<16xf32>
        %swap3A_871 = vector.shape_cast %get3A_122 : vector<16xf32> to vector<1x16xf32>
        tpu.vector_store %arg7[%swap3A_867, %swap3A_868], %swap3A_871 {add = true, strides = array<i32>} : memref<64x128xf32, #tpu.memory_space<vmem>>, vector<1x16xf32>,
        %scan3A_872 = arith.constant 0 : i32
        scf.yield %scan3A_872 : i32
      }
      %scan3A_129 = arith.constant 16 : i32
      %scan3A_130 = arith.constant 0 : i32
      %scan3A_131 = arith.constant 1 : i32
      %mul3A_132 = arith.constant 64 : i32
      %mul3A_133 = arith.muli %add3A_81, %mul3A_132 : i32
      %add3A_134 = arith.addi %mul3A_2, %mul3A_133 : i32
      %dma_start3A_135 = arith.constant 0 : i32
      %dma_start3A_136 = tpu.memref_slice %arg5[%add3A_134, %dma_start3A_135] : memref<131072x128xf32, #tpu.memory_space<hbm>> -> memref<64x128xf32, #tpu.memory_space<hbm>>
      %dma_start3A_137 = arith.constant 0 : i32
      %dma_start3A_138 = tpu.memref_slice %arg5[%add3A_134, %dma_start3A_137] : memref<131072x128xf32, #tpu.memory_space<hbm>> -> memref<64x128xf32, #tpu.memory_space<hbm>>
      tpu.enqueue_dma source(%arg7 : memref<64x128xf32, #tpu.memory_space<vmem>>) target(%dma_start3A_138 : memref<64x128xf32, #tpu.memory_space<hbm>>) target_semaphore(%arg24 : memref<!tpu.dma_semaphore, #tpu.memory_space<semaphore_mem>>)
      %add3A_139 = arith.constant 8 : i32
      %add3A_140 = arith.addi %add3A_81, %add3A_139 : i32
      %sub3A = arith.constant 1 : i32
      %sub3A_141 = arith.subi %add3A_140, %sub3A : i32
      %lt3A = arith.constant 64 : i32
      %lt3A_142 = arith.cmpi slt, %sub3A_141, %lt3A : i32
      %convert_element_type3A = arith.extui %lt3A_142 : i1 to i32
      %cond3A = arith.constant 0 : i32
      %cond3A_143 = arith.cmpi ne, %convert_element_type3A, %cond3A : i32
      scf.if %cond3A_143 {
        %ge3A = arith.constant 8 : i32
        %ge3A_642 = arith.cmpi sge, %sub3A_141, %ge3A : i32
        %convert_element_type3A_643 = arith.extui %ge3A_642 : i1 to i32
        %cond3A_644 = arith.constant 0 : i32
        %cond3A_645 = arith.cmpi ne, %convert_element_type3A_643, %cond3A_644 : i32
        scf.if %cond3A_645 {
          %dma_wait3A_652 = arith.constant 0 : i32
          %dma_wait3A_653 = tpu.memref_slice %arg5[%mul3A_2, %dma_wait3A_652] : memref<131072x128xf32, #tpu.memory_space<hbm>> -> memref<64x128xf32, #tpu.memory_space<hbm>>
          %dma_wait3A_654 = arith.constant 0 : i32
          %dma_wait3A_655 = tpu.memref_slice %arg5[%mul3A_2, %dma_wait3A_654] : memref<131072x128xf32, #tpu.memory_space<hbm>> -> memref<64x128xf32, #tpu.memory_space<hbm>>
          tpu.wait_dma2 semaphore(%arg31 : memref<!tpu.dma_semaphore, #tpu.memory_space<semaphore_mem>>) src(%arg14 : memref<64x128xf32, #tpu.memory_space<vmem>>) dst(%dma_wait3A_655 : memref<64x128xf32, #tpu.memory_space<hbm>>)
        } else {
        }
        %mul3A_646 = arith.constant 64 : i32
        %mul3A_647 = arith.muli %sub3A_141, %mul3A_646 : i32
        %dma_start3A_648 = tpu.memref_slice %arg6[%mul3A_647] : memref<4096xi32, #tpu.memory_space<vmem>> -> memref<64xi32, #tpu.memory_space<vmem>>
        %dma_start3A_649 = arith.constant 0 : i32
        %dma_start3A_650 = arith.constant 0 : i32
        %dma_start3A_651 = tpu.memref_slice %arg3[%dma_start3A_649, %dma_start3A_650] : memref<100000x128xf32, #tpu.memory_space<hbm>> -> memref<100000x128xf32, #tpu.memory_space<hbm>>
        tpu.enqueue_indirect_dma source(%dma_start3A_651 : memref<100000x128xf32, #tpu.memory_space<hbm>>) target(%arg14 : memref<64x128xf32, #tpu.memory_space<vmem>>) offsets(%dma_start3A_648 : memref<64xi32, #tpu.memory_space<vmem>>) semaphore(%arg23 : memref<!tpu.dma_semaphore, #tpu.memory_space<semaphore_mem>>)
      } else {
      }
      %mul3A_144 = arith.constant 8 : i32
      %mul3A_145 = arith.muli %scan3A_76, %mul3A_144 : i32
      %add3A_146 = arith.constant 1 : i32
      %add3A_147 = arith.addi %mul3A_145, %add3A_146 : i32
      %dma_wait3A_148 = arith.constant 0 : i32
      %dma_wait3A_149 = tpu.memref_slice %arg6[%dma_wait3A_148] : memref<4096xi32, #tpu.memory_space<vmem>> -> memref<64xi32, #tpu.memory_space<vmem>>
      %dma_wait3A_150 = arith.constant 0 : i32
      %dma_wait3A_151 = arith.constant 0 : i32
      %dma_wait3A_152 = tpu.memref_slice %arg3[%dma_wait3A_150, %dma_wait3A_151] : memref<100000x128xf32, #tpu.memory_space<hbm>> -> memref<100000x128xf32, #tpu.memory_space<hbm>>
      tpu.wait_indirect_dma semaphore(%arg17 : memref<!tpu.dma_semaphore, #tpu.memory_space<semaphore_mem>>) src(%dma_wait3A_152 : memref<100000x128xf32, #tpu.memory_space<hbm>>) dst(%arg8 : memref<64x128xf32, #tpu.memory_space<vmem>>)
      %scan3A_153 = arith.constant 0 : i32
      %scan3A_154 = arith.constant 0 : i32
      %mul3A_155 = arith.constant 1 : i32
      %mul3A_156 = arith.muli %add3A_147, %mul3A_155 : i32
      %add3A_157 = arith.addi %mul3A_156, %scan3A_154 : i32
      %get3A_158 = arith.index_cast %add3A_157 : i32 to index
      %get3A_159 = arith.constant 0 : index
      %get3A_160 = tpu.vector_load %arg15[%get3A_158, %get3A_159] {strides = array<i32>} : memref<64x128xf32, #tpu.memory_space<vmem>>, vector<1x16xf32>,
      %get3A_161 = vector.shape_cast %get3A_160 : vector<1x16xf32> to vector<16xf32>
      %get3A_162 = arith.index_cast %add3A_157 : i32 to index
      %get3A_163 = arith.constant 16 : index
      %get3A_164 = tpu.vector_load %arg15[%get3A_162, %get3A_163] {strides = array<i32>} : memref<64x128xf32, #tpu.memory_space<vmem>>, vector<1x16xf32>,
      %get3A_165 = vector.shape_cast %get3A_164 : vector<1x16xf32> to vector<16xf32>
      %get3A_166 = arith.index_cast %add3A_157 : i32 to index
      %get3A_167 = arith.constant 32 : index
      %get3A_168 = tpu.vector_load %arg15[%get3A_166, %get3A_167] {strides = array<i32>} : memref<64x128xf32, #tpu.memory_space<vmem>>, vector<1x16xf32>,
      %get3A_169 = vector.shape_cast %get3A_168 : vector<1x16xf32> to vector<16xf32>
      %get3A_170 = arith.index_cast %add3A_157 : i32 to index
      %get3A_171 = arith.constant 48 : index
      %get3A_172 = tpu.vector_load %arg15[%get3A_170, %get3A_171] {strides = array<i32>} : memref<64x128xf32, #tpu.memory_space<vmem>>, vector<1x16xf32>,
      %get3A_173 = vector.shape_cast %get3A_172 : vector<1x16xf32> to vector<16xf32>
      %get3A_174 = arith.index_cast %add3A_157 : i32 to index
      %get3A_175 = arith.constant 64 : index
      %get3A_176 = tpu.vector_load %arg15[%get3A_174, %get3A_175] {strides = array<i32>} : memref<64x128xf32, #tpu.memory_space<vmem>>, vector<1x16xf32>,
      %get3A_177 = vector.shape_cast %get3A_176 : vector<1x16xf32> to vector<16xf32>
      %get3A_178 = arith.index_cast %add3A_157 : i32 to index
      %get3A_179 = arith.constant 80 : index
      %get3A_180 = tpu.vector_load %arg15[%get3A_178, %get3A_179] {strides = array<i32>} : memref<64x128xf32, #tpu.memory_space<vmem>>, vector<1x16xf32>,
      %get3A_181 = vector.shape_cast %get3A_180 : vector<1x16xf32> to vector<16xf32>
      %get3A_182 = arith.index_cast %add3A_157 : i32 to index
      %get3A_183 = arith.constant 96 : index
      %get3A_184 = tpu.vector_load %arg15[%get3A_182, %get3A_183] {strides = array<i32>} : memref<64x128xf32, #tpu.memory_space<vmem>>, vector<1x16xf32>,
      %get3A_185 = vector.shape_cast %get3A_184 : vector<1x16xf32> to vector<16xf32>
      %get3A_186 = arith.index_cast %add3A_157 : i32 to index
      %get3A_187 = arith.constant 112 : index
      %get3A_188 = tpu.vector_load %arg15[%get3A_186, %get3A_187] {strides = array<i32>} : memref<64x128xf32, #tpu.memory_space<vmem>>, vector<1x16xf32>,
      %get3A_189 = vector.shape_cast %get3A_188 : vector<1x16xf32> to vector<16xf32>
      %scan3A_190 = arith.constant 0 : i32
      %scan3A_191 = arith.constant 0 : i32
      %scan3A_192 = arith.constant 16 : i32
      %scan3A_193 = arith.addi %scan3A_191, %scan3A_192 : i32
      %scan3A_194 = arith.constant 1 : i32
      %scan3A_195 = scf.for %scan3A_642 = %scan3A_191 to %scan3A_193 step %scan3A_194 iter_args(%scan3A_643 = %scan3A_190) -> (i32)  : i32 {
        %mul3A_644 = arith.constant 64 : i32
        %mul3A_645 = arith.muli %scan3A_154, %mul3A_644 : i32
        %mul3A_646 = arith.constant 4 : i32
        %mul3A_647 = arith.muli %scan3A_642, %mul3A_646 : i32
        %add3A_648 = arith.addi %mul3A_645, %mul3A_647 : i32
        %add3A_649 = arith.constant 0 : i32
        %add3A_650 = arith.addi %add3A_648, %add3A_649 : i32
        %swap3A = arith.index_cast %add3A_650 : i32 to index
        %swap3A_651 = arith.constant 0 : index
        %swap3A_652 = tpu.vector_load %arg8[%swap3A, %swap3A_651] {strides = array<i32>} : memref<64x128xf32, #tpu.memory_space<vmem>>, vector<1x16xf32>,
        %swap3A_653 = vector.shape_cast %swap3A_652 : vector<1x16xf32> to vector<16xf32>
        %swap3A_654 = vector.shape_cast %get3A_161 : vector<16xf32> to vector<1x16xf32>
        tpu.vector_store %arg8[%swap3A, %swap3A_651], %swap3A_654 {add = true, strides = array<i32>} : memref<64x128xf32, #tpu.memory_space<vmem>>, vector<1x16xf32>,
        %add3A_655 = arith.constant 0 : i32
        %add3A_656 = arith.addi %add3A_648, %add3A_655 : i32
        %swap3A_657 = arith.index_cast %add3A_656 : i32 to index
        %swap3A_658 = arith.constant 16 : index
        %swap3A_659 = tpu.vector_load %arg8[%swap3A_657, %swap3A_658] {strides = array<i32>} : memref<64x128xf32, #tpu.memory_space<vmem>>, vector<1x16xf32>,
        %swap3A_660 = vector.shape_cast %swap3A_659 : vector<1x16xf32> to vector<16xf32>
        %swap3A_661 = vector.shape_cast %get3A_165 : vector<16xf32> to vector<1x16xf32>
        tpu.vector_store %arg8[%swap3A_657, %swap3A_658], %swap3A_661 {add = true, strides = array<i32>} : memref<64x128xf32, #tpu.memory_space<vmem>>, vector<1x16xf32>,
        %add3A_662 = arith.constant 0 : i32
        %add3A_663 = arith.addi %add3A_648, %add3A_662 : i32
        %swap3A_664 = arith.index_cast %add3A_663 : i32 to index
        %swap3A_665 = arith.constant 32 : index
        %swap3A_666 = tpu.vector_load %arg8[%swap3A_664, %swap3A_665] {strides = array<i32>} : memref<64x128xf32, #tpu.memory_space<vmem>>, vector<1x16xf32>,
        %swap3A_667 = vector.shape_cast %swap3A_666 : vector<1x16xf32> to vector<16xf32>
        %swap3A_668 = vector.shape_cast %get3A_169 : vector<16xf32> to vector<1x16xf32>
        tpu.vector_store %arg8[%swap3A_664, %swap3A_665], %swap3A_668 {add = true, strides = array<i32>} : memref<64x128xf32, #tpu.memory_space<vmem>>, vector<1x16xf32>,
        %add3A_669 = arith.constant 0 : i32
        %add3A_670 = arith.addi %add3A_648, %add3A_669 : i32
        %swap3A_671 = arith.index_cast %add3A_670 : i32 to index
        %swap3A_672 = arith.constant 48 : index
        %swap3A_673 = tpu.vector_load %arg8[%swap3A_671, %swap3A_672] {strides = array<i32>} : memref<64x128xf32, #tpu.memory_space<vmem>>, vector<1x16xf32>,
        %swap3A_674 = vector.shape_cast %swap3A_673 : vector<1x16xf32> to vector<16xf32>
        %swap3A_675 = vector.shape_cast %get3A_173 : vector<16xf32> to vector<1x16xf32>
        tpu.vector_store %arg8[%swap3A_671, %swap3A_672], %swap3A_675 {add = true, strides = array<i32>} : memref<64x128xf32, #tpu.memory_space<vmem>>, vector<1x16xf32>,
        %add3A_676 = arith.constant 0 : i32
        %add3A_677 = arith.addi %add3A_648, %add3A_676 : i32
        %swap3A_678 = arith.index_cast %add3A_677 : i32 to index
        %swap3A_679 = arith.constant 64 : index
        %swap3A_680 = tpu.vector_load %arg8[%swap3A_678, %swap3A_679] {strides = array<i32>} : memref<64x128xf32, #tpu.memory_space<vmem>>, vector<1x16xf32>,
        %swap3A_681 = vector.shape_cast %swap3A_680 : vector<1x16xf32> to vector<16xf32>
        %swap3A_682 = vector.shape_cast %get3A_177 : vector<16xf32> to vector<1x16xf32>
        tpu.vector_store %arg8[%swap3A_678, %swap3A_679], %swap3A_682 {add = true, strides = array<i32>} : memref<64x128xf32, #tpu.memory_space<vmem>>, vector<1x16xf32>,
        %add3A_683 = arith.constant 0 : i32
        %add3A_684 = arith.addi %add3A_648, %add3A_683 : i32
        %swap3A_685 = arith.index_cast %add3A_684 : i32 to index
        %swap3A_686 = arith.constant 80 : index
        %swap3A_687 = tpu.vector_load %arg8[%swap3A_685, %swap3A_686] {strides = array<i32>} : memref<64x128xf32, #tpu.memory_space<vmem>>, vector<1x16xf32>,
        %swap3A_688 = vector.shape_cast %swap3A_687 : vector<1x16xf32> to vector<16xf32>
        %swap3A_689 = vector.shape_cast %get3A_181 : vector<16xf32> to vector<1x16xf32>
        tpu.vector_store %arg8[%swap3A_685, %swap3A_686], %swap3A_689 {add = true, strides = array<i32>} : memref<64x128xf32, #tpu.memory_space<vmem>>, vector<1x16xf32>,
        %add3A_690 = arith.constant 0 : i32
        %add3A_691 = arith.addi %add3A_648, %add3A_690 : i32
        %swap3A_692 = arith.index_cast %add3A_691 : i32 to index
        %swap3A_693 = arith.constant 96 : index
        %swap3A_694 = tpu.vector_load %arg8[%swap3A_692, %swap3A_693] {strides = array<i32>} : memref<64x128xf32, #tpu.memory_space<vmem>>, vector<1x16xf32>,
        %swap3A_695 = vector.shape_cast %swap3A_694 : vector<1x16xf32> to vector<16xf32>
        %swap3A_696 = vector.shape_cast %get3A_185 : vector<16xf32> to vector<1x16xf32>
        tpu.vector_store %arg8[%swap3A_692, %swap3A_693], %swap3A_696 {add = true, strides = array<i32>} : memref<64x128xf32, #tpu.memory_space<vmem>>, vector<1x16xf32>,
        %add3A_697 = arith.constant 0 : i32
        %add3A_698 = arith.addi %add3A_648, %add3A_697 : i32
        %swap3A_699 = arith.index_cast %add3A_698 : i32 to index
        %swap3A_700 = arith.constant 112 : index
        %swap3A_701 = tpu.vector_load %arg8[%swap3A_699, %swap3A_700] {strides = array<i32>} : memref<64x128xf32, #tpu.memory_space<vmem>>, vector<1x16xf32>,
        %swap3A_702 = vector.shape_cast %swap3A_701 : vector<1x16xf32> to vector<16xf32>
        %swap3A_703 = vector.shape_cast %get3A_189 : vector<16xf32> to vector<1x16xf32>
        tpu.vector_store %arg8[%swap3A_699, %swap3A_700], %swap3A_703 {add = true, strides = array<i32>} : memref<64x128xf32, #tpu.memory_space<vmem>>, vector<1x16xf32>,
        %add3A_704 = arith.constant 1 : i32
        %add3A_705 = arith.addi %add3A_648, %add3A_704 : i32
        %swap3A_706 = arith.index_cast %add3A_705 : i32 to index
        %swap3A_707 = arith.constant 0 : index
        %swap3A_708 = tpu.vector_load %arg8[%swap3A_706, %swap3A_707] {strides = array<i32>} : memref<64x128xf32, #tpu.memory_space<vmem>>, vector<1x16xf32>,
        %swap3A_709 = vector.shape_cast %swap3A_708 : vector<1x16xf32> to vector<16xf32>
        %swap3A_710 = vector.shape_cast %get3A_161 : vector<16xf32> to vector<1x16xf32>
        tpu.vector_store %arg8[%swap3A_706, %swap3A_707], %swap3A_710 {add = true, strides = array<i32>} : memref<64x128xf32, #tpu.memory_space<vmem>>, vector<1x16xf32>,
        %add3A_711 = arith.constant 1 : i32
        %add3A_712 = arith.addi %add3A_648, %add3A_711 : i32
        %swap3A_713 = arith.index_cast %add3A_712 : i32 to index
        %swap3A_714 = arith.constant 16 : index
        %swap3A_715 = tpu.vector_load %arg8[%swap3A_713, %swap3A_714] {strides = array<i32>} : memref<64x128xf32, #tpu.memory_space<vmem>>, vector<1x16xf32>,
        %swap3A_716 = vector.shape_cast %swap3A_715 : vector<1x16xf32> to vector<16xf32>
        %swap3A_717 = vector.shape_cast %get3A_165 : vector<16xf32> to vector<1x16xf32>
        tpu.vector_store %arg8[%swap3A_713, %swap3A_714], %swap3A_717 {add = true, strides = array<i32>} : memref<64x128xf32, #tpu.memory_space<vmem>>, vector<1x16xf32>,
        %add3A_718 = arith.constant 1 : i32
        %add3A_719 = arith.addi %add3A_648, %add3A_718 : i32
        %swap3A_720 = arith.index_cast %add3A_719 : i32 to index
        %swap3A_721 = arith.constant 32 : index
        %swap3A_722 = tpu.vector_load %arg8[%swap3A_720, %swap3A_721] {strides = array<i32>} : memref<64x128xf32, #tpu.memory_space<vmem>>, vector<1x16xf32>,
        %swap3A_723 = vector.shape_cast %swap3A_722 : vector<1x16xf32> to vector<16xf32>
        %swap3A_724 = vector.shape_cast %get3A_169 : vector<16xf32> to vector<1x16xf32>
        tpu.vector_store %arg8[%swap3A_720, %swap3A_721], %swap3A_724 {add = true, strides = array<i32>} : memref<64x128xf32, #tpu.memory_space<vmem>>, vector<1x16xf32>,
        %add3A_725 = arith.constant 1 : i32
        %add3A_726 = arith.addi %add3A_648, %add3A_725 : i32
        %swap3A_727 = arith.index_cast %add3A_726 : i32 to index
        %swap3A_728 = arith.constant 48 : index
        %swap3A_729 = tpu.vector_load %arg8[%swap3A_727, %swap3A_728] {strides = array<i32>} : memref<64x128xf32, #tpu.memory_space<vmem>>, vector<1x16xf32>,
        %swap3A_730 = vector.shape_cast %swap3A_729 : vector<1x16xf32> to vector<16xf32>
        %swap3A_731 = vector.shape_cast %get3A_173 : vector<16xf32> to vector<1x16xf32>
        tpu.vector_store %arg8[%swap3A_727, %swap3A_728], %swap3A_731 {add = true, strides = array<i32>} : memref<64x128xf32, #tpu.memory_space<vmem>>, vector<1x16xf32>,
        %add3A_732 = arith.constant 1 : i32
        %add3A_733 = arith.addi %add3A_648, %add3A_732 : i32
        %swap3A_734 = arith.index_cast %add3A_733 : i32 to index
        %swap3A_735 = arith.constant 64 : index
        %swap3A_736 = tpu.vector_load %arg8[%swap3A_734, %swap3A_735] {strides = array<i32>} : memref<64x128xf32, #tpu.memory_space<vmem>>, vector<1x16xf32>,
        %swap3A_737 = vector.shape_cast %swap3A_736 : vector<1x16xf32> to vector<16xf32>
        %swap3A_738 = vector.shape_cast %get3A_177 : vector<16xf32> to vector<1x16xf32>
        tpu.vector_store %arg8[%swap3A_734, %swap3A_735], %swap3A_738 {add = true, strides = array<i32>} : memref<64x128xf32, #tpu.memory_space<vmem>>, vector<1x16xf32>,
        %add3A_739 = arith.constant 1 : i32
        %add3A_740 = arith.addi %add3A_648, %add3A_739 : i32
        %swap3A_741 = arith.index_cast %add3A_740 : i32 to index
        %swap3A_742 = arith.constant 80 : index
        %swap3A_743 = tpu.vector_load %arg8[%swap3A_741, %swap3A_742] {strides = array<i32>} : memref<64x128xf32, #tpu.memory_space<vmem>>, vector<1x16xf32>,
        %swap3A_744 = vector.shape_cast %swap3A_743 : vector<1x16xf32> to vector<16xf32>
        %swap3A_745 = vector.shape_cast %get3A_181 : vector<16xf32> to vector<1x16xf32>
        tpu.vector_store %arg8[%swap3A_741, %swap3A_742], %swap3A_745 {add = true, strides = array<i32>} : memref<64x128xf32, #tpu.memory_space<vmem>>, vector<1x16xf32>,
        %add3A_746 = arith.constant 1 : i32
        %add3A_747 = arith.addi %add3A_648, %add3A_746 : i32
        %swap3A_748 = arith.index_cast %add3A_747 : i32 to index
        %swap3A_749 = arith.constant 96 : index
        %swap3A_750 = tpu.vector_load %arg8[%swap3A_748, %swap3A_749] {strides = array<i32>} : memref<64x128xf32, #tpu.memory_space<vmem>>, vector<1x16xf32>,
        %swap3A_751 = vector.shape_cast %swap3A_750 : vector<1x16xf32> to vector<16xf32>
        %swap3A_752 = vector.shape_cast %get3A_185 : vector<16xf32> to vector<1x16xf32>
        tpu.vector_store %arg8[%swap3A_748, %swap3A_749], %swap3A_752 {add = true, strides = array<i32>} : memref<64x128xf32, #tpu.memory_space<vmem>>, vector<1x16xf32>,
        %add3A_753 = arith.constant 1 : i32
        %add3A_754 = arith.addi %add3A_648, %add3A_753 : i32
        %swap3A_755 = arith.index_cast %add3A_754 : i32 to index
        %swap3A_756 = arith.constant 112 : index
        %swap3A_757 = tpu.vector_load %arg8[%swap3A_755, %swap3A_756] {strides = array<i32>} : memref<64x128xf32, #tpu.memory_space<vmem>>, vector<1x16xf32>,
        %swap3A_758 = vector.shape_cast %swap3A_757 : vector<1x16xf32> to vector<16xf32>
        %swap3A_759 = vector.shape_cast %get3A_189 : vector<16xf32> to vector<1x16xf32>
        tpu.vector_store %arg8[%swap3A_755, %swap3A_756], %swap3A_759 {add = true, strides = array<i32>} : memref<64x128xf32, #tpu.memory_space<vmem>>, vector<1x16xf32>,
        %add3A_760 = arith.constant 2 : i32
        %add3A_761 = arith.addi %add3A_648, %add3A_760 : i32
        %swap3A_762 = arith.index_cast %add3A_761 : i32 to index
        %swap3A_763 = arith.constant 0 : index
        %swap3A_764 = tpu.vector_load %arg8[%swap3A_762, %swap3A_763] {strides = array<i32>} : memref<64x128xf32, #tpu.memory_space<vmem>>, vector<1x16xf32>,
        %swap3A_765 = vector.shape_cast %swap3A_764 : vector<1x16xf32> to vector<16xf32>
        %swap3A_766 = vector.shape_cast %get3A_161 : vector<16xf32> to vector<1x16xf32>
        tpu.vector_store %arg8[%swap3A_762, %swap3A_763], %swap3A_766 {add = true, strides = array<i32>} : memref<64x128xf32, #tpu.memory_space<vmem>>, vector<1x16xf32>,
        %add3A_767 = arith.constant 2 : i32
        %add3A_768 = arith.addi %add3A_648, %add3A_767 : i32
        %swap3A_769 = arith.index_cast %add3A_768 : i32 to index
        %swap3A_770 = arith.constant 16 : index
        %swap3A_771 = tpu.vector_load %arg8[%swap3A_769, %swap3A_770] {strides = array<i32>} : memref<64x128xf32, #tpu.memory_space<vmem>>, vector<1x16xf32>,
        %swap3A_772 = vector.shape_cast %swap3A_771 : vector<1x16xf32> to vector<16xf32>
        %swap3A_773 = vector.shape_cast %get3A_165 : vector<16xf32> to vector<1x16xf32>
        tpu.vector_store %arg8[%swap3A_769, %swap3A_770], %swap3A_773 {add = true, strides = array<i32>} : memref<64x128xf32, #tpu.memory_space<vmem>>, vector<1x16xf32>,
        %add3A_774 = arith.constant 2 : i32
        %add3A_775 = arith.addi %add3A_648, %add3A_774 : i32
        %swap3A_776 = arith.index_cast %add3A_775 : i32 to index
        %swap3A_777 = arith.constant 32 : index
        %swap3A_778 = tpu.vector_load %arg8[%swap3A_776, %swap3A_777] {strides = array<i32>} : memref<64x128xf32, #tpu.memory_space<vmem>>, vector<1x16xf32>,
        %swap3A_779 = vector.shape_cast %swap3A_778 : vector<1x16xf32> to vector<16xf32>
        %swap3A_780 = vector.shape_cast %get3A_169 : vector<16xf32> to vector<1x16xf32>
        tpu.vector_store %arg8[%swap3A_776, %swap3A_777], %swap3A_780 {add = true, strides = array<i32>} : memref<64x128xf32, #tpu.memory_space<vmem>>, vector<1x16xf32>,
        %add3A_781 = arith.constant 2 : i32
        %add3A_782 = arith.addi %add3A_648, %add3A_781 : i32
        %swap3A_783 = arith.index_cast %add3A_782 : i32 to index
        %swap3A_784 = arith.constant 48 : index
        %swap3A_785 = tpu.vector_load %arg8[%swap3A_783, %swap3A_784] {strides = array<i32>} : memref<64x128xf32, #tpu.memory_space<vmem>>, vector<1x16xf32>,
        %swap3A_786 = vector.shape_cast %swap3A_785 : vector<1x16xf32> to vector<16xf32>
        %swap3A_787 = vector.shape_cast %get3A_173 : vector<16xf32> to vector<1x16xf32>
        tpu.vector_store %arg8[%swap3A_783, %swap3A_784], %swap3A_787 {add = true, strides = array<i32>} : memref<64x128xf32, #tpu.memory_space<vmem>>, vector<1x16xf32>,
        %add3A_788 = arith.constant 2 : i32
        %add3A_789 = arith.addi %add3A_648, %add3A_788 : i32
        %swap3A_790 = arith.index_cast %add3A_789 : i32 to index
        %swap3A_791 = arith.constant 64 : index
        %swap3A_792 = tpu.vector_load %arg8[%swap3A_790, %swap3A_791] {strides = array<i32>} : memref<64x128xf32, #tpu.memory_space<vmem>>, vector<1x16xf32>,
        %swap3A_793 = vector.shape_cast %swap3A_792 : vector<1x16xf32> to vector<16xf32>
        %swap3A_794 = vector.shape_cast %get3A_177 : vector<16xf32> to vector<1x16xf32>
        tpu.vector_store %arg8[%swap3A_790, %swap3A_791], %swap3A_794 {add = true, strides = array<i32>} : memref<64x128xf32, #tpu.memory_space<vmem>>, vector<1x16xf32>,
        %add3A_795 = arith.constant 2 : i32
        %add3A_796 = arith.addi %add3A_648, %add3A_795 : i32
        %swap3A_797 = arith.index_cast %add3A_796 : i32 to index
        %swap3A_798 = arith.constant 80 : index
        %swap3A_799 = tpu.vector_load %arg8[%swap3A_797, %swap3A_798] {strides = array<i32>} : memref<64x128xf32, #tpu.memory_space<vmem>>, vector<1x16xf32>,
        %swap3A_800 = vector.shape_cast %swap3A_799 : vector<1x16xf32> to vector<16xf32>
        %swap3A_801 = vector.shape_cast %get3A_181 : vector<16xf32> to vector<1x16xf32>
        tpu.vector_store %arg8[%swap3A_797, %swap3A_798], %swap3A_801 {add = true, strides = array<i32>} : memref<64x128xf32, #tpu.memory_space<vmem>>, vector<1x16xf32>,
        %add3A_802 = arith.constant 2 : i32
        %add3A_803 = arith.addi %add3A_648, %add3A_802 : i32
        %swap3A_804 = arith.index_cast %add3A_803 : i32 to index
        %swap3A_805 = arith.constant 96 : index
        %swap3A_806 = tpu.vector_load %arg8[%swap3A_804, %swap3A_805] {strides = array<i32>} : memref<64x128xf32, #tpu.memory_space<vmem>>, vector<1x16xf32>,
        %swap3A_807 = vector.shape_cast %swap3A_806 : vector<1x16xf32> to vector<16xf32>
        %swap3A_808 = vector.shape_cast %get3A_185 : vector<16xf32> to vector<1x16xf32>
        tpu.vector_store %arg8[%swap3A_804, %swap3A_805], %swap3A_808 {add = true, strides = array<i32>} : memref<64x128xf32, #tpu.memory_space<vmem>>, vector<1x16xf32>,
        %add3A_809 = arith.constant 2 : i32
        %add3A_810 = arith.addi %add3A_648, %add3A_809 : i32
        %swap3A_811 = arith.index_cast %add3A_810 : i32 to index
        %swap3A_812 = arith.constant 112 : index
        %swap3A_813 = tpu.vector_load %arg8[%swap3A_811, %swap3A_812] {strides = array<i32>} : memref<64x128xf32, #tpu.memory_space<vmem>>, vector<1x16xf32>,
        %swap3A_814 = vector.shape_cast %swap3A_813 : vector<1x16xf32> to vector<16xf32>
        %swap3A_815 = vector.shape_cast %get3A_189 : vector<16xf32> to vector<1x16xf32>
        tpu.vector_store %arg8[%swap3A_811, %swap3A_812], %swap3A_815 {add = true, strides = array<i32>} : memref<64x128xf32, #tpu.memory_space<vmem>>, vector<1x16xf32>,
        %add3A_816 = arith.constant 3 : i32
        %add3A_817 = arith.addi %add3A_648, %add3A_816 : i32
        %swap3A_818 = arith.index_cast %add3A_817 : i32 to index
        %swap3A_819 = arith.constant 0 : index
        %swap3A_820 = tpu.vector_load %arg8[%swap3A_818, %swap3A_819] {strides = array<i32>} : memref<64x128xf32, #tpu.memory_space<vmem>>, vector<1x16xf32>,
        %swap3A_821 = vector.shape_cast %swap3A_820 : vector<1x16xf32> to vector<16xf32>
        %swap3A_822 = vector.shape_cast %get3A_161 : vector<16xf32> to vector<1x16xf32>
        tpu.vector_store %arg8[%swap3A_818, %swap3A_819], %swap3A_822 {add = true, strides = array<i32>} : memref<64x128xf32, #tpu.memory_space<vmem>>, vector<1x16xf32>,
        %add3A_823 = arith.constant 3 : i32
        %add3A_824 = arith.addi %add3A_648, %add3A_823 : i32
        %swap3A_825 = arith.index_cast %add3A_824 : i32 to index
        %swap3A_826 = arith.constant 16 : index
        %swap3A_827 = tpu.vector_load %arg8[%swap3A_825, %swap3A_826] {strides = array<i32>} : memref<64x128xf32, #tpu.memory_space<vmem>>, vector<1x16xf32>,
        %swap3A_828 = vector.shape_cast %swap3A_827 : vector<1x16xf32> to vector<16xf32>
        %swap3A_829 = vector.shape_cast %get3A_165 : vector<16xf32> to vector<1x16xf32>
        tpu.vector_store %arg8[%swap3A_825, %swap3A_826], %swap3A_829 {add = true, strides = array<i32>} : memref<64x128xf32, #tpu.memory_space<vmem>>, vector<1x16xf32>,
        %add3A_830 = arith.constant 3 : i32
        %add3A_831 = arith.addi %add3A_648, %add3A_830 : i32
        %swap3A_832 = arith.index_cast %add3A_831 : i32 to index
        %swap3A_833 = arith.constant 32 : index
        %swap3A_834 = tpu.vector_load %arg8[%swap3A_832, %swap3A_833] {strides = array<i32>} : memref<64x128xf32, #tpu.memory_space<vmem>>, vector<1x16xf32>,
        %swap3A_835 = vector.shape_cast %swap3A_834 : vector<1x16xf32> to vector<16xf32>
        %swap3A_836 = vector.shape_cast %get3A_169 : vector<16xf32> to vector<1x16xf32>
        tpu.vector_store %arg8[%swap3A_832, %swap3A_833], %swap3A_836 {add = true, strides = array<i32>} : memref<64x128xf32, #tpu.memory_space<vmem>>, vector<1x16xf32>,
        %add3A_837 = arith.constant 3 : i32
        %add3A_838 = arith.addi %add3A_648, %add3A_837 : i32
        %swap3A_839 = arith.index_cast %add3A_838 : i32 to index
        %swap3A_840 = arith.constant 48 : index
        %swap3A_841 = tpu.vector_load %arg8[%swap3A_839, %swap3A_840] {strides = array<i32>} : memref<64x128xf32, #tpu.memory_space<vmem>>, vector<1x16xf32>,
        %swap3A_842 = vector.shape_cast %swap3A_841 : vector<1x16xf32> to vector<16xf32>
        %swap3A_843 = vector.shape_cast %get3A_173 : vector<16xf32> to vector<1x16xf32>
        tpu.vector_store %arg8[%swap3A_839, %swap3A_840], %swap3A_843 {add = true, strides = array<i32>} : memref<64x128xf32, #tpu.memory_space<vmem>>, vector<1x16xf32>,
        %add3A_844 = arith.constant 3 : i32
        %add3A_845 = arith.addi %add3A_648, %add3A_844 : i32
        %swap3A_846 = arith.index_cast %add3A_845 : i32 to index
        %swap3A_847 = arith.constant 64 : index
        %swap3A_848 = tpu.vector_load %arg8[%swap3A_846, %swap3A_847] {strides = array<i32>} : memref<64x128xf32, #tpu.memory_space<vmem>>, vector<1x16xf32>,
        %swap3A_849 = vector.shape_cast %swap3A_848 : vector<1x16xf32> to vector<16xf32>
        %swap3A_850 = vector.shape_cast %get3A_177 : vector<16xf32> to vector<1x16xf32>
        tpu.vector_store %arg8[%swap3A_846, %swap3A_847], %swap3A_850 {add = true, strides = array<i32>} : memref<64x128xf32, #tpu.memory_space<vmem>>, vector<1x16xf32>,
        %add3A_851 = arith.constant 3 : i32
        %add3A_852 = arith.addi %add3A_648, %add3A_851 : i32
        %swap3A_853 = arith.index_cast %add3A_852 : i32 to index
        %swap3A_854 = arith.constant 80 : index
        %swap3A_855 = tpu.vector_load %arg8[%swap3A_853, %swap3A_854] {strides = array<i32>} : memref<64x128xf32, #tpu.memory_space<vmem>>, vector<1x16xf32>,
        %swap3A_856 = vector.shape_cast %swap3A_855 : vector<1x16xf32> to vector<16xf32>
        %swap3A_857 = vector.shape_cast %get3A_181 : vector<16xf32> to vector<1x16xf32>
        tpu.vector_store %arg8[%swap3A_853, %swap3A_854], %swap3A_857 {add = true, strides = array<i32>} : memref<64x128xf32, #tpu.memory_space<vmem>>, vector<1x16xf32>,
        %add3A_858 = arith.constant 3 : i32
        %add3A_859 = arith.addi %add3A_648, %add3A_858 : i32
        %swap3A_860 = arith.index_cast %add3A_859 : i32 to index
        %swap3A_861 = arith.constant 96 : index
        %swap3A_862 = tpu.vector_load %arg8[%swap3A_860, %swap3A_861] {strides = array<i32>} : memref<64x128xf32, #tpu.memory_space<vmem>>, vector<1x16xf32>,
        %swap3A_863 = vector.shape_cast %swap3A_862 : vector<1x16xf32> to vector<16xf32>
        %swap3A_864 = vector.shape_cast %get3A_185 : vector<16xf32> to vector<1x16xf32>
        tpu.vector_store %arg8[%swap3A_860, %swap3A_861], %swap3A_864 {add = true, strides = array<i32>} : memref<64x128xf32, #tpu.memory_space<vmem>>, vector<1x16xf32>,
        %add3A_865 = arith.constant 3 : i32
        %add3A_866 = arith.addi %add3A_648, %add3A_865 : i32
        %swap3A_867 = arith.index_cast %add3A_866 : i32 to index
        %swap3A_868 = arith.constant 112 : index
        %swap3A_869 = tpu.vector_load %arg8[%swap3A_867, %swap3A_868] {strides = array<i32>} : memref<64x128xf32, #tpu.memory_space<vmem>>, vector<1x16xf32>,
        %swap3A_870 = vector.shape_cast %swap3A_869 : vector<1x16xf32> to vector<16xf32>
        %swap3A_871 = vector.shape_cast %get3A_189 : vector<16xf32> to vector<1x16xf32>
        tpu.vector_store %arg8[%swap3A_867, %swap3A_868], %swap3A_871 {add = true, strides = array<i32>} : memref<64x128xf32, #tpu.memory_space<vmem>>, vector<1x16xf32>,
        %scan3A_872 = arith.constant 0 : i32
        scf.yield %scan3A_872 : i32
      }
      %scan3A_196 = arith.constant 16 : i32
      %scan3A_197 = arith.constant 0 : i32
      %scan3A_198 = arith.constant 1 : i32
      %mul3A_199 = arith.constant 64 : i32
      %mul3A_200 = arith.muli %add3A_147, %mul3A_199 : i32
      %add3A_201 = arith.addi %mul3A_2, %mul3A_200 : i32
      %dma_start3A_202 = arith.constant 0 : i32
      %dma_start3A_203 = tpu.memref_slice %arg5[%add3A_201, %dma_start3A_202] : memref<131072x128xf32, #tpu.memory_space<hbm>> -> memref<64x128xf32, #tpu.memory_space<hbm>>
      %dma_start3A_204 = arith.constant 0 : i32
      %dma_start3A_205 = tpu.memref_slice %arg5[%add3A_201, %dma_start3A_204] : memref<131072x128xf32, #tpu.memory_space<hbm>> -> memref<64x128xf32, #tpu.memory_space<hbm>>
      tpu.enqueue_dma source(%arg8 : memref<64x128xf32, #tpu.memory_space<vmem>>) target(%dma_start3A_205 : memref<64x128xf32, #tpu.memory_space<hbm>>) target_semaphore(%arg25 : memref<!tpu.dma_semaphore, #tpu.memory_space<semaphore_mem>>)
      %add3A_206 = arith.constant 8 : i32
      %add3A_207 = arith.addi %add3A_147, %add3A_206 : i32
      %sub3A_208 = arith.constant 1 : i32
      %sub3A_209 = arith.subi %add3A_207, %sub3A_208 : i32
      %lt3A_210 = arith.constant 64 : i32
      %lt3A_211 = arith.cmpi slt, %sub3A_209, %lt3A_210 : i32
      %convert_element_type3A_212 = arith.extui %lt3A_211 : i1 to i32
      %cond3A_213 = arith.constant 0 : i32
      %cond3A_214 = arith.cmpi ne, %convert_element_type3A_212, %cond3A_213 : i32
      scf.if %cond3A_214 {
        %ge3A = arith.constant 8 : i32
        %ge3A_642 = arith.cmpi sge, %sub3A_209, %ge3A : i32
        %convert_element_type3A_643 = arith.extui %ge3A_642 : i1 to i32
        %cond3A_644 = arith.constant 0 : i32
        %cond3A_645 = arith.cmpi ne, %convert_element_type3A_643, %cond3A_644 : i32
        scf.if %cond3A_645 {
          %dma_wait3A_652 = arith.constant 0 : i32
          %dma_wait3A_653 = tpu.memref_slice %arg5[%mul3A_2, %dma_wait3A_652] : memref<131072x128xf32, #tpu.memory_space<hbm>> -> memref<64x128xf32, #tpu.memory_space<hbm>>
          %dma_wait3A_654 = arith.constant 0 : i32
          %dma_wait3A_655 = tpu.memref_slice %arg5[%mul3A_2, %dma_wait3A_654] : memref<131072x128xf32, #tpu.memory_space<hbm>> -> memref<64x128xf32, #tpu.memory_space<hbm>>
          tpu.wait_dma2 semaphore(%arg24 : memref<!tpu.dma_semaphore, #tpu.memory_space<semaphore_mem>>) src(%arg7 : memref<64x128xf32, #tpu.memory_space<vmem>>) dst(%dma_wait3A_655 : memref<64x128xf32, #tpu.memory_space<hbm>>)
        } else {
        }
        %mul3A_646 = arith.constant 64 : i32
        %mul3A_647 = arith.muli %sub3A_209, %mul3A_646 : i32
        %dma_start3A_648 = tpu.memref_slice %arg6[%mul3A_647] : memref<4096xi32, #tpu.memory_space<vmem>> -> memref<64xi32, #tpu.memory_space<vmem>>
        %dma_start3A_649 = arith.constant 0 : i32
        %dma_start3A_650 = arith.constant 0 : i32
        %dma_start3A_651 = tpu.memref_slice %arg3[%dma_start3A_649, %dma_start3A_650] : memref<100000x128xf32, #tpu.memory_space<hbm>> -> memref<100000x128xf32, #tpu.memory_space<hbm>>
        tpu.enqueue_indirect_dma source(%dma_start3A_651 : memref<100000x128xf32, #tpu.memory_space<hbm>>) target(%arg7 : memref<64x128xf32, #tpu.memory_space<vmem>>) offsets(%dma_start3A_648 : memref<64xi32, #tpu.memory_space<vmem>>) semaphore(%arg16 : memref<!tpu.dma_semaphore, #tpu.memory_space<semaphore_mem>>)
      } else {
      }
      %mul3A_215 = arith.constant 8 : i32
      %mul3A_216 = arith.muli %scan3A_76, %mul3A_215 : i32
      %add3A_217 = arith.constant 2 : i32
      %add3A_218 = arith.addi %mul3A_216, %add3A_217 : i32
      %dma_wait3A_219 = arith.constant 0 : i32
      %dma_wait3A_220 = tpu.memref_slice %arg6[%dma_wait3A_219] : memref<4096xi32, #tpu.memory_space<vmem>> -> memref<64xi32, #tpu.memory_space<vmem>>
      %dma_wait3A_221 = arith.constant 0 : i32
      %dma_wait3A_222 = arith.constant 0 : i32
      %dma_wait3A_223 = tpu.memref_slice %arg3[%dma_wait3A_221, %dma_wait3A_222] : memref<100000x128xf32, #tpu.memory_space<hbm>> -> memref<100000x128xf32, #tpu.memory_space<hbm>>
      tpu.wait_indirect_dma semaphore(%arg18 : memref<!tpu.dma_semaphore, #tpu.memory_space<semaphore_mem>>) src(%dma_wait3A_223 : memref<100000x128xf32, #tpu.memory_space<hbm>>) dst(%arg9 : memref<64x128xf32, #tpu.memory_space<vmem>>)
      %scan3A_224 = arith.constant 0 : i32
      %scan3A_225 = arith.constant 0 : i32
      %mul3A_226 = arith.constant 1 : i32
      %mul3A_227 = arith.muli %add3A_218, %mul3A_226 : i32
      %add3A_228 = arith.addi %mul3A_227, %scan3A_225 : i32
      %get3A_229 = arith.index_cast %add3A_228 : i32 to index
      %get3A_230 = arith.constant 0 : index
      %get3A_231 = tpu.vector_load %arg15[%get3A_229, %get3A_230] {strides = array<i32>} : memref<64x128xf32, #tpu.memory_space<vmem>>, vector<1x16xf32>,
      %get3A_232 = vector.shape_cast %get3A_231 : vector<1x16xf32> to vector<16xf32>
      %get3A_233 = arith.index_cast %add3A_228 : i32 to index
      %get3A_234 = arith.constant 16 : index
      %get3A_235 = tpu.vector_load %arg15[%get3A_233, %get3A_234] {strides = array<i32>} : memref<64x128xf32, #tpu.memory_space<vmem>>, vector<1x16xf32>,
      %get3A_236 = vector.shape_cast %get3A_235 : vector<1x16xf32> to vector<16xf32>
      %get3A_237 = arith.index_cast %add3A_228 : i32 to index
      %get3A_238 = arith.constant 32 : index
      %get3A_239 = tpu.vector_load %arg15[%get3A_237, %get3A_238] {strides = array<i32>} : memref<64x128xf32, #tpu.memory_space<vmem>>, vector<1x16xf32>,
      %get3A_240 = vector.shape_cast %get3A_239 : vector<1x16xf32> to vector<16xf32>
      %get3A_241 = arith.index_cast %add3A_228 : i32 to index
      %get3A_242 = arith.constant 48 : index
      %get3A_243 = tpu.vector_load %arg15[%get3A_241, %get3A_242] {strides = array<i32>} : memref<64x128xf32, #tpu.memory_space<vmem>>, vector<1x16xf32>,
      %get3A_244 = vector.shape_cast %get3A_243 : vector<1x16xf32> to vector<16xf32>
      %get3A_245 = arith.index_cast %add3A_228 : i32 to index
      %get3A_246 = arith.constant 64 : index
      %get3A_247 = tpu.vector_load %arg15[%get3A_245, %get3A_246] {strides = array<i32>} : memref<64x128xf32, #tpu.memory_space<vmem>>, vector<1x16xf32>,
      %get3A_248 = vector.shape_cast %get3A_247 : vector<1x16xf32> to vector<16xf32>
      %get3A_249 = arith.index_cast %add3A_228 : i32 to index
      %get3A_250 = arith.constant 80 : index
      %get3A_251 = tpu.vector_load %arg15[%get3A_249, %get3A_250] {strides = array<i32>} : memref<64x128xf32, #tpu.memory_space<vmem>>, vector<1x16xf32>,
      %get3A_252 = vector.shape_cast %get3A_251 : vector<1x16xf32> to vector<16xf32>
      %get3A_253 = arith.index_cast %add3A_228 : i32 to index
      %get3A_254 = arith.constant 96 : index
      %get3A_255 = tpu.vector_load %arg15[%get3A_253, %get3A_254] {strides = array<i32>} : memref<64x128xf32, #tpu.memory_space<vmem>>, vector<1x16xf32>,
      %get3A_256 = vector.shape_cast %get3A_255 : vector<1x16xf32> to vector<16xf32>
      %get3A_257 = arith.index_cast %add3A_228 : i32 to index
      %get3A_258 = arith.constant 112 : index
      %get3A_259 = tpu.vector_load %arg15[%get3A_257, %get3A_258] {strides = array<i32>} : memref<64x128xf32, #tpu.memory_space<vmem>>, vector<1x16xf32>,
      %get3A_260 = vector.shape_cast %get3A_259 : vector<1x16xf32> to vector<16xf32>
      %scan3A_261 = arith.constant 0 : i32
      %scan3A_262 = arith.constant 0 : i32
      %scan3A_263 = arith.constant 16 : i32
      %scan3A_264 = arith.addi %scan3A_262, %scan3A_263 : i32
      %scan3A_265 = arith.constant 1 : i32
      %scan3A_266 = scf.for %scan3A_642 = %scan3A_262 to %scan3A_264 step %scan3A_265 iter_args(%scan3A_643 = %scan3A_261) -> (i32)  : i32 {
        %mul3A_644 = arith.constant 64 : i32
        %mul3A_645 = arith.muli %scan3A_225, %mul3A_644 : i32
        %mul3A_646 = arith.constant 4 : i32
        %mul3A_647 = arith.muli %scan3A_642, %mul3A_646 : i32
        %add3A_648 = arith.addi %mul3A_645, %mul3A_647 : i32
        %add3A_649 = arith.constant 0 : i32
        %add3A_650 = arith.addi %add3A_648, %add3A_649 : i32
        %swap3A = arith.index_cast %add3A_650 : i32 to index
        %swap3A_651 = arith.constant 0 : index
        %swap3A_652 = tpu.vector_load %arg9[%swap3A, %swap3A_651] {strides = array<i32>} : memref<64x128xf32, #tpu.memory_space<vmem>>, vector<1x16xf32>,
        %swap3A_653 = vector.shape_cast %swap3A_652 : vector<1x16xf32> to vector<16xf32>
        %swap3A_654 = vector.shape_cast %get3A_232 : vector<16xf32> to vector<1x16xf32>
        tpu.vector_store %arg9[%swap3A, %swap3A_651], %swap3A_654 {add = true, strides = array<i32>} : memref<64x128xf32, #tpu.memory_space<vmem>>, vector<1x16xf32>,
        %add3A_655 = arith.constant 0 : i32
        %add3A_656 = arith.addi %add3A_648, %add3A_655 : i32
        %swap3A_657 = arith.index_cast %add3A_656 : i32 to index
        %swap3A_658 = arith.constant 16 : index
        %swap3A_659 = tpu.vector_load %arg9[%swap3A_657, %swap3A_658] {strides = array<i32>} : memref<64x128xf32, #tpu.memory_space<vmem>>, vector<1x16xf32>,
        %swap3A_660 = vector.shape_cast %swap3A_659 : vector<1x16xf32> to vector<16xf32>
        %swap3A_661 = vector.shape_cast %get3A_236 : vector<16xf32> to vector<1x16xf32>
        tpu.vector_store %arg9[%swap3A_657, %swap3A_658], %swap3A_661 {add = true, strides = array<i32>} : memref<64x128xf32, #tpu.memory_space<vmem>>, vector<1x16xf32>,
        %add3A_662 = arith.constant 0 : i32
        %add3A_663 = arith.addi %add3A_648, %add3A_662 : i32
        %swap3A_664 = arith.index_cast %add3A_663 : i32 to index
        %swap3A_665 = arith.constant 32 : index
        %swap3A_666 = tpu.vector_load %arg9[%swap3A_664, %swap3A_665] {strides = array<i32>} : memref<64x128xf32, #tpu.memory_space<vmem>>, vector<1x16xf32>,
        %swap3A_667 = vector.shape_cast %swap3A_666 : vector<1x16xf32> to vector<16xf32>
        %swap3A_668 = vector.shape_cast %get3A_240 : vector<16xf32> to vector<1x16xf32>
        tpu.vector_store %arg9[%swap3A_664, %swap3A_665], %swap3A_668 {add = true, strides = array<i32>} : memref<64x128xf32, #tpu.memory_space<vmem>>, vector<1x16xf32>,
        %add3A_669 = arith.constant 0 : i32
        %add3A_670 = arith.addi %add3A_648, %add3A_669 : i32
        %swap3A_671 = arith.index_cast %add3A_670 : i32 to index
        %swap3A_672 = arith.constant 48 : index
        %swap3A_673 = tpu.vector_load %arg9[%swap3A_671, %swap3A_672] {strides = array<i32>} : memref<64x128xf32, #tpu.memory_space<vmem>>, vector<1x16xf32>,
        %swap3A_674 = vector.shape_cast %swap3A_673 : vector<1x16xf32> to vector<16xf32>
        %swap3A_675 = vector.shape_cast %get3A_244 : vector<16xf32> to vector<1x16xf32>
        tpu.vector_store %arg9[%swap3A_671, %swap3A_672], %swap3A_675 {add = true, strides = array<i32>} : memref<64x128xf32, #tpu.memory_space<vmem>>, vector<1x16xf32>,
        %add3A_676 = arith.constant 0 : i32
        %add3A_677 = arith.addi %add3A_648, %add3A_676 : i32
        %swap3A_678 = arith.index_cast %add3A_677 : i32 to index
        %swap3A_679 = arith.constant 64 : index
        %swap3A_680 = tpu.vector_load %arg9[%swap3A_678, %swap3A_679] {strides = array<i32>} : memref<64x128xf32, #tpu.memory_space<vmem>>, vector<1x16xf32>,
        %swap3A_681 = vector.shape_cast %swap3A_680 : vector<1x16xf32> to vector<16xf32>
        %swap3A_682 = vector.shape_cast %get3A_248 : vector<16xf32> to vector<1x16xf32>
        tpu.vector_store %arg9[%swap3A_678, %swap3A_679], %swap3A_682 {add = true, strides = array<i32>} : memref<64x128xf32, #tpu.memory_space<vmem>>, vector<1x16xf32>,
        %add3A_683 = arith.constant 0 : i32
        %add3A_684 = arith.addi %add3A_648, %add3A_683 : i32
        %swap3A_685 = arith.index_cast %add3A_684 : i32 to index
        %swap3A_686 = arith.constant 80 : index
        %swap3A_687 = tpu.vector_load %arg9[%swap3A_685, %swap3A_686] {strides = array<i32>} : memref<64x128xf32, #tpu.memory_space<vmem>>, vector<1x16xf32>,
        %swap3A_688 = vector.shape_cast %swap3A_687 : vector<1x16xf32> to vector<16xf32>
        %swap3A_689 = vector.shape_cast %get3A_252 : vector<16xf32> to vector<1x16xf32>
        tpu.vector_store %arg9[%swap3A_685, %swap3A_686], %swap3A_689 {add = true, strides = array<i32>} : memref<64x128xf32, #tpu.memory_space<vmem>>, vector<1x16xf32>,
        %add3A_690 = arith.constant 0 : i32
        %add3A_691 = arith.addi %add3A_648, %add3A_690 : i32
        %swap3A_692 = arith.index_cast %add3A_691 : i32 to index
        %swap3A_693 = arith.constant 96 : index
        %swap3A_694 = tpu.vector_load %arg9[%swap3A_692, %swap3A_693] {strides = array<i32>} : memref<64x128xf32, #tpu.memory_space<vmem>>, vector<1x16xf32>,
        %swap3A_695 = vector.shape_cast %swap3A_694 : vector<1x16xf32> to vector<16xf32>
        %swap3A_696 = vector.shape_cast %get3A_256 : vector<16xf32> to vector<1x16xf32>
        tpu.vector_store %arg9[%swap3A_692, %swap3A_693], %swap3A_696 {add = true, strides = array<i32>} : memref<64x128xf32, #tpu.memory_space<vmem>>, vector<1x16xf32>,
        %add3A_697 = arith.constant 0 : i32
        %add3A_698 = arith.addi %add3A_648, %add3A_697 : i32
        %swap3A_699 = arith.index_cast %add3A_698 : i32 to index
        %swap3A_700 = arith.constant 112 : index
        %swap3A_701 = tpu.vector_load %arg9[%swap3A_699, %swap3A_700] {strides = array<i32>} : memref<64x128xf32, #tpu.memory_space<vmem>>, vector<1x16xf32>,
        %swap3A_702 = vector.shape_cast %swap3A_701 : vector<1x16xf32> to vector<16xf32>
        %swap3A_703 = vector.shape_cast %get3A_260 : vector<16xf32> to vector<1x16xf32>
        tpu.vector_store %arg9[%swap3A_699, %swap3A_700], %swap3A_703 {add = true, strides = array<i32>} : memref<64x128xf32, #tpu.memory_space<vmem>>, vector<1x16xf32>,
        %add3A_704 = arith.constant 1 : i32
        %add3A_705 = arith.addi %add3A_648, %add3A_704 : i32
        %swap3A_706 = arith.index_cast %add3A_705 : i32 to index
        %swap3A_707 = arith.constant 0 : index
        %swap3A_708 = tpu.vector_load %arg9[%swap3A_706, %swap3A_707] {strides = array<i32>} : memref<64x128xf32, #tpu.memory_space<vmem>>, vector<1x16xf32>,
        %swap3A_709 = vector.shape_cast %swap3A_708 : vector<1x16xf32> to vector<16xf32>
        %swap3A_710 = vector.shape_cast %get3A_232 : vector<16xf32> to vector<1x16xf32>
        tpu.vector_store %arg9[%swap3A_706, %swap3A_707], %swap3A_710 {add = true, strides = array<i32>} : memref<64x128xf32, #tpu.memory_space<vmem>>, vector<1x16xf32>,
        %add3A_711 = arith.constant 1 : i32
        %add3A_712 = arith.addi %add3A_648, %add3A_711 : i32
        %swap3A_713 = arith.index_cast %add3A_712 : i32 to index
        %swap3A_714 = arith.constant 16 : index
        %swap3A_715 = tpu.vector_load %arg9[%swap3A_713, %swap3A_714] {strides = array<i32>} : memref<64x128xf32, #tpu.memory_space<vmem>>, vector<1x16xf32>,
        %swap3A_716 = vector.shape_cast %swap3A_715 : vector<1x16xf32> to vector<16xf32>
        %swap3A_717 = vector.shape_cast %get3A_236 : vector<16xf32> to vector<1x16xf32>
        tpu.vector_store %arg9[%swap3A_713, %swap3A_714], %swap3A_717 {add = true, strides = array<i32>} : memref<64x128xf32, #tpu.memory_space<vmem>>, vector<1x16xf32>,
        %add3A_718 = arith.constant 1 : i32
        %add3A_719 = arith.addi %add3A_648, %add3A_718 : i32
        %swap3A_720 = arith.index_cast %add3A_719 : i32 to index
        %swap3A_721 = arith.constant 32 : index
        %swap3A_722 = tpu.vector_load %arg9[%swap3A_720, %swap3A_721] {strides = array<i32>} : memref<64x128xf32, #tpu.memory_space<vmem>>, vector<1x16xf32>,
        %swap3A_723 = vector.shape_cast %swap3A_722 : vector<1x16xf32> to vector<16xf32>
        %swap3A_724 = vector.shape_cast %get3A_240 : vector<16xf32> to vector<1x16xf32>
        tpu.vector_store %arg9[%swap3A_720, %swap3A_721], %swap3A_724 {add = true, strides = array<i32>} : memref<64x128xf32, #tpu.memory_space<vmem>>, vector<1x16xf32>,
        %add3A_725 = arith.constant 1 : i32
        %add3A_726 = arith.addi %add3A_648, %add3A_725 : i32
        %swap3A_727 = arith.index_cast %add3A_726 : i32 to index
        %swap3A_728 = arith.constant 48 : index
        %swap3A_729 = tpu.vector_load %arg9[%swap3A_727, %swap3A_728] {strides = array<i32>} : memref<64x128xf32, #tpu.memory_space<vmem>>, vector<1x16xf32>,
        %swap3A_730 = vector.shape_cast %swap3A_729 : vector<1x16xf32> to vector<16xf32>
        %swap3A_731 = vector.shape_cast %get3A_244 : vector<16xf32> to vector<1x16xf32>
        tpu.vector_store %arg9[%swap3A_727, %swap3A_728], %swap3A_731 {add = true, strides = array<i32>} : memref<64x128xf32, #tpu.memory_space<vmem>>, vector<1x16xf32>,
        %add3A_732 = arith.constant 1 : i32
        %add3A_733 = arith.addi %add3A_648, %add3A_732 : i32
        %swap3A_734 = arith.index_cast %add3A_733 : i32 to index
        %swap3A_735 = arith.constant 64 : index
        %swap3A_736 = tpu.vector_load %arg9[%swap3A_734, %swap3A_735] {strides = array<i32>} : memref<64x128xf32, #tpu.memory_space<vmem>>, vector<1x16xf32>,
        %swap3A_737 = vector.shape_cast %swap3A_736 : vector<1x16xf32> to vector<16xf32>
        %swap3A_738 = vector.shape_cast %get3A_248 : vector<16xf32> to vector<1x16xf32>
        tpu.vector_store %arg9[%swap3A_734, %swap3A_735], %swap3A_738 {add = true, strides = array<i32>} : memref<64x128xf32, #tpu.memory_space<vmem>>, vector<1x16xf32>,
        %add3A_739 = arith.constant 1 : i32
        %add3A_740 = arith.addi %add3A_648, %add3A_739 : i32
        %swap3A_741 = arith.index_cast %add3A_740 : i32 to index
        %swap3A_742 = arith.constant 80 : index
        %swap3A_743 = tpu.vector_load %arg9[%swap3A_741, %swap3A_742] {strides = array<i32>} : memref<64x128xf32, #tpu.memory_space<vmem>>, vector<1x16xf32>,
        %swap3A_744 = vector.shape_cast %swap3A_743 : vector<1x16xf32> to vector<16xf32>
        %swap3A_745 = vector.shape_cast %get3A_252 : vector<16xf32> to vector<1x16xf32>
        tpu.vector_store %arg9[%swap3A_741, %swap3A_742], %swap3A_745 {add = true, strides = array<i32>} : memref<64x128xf32, #tpu.memory_space<vmem>>, vector<1x16xf32>,
        %add3A_746 = arith.constant 1 : i32
        %add3A_747 = arith.addi %add3A_648, %add3A_746 : i32
        %swap3A_748 = arith.index_cast %add3A_747 : i32 to index
        %swap3A_749 = arith.constant 96 : index
        %swap3A_750 = tpu.vector_load %arg9[%swap3A_748, %swap3A_749] {strides = array<i32>} : memref<64x128xf32, #tpu.memory_space<vmem>>, vector<1x16xf32>,
        %swap3A_751 = vector.shape_cast %swap3A_750 : vector<1x16xf32> to vector<16xf32>
        %swap3A_752 = vector.shape_cast %get3A_256 : vector<16xf32> to vector<1x16xf32>
        tpu.vector_store %arg9[%swap3A_748, %swap3A_749], %swap3A_752 {add = true, strides = array<i32>} : memref<64x128xf32, #tpu.memory_space<vmem>>, vector<1x16xf32>,
        %add3A_753 = arith.constant 1 : i32
        %add3A_754 = arith.addi %add3A_648, %add3A_753 : i32
        %swap3A_755 = arith.index_cast %add3A_754 : i32 to index
        %swap3A_756 = arith.constant 112 : index
        %swap3A_757 = tpu.vector_load %arg9[%swap3A_755, %swap3A_756] {strides = array<i32>} : memref<64x128xf32, #tpu.memory_space<vmem>>, vector<1x16xf32>,
        %swap3A_758 = vector.shape_cast %swap3A_757 : vector<1x16xf32> to vector<16xf32>
        %swap3A_759 = vector.shape_cast %get3A_260 : vector<16xf32> to vector<1x16xf32>
        tpu.vector_store %arg9[%swap3A_755, %swap3A_756], %swap3A_759 {add = true, strides = array<i32>} : memref<64x128xf32, #tpu.memory_space<vmem>>, vector<1x16xf32>,
        %add3A_760 = arith.constant 2 : i32
        %add3A_761 = arith.addi %add3A_648, %add3A_760 : i32
        %swap3A_762 = arith.index_cast %add3A_761 : i32 to index
        %swap3A_763 = arith.constant 0 : index
        %swap3A_764 = tpu.vector_load %arg9[%swap3A_762, %swap3A_763] {strides = array<i32>} : memref<64x128xf32, #tpu.memory_space<vmem>>, vector<1x16xf32>,
        %swap3A_765 = vector.shape_cast %swap3A_764 : vector<1x16xf32> to vector<16xf32>
        %swap3A_766 = vector.shape_cast %get3A_232 : vector<16xf32> to vector<1x16xf32>
        tpu.vector_store %arg9[%swap3A_762, %swap3A_763], %swap3A_766 {add = true, strides = array<i32>} : memref<64x128xf32, #tpu.memory_space<vmem>>, vector<1x16xf32>,
        %add3A_767 = arith.constant 2 : i32
        %add3A_768 = arith.addi %add3A_648, %add3A_767 : i32
        %swap3A_769 = arith.index_cast %add3A_768 : i32 to index
        %swap3A_770 = arith.constant 16 : index
        %swap3A_771 = tpu.vector_load %arg9[%swap3A_769, %swap3A_770] {strides = array<i32>} : memref<64x128xf32, #tpu.memory_space<vmem>>, vector<1x16xf32>,
        %swap3A_772 = vector.shape_cast %swap3A_771 : vector<1x16xf32> to vector<16xf32>
        %swap3A_773 = vector.shape_cast %get3A_236 : vector<16xf32> to vector<1x16xf32>
        tpu.vector_store %arg9[%swap3A_769, %swap3A_770], %swap3A_773 {add = true, strides = array<i32>} : memref<64x128xf32, #tpu.memory_space<vmem>>, vector<1x16xf32>,
        %add3A_774 = arith.constant 2 : i32
        %add3A_775 = arith.addi %add3A_648, %add3A_774 : i32
        %swap3A_776 = arith.index_cast %add3A_775 : i32 to index
        %swap3A_777 = arith.constant 32 : index
        %swap3A_778 = tpu.vector_load %arg9[%swap3A_776, %swap3A_777] {strides = array<i32>} : memref<64x128xf32, #tpu.memory_space<vmem>>, vector<1x16xf32>,
        %swap3A_779 = vector.shape_cast %swap3A_778 : vector<1x16xf32> to vector<16xf32>
        %swap3A_780 = vector.shape_cast %get3A_240 : vector<16xf32> to vector<1x16xf32>
        tpu.vector_store %arg9[%swap3A_776, %swap3A_777], %swap3A_780 {add = true, strides = array<i32>} : memref<64x128xf32, #tpu.memory_space<vmem>>, vector<1x16xf32>,
        %add3A_781 = arith.constant 2 : i32
        %add3A_782 = arith.addi %add3A_648, %add3A_781 : i32
        %swap3A_783 = arith.index_cast %add3A_782 : i32 to index
        %swap3A_784 = arith.constant 48 : index
        %swap3A_785 = tpu.vector_load %arg9[%swap3A_783, %swap3A_784] {strides = array<i32>} : memref<64x128xf32, #tpu.memory_space<vmem>>, vector<1x16xf32>,
        %swap3A_786 = vector.shape_cast %swap3A_785 : vector<1x16xf32> to vector<16xf32>
        %swap3A_787 = vector.shape_cast %get3A_244 : vector<16xf32> to vector<1x16xf32>
        tpu.vector_store %arg9[%swap3A_783, %swap3A_784], %swap3A_787 {add = true, strides = array<i32>} : memref<64x128xf32, #tpu.memory_space<vmem>>, vector<1x16xf32>,
        %add3A_788 = arith.constant 2 : i32
        %add3A_789 = arith.addi %add3A_648, %add3A_788 : i32
        %swap3A_790 = arith.index_cast %add3A_789 : i32 to index
        %swap3A_791 = arith.constant 64 : index
        %swap3A_792 = tpu.vector_load %arg9[%swap3A_790, %swap3A_791] {strides = array<i32>} : memref<64x128xf32, #tpu.memory_space<vmem>>, vector<1x16xf32>,
        %swap3A_793 = vector.shape_cast %swap3A_792 : vector<1x16xf32> to vector<16xf32>
        %swap3A_794 = vector.shape_cast %get3A_248 : vector<16xf32> to vector<1x16xf32>
        tpu.vector_store %arg9[%swap3A_790, %swap3A_791], %swap3A_794 {add = true, strides = array<i32>} : memref<64x128xf32, #tpu.memory_space<vmem>>, vector<1x16xf32>,
        %add3A_795 = arith.constant 2 : i32
        %add3A_796 = arith.addi %add3A_648, %add3A_795 : i32
        %swap3A_797 = arith.index_cast %add3A_796 : i32 to index
        %swap3A_798 = arith.constant 80 : index
        %swap3A_799 = tpu.vector_load %arg9[%swap3A_797, %swap3A_798] {strides = array<i32>} : memref<64x128xf32, #tpu.memory_space<vmem>>, vector<1x16xf32>,
        %swap3A_800 = vector.shape_cast %swap3A_799 : vector<1x16xf32> to vector<16xf32>
        %swap3A_801 = vector.shape_cast %get3A_252 : vector<16xf32> to vector<1x16xf32>
        tpu.vector_store %arg9[%swap3A_797, %swap3A_798], %swap3A_801 {add = true, strides = array<i32>} : memref<64x128xf32, #tpu.memory_space<vmem>>, vector<1x16xf32>,
        %add3A_802 = arith.constant 2 : i32
        %add3A_803 = arith.addi %add3A_648, %add3A_802 : i32
        %swap3A_804 = arith.index_cast %add3A_803 : i32 to index
        %swap3A_805 = arith.constant 96 : index
        %swap3A_806 = tpu.vector_load %arg9[%swap3A_804, %swap3A_805] {strides = array<i32>} : memref<64x128xf32, #tpu.memory_space<vmem>>, vector<1x16xf32>,
        %swap3A_807 = vector.shape_cast %swap3A_806 : vector<1x16xf32> to vector<16xf32>
        %swap3A_808 = vector.shape_cast %get3A_256 : vector<16xf32> to vector<1x16xf32>
        tpu.vector_store %arg9[%swap3A_804, %swap3A_805], %swap3A_808 {add = true, strides = array<i32>} : memref<64x128xf32, #tpu.memory_space<vmem>>, vector<1x16xf32>,
        %add3A_809 = arith.constant 2 : i32
        %add3A_810 = arith.addi %add3A_648, %add3A_809 : i32
        %swap3A_811 = arith.index_cast %add3A_810 : i32 to index
        %swap3A_812 = arith.constant 112 : index
        %swap3A_813 = tpu.vector_load %arg9[%swap3A_811, %swap3A_812] {strides = array<i32>} : memref<64x128xf32, #tpu.memory_space<vmem>>, vector<1x16xf32>,
        %swap3A_814 = vector.shape_cast %swap3A_813 : vector<1x16xf32> to vector<16xf32>
        %swap3A_815 = vector.shape_cast %get3A_260 : vector<16xf32> to vector<1x16xf32>
        tpu.vector_store %arg9[%swap3A_811, %swap3A_812], %swap3A_815 {add = true, strides = array<i32>} : memref<64x128xf32, #tpu.memory_space<vmem>>, vector<1x16xf32>,
        %add3A_816 = arith.constant 3 : i32
        %add3A_817 = arith.addi %add3A_648, %add3A_816 : i32
        %swap3A_818 = arith.index_cast %add3A_817 : i32 to index
        %swap3A_819 = arith.constant 0 : index
        %swap3A_820 = tpu.vector_load %arg9[%swap3A_818, %swap3A_819] {strides = array<i32>} : memref<64x128xf32, #tpu.memory_space<vmem>>, vector<1x16xf32>,
        %swap3A_821 = vector.shape_cast %swap3A_820 : vector<1x16xf32> to vector<16xf32>
        %swap3A_822 = vector.shape_cast %get3A_232 : vector<16xf32> to vector<1x16xf32>
        tpu.vector_store %arg9[%swap3A_818, %swap3A_819], %swap3A_822 {add = true, strides = array<i32>} : memref<64x128xf32, #tpu.memory_space<vmem>>, vector<1x16xf32>,
        %add3A_823 = arith.constant 3 : i32
        %add3A_824 = arith.addi %add3A_648, %add3A_823 : i32
        %swap3A_825 = arith.index_cast %add3A_824 : i32 to index
        %swap3A_826 = arith.constant 16 : index
        %swap3A_827 = tpu.vector_load %arg9[%swap3A_825, %swap3A_826] {strides = array<i32>} : memref<64x128xf32, #tpu.memory_space<vmem>>, vector<1x16xf32>,
        %swap3A_828 = vector.shape_cast %swap3A_827 : vector<1x16xf32> to vector<16xf32>
        %swap3A_829 = vector.shape_cast %get3A_236 : vector<16xf32> to vector<1x16xf32>
        tpu.vector_store %arg9[%swap3A_825, %swap3A_826], %swap3A_829 {add = true, strides = array<i32>} : memref<64x128xf32, #tpu.memory_space<vmem>>, vector<1x16xf32>,
        %add3A_830 = arith.constant 3 : i32
        %add3A_831 = arith.addi %add3A_648, %add3A_830 : i32
        %swap3A_832 = arith.index_cast %add3A_831 : i32 to index
        %swap3A_833 = arith.constant 32 : index
        %swap3A_834 = tpu.vector_load %arg9[%swap3A_832, %swap3A_833] {strides = array<i32>} : memref<64x128xf32, #tpu.memory_space<vmem>>, vector<1x16xf32>,
        %swap3A_835 = vector.shape_cast %swap3A_834 : vector<1x16xf32> to vector<16xf32>
        %swap3A_836 = vector.shape_cast %get3A_240 : vector<16xf32> to vector<1x16xf32>
        tpu.vector_store %arg9[%swap3A_832, %swap3A_833], %swap3A_836 {add = true, strides = array<i32>} : memref<64x128xf32, #tpu.memory_space<vmem>>, vector<1x16xf32>,
        %add3A_837 = arith.constant 3 : i32
        %add3A_838 = arith.addi %add3A_648, %add3A_837 : i32
        %swap3A_839 = arith.index_cast %add3A_838 : i32 to index
        %swap3A_840 = arith.constant 48 : index
        %swap3A_841 = tpu.vector_load %arg9[%swap3A_839, %swap3A_840] {strides = array<i32>} : memref<64x128xf32, #tpu.memory_space<vmem>>, vector<1x16xf32>,
        %swap3A_842 = vector.shape_cast %swap3A_841 : vector<1x16xf32> to vector<16xf32>
        %swap3A_843 = vector.shape_cast %get3A_244 : vector<16xf32> to vector<1x16xf32>
        tpu.vector_store %arg9[%swap3A_839, %swap3A_840], %swap3A_843 {add = true, strides = array<i32>} : memref<64x128xf32, #tpu.memory_space<vmem>>, vector<1x16xf32>,
        %add3A_844 = arith.constant 3 : i32
        %add3A_845 = arith.addi %add3A_648, %add3A_844 : i32
        %swap3A_846 = arith.index_cast %add3A_845 : i32 to index
        %swap3A_847 = arith.constant 64 : index
        %swap3A_848 = tpu.vector_load %arg9[%swap3A_846, %swap3A_847] {strides = array<i32>} : memref<64x128xf32, #tpu.memory_space<vmem>>, vector<1x16xf32>,
        %swap3A_849 = vector.shape_cast %swap3A_848 : vector<1x16xf32> to vector<16xf32>
        %swap3A_850 = vector.shape_cast %get3A_248 : vector<16xf32> to vector<1x16xf32>
        tpu.vector_store %arg9[%swap3A_846, %swap3A_847], %swap3A_850 {add = true, strides = array<i32>} : memref<64x128xf32, #tpu.memory_space<vmem>>, vector<1x16xf32>,
        %add3A_851 = arith.constant 3 : i32
        %add3A_852 = arith.addi %add3A_648, %add3A_851 : i32
        %swap3A_853 = arith.index_cast %add3A_852 : i32 to index
        %swap3A_854 = arith.constant 80 : index
        %swap3A_855 = tpu.vector_load %arg9[%swap3A_853, %swap3A_854] {strides = array<i32>} : memref<64x128xf32, #tpu.memory_space<vmem>>, vector<1x16xf32>,
        %swap3A_856 = vector.shape_cast %swap3A_855 : vector<1x16xf32> to vector<16xf32>
        %swap3A_857 = vector.shape_cast %get3A_252 : vector<16xf32> to vector<1x16xf32>
        tpu.vector_store %arg9[%swap3A_853, %swap3A_854], %swap3A_857 {add = true, strides = array<i32>} : memref<64x128xf32, #tpu.memory_space<vmem>>, vector<1x16xf32>,
        %add3A_858 = arith.constant 3 : i32
        %add3A_859 = arith.addi %add3A_648, %add3A_858 : i32
        %swap3A_860 = arith.index_cast %add3A_859 : i32 to index
        %swap3A_861 = arith.constant 96 : index
        %swap3A_862 = tpu.vector_load %arg9[%swap3A_860, %swap3A_861] {strides = array<i32>} : memref<64x128xf32, #tpu.memory_space<vmem>>, vector<1x16xf32>,
        %swap3A_863 = vector.shape_cast %swap3A_862 : vector<1x16xf32> to vector<16xf32>
        %swap3A_864 = vector.shape_cast %get3A_256 : vector<16xf32> to vector<1x16xf32>
        tpu.vector_store %arg9[%swap3A_860, %swap3A_861], %swap3A_864 {add = true, strides = array<i32>} : memref<64x128xf32, #tpu.memory_space<vmem>>, vector<1x16xf32>,
        %add3A_865 = arith.constant 3 : i32
        %add3A_866 = arith.addi %add3A_648, %add3A_865 : i32
        %swap3A_867 = arith.index_cast %add3A_866 : i32 to index
        %swap3A_868 = arith.constant 112 : index
        %swap3A_869 = tpu.vector_load %arg9[%swap3A_867, %swap3A_868] {strides = array<i32>} : memref<64x128xf32, #tpu.memory_space<vmem>>, vector<1x16xf32>,
        %swap3A_870 = vector.shape_cast %swap3A_869 : vector<1x16xf32> to vector<16xf32>
        %swap3A_871 = vector.shape_cast %get3A_260 : vector<16xf32> to vector<1x16xf32>
        tpu.vector_store %arg9[%swap3A_867, %swap3A_868], %swap3A_871 {add = true, strides = array<i32>} : memref<64x128xf32, #tpu.memory_space<vmem>>, vector<1x16xf32>,
        %scan3A_872 = arith.constant 0 : i32
        scf.yield %scan3A_872 : i32
      }
      %scan3A_267 = arith.constant 16 : i32
      %scan3A_268 = arith.constant 0 : i32
      %scan3A_269 = arith.constant 1 : i32
      %mul3A_270 = arith.constant 64 : i32
      %mul3A_271 = arith.muli %add3A_218, %mul3A_270 : i32
      %add3A_272 = arith.addi %mul3A_2, %mul3A_271 : i32
      %dma_start3A_273 = arith.constant 0 : i32
      %dma_start3A_274 = tpu.memref_slice %arg5[%add3A_272, %dma_start3A_273] : memref<131072x128xf32, #tpu.memory_space<hbm>> -> memref<64x128xf32, #tpu.memory_space<hbm>>
      %dma_start3A_275 = arith.constant 0 : i32
      %dma_start3A_276 = tpu.memref_slice %arg5[%add3A_272, %dma_start3A_275] : memref<131072x128xf32, #tpu.memory_space<hbm>> -> memref<64x128xf32, #tpu.memory_space<hbm>>
      tpu.enqueue_dma source(%arg9 : memref<64x128xf32, #tpu.memory_space<vmem>>) target(%dma_start3A_276 : memref<64x128xf32, #tpu.memory_space<hbm>>) target_semaphore(%arg26 : memref<!tpu.dma_semaphore, #tpu.memory_space<semaphore_mem>>)
      %add3A_277 = arith.constant 8 : i32
      %add3A_278 = arith.addi %add3A_218, %add3A_277 : i32
      %sub3A_279 = arith.constant 1 : i32
      %sub3A_280 = arith.subi %add3A_278, %sub3A_279 : i32
      %lt3A_281 = arith.constant 64 : i32
      %lt3A_282 = arith.cmpi slt, %sub3A_280, %lt3A_281 : i32
      %convert_element_type3A_283 = arith.extui %lt3A_282 : i1 to i32
      %cond3A_284 = arith.constant 0 : i32
      %cond3A_285 = arith.cmpi ne, %convert_element_type3A_283, %cond3A_284 : i32
      scf.if %cond3A_285 {
        %ge3A = arith.constant 8 : i32
        %ge3A_642 = arith.cmpi sge, %sub3A_280, %ge3A : i32
        %convert_element_type3A_643 = arith.extui %ge3A_642 : i1 to i32
        %cond3A_644 = arith.constant 0 : i32
        %cond3A_645 = arith.cmpi ne, %convert_element_type3A_643, %cond3A_644 : i32
        scf.if %cond3A_645 {
          %dma_wait3A_652 = arith.constant 0 : i32
          %dma_wait3A_653 = tpu.memref_slice %arg5[%mul3A_2, %dma_wait3A_652] : memref<131072x128xf32, #tpu.memory_space<hbm>> -> memref<64x128xf32, #tpu.memory_space<hbm>>
          %dma_wait3A_654 = arith.constant 0 : i32
          %dma_wait3A_655 = tpu.memref_slice %arg5[%mul3A_2, %dma_wait3A_654] : memref<131072x128xf32, #tpu.memory_space<hbm>> -> memref<64x128xf32, #tpu.memory_space<hbm>>
          tpu.wait_dma2 semaphore(%arg25 : memref<!tpu.dma_semaphore, #tpu.memory_space<semaphore_mem>>) src(%arg8 : memref<64x128xf32, #tpu.memory_space<vmem>>) dst(%dma_wait3A_655 : memref<64x128xf32, #tpu.memory_space<hbm>>)
        } else {
        }
        %mul3A_646 = arith.constant 64 : i32
        %mul3A_647 = arith.muli %sub3A_280, %mul3A_646 : i32
        %dma_start3A_648 = tpu.memref_slice %arg6[%mul3A_647] : memref<4096xi32, #tpu.memory_space<vmem>> -> memref<64xi32, #tpu.memory_space<vmem>>
        %dma_start3A_649 = arith.constant 0 : i32
        %dma_start3A_650 = arith.constant 0 : i32
        %dma_start3A_651 = tpu.memref_slice %arg3[%dma_start3A_649, %dma_start3A_650] : memref<100000x128xf32, #tpu.memory_space<hbm>> -> memref<100000x128xf32, #tpu.memory_space<hbm>>
        tpu.enqueue_indirect_dma source(%dma_start3A_651 : memref<100000x128xf32, #tpu.memory_space<hbm>>) target(%arg8 : memref<64x128xf32, #tpu.memory_space<vmem>>) offsets(%dma_start3A_648 : memref<64xi32, #tpu.memory_space<vmem>>) semaphore(%arg17 : memref<!tpu.dma_semaphore, #tpu.memory_space<semaphore_mem>>)
      } else {
      }
      %mul3A_286 = arith.constant 8 : i32
      %mul3A_287 = arith.muli %scan3A_76, %mul3A_286 : i32
      %add3A_288 = arith.constant 3 : i32
      %add3A_289 = arith.addi %mul3A_287, %add3A_288 : i32
      %dma_wait3A_290 = arith.constant 0 : i32
      %dma_wait3A_291 = tpu.memref_slice %arg6[%dma_wait3A_290] : memref<4096xi32, #tpu.memory_space<vmem>> -> memref<64xi32, #tpu.memory_space<vmem>>
      %dma_wait3A_292 = arith.constant 0 : i32
      %dma_wait3A_293 = arith.constant 0 : i32
      %dma_wait3A_294 = tpu.memref_slice %arg3[%dma_wait3A_292, %dma_wait3A_293] : memref<100000x128xf32, #tpu.memory_space<hbm>> -> memref<100000x128xf32, #tpu.memory_space<hbm>>
      tpu.wait_indirect_dma semaphore(%arg19 : memref<!tpu.dma_semaphore, #tpu.memory_space<semaphore_mem>>) src(%dma_wait3A_294 : memref<100000x128xf32, #tpu.memory_space<hbm>>) dst(%arg10 : memref<64x128xf32, #tpu.memory_space<vmem>>)
      %scan3A_295 = arith.constant 0 : i32
      %scan3A_296 = arith.constant 0 : i32
      %mul3A_297 = arith.constant 1 : i32
      %mul3A_298 = arith.muli %add3A_289, %mul3A_297 : i32
      %add3A_299 = arith.addi %mul3A_298, %scan3A_296 : i32
      %get3A_300 = arith.index_cast %add3A_299 : i32 to index
      %get3A_301 = arith.constant 0 : index
      %get3A_302 = tpu.vector_load %arg15[%get3A_300, %get3A_301] {strides = array<i32>} : memref<64x128xf32, #tpu.memory_space<vmem>>, vector<1x16xf32>,
      %get3A_303 = vector.shape_cast %get3A_302 : vector<1x16xf32> to vector<16xf32>
      %get3A_304 = arith.index_cast %add3A_299 : i32 to index
      %get3A_305 = arith.constant 16 : index
      %get3A_306 = tpu.vector_load %arg15[%get3A_304, %get3A_305] {strides = array<i32>} : memref<64x128xf32, #tpu.memory_space<vmem>>, vector<1x16xf32>,
      %get3A_307 = vector.shape_cast %get3A_306 : vector<1x16xf32> to vector<16xf32>
      %get3A_308 = arith.index_cast %add3A_299 : i32 to index
      %get3A_309 = arith.constant 32 : index
      %get3A_310 = tpu.vector_load %arg15[%get3A_308, %get3A_309] {strides = array<i32>} : memref<64x128xf32, #tpu.memory_space<vmem>>, vector<1x16xf32>,
      %get3A_311 = vector.shape_cast %get3A_310 : vector<1x16xf32> to vector<16xf32>
      %get3A_312 = arith.index_cast %add3A_299 : i32 to index
      %get3A_313 = arith.constant 48 : index
      %get3A_314 = tpu.vector_load %arg15[%get3A_312, %get3A_313] {strides = array<i32>} : memref<64x128xf32, #tpu.memory_space<vmem>>, vector<1x16xf32>,
      %get3A_315 = vector.shape_cast %get3A_314 : vector<1x16xf32> to vector<16xf32>
      %get3A_316 = arith.index_cast %add3A_299 : i32 to index
      %get3A_317 = arith.constant 64 : index
      %get3A_318 = tpu.vector_load %arg15[%get3A_316, %get3A_317] {strides = array<i32>} : memref<64x128xf32, #tpu.memory_space<vmem>>, vector<1x16xf32>,
      %get3A_319 = vector.shape_cast %get3A_318 : vector<1x16xf32> to vector<16xf32>
      %get3A_320 = arith.index_cast %add3A_299 : i32 to index
      %get3A_321 = arith.constant 80 : index
      %get3A_322 = tpu.vector_load %arg15[%get3A_320, %get3A_321] {strides = array<i32>} : memref<64x128xf32, #tpu.memory_space<vmem>>, vector<1x16xf32>,
      %get3A_323 = vector.shape_cast %get3A_322 : vector<1x16xf32> to vector<16xf32>
      %get3A_324 = arith.index_cast %add3A_299 : i32 to index
      %get3A_325 = arith.constant 96 : index
      %get3A_326 = tpu.vector_load %arg15[%get3A_324, %get3A_325] {strides = array<i32>} : memref<64x128xf32, #tpu.memory_space<vmem>>, vector<1x16xf32>,
      %get3A_327 = vector.shape_cast %get3A_326 : vector<1x16xf32> to vector<16xf32>
      %get3A_328 = arith.index_cast %add3A_299 : i32 to index
      %get3A_329 = arith.constant 112 : index
      %get3A_330 = tpu.vector_load %arg15[%get3A_328, %get3A_329] {strides = array<i32>} : memref<64x128xf32, #tpu.memory_space<vmem>>, vector<1x16xf32>,
      %get3A_331 = vector.shape_cast %get3A_330 : vector<1x16xf32> to vector<16xf32>
      %scan3A_332 = arith.constant 0 : i32
      %scan3A_333 = arith.constant 0 : i32
      %scan3A_334 = arith.constant 16 : i32
      %scan3A_335 = arith.addi %scan3A_333, %scan3A_334 : i32
      %scan3A_336 = arith.constant 1 : i32
      %scan3A_337 = scf.for %scan3A_642 = %scan3A_333 to %scan3A_335 step %scan3A_336 iter_args(%scan3A_643 = %scan3A_332) -> (i32)  : i32 {
        %mul3A_644 = arith.constant 64 : i32
        %mul3A_645 = arith.muli %scan3A_296, %mul3A_644 : i32
        %mul3A_646 = arith.constant 4 : i32
        %mul3A_647 = arith.muli %scan3A_642, %mul3A_646 : i32
        %add3A_648 = arith.addi %mul3A_645, %mul3A_647 : i32
        %add3A_649 = arith.constant 0 : i32
        %add3A_650 = arith.addi %add3A_648, %add3A_649 : i32
        %swap3A = arith.index_cast %add3A_650 : i32 to index
        %swap3A_651 = arith.constant 0 : index
        %swap3A_652 = tpu.vector_load %arg10[%swap3A, %swap3A_651] {strides = array<i32>} : memref<64x128xf32, #tpu.memory_space<vmem>>, vector<1x16xf32>,
        %swap3A_653 = vector.shape_cast %swap3A_652 : vector<1x16xf32> to vector<16xf32>
        %swap3A_654 = vector.shape_cast %get3A_303 : vector<16xf32> to vector<1x16xf32>
        tpu.vector_store %arg10[%swap3A, %swap3A_651], %swap3A_654 {add = true, strides = array<i32>} : memref<64x128xf32, #tpu.memory_space<vmem>>, vector<1x16xf32>,
        %add3A_655 = arith.constant 0 : i32
        %add3A_656 = arith.addi %add3A_648, %add3A_655 : i32
        %swap3A_657 = arith.index_cast %add3A_656 : i32 to index
        %swap3A_658 = arith.constant 16 : index
        %swap3A_659 = tpu.vector_load %arg10[%swap3A_657, %swap3A_658] {strides = array<i32>} : memref<64x128xf32, #tpu.memory_space<vmem>>, vector<1x16xf32>,
        %swap3A_660 = vector.shape_cast %swap3A_659 : vector<1x16xf32> to vector<16xf32>
        %swap3A_661 = vector.shape_cast %get3A_307 : vector<16xf32> to vector<1x16xf32>
        tpu.vector_store %arg10[%swap3A_657, %swap3A_658], %swap3A_661 {add = true, strides = array<i32>} : memref<64x128xf32, #tpu.memory_space<vmem>>, vector<1x16xf32>,
        %add3A_662 = arith.constant 0 : i32
        %add3A_663 = arith.addi %add3A_648, %add3A_662 : i32
        %swap3A_664 = arith.index_cast %add3A_663 : i32 to index
        %swap3A_665 = arith.constant 32 : index
        %swap3A_666 = tpu.vector_load %arg10[%swap3A_664, %swap3A_665] {strides = array<i32>} : memref<64x128xf32, #tpu.memory_space<vmem>>, vector<1x16xf32>,
        %swap3A_667 = vector.shape_cast %swap3A_666 : vector<1x16xf32> to vector<16xf32>
        %swap3A_668 = vector.shape_cast %get3A_311 : vector<16xf32> to vector<1x16xf32>
        tpu.vector_store %arg10[%swap3A_664, %swap3A_665], %swap3A_668 {add = true, strides = array<i32>} : memref<64x128xf32, #tpu.memory_space<vmem>>, vector<1x16xf32>,
        %add3A_669 = arith.constant 0 : i32
        %add3A_670 = arith.addi %add3A_648, %add3A_669 : i32
        %swap3A_671 = arith.index_cast %add3A_670 : i32 to index
        %swap3A_672 = arith.constant 48 : index
        %swap3A_673 = tpu.vector_load %arg10[%swap3A_671, %swap3A_672] {strides = array<i32>} : memref<64x128xf32, #tpu.memory_space<vmem>>, vector<1x16xf32>,
        %swap3A_674 = vector.shape_cast %swap3A_673 : vector<1x16xf32> to vector<16xf32>
        %swap3A_675 = vector.shape_cast %get3A_315 : vector<16xf32> to vector<1x16xf32>
        tpu.vector_store %arg10[%swap3A_671, %swap3A_672], %swap3A_675 {add = true, strides = array<i32>} : memref<64x128xf32, #tpu.memory_space<vmem>>, vector<1x16xf32>,
        %add3A_676 = arith.constant 0 : i32
        %add3A_677 = arith.addi %add3A_648, %add3A_676 : i32
        %swap3A_678 = arith.index_cast %add3A_677 : i32 to index
        %swap3A_679 = arith.constant 64 : index
        %swap3A_680 = tpu.vector_load %arg10[%swap3A_678, %swap3A_679] {strides = array<i32>} : memref<64x128xf32, #tpu.memory_space<vmem>>, vector<1x16xf32>,
        %swap3A_681 = vector.shape_cast %swap3A_680 : vector<1x16xf32> to vector<16xf32>
        %swap3A_682 = vector.shape_cast %get3A_319 : vector<16xf32> to vector<1x16xf32>
        tpu.vector_store %arg10[%swap3A_678, %swap3A_679], %swap3A_682 {add = true, strides = array<i32>} : memref<64x128xf32, #tpu.memory_space<vmem>>, vector<1x16xf32>,
        %add3A_683 = arith.constant 0 : i32
        %add3A_684 = arith.addi %add3A_648, %add3A_683 : i32
        %swap3A_685 = arith.index_cast %add3A_684 : i32 to index
        %swap3A_686 = arith.constant 80 : index
        %swap3A_687 = tpu.vector_load %arg10[%swap3A_685, %swap3A_686] {strides = array<i32>} : memref<64x128xf32, #tpu.memory_space<vmem>>, vector<1x16xf32>,
        %swap3A_688 = vector.shape_cast %swap3A_687 : vector<1x16xf32> to vector<16xf32>
        %swap3A_689 = vector.shape_cast %get3A_323 : vector<16xf32> to vector<1x16xf32>
        tpu.vector_store %arg10[%swap3A_685, %swap3A_686], %swap3A_689 {add = true, strides = array<i32>} : memref<64x128xf32, #tpu.memory_space<vmem>>, vector<1x16xf32>,
        %add3A_690 = arith.constant 0 : i32
        %add3A_691 = arith.addi %add3A_648, %add3A_690 : i32
        %swap3A_692 = arith.index_cast %add3A_691 : i32 to index
        %swap3A_693 = arith.constant 96 : index
        %swap3A_694 = tpu.vector_load %arg10[%swap3A_692, %swap3A_693] {strides = array<i32>} : memref<64x128xf32, #tpu.memory_space<vmem>>, vector<1x16xf32>,
        %swap3A_695 = vector.shape_cast %swap3A_694 : vector<1x16xf32> to vector<16xf32>
        %swap3A_696 = vector.shape_cast %get3A_327 : vector<16xf32> to vector<1x16xf32>
        tpu.vector_store %arg10[%swap3A_692, %swap3A_693], %swap3A_696 {add = true, strides = array<i32>} : memref<64x128xf32, #tpu.memory_space<vmem>>, vector<1x16xf32>,
        %add3A_697 = arith.constant 0 : i32
        %add3A_698 = arith.addi %add3A_648, %add3A_697 : i32
        %swap3A_699 = arith.index_cast %add3A_698 : i32 to index
        %swap3A_700 = arith.constant 112 : index
        %swap3A_701 = tpu.vector_load %arg10[%swap3A_699, %swap3A_700] {strides = array<i32>} : memref<64x128xf32, #tpu.memory_space<vmem>>, vector<1x16xf32>,
        %swap3A_702 = vector.shape_cast %swap3A_701 : vector<1x16xf32> to vector<16xf32>
        %swap3A_703 = vector.shape_cast %get3A_331 : vector<16xf32> to vector<1x16xf32>
        tpu.vector_store %arg10[%swap3A_699, %swap3A_700], %swap3A_703 {add = true, strides = array<i32>} : memref<64x128xf32, #tpu.memory_space<vmem>>, vector<1x16xf32>,
        %add3A_704 = arith.constant 1 : i32
        %add3A_705 = arith.addi %add3A_648, %add3A_704 : i32
        %swap3A_706 = arith.index_cast %add3A_705 : i32 to index
        %swap3A_707 = arith.constant 0 : index
        %swap3A_708 = tpu.vector_load %arg10[%swap3A_706, %swap3A_707] {strides = array<i32>} : memref<64x128xf32, #tpu.memory_space<vmem>>, vector<1x16xf32>,
        %swap3A_709 = vector.shape_cast %swap3A_708 : vector<1x16xf32> to vector<16xf32>
        %swap3A_710 = vector.shape_cast %get3A_303 : vector<16xf32> to vector<1x16xf32>
        tpu.vector_store %arg10[%swap3A_706, %swap3A_707], %swap3A_710 {add = true, strides = array<i32>} : memref<64x128xf32, #tpu.memory_space<vmem>>, vector<1x16xf32>,
        %add3A_711 = arith.constant 1 : i32
        %add3A_712 = arith.addi %add3A_648, %add3A_711 : i32
        %swap3A_713 = arith.index_cast %add3A_712 : i32 to index
        %swap3A_714 = arith.constant 16 : index
        %swap3A_715 = tpu.vector_load %arg10[%swap3A_713, %swap3A_714] {strides = array<i32>} : memref<64x128xf32, #tpu.memory_space<vmem>>, vector<1x16xf32>,
        %swap3A_716 = vector.shape_cast %swap3A_715 : vector<1x16xf32> to vector<16xf32>
        %swap3A_717 = vector.shape_cast %get3A_307 : vector<16xf32> to vector<1x16xf32>
        tpu.vector_store %arg10[%swap3A_713, %swap3A_714], %swap3A_717 {add = true, strides = array<i32>} : memref<64x128xf32, #tpu.memory_space<vmem>>, vector<1x16xf32>,
        %add3A_718 = arith.constant 1 : i32
        %add3A_719 = arith.addi %add3A_648, %add3A_718 : i32
        %swap3A_720 = arith.index_cast %add3A_719 : i32 to index
        %swap3A_721 = arith.constant 32 : index
        %swap3A_722 = tpu.vector_load %arg10[%swap3A_720, %swap3A_721] {strides = array<i32>} : memref<64x128xf32, #tpu.memory_space<vmem>>, vector<1x16xf32>,
        %swap3A_723 = vector.shape_cast %swap3A_722 : vector<1x16xf32> to vector<16xf32>
        %swap3A_724 = vector.shape_cast %get3A_311 : vector<16xf32> to vector<1x16xf32>
        tpu.vector_store %arg10[%swap3A_720, %swap3A_721], %swap3A_724 {add = true, strides = array<i32>} : memref<64x128xf32, #tpu.memory_space<vmem>>, vector<1x16xf32>,
        %add3A_725 = arith.constant 1 : i32
        %add3A_726 = arith.addi %add3A_648, %add3A_725 : i32
        %swap3A_727 = arith.index_cast %add3A_726 : i32 to index
        %swap3A_728 = arith.constant 48 : index
        %swap3A_729 = tpu.vector_load %arg10[%swap3A_727, %swap3A_728] {strides = array<i32>} : memref<64x128xf32, #tpu.memory_space<vmem>>, vector<1x16xf32>,
        %swap3A_730 = vector.shape_cast %swap3A_729 : vector<1x16xf32> to vector<16xf32>
        %swap3A_731 = vector.shape_cast %get3A_315 : vector<16xf32> to vector<1x16xf32>
        tpu.vector_store %arg10[%swap3A_727, %swap3A_728], %swap3A_731 {add = true, strides = array<i32>} : memref<64x128xf32, #tpu.memory_space<vmem>>, vector<1x16xf32>,
        %add3A_732 = arith.constant 1 : i32
        %add3A_733 = arith.addi %add3A_648, %add3A_732 : i32
        %swap3A_734 = arith.index_cast %add3A_733 : i32 to index
        %swap3A_735 = arith.constant 64 : index
        %swap3A_736 = tpu.vector_load %arg10[%swap3A_734, %swap3A_735] {strides = array<i32>} : memref<64x128xf32, #tpu.memory_space<vmem>>, vector<1x16xf32>,
        %swap3A_737 = vector.shape_cast %swap3A_736 : vector<1x16xf32> to vector<16xf32>
        %swap3A_738 = vector.shape_cast %get3A_319 : vector<16xf32> to vector<1x16xf32>
        tpu.vector_store %arg10[%swap3A_734, %swap3A_735], %swap3A_738 {add = true, strides = array<i32>} : memref<64x128xf32, #tpu.memory_space<vmem>>, vector<1x16xf32>,
        %add3A_739 = arith.constant 1 : i32
        %add3A_740 = arith.addi %add3A_648, %add3A_739 : i32
        %swap3A_741 = arith.index_cast %add3A_740 : i32 to index
        %swap3A_742 = arith.constant 80 : index
        %swap3A_743 = tpu.vector_load %arg10[%swap3A_741, %swap3A_742] {strides = array<i32>} : memref<64x128xf32, #tpu.memory_space<vmem>>, vector<1x16xf32>,
        %swap3A_744 = vector.shape_cast %swap3A_743 : vector<1x16xf32> to vector<16xf32>
        %swap3A_745 = vector.shape_cast %get3A_323 : vector<16xf32> to vector<1x16xf32>
        tpu.vector_store %arg10[%swap3A_741, %swap3A_742], %swap3A_745 {add = true, strides = array<i32>} : memref<64x128xf32, #tpu.memory_space<vmem>>, vector<1x16xf32>,
        %add3A_746 = arith.constant 1 : i32
        %add3A_747 = arith.addi %add3A_648, %add3A_746 : i32
        %swap3A_748 = arith.index_cast %add3A_747 : i32 to index
        %swap3A_749 = arith.constant 96 : index
        %swap3A_750 = tpu.vector_load %arg10[%swap3A_748, %swap3A_749] {strides = array<i32>} : memref<64x128xf32, #tpu.memory_space<vmem>>, vector<1x16xf32>,
        %swap3A_751 = vector.shape_cast %swap3A_750 : vector<1x16xf32> to vector<16xf32>
        %swap3A_752 = vector.shape_cast %get3A_327 : vector<16xf32> to vector<1x16xf32>
        tpu.vector_store %arg10[%swap3A_748, %swap3A_749], %swap3A_752 {add = true, strides = array<i32>} : memref<64x128xf32, #tpu.memory_space<vmem>>, vector<1x16xf32>,
        %add3A_753 = arith.constant 1 : i32
        %add3A_754 = arith.addi %add3A_648, %add3A_753 : i32
        %swap3A_755 = arith.index_cast %add3A_754 : i32 to index
        %swap3A_756 = arith.constant 112 : index
        %swap3A_757 = tpu.vector_load %arg10[%swap3A_755, %swap3A_756] {strides = array<i32>} : memref<64x128xf32, #tpu.memory_space<vmem>>, vector<1x16xf32>,
        %swap3A_758 = vector.shape_cast %swap3A_757 : vector<1x16xf32> to vector<16xf32>
        %swap3A_759 = vector.shape_cast %get3A_331 : vector<16xf32> to vector<1x16xf32>
        tpu.vector_store %arg10[%swap3A_755, %swap3A_756], %swap3A_759 {add = true, strides = array<i32>} : memref<64x128xf32, #tpu.memory_space<vmem>>, vector<1x16xf32>,
        %add3A_760 = arith.constant 2 : i32
        %add3A_761 = arith.addi %add3A_648, %add3A_760 : i32
        %swap3A_762 = arith.index_cast %add3A_761 : i32 to index
        %swap3A_763 = arith.constant 0 : index
        %swap3A_764 = tpu.vector_load %arg10[%swap3A_762, %swap3A_763] {strides = array<i32>} : memref<64x128xf32, #tpu.memory_space<vmem>>, vector<1x16xf32>,
        %swap3A_765 = vector.shape_cast %swap3A_764 : vector<1x16xf32> to vector<16xf32>
        %swap3A_766 = vector.shape_cast %get3A_303 : vector<16xf32> to vector<1x16xf32>
        tpu.vector_store %arg10[%swap3A_762, %swap3A_763], %swap3A_766 {add = true, strides = array<i32>} : memref<64x128xf32, #tpu.memory_space<vmem>>, vector<1x16xf32>,
        %add3A_767 = arith.constant 2 : i32
        %add3A_768 = arith.addi %add3A_648, %add3A_767 : i32
        %swap3A_769 = arith.index_cast %add3A_768 : i32 to index
        %swap3A_770 = arith.constant 16 : index
        %swap3A_771 = tpu.vector_load %arg10[%swap3A_769, %swap3A_770] {strides = array<i32>} : memref<64x128xf32, #tpu.memory_space<vmem>>, vector<1x16xf32>,
        %swap3A_772 = vector.shape_cast %swap3A_771 : vector<1x16xf32> to vector<16xf32>
        %swap3A_773 = vector.shape_cast %get3A_307 : vector<16xf32> to vector<1x16xf32>
        tpu.vector_store %arg10[%swap3A_769, %swap3A_770], %swap3A_773 {add = true, strides = array<i32>} : memref<64x128xf32, #tpu.memory_space<vmem>>, vector<1x16xf32>,
        %add3A_774 = arith.constant 2 : i32
        %add3A_775 = arith.addi %add3A_648, %add3A_774 : i32
        %swap3A_776 = arith.index_cast %add3A_775 : i32 to index
        %swap3A_777 = arith.constant 32 : index
        %swap3A_778 = tpu.vector_load %arg10[%swap3A_776, %swap3A_777] {strides = array<i32>} : memref<64x128xf32, #tpu.memory_space<vmem>>, vector<1x16xf32>,
        %swap3A_779 = vector.shape_cast %swap3A_778 : vector<1x16xf32> to vector<16xf32>
        %swap3A_780 = vector.shape_cast %get3A_311 : vector<16xf32> to vector<1x16xf32>
        tpu.vector_store %arg10[%swap3A_776, %swap3A_777], %swap3A_780 {add = true, strides = array<i32>} : memref<64x128xf32, #tpu.memory_space<vmem>>, vector<1x16xf32>,
        %add3A_781 = arith.constant 2 : i32
        %add3A_782 = arith.addi %add3A_648, %add3A_781 : i32
        %swap3A_783 = arith.index_cast %add3A_782 : i32 to index
        %swap3A_784 = arith.constant 48 : index
        %swap3A_785 = tpu.vector_load %arg10[%swap3A_783, %swap3A_784] {strides = array<i32>} : memref<64x128xf32, #tpu.memory_space<vmem>>, vector<1x16xf32>,
        %swap3A_786 = vector.shape_cast %swap3A_785 : vector<1x16xf32> to vector<16xf32>
        %swap3A_787 = vector.shape_cast %get3A_315 : vector<16xf32> to vector<1x16xf32>
        tpu.vector_store %arg10[%swap3A_783, %swap3A_784], %swap3A_787 {add = true, strides = array<i32>} : memref<64x128xf32, #tpu.memory_space<vmem>>, vector<1x16xf32>,
        %add3A_788 = arith.constant 2 : i32
        %add3A_789 = arith.addi %add3A_648, %add3A_788 : i32
        %swap3A_790 = arith.index_cast %add3A_789 : i32 to index
        %swap3A_791 = arith.constant 64 : index
        %swap3A_792 = tpu.vector_load %arg10[%swap3A_790, %swap3A_791] {strides = array<i32>} : memref<64x128xf32, #tpu.memory_space<vmem>>, vector<1x16xf32>,
        %swap3A_793 = vector.shape_cast %swap3A_792 : vector<1x16xf32> to vector<16xf32>
        %swap3A_794 = vector.shape_cast %get3A_319 : vector<16xf32> to vector<1x16xf32>
        tpu.vector_store %arg10[%swap3A_790, %swap3A_791], %swap3A_794 {add = true, strides = array<i32>} : memref<64x128xf32, #tpu.memory_space<vmem>>, vector<1x16xf32>,
        %add3A_795 = arith.constant 2 : i32
        %add3A_796 = arith.addi %add3A_648, %add3A_795 : i32
        %swap3A_797 = arith.index_cast %add3A_796 : i32 to index
        %swap3A_798 = arith.constant 80 : index
        %swap3A_799 = tpu.vector_load %arg10[%swap3A_797, %swap3A_798] {strides = array<i32>} : memref<64x128xf32, #tpu.memory_space<vmem>>, vector<1x16xf32>,
        %swap3A_800 = vector.shape_cast %swap3A_799 : vector<1x16xf32> to vector<16xf32>
        %swap3A_801 = vector.shape_cast %get3A_323 : vector<16xf32> to vector<1x16xf32>
        tpu.vector_store %arg10[%swap3A_797, %swap3A_798], %swap3A_801 {add = true, strides = array<i32>} : memref<64x128xf32, #tpu.memory_space<vmem>>, vector<1x16xf32>,
        %add3A_802 = arith.constant 2 : i32
        %add3A_803 = arith.addi %add3A_648, %add3A_802 : i32
        %swap3A_804 = arith.index_cast %add3A_803 : i32 to index
        %swap3A_805 = arith.constant 96 : index
        %swap3A_806 = tpu.vector_load %arg10[%swap3A_804, %swap3A_805] {strides = array<i32>} : memref<64x128xf32, #tpu.memory_space<vmem>>, vector<1x16xf32>,
        %swap3A_807 = vector.shape_cast %swap3A_806 : vector<1x16xf32> to vector<16xf32>
        %swap3A_808 = vector.shape_cast %get3A_327 : vector<16xf32> to vector<1x16xf32>
        tpu.vector_store %arg10[%swap3A_804, %swap3A_805], %swap3A_808 {add = true, strides = array<i32>} : memref<64x128xf32, #tpu.memory_space<vmem>>, vector<1x16xf32>,
        %add3A_809 = arith.constant 2 : i32
        %add3A_810 = arith.addi %add3A_648, %add3A_809 : i32
        %swap3A_811 = arith.index_cast %add3A_810 : i32 to index
        %swap3A_812 = arith.constant 112 : index
        %swap3A_813 = tpu.vector_load %arg10[%swap3A_811, %swap3A_812] {strides = array<i32>} : memref<64x128xf32, #tpu.memory_space<vmem>>, vector<1x16xf32>,
        %swap3A_814 = vector.shape_cast %swap3A_813 : vector<1x16xf32> to vector<16xf32>
        %swap3A_815 = vector.shape_cast %get3A_331 : vector<16xf32> to vector<1x16xf32>
        tpu.vector_store %arg10[%swap3A_811, %swap3A_812], %swap3A_815 {add = true, strides = array<i32>} : memref<64x128xf32, #tpu.memory_space<vmem>>, vector<1x16xf32>,
        %add3A_816 = arith.constant 3 : i32
        %add3A_817 = arith.addi %add3A_648, %add3A_816 : i32
        %swap3A_818 = arith.index_cast %add3A_817 : i32 to index
        %swap3A_819 = arith.constant 0 : index
        %swap3A_820 = tpu.vector_load %arg10[%swap3A_818, %swap3A_819] {strides = array<i32>} : memref<64x128xf32, #tpu.memory_space<vmem>>, vector<1x16xf32>,
        %swap3A_821 = vector.shape_cast %swap3A_820 : vector<1x16xf32> to vector<16xf32>
        %swap3A_822 = vector.shape_cast %get3A_303 : vector<16xf32> to vector<1x16xf32>
        tpu.vector_store %arg10[%swap3A_818, %swap3A_819], %swap3A_822 {add = true, strides = array<i32>} : memref<64x128xf32, #tpu.memory_space<vmem>>, vector<1x16xf32>,
        %add3A_823 = arith.constant 3 : i32
        %add3A_824 = arith.addi %add3A_648, %add3A_823 : i32
        %swap3A_825 = arith.index_cast %add3A_824 : i32 to index
        %swap3A_826 = arith.constant 16 : index
        %swap3A_827 = tpu.vector_load %arg10[%swap3A_825, %swap3A_826] {strides = array<i32>} : memref<64x128xf32, #tpu.memory_space<vmem>>, vector<1x16xf32>,
        %swap3A_828 = vector.shape_cast %swap3A_827 : vector<1x16xf32> to vector<16xf32>
        %swap3A_829 = vector.shape_cast %get3A_307 : vector<16xf32> to vector<1x16xf32>
        tpu.vector_store %arg10[%swap3A_825, %swap3A_826], %swap3A_829 {add = true, strides = array<i32>} : memref<64x128xf32, #tpu.memory_space<vmem>>, vector<1x16xf32>,
        %add3A_830 = arith.constant 3 : i32
        %add3A_831 = arith.addi %add3A_648, %add3A_830 : i32
        %swap3A_832 = arith.index_cast %add3A_831 : i32 to index
        %swap3A_833 = arith.constant 32 : index
        %swap3A_834 = tpu.vector_load %arg10[%swap3A_832, %swap3A_833] {strides = array<i32>} : memref<64x128xf32, #tpu.memory_space<vmem>>, vector<1x16xf32>,
        %swap3A_835 = vector.shape_cast %swap3A_834 : vector<1x16xf32> to vector<16xf32>
        %swap3A_836 = vector.shape_cast %get3A_311 : vector<16xf32> to vector<1x16xf32>
        tpu.vector_store %arg10[%swap3A_832, %swap3A_833], %swap3A_836 {add = true, strides = array<i32>} : memref<64x128xf32, #tpu.memory_space<vmem>>, vector<1x16xf32>,
        %add3A_837 = arith.constant 3 : i32
        %add3A_838 = arith.addi %add3A_648, %add3A_837 : i32
        %swap3A_839 = arith.index_cast %add3A_838 : i32 to index
        %swap3A_840 = arith.constant 48 : index
        %swap3A_841 = tpu.vector_load %arg10[%swap3A_839, %swap3A_840] {strides = array<i32>} : memref<64x128xf32, #tpu.memory_space<vmem>>, vector<1x16xf32>,
        %swap3A_842 = vector.shape_cast %swap3A_841 : vector<1x16xf32> to vector<16xf32>
        %swap3A_843 = vector.shape_cast %get3A_315 : vector<16xf32> to vector<1x16xf32>
        tpu.vector_store %arg10[%swap3A_839, %swap3A_840], %swap3A_843 {add = true, strides = array<i32>} : memref<64x128xf32, #tpu.memory_space<vmem>>, vector<1x16xf32>,
        %add3A_844 = arith.constant 3 : i32
        %add3A_845 = arith.addi %add3A_648, %add3A_844 : i32
        %swap3A_846 = arith.index_cast %add3A_845 : i32 to index
        %swap3A_847 = arith.constant 64 : index
        %swap3A_848 = tpu.vector_load %arg10[%swap3A_846, %swap3A_847] {strides = array<i32>} : memref<64x128xf32, #tpu.memory_space<vmem>>, vector<1x16xf32>,
        %swap3A_849 = vector.shape_cast %swap3A_848 : vector<1x16xf32> to vector<16xf32>
        %swap3A_850 = vector.shape_cast %get3A_319 : vector<16xf32> to vector<1x16xf32>
        tpu.vector_store %arg10[%swap3A_846, %swap3A_847], %swap3A_850 {add = true, strides = array<i32>} : memref<64x128xf32, #tpu.memory_space<vmem>>, vector<1x16xf32>,
        %add3A_851 = arith.constant 3 : i32
        %add3A_852 = arith.addi %add3A_648, %add3A_851 : i32
        %swap3A_853 = arith.index_cast %add3A_852 : i32 to index
        %swap3A_854 = arith.constant 80 : index
        %swap3A_855 = tpu.vector_load %arg10[%swap3A_853, %swap3A_854] {strides = array<i32>} : memref<64x128xf32, #tpu.memory_space<vmem>>, vector<1x16xf32>,
        %swap3A_856 = vector.shape_cast %swap3A_855 : vector<1x16xf32> to vector<16xf32>
        %swap3A_857 = vector.shape_cast %get3A_323 : vector<16xf32> to vector<1x16xf32>
        tpu.vector_store %arg10[%swap3A_853, %swap3A_854], %swap3A_857 {add = true, strides = array<i32>} : memref<64x128xf32, #tpu.memory_space<vmem>>, vector<1x16xf32>,
        %add3A_858 = arith.constant 3 : i32
        %add3A_859 = arith.addi %add3A_648, %add3A_858 : i32
        %swap3A_860 = arith.index_cast %add3A_859 : i32 to index
        %swap3A_861 = arith.constant 96 : index
        %swap3A_862 = tpu.vector_load %arg10[%swap3A_860, %swap3A_861] {strides = array<i32>} : memref<64x128xf32, #tpu.memory_space<vmem>>, vector<1x16xf32>,
        %swap3A_863 = vector.shape_cast %swap3A_862 : vector<1x16xf32> to vector<16xf32>
        %swap3A_864 = vector.shape_cast %get3A_327 : vector<16xf32> to vector<1x16xf32>
        tpu.vector_store %arg10[%swap3A_860, %swap3A_861], %swap3A_864 {add = true, strides = array<i32>} : memref<64x128xf32, #tpu.memory_space<vmem>>, vector<1x16xf32>,
        %add3A_865 = arith.constant 3 : i32
        %add3A_866 = arith.addi %add3A_648, %add3A_865 : i32
        %swap3A_867 = arith.index_cast %add3A_866 : i32 to index
        %swap3A_868 = arith.constant 112 : index
        %swap3A_869 = tpu.vector_load %arg10[%swap3A_867, %swap3A_868] {strides = array<i32>} : memref<64x128xf32, #tpu.memory_space<vmem>>, vector<1x16xf32>,
        %swap3A_870 = vector.shape_cast %swap3A_869 : vector<1x16xf32> to vector<16xf32>
        %swap3A_871 = vector.shape_cast %get3A_331 : vector<16xf32> to vector<1x16xf32>
        tpu.vector_store %arg10[%swap3A_867, %swap3A_868], %swap3A_871 {add = true, strides = array<i32>} : memref<64x128xf32, #tpu.memory_space<vmem>>, vector<1x16xf32>,
        %scan3A_872 = arith.constant 0 : i32
        scf.yield %scan3A_872 : i32
      }
      %scan3A_338 = arith.constant 16 : i32
      %scan3A_339 = arith.constant 0 : i32
      %scan3A_340 = arith.constant 1 : i32
      %mul3A_341 = arith.constant 64 : i32
      %mul3A_342 = arith.muli %add3A_289, %mul3A_341 : i32
      %add3A_343 = arith.addi %mul3A_2, %mul3A_342 : i32
      %dma_start3A_344 = arith.constant 0 : i32
      %dma_start3A_345 = tpu.memref_slice %arg5[%add3A_343, %dma_start3A_344] : memref<131072x128xf32, #tpu.memory_space<hbm>> -> memref<64x128xf32, #tpu.memory_space<hbm>>
      %dma_start3A_346 = arith.constant 0 : i32
      %dma_start3A_347 = tpu.memref_slice %arg5[%add3A_343, %dma_start3A_346] : memref<131072x128xf32, #tpu.memory_space<hbm>> -> memref<64x128xf32, #tpu.memory_space<hbm>>
      tpu.enqueue_dma source(%arg10 : memref<64x128xf32, #tpu.memory_space<vmem>>) target(%dma_start3A_347 : memref<64x128xf32, #tpu.memory_space<hbm>>) target_semaphore(%arg27 : memref<!tpu.dma_semaphore, #tpu.memory_space<semaphore_mem>>)
      %add3A_348 = arith.constant 8 : i32
      %add3A_349 = arith.addi %add3A_289, %add3A_348 : i32
      %sub3A_350 = arith.constant 1 : i32
      %sub3A_351 = arith.subi %add3A_349, %sub3A_350 : i32
      %lt3A_352 = arith.constant 64 : i32
      %lt3A_353 = arith.cmpi slt, %sub3A_351, %lt3A_352 : i32
      %convert_element_type3A_354 = arith.extui %lt3A_353 : i1 to i32
      %cond3A_355 = arith.constant 0 : i32
      %cond3A_356 = arith.cmpi ne, %convert_element_type3A_354, %cond3A_355 : i32
      scf.if %cond3A_356 {
        %ge3A = arith.constant 8 : i32
        %ge3A_642 = arith.cmpi sge, %sub3A_351, %ge3A : i32
        %convert_element_type3A_643 = arith.extui %ge3A_642 : i1 to i32
        %cond3A_644 = arith.constant 0 : i32
        %cond3A_645 = arith.cmpi ne, %convert_element_type3A_643, %cond3A_644 : i32
        scf.if %cond3A_645 {
          %dma_wait3A_652 = arith.constant 0 : i32
          %dma_wait3A_653 = tpu.memref_slice %arg5[%mul3A_2, %dma_wait3A_652] : memref<131072x128xf32, #tpu.memory_space<hbm>> -> memref<64x128xf32, #tpu.memory_space<hbm>>
          %dma_wait3A_654 = arith.constant 0 : i32
          %dma_wait3A_655 = tpu.memref_slice %arg5[%mul3A_2, %dma_wait3A_654] : memref<131072x128xf32, #tpu.memory_space<hbm>> -> memref<64x128xf32, #tpu.memory_space<hbm>>
          tpu.wait_dma2 semaphore(%arg26 : memref<!tpu.dma_semaphore, #tpu.memory_space<semaphore_mem>>) src(%arg9 : memref<64x128xf32, #tpu.memory_space<vmem>>) dst(%dma_wait3A_655 : memref<64x128xf32, #tpu.memory_space<hbm>>)
        } else {
        }
        %mul3A_646 = arith.constant 64 : i32
        %mul3A_647 = arith.muli %sub3A_351, %mul3A_646 : i32
        %dma_start3A_648 = tpu.memref_slice %arg6[%mul3A_647] : memref<4096xi32, #tpu.memory_space<vmem>> -> memref<64xi32, #tpu.memory_space<vmem>>
        %dma_start3A_649 = arith.constant 0 : i32
        %dma_start3A_650 = arith.constant 0 : i32
        %dma_start3A_651 = tpu.memref_slice %arg3[%dma_start3A_649, %dma_start3A_650] : memref<100000x128xf32, #tpu.memory_space<hbm>> -> memref<100000x128xf32, #tpu.memory_space<hbm>>
        tpu.enqueue_indirect_dma source(%dma_start3A_651 : memref<100000x128xf32, #tpu.memory_space<hbm>>) target(%arg9 : memref<64x128xf32, #tpu.memory_space<vmem>>) offsets(%dma_start3A_648 : memref<64xi32, #tpu.memory_space<vmem>>) semaphore(%arg18 : memref<!tpu.dma_semaphore, #tpu.memory_space<semaphore_mem>>)
      } else {
      }
      %mul3A_357 = arith.constant 8 : i32
      %mul3A_358 = arith.muli %scan3A_76, %mul3A_357 : i32
      %add3A_359 = arith.constant 4 : i32
      %add3A_360 = arith.addi %mul3A_358, %add3A_359 : i32
      %dma_wait3A_361 = arith.constant 0 : i32
      %dma_wait3A_362 = tpu.memref_slice %arg6[%dma_wait3A_361] : memref<4096xi32, #tpu.memory_space<vmem>> -> memref<64xi32, #tpu.memory_space<vmem>>
      %dma_wait3A_363 = arith.constant 0 : i32
      %dma_wait3A_364 = arith.constant 0 : i32
      %dma_wait3A_365 = tpu.memref_slice %arg3[%dma_wait3A_363, %dma_wait3A_364] : memref<100000x128xf32, #tpu.memory_space<hbm>> -> memref<100000x128xf32, #tpu.memory_space<hbm>>
      tpu.wait_indirect_dma semaphore(%arg20 : memref<!tpu.dma_semaphore, #tpu.memory_space<semaphore_mem>>) src(%dma_wait3A_365 : memref<100000x128xf32, #tpu.memory_space<hbm>>) dst(%arg11 : memref<64x128xf32, #tpu.memory_space<vmem>>)
      %scan3A_366 = arith.constant 0 : i32
      %scan3A_367 = arith.constant 0 : i32
      %mul3A_368 = arith.constant 1 : i32
      %mul3A_369 = arith.muli %add3A_360, %mul3A_368 : i32
      %add3A_370 = arith.addi %mul3A_369, %scan3A_367 : i32
      %get3A_371 = arith.index_cast %add3A_370 : i32 to index
      %get3A_372 = arith.constant 0 : index
      %get3A_373 = tpu.vector_load %arg15[%get3A_371, %get3A_372] {strides = array<i32>} : memref<64x128xf32, #tpu.memory_space<vmem>>, vector<1x16xf32>,
      %get3A_374 = vector.shape_cast %get3A_373 : vector<1x16xf32> to vector<16xf32>
      %get3A_375 = arith.index_cast %add3A_370 : i32 to index
      %get3A_376 = arith.constant 16 : index
      %get3A_377 = tpu.vector_load %arg15[%get3A_375, %get3A_376] {strides = array<i32>} : memref<64x128xf32, #tpu.memory_space<vmem>>, vector<1x16xf32>,
      %get3A_378 = vector.shape_cast %get3A_377 : vector<1x16xf32> to vector<16xf32>
      %get3A_379 = arith.index_cast %add3A_370 : i32 to index
      %get3A_380 = arith.constant 32 : index
      %get3A_381 = tpu.vector_load %arg15[%get3A_379, %get3A_380] {strides = array<i32>} : memref<64x128xf32, #tpu.memory_space<vmem>>, vector<1x16xf32>,
      %get3A_382 = vector.shape_cast %get3A_381 : vector<1x16xf32> to vector<16xf32>
      %get3A_383 = arith.index_cast %add3A_370 : i32 to index
      %get3A_384 = arith.constant 48 : index
      %get3A_385 = tpu.vector_load %arg15[%get3A_383, %get3A_384] {strides = array<i32>} : memref<64x128xf32, #tpu.memory_space<vmem>>, vector<1x16xf32>,
      %get3A_386 = vector.shape_cast %get3A_385 : vector<1x16xf32> to vector<16xf32>
      %get3A_387 = arith.index_cast %add3A_370 : i32 to index
      %get3A_388 = arith.constant 64 : index
      %get3A_389 = tpu.vector_load %arg15[%get3A_387, %get3A_388] {strides = array<i32>} : memref<64x128xf32, #tpu.memory_space<vmem>>, vector<1x16xf32>,
      %get3A_390 = vector.shape_cast %get3A_389 : vector<1x16xf32> to vector<16xf32>
      %get3A_391 = arith.index_cast %add3A_370 : i32 to index
      %get3A_392 = arith.constant 80 : index
      %get3A_393 = tpu.vector_load %arg15[%get3A_391, %get3A_392] {strides = array<i32>} : memref<64x128xf32, #tpu.memory_space<vmem>>, vector<1x16xf32>,
      %get3A_394 = vector.shape_cast %get3A_393 : vector<1x16xf32> to vector<16xf32>
      %get3A_395 = arith.index_cast %add3A_370 : i32 to index
      %get3A_396 = arith.constant 96 : index
      %get3A_397 = tpu.vector_load %arg15[%get3A_395, %get3A_396] {strides = array<i32>} : memref<64x128xf32, #tpu.memory_space<vmem>>, vector<1x16xf32>,
      %get3A_398 = vector.shape_cast %get3A_397 : vector<1x16xf32> to vector<16xf32>
      %get3A_399 = arith.index_cast %add3A_370 : i32 to index
      %get3A_400 = arith.constant 112 : index
      %get3A_401 = tpu.vector_load %arg15[%get3A_399, %get3A_400] {strides = array<i32>} : memref<64x128xf32, #tpu.memory_space<vmem>>, vector<1x16xf32>,
      %get3A_402 = vector.shape_cast %get3A_401 : vector<1x16xf32> to vector<16xf32>
      %scan3A_403 = arith.constant 0 : i32
      %scan3A_404 = arith.constant 0 : i32
      %scan3A_405 = arith.constant 16 : i32
      %scan3A_406 = arith.addi %scan3A_404, %scan3A_405 : i32
      %scan3A_407 = arith.constant 1 : i32
      %scan3A_408 = scf.for %scan3A_642 = %scan3A_404 to %scan3A_406 step %scan3A_407 iter_args(%scan3A_643 = %scan3A_403) -> (i32)  : i32 {
        %mul3A_644 = arith.constant 64 : i32
        %mul3A_645 = arith.muli %scan3A_367, %mul3A_644 : i32
        %mul3A_646 = arith.constant 4 : i32
        %mul3A_647 = arith.muli %scan3A_642, %mul3A_646 : i32
        %add3A_648 = arith.addi %mul3A_645, %mul3A_647 : i32
        %add3A_649 = arith.constant 0 : i32
        %add3A_650 = arith.addi %add3A_648, %add3A_649 : i32
        %swap3A = arith.index_cast %add3A_650 : i32 to index
        %swap3A_651 = arith.constant 0 : index
        %swap3A_652 = tpu.vector_load %arg11[%swap3A, %swap3A_651] {strides = array<i32>} : memref<64x128xf32, #tpu.memory_space<vmem>>, vector<1x16xf32>,
        %swap3A_653 = vector.shape_cast %swap3A_652 : vector<1x16xf32> to vector<16xf32>
        %swap3A_654 = vector.shape_cast %get3A_374 : vector<16xf32> to vector<1x16xf32>
        tpu.vector_store %arg11[%swap3A, %swap3A_651], %swap3A_654 {add = true, strides = array<i32>} : memref<64x128xf32, #tpu.memory_space<vmem>>, vector<1x16xf32>,
        %add3A_655 = arith.constant 0 : i32
        %add3A_656 = arith.addi %add3A_648, %add3A_655 : i32
        %swap3A_657 = arith.index_cast %add3A_656 : i32 to index
        %swap3A_658 = arith.constant 16 : index
        %swap3A_659 = tpu.vector_load %arg11[%swap3A_657, %swap3A_658] {strides = array<i32>} : memref<64x128xf32, #tpu.memory_space<vmem>>, vector<1x16xf32>,
        %swap3A_660 = vector.shape_cast %swap3A_659 : vector<1x16xf32> to vector<16xf32>
        %swap3A_661 = vector.shape_cast %get3A_378 : vector<16xf32> to vector<1x16xf32>
        tpu.vector_store %arg11[%swap3A_657, %swap3A_658], %swap3A_661 {add = true, strides = array<i32>} : memref<64x128xf32, #tpu.memory_space<vmem>>, vector<1x16xf32>,
        %add3A_662 = arith.constant 0 : i32
        %add3A_663 = arith.addi %add3A_648, %add3A_662 : i32
        %swap3A_664 = arith.index_cast %add3A_663 : i32 to index
        %swap3A_665 = arith.constant 32 : index
        %swap3A_666 = tpu.vector_load %arg11[%swap3A_664, %swap3A_665] {strides = array<i32>} : memref<64x128xf32, #tpu.memory_space<vmem>>, vector<1x16xf32>,
        %swap3A_667 = vector.shape_cast %swap3A_666 : vector<1x16xf32> to vector<16xf32>
        %swap3A_668 = vector.shape_cast %get3A_382 : vector<16xf32> to vector<1x16xf32>
        tpu.vector_store %arg11[%swap3A_664, %swap3A_665], %swap3A_668 {add = true, strides = array<i32>} : memref<64x128xf32, #tpu.memory_space<vmem>>, vector<1x16xf32>,
        %add3A_669 = arith.constant 0 : i32
        %add3A_670 = arith.addi %add3A_648, %add3A_669 : i32
        %swap3A_671 = arith.index_cast %add3A_670 : i32 to index
        %swap3A_672 = arith.constant 48 : index
        %swap3A_673 = tpu.vector_load %arg11[%swap3A_671, %swap3A_672] {strides = array<i32>} : memref<64x128xf32, #tpu.memory_space<vmem>>, vector<1x16xf32>,
        %swap3A_674 = vector.shape_cast %swap3A_673 : vector<1x16xf32> to vector<16xf32>
        %swap3A_675 = vector.shape_cast %get3A_386 : vector<16xf32> to vector<1x16xf32>
        tpu.vector_store %arg11[%swap3A_671, %swap3A_672], %swap3A_675 {add = true, strides = array<i32>} : memref<64x128xf32, #tpu.memory_space<vmem>>, vector<1x16xf32>,
        %add3A_676 = arith.constant 0 : i32
        %add3A_677 = arith.addi %add3A_648, %add3A_676 : i32
        %swap3A_678 = arith.index_cast %add3A_677 : i32 to index
        %swap3A_679 = arith.constant 64 : index
        %swap3A_680 = tpu.vector_load %arg11[%swap3A_678, %swap3A_679] {strides = array<i32>} : memref<64x128xf32, #tpu.memory_space<vmem>>, vector<1x16xf32>,
        %swap3A_681 = vector.shape_cast %swap3A_680 : vector<1x16xf32> to vector<16xf32>
        %swap3A_682 = vector.shape_cast %get3A_390 : vector<16xf32> to vector<1x16xf32>
        tpu.vector_store %arg11[%swap3A_678, %swap3A_679], %swap3A_682 {add = true, strides = array<i32>} : memref<64x128xf32, #tpu.memory_space<vmem>>, vector<1x16xf32>,
        %add3A_683 = arith.constant 0 : i32
        %add3A_684 = arith.addi %add3A_648, %add3A_683 : i32
        %swap3A_685 = arith.index_cast %add3A_684 : i32 to index
        %swap3A_686 = arith.constant 80 : index
        %swap3A_687 = tpu.vector_load %arg11[%swap3A_685, %swap3A_686] {strides = array<i32>} : memref<64x128xf32, #tpu.memory_space<vmem>>, vector<1x16xf32>,
        %swap3A_688 = vector.shape_cast %swap3A_687 : vector<1x16xf32> to vector<16xf32>
        %swap3A_689 = vector.shape_cast %get3A_394 : vector<16xf32> to vector<1x16xf32>
        tpu.vector_store %arg11[%swap3A_685, %swap3A_686], %swap3A_689 {add = true, strides = array<i32>} : memref<64x128xf32, #tpu.memory_space<vmem>>, vector<1x16xf32>,
        %add3A_690 = arith.constant 0 : i32
        %add3A_691 = arith.addi %add3A_648, %add3A_690 : i32
        %swap3A_692 = arith.index_cast %add3A_691 : i32 to index
        %swap3A_693 = arith.constant 96 : index
        %swap3A_694 = tpu.vector_load %arg11[%swap3A_692, %swap3A_693] {strides = array<i32>} : memref<64x128xf32, #tpu.memory_space<vmem>>, vector<1x16xf32>,
        %swap3A_695 = vector.shape_cast %swap3A_694 : vector<1x16xf32> to vector<16xf32>
        %swap3A_696 = vector.shape_cast %get3A_398 : vector<16xf32> to vector<1x16xf32>
        tpu.vector_store %arg11[%swap3A_692, %swap3A_693], %swap3A_696 {add = true, strides = array<i32>} : memref<64x128xf32, #tpu.memory_space<vmem>>, vector<1x16xf32>,
        %add3A_697 = arith.constant 0 : i32
        %add3A_698 = arith.addi %add3A_648, %add3A_697 : i32
        %swap3A_699 = arith.index_cast %add3A_698 : i32 to index
        %swap3A_700 = arith.constant 112 : index
        %swap3A_701 = tpu.vector_load %arg11[%swap3A_699, %swap3A_700] {strides = array<i32>} : memref<64x128xf32, #tpu.memory_space<vmem>>, vector<1x16xf32>,
        %swap3A_702 = vector.shape_cast %swap3A_701 : vector<1x16xf32> to vector<16xf32>
        %swap3A_703 = vector.shape_cast %get3A_402 : vector<16xf32> to vector<1x16xf32>
        tpu.vector_store %arg11[%swap3A_699, %swap3A_700], %swap3A_703 {add = true, strides = array<i32>} : memref<64x128xf32, #tpu.memory_space<vmem>>, vector<1x16xf32>,
        %add3A_704 = arith.constant 1 : i32
        %add3A_705 = arith.addi %add3A_648, %add3A_704 : i32
        %swap3A_706 = arith.index_cast %add3A_705 : i32 to index
        %swap3A_707 = arith.constant 0 : index
        %swap3A_708 = tpu.vector_load %arg11[%swap3A_706, %swap3A_707] {strides = array<i32>} : memref<64x128xf32, #tpu.memory_space<vmem>>, vector<1x16xf32>,
        %swap3A_709 = vector.shape_cast %swap3A_708 : vector<1x16xf32> to vector<16xf32>
        %swap3A_710 = vector.shape_cast %get3A_374 : vector<16xf32> to vector<1x16xf32>
        tpu.vector_store %arg11[%swap3A_706, %swap3A_707], %swap3A_710 {add = true, strides = array<i32>} : memref<64x128xf32, #tpu.memory_space<vmem>>, vector<1x16xf32>,
        %add3A_711 = arith.constant 1 : i32
        %add3A_712 = arith.addi %add3A_648, %add3A_711 : i32
        %swap3A_713 = arith.index_cast %add3A_712 : i32 to index
        %swap3A_714 = arith.constant 16 : index
        %swap3A_715 = tpu.vector_load %arg11[%swap3A_713, %swap3A_714] {strides = array<i32>} : memref<64x128xf32, #tpu.memory_space<vmem>>, vector<1x16xf32>,
        %swap3A_716 = vector.shape_cast %swap3A_715 : vector<1x16xf32> to vector<16xf32>
        %swap3A_717 = vector.shape_cast %get3A_378 : vector<16xf32> to vector<1x16xf32>
        tpu.vector_store %arg11[%swap3A_713, %swap3A_714], %swap3A_717 {add = true, strides = array<i32>} : memref<64x128xf32, #tpu.memory_space<vmem>>, vector<1x16xf32>,
        %add3A_718 = arith.constant 1 : i32
        %add3A_719 = arith.addi %add3A_648, %add3A_718 : i32
        %swap3A_720 = arith.index_cast %add3A_719 : i32 to index
        %swap3A_721 = arith.constant 32 : index
        %swap3A_722 = tpu.vector_load %arg11[%swap3A_720, %swap3A_721] {strides = array<i32>} : memref<64x128xf32, #tpu.memory_space<vmem>>, vector<1x16xf32>,
        %swap3A_723 = vector.shape_cast %swap3A_722 : vector<1x16xf32> to vector<16xf32>
        %swap3A_724 = vector.shape_cast %get3A_382 : vector<16xf32> to vector<1x16xf32>
        tpu.vector_store %arg11[%swap3A_720, %swap3A_721], %swap3A_724 {add = true, strides = array<i32>} : memref<64x128xf32, #tpu.memory_space<vmem>>, vector<1x16xf32>,
        %add3A_725 = arith.constant 1 : i32
        %add3A_726 = arith.addi %add3A_648, %add3A_725 : i32
        %swap3A_727 = arith.index_cast %add3A_726 : i32 to index
        %swap3A_728 = arith.constant 48 : index
        %swap3A_729 = tpu.vector_load %arg11[%swap3A_727, %swap3A_728] {strides = array<i32>} : memref<64x128xf32, #tpu.memory_space<vmem>>, vector<1x16xf32>,
        %swap3A_730 = vector.shape_cast %swap3A_729 : vector<1x16xf32> to vector<16xf32>
        %swap3A_731 = vector.shape_cast %get3A_386 : vector<16xf32> to vector<1x16xf32>
        tpu.vector_store %arg11[%swap3A_727, %swap3A_728], %swap3A_731 {add = true, strides = array<i32>} : memref<64x128xf32, #tpu.memory_space<vmem>>, vector<1x16xf32>,
        %add3A_732 = arith.constant 1 : i32
        %add3A_733 = arith.addi %add3A_648, %add3A_732 : i32
        %swap3A_734 = arith.index_cast %add3A_733 : i32 to index
        %swap3A_735 = arith.constant 64 : index
        %swap3A_736 = tpu.vector_load %arg11[%swap3A_734, %swap3A_735] {strides = array<i32>} : memref<64x128xf32, #tpu.memory_space<vmem>>, vector<1x16xf32>,
        %swap3A_737 = vector.shape_cast %swap3A_736 : vector<1x16xf32> to vector<16xf32>
        %swap3A_738 = vector.shape_cast %get3A_390 : vector<16xf32> to vector<1x16xf32>
        tpu.vector_store %arg11[%swap3A_734, %swap3A_735], %swap3A_738 {add = true, strides = array<i32>} : memref<64x128xf32, #tpu.memory_space<vmem>>, vector<1x16xf32>,
        %add3A_739 = arith.constant 1 : i32
        %add3A_740 = arith.addi %add3A_648, %add3A_739 : i32
        %swap3A_741 = arith.index_cast %add3A_740 : i32 to index
        %swap3A_742 = arith.constant 80 : index
        %swap3A_743 = tpu.vector_load %arg11[%swap3A_741, %swap3A_742] {strides = array<i32>} : memref<64x128xf32, #tpu.memory_space<vmem>>, vector<1x16xf32>,
        %swap3A_744 = vector.shape_cast %swap3A_743 : vector<1x16xf32> to vector<16xf32>
        %swap3A_745 = vector.shape_cast %get3A_394 : vector<16xf32> to vector<1x16xf32>
        tpu.vector_store %arg11[%swap3A_741, %swap3A_742], %swap3A_745 {add = true, strides = array<i32>} : memref<64x128xf32, #tpu.memory_space<vmem>>, vector<1x16xf32>,
        %add3A_746 = arith.constant 1 : i32
        %add3A_747 = arith.addi %add3A_648, %add3A_746 : i32
        %swap3A_748 = arith.index_cast %add3A_747 : i32 to index
        %swap3A_749 = arith.constant 96 : index
        %swap3A_750 = tpu.vector_load %arg11[%swap3A_748, %swap3A_749] {strides = array<i32>} : memref<64x128xf32, #tpu.memory_space<vmem>>, vector<1x16xf32>,
        %swap3A_751 = vector.shape_cast %swap3A_750 : vector<1x16xf32> to vector<16xf32>
        %swap3A_752 = vector.shape_cast %get3A_398 : vector<16xf32> to vector<1x16xf32>
        tpu.vector_store %arg11[%swap3A_748, %swap3A_749], %swap3A_752 {add = true, strides = array<i32>} : memref<64x128xf32, #tpu.memory_space<vmem>>, vector<1x16xf32>,
        %add3A_753 = arith.constant 1 : i32
        %add3A_754 = arith.addi %add3A_648, %add3A_753 : i32
        %swap3A_755 = arith.index_cast %add3A_754 : i32 to index
        %swap3A_756 = arith.constant 112 : index
        %swap3A_757 = tpu.vector_load %arg11[%swap3A_755, %swap3A_756] {strides = array<i32>} : memref<64x128xf32, #tpu.memory_space<vmem>>, vector<1x16xf32>,
        %swap3A_758 = vector.shape_cast %swap3A_757 : vector<1x16xf32> to vector<16xf32>
        %swap3A_759 = vector.shape_cast %get3A_402 : vector<16xf32> to vector<1x16xf32>
        tpu.vector_store %arg11[%swap3A_755, %swap3A_756], %swap3A_759 {add = true, strides = array<i32>} : memref<64x128xf32, #tpu.memory_space<vmem>>, vector<1x16xf32>,
        %add3A_760 = arith.constant 2 : i32
        %add3A_761 = arith.addi %add3A_648, %add3A_760 : i32
        %swap3A_762 = arith.index_cast %add3A_761 : i32 to index
        %swap3A_763 = arith.constant 0 : index
        %swap3A_764 = tpu.vector_load %arg11[%swap3A_762, %swap3A_763] {strides = array<i32>} : memref<64x128xf32, #tpu.memory_space<vmem>>, vector<1x16xf32>,
        %swap3A_765 = vector.shape_cast %swap3A_764 : vector<1x16xf32> to vector<16xf32>
        %swap3A_766 = vector.shape_cast %get3A_374 : vector<16xf32> to vector<1x16xf32>
        tpu.vector_store %arg11[%swap3A_762, %swap3A_763], %swap3A_766 {add = true, strides = array<i32>} : memref<64x128xf32, #tpu.memory_space<vmem>>, vector<1x16xf32>,
        %add3A_767 = arith.constant 2 : i32
        %add3A_768 = arith.addi %add3A_648, %add3A_767 : i32
        %swap3A_769 = arith.index_cast %add3A_768 : i32 to index
        %swap3A_770 = arith.constant 16 : index
        %swap3A_771 = tpu.vector_load %arg11[%swap3A_769, %swap3A_770] {strides = array<i32>} : memref<64x128xf32, #tpu.memory_space<vmem>>, vector<1x16xf32>,
        %swap3A_772 = vector.shape_cast %swap3A_771 : vector<1x16xf32> to vector<16xf32>
        %swap3A_773 = vector.shape_cast %get3A_378 : vector<16xf32> to vector<1x16xf32>
        tpu.vector_store %arg11[%swap3A_769, %swap3A_770], %swap3A_773 {add = true, strides = array<i32>} : memref<64x128xf32, #tpu.memory_space<vmem>>, vector<1x16xf32>,
        %add3A_774 = arith.constant 2 : i32
        %add3A_775 = arith.addi %add3A_648, %add3A_774 : i32
        %swap3A_776 = arith.index_cast %add3A_775 : i32 to index
        %swap3A_777 = arith.constant 32 : index
        %swap3A_778 = tpu.vector_load %arg11[%swap3A_776, %swap3A_777] {strides = array<i32>} : memref<64x128xf32, #tpu.memory_space<vmem>>, vector<1x16xf32>,
        %swap3A_779 = vector.shape_cast %swap3A_778 : vector<1x16xf32> to vector<16xf32>
        %swap3A_780 = vector.shape_cast %get3A_382 : vector<16xf32> to vector<1x16xf32>
        tpu.vector_store %arg11[%swap3A_776, %swap3A_777], %swap3A_780 {add = true, strides = array<i32>} : memref<64x128xf32, #tpu.memory_space<vmem>>, vector<1x16xf32>,
        %add3A_781 = arith.constant 2 : i32
        %add3A_782 = arith.addi %add3A_648, %add3A_781 : i32
        %swap3A_783 = arith.index_cast %add3A_782 : i32 to index
        %swap3A_784 = arith.constant 48 : index
        %swap3A_785 = tpu.vector_load %arg11[%swap3A_783, %swap3A_784] {strides = array<i32>} : memref<64x128xf32, #tpu.memory_space<vmem>>, vector<1x16xf32>,
        %swap3A_786 = vector.shape_cast %swap3A_785 : vector<1x16xf32> to vector<16xf32>
        %swap3A_787 = vector.shape_cast %get3A_386 : vector<16xf32> to vector<1x16xf32>
        tpu.vector_store %arg11[%swap3A_783, %swap3A_784], %swap3A_787 {add = true, strides = array<i32>} : memref<64x128xf32, #tpu.memory_space<vmem>>, vector<1x16xf32>,
        %add3A_788 = arith.constant 2 : i32
        %add3A_789 = arith.addi %add3A_648, %add3A_788 : i32
        %swap3A_790 = arith.index_cast %add3A_789 : i32 to index
        %swap3A_791 = arith.constant 64 : index
        %swap3A_792 = tpu.vector_load %arg11[%swap3A_790, %swap3A_791] {strides = array<i32>} : memref<64x128xf32, #tpu.memory_space<vmem>>, vector<1x16xf32>,
        %swap3A_793 = vector.shape_cast %swap3A_792 : vector<1x16xf32> to vector<16xf32>
        %swap3A_794 = vector.shape_cast %get3A_390 : vector<16xf32> to vector<1x16xf32>
        tpu.vector_store %arg11[%swap3A_790, %swap3A_791], %swap3A_794 {add = true, strides = array<i32>} : memref<64x128xf32, #tpu.memory_space<vmem>>, vector<1x16xf32>,
        %add3A_795 = arith.constant 2 : i32
        %add3A_796 = arith.addi %add3A_648, %add3A_795 : i32
        %swap3A_797 = arith.index_cast %add3A_796 : i32 to index
        %swap3A_798 = arith.constant 80 : index
        %swap3A_799 = tpu.vector_load %arg11[%swap3A_797, %swap3A_798] {strides = array<i32>} : memref<64x128xf32, #tpu.memory_space<vmem>>, vector<1x16xf32>,
        %swap3A_800 = vector.shape_cast %swap3A_799 : vector<1x16xf32> to vector<16xf32>
        %swap3A_801 = vector.shape_cast %get3A_394 : vector<16xf32> to vector<1x16xf32>
        tpu.vector_store %arg11[%swap3A_797, %swap3A_798], %swap3A_801 {add = true, strides = array<i32>} : memref<64x128xf32, #tpu.memory_space<vmem>>, vector<1x16xf32>,
        %add3A_802 = arith.constant 2 : i32
        %add3A_803 = arith.addi %add3A_648, %add3A_802 : i32
        %swap3A_804 = arith.index_cast %add3A_803 : i32 to index
        %swap3A_805 = arith.constant 96 : index
        %swap3A_806 = tpu.vector_load %arg11[%swap3A_804, %swap3A_805] {strides = array<i32>} : memref<64x128xf32, #tpu.memory_space<vmem>>, vector<1x16xf32>,
        %swap3A_807 = vector.shape_cast %swap3A_806 : vector<1x16xf32> to vector<16xf32>
        %swap3A_808 = vector.shape_cast %get3A_398 : vector<16xf32> to vector<1x16xf32>
        tpu.vector_store %arg11[%swap3A_804, %swap3A_805], %swap3A_808 {add = true, strides = array<i32>} : memref<64x128xf32, #tpu.memory_space<vmem>>, vector<1x16xf32>,
        %add3A_809 = arith.constant 2 : i32
        %add3A_810 = arith.addi %add3A_648, %add3A_809 : i32
        %swap3A_811 = arith.index_cast %add3A_810 : i32 to index
        %swap3A_812 = arith.constant 112 : index
        %swap3A_813 = tpu.vector_load %arg11[%swap3A_811, %swap3A_812] {strides = array<i32>} : memref<64x128xf32, #tpu.memory_space<vmem>>, vector<1x16xf32>,
        %swap3A_814 = vector.shape_cast %swap3A_813 : vector<1x16xf32> to vector<16xf32>
        %swap3A_815 = vector.shape_cast %get3A_402 : vector<16xf32> to vector<1x16xf32>
        tpu.vector_store %arg11[%swap3A_811, %swap3A_812], %swap3A_815 {add = true, strides = array<i32>} : memref<64x128xf32, #tpu.memory_space<vmem>>, vector<1x16xf32>,
        %add3A_816 = arith.constant 3 : i32
        %add3A_817 = arith.addi %add3A_648, %add3A_816 : i32
        %swap3A_818 = arith.index_cast %add3A_817 : i32 to index
        %swap3A_819 = arith.constant 0 : index
        %swap3A_820 = tpu.vector_load %arg11[%swap3A_818, %swap3A_819] {strides = array<i32>} : memref<64x128xf32, #tpu.memory_space<vmem>>, vector<1x16xf32>,
        %swap3A_821 = vector.shape_cast %swap3A_820 : vector<1x16xf32> to vector<16xf32>
        %swap3A_822 = vector.shape_cast %get3A_374 : vector<16xf32> to vector<1x16xf32>
        tpu.vector_store %arg11[%swap3A_818, %swap3A_819], %swap3A_822 {add = true, strides = array<i32>} : memref<64x128xf32, #tpu.memory_space<vmem>>, vector<1x16xf32>,
        %add3A_823 = arith.constant 3 : i32
        %add3A_824 = arith.addi %add3A_648, %add3A_823 : i32
        %swap3A_825 = arith.index_cast %add3A_824 : i32 to index
        %swap3A_826 = arith.constant 16 : index
        %swap3A_827 = tpu.vector_load %arg11[%swap3A_825, %swap3A_826] {strides = array<i32>} : memref<64x128xf32, #tpu.memory_space<vmem>>, vector<1x16xf32>,
        %swap3A_828 = vector.shape_cast %swap3A_827 : vector<1x16xf32> to vector<16xf32>
        %swap3A_829 = vector.shape_cast %get3A_378 : vector<16xf32> to vector<1x16xf32>
        tpu.vector_store %arg11[%swap3A_825, %swap3A_826], %swap3A_829 {add = true, strides = array<i32>} : memref<64x128xf32, #tpu.memory_space<vmem>>, vector<1x16xf32>,
        %add3A_830 = arith.constant 3 : i32
        %add3A_831 = arith.addi %add3A_648, %add3A_830 : i32
        %swap3A_832 = arith.index_cast %add3A_831 : i32 to index
        %swap3A_833 = arith.constant 32 : index
        %swap3A_834 = tpu.vector_load %arg11[%swap3A_832, %swap3A_833] {strides = array<i32>} : memref<64x128xf32, #tpu.memory_space<vmem>>, vector<1x16xf32>,
        %swap3A_835 = vector.shape_cast %swap3A_834 : vector<1x16xf32> to vector<16xf32>
        %swap3A_836 = vector.shape_cast %get3A_382 : vector<16xf32> to vector<1x16xf32>
        tpu.vector_store %arg11[%swap3A_832, %swap3A_833], %swap3A_836 {add = true, strides = array<i32>} : memref<64x128xf32, #tpu.memory_space<vmem>>, vector<1x16xf32>,
        %add3A_837 = arith.constant 3 : i32
        %add3A_838 = arith.addi %add3A_648, %add3A_837 : i32
        %swap3A_839 = arith.index_cast %add3A_838 : i32 to index
        %swap3A_840 = arith.constant 48 : index
        %swap3A_841 = tpu.vector_load %arg11[%swap3A_839, %swap3A_840] {strides = array<i32>} : memref<64x128xf32, #tpu.memory_space<vmem>>, vector<1x16xf32>,
        %swap3A_842 = vector.shape_cast %swap3A_841 : vector<1x16xf32> to vector<16xf32>
        %swap3A_843 = vector.shape_cast %get3A_386 : vector<16xf32> to vector<1x16xf32>
        tpu.vector_store %arg11[%swap3A_839, %swap3A_840], %swap3A_843 {add = true, strides = array<i32>} : memref<64x128xf32, #tpu.memory_space<vmem>>, vector<1x16xf32>,
        %add3A_844 = arith.constant 3 : i32
        %add3A_845 = arith.addi %add3A_648, %add3A_844 : i32
        %swap3A_846 = arith.index_cast %add3A_845 : i32 to index
        %swap3A_847 = arith.constant 64 : index
        %swap3A_848 = tpu.vector_load %arg11[%swap3A_846, %swap3A_847] {strides = array<i32>} : memref<64x128xf32, #tpu.memory_space<vmem>>, vector<1x16xf32>,
        %swap3A_849 = vector.shape_cast %swap3A_848 : vector<1x16xf32> to vector<16xf32>
        %swap3A_850 = vector.shape_cast %get3A_390 : vector<16xf32> to vector<1x16xf32>
        tpu.vector_store %arg11[%swap3A_846, %swap3A_847], %swap3A_850 {add = true, strides = array<i32>} : memref<64x128xf32, #tpu.memory_space<vmem>>, vector<1x16xf32>,
        %add3A_851 = arith.constant 3 : i32
        %add3A_852 = arith.addi %add3A_648, %add3A_851 : i32
        %swap3A_853 = arith.index_cast %add3A_852 : i32 to index
        %swap3A_854 = arith.constant 80 : index
        %swap3A_855 = tpu.vector_load %arg11[%swap3A_853, %swap3A_854] {strides = array<i32>} : memref<64x128xf32, #tpu.memory_space<vmem>>, vector<1x16xf32>,
        %swap3A_856 = vector.shape_cast %swap3A_855 : vector<1x16xf32> to vector<16xf32>
        %swap3A_857 = vector.shape_cast %get3A_394 : vector<16xf32> to vector<1x16xf32>
        tpu.vector_store %arg11[%swap3A_853, %swap3A_854], %swap3A_857 {add = true, strides = array<i32>} : memref<64x128xf32, #tpu.memory_space<vmem>>, vector<1x16xf32>,
        %add3A_858 = arith.constant 3 : i32
        %add3A_859 = arith.addi %add3A_648, %add3A_858 : i32
        %swap3A_860 = arith.index_cast %add3A_859 : i32 to index
        %swap3A_861 = arith.constant 96 : index
        %swap3A_862 = tpu.vector_load %arg11[%swap3A_860, %swap3A_861] {strides = array<i32>} : memref<64x128xf32, #tpu.memory_space<vmem>>, vector<1x16xf32>,
        %swap3A_863 = vector.shape_cast %swap3A_862 : vector<1x16xf32> to vector<16xf32>
        %swap3A_864 = vector.shape_cast %get3A_398 : vector<16xf32> to vector<1x16xf32>
        tpu.vector_store %arg11[%swap3A_860, %swap3A_861], %swap3A_864 {add = true, strides = array<i32>} : memref<64x128xf32, #tpu.memory_space<vmem>>, vector<1x16xf32>,
        %add3A_865 = arith.constant 3 : i32
        %add3A_866 = arith.addi %add3A_648, %add3A_865 : i32
        %swap3A_867 = arith.index_cast %add3A_866 : i32 to index
        %swap3A_868 = arith.constant 112 : index
        %swap3A_869 = tpu.vector_load %arg11[%swap3A_867, %swap3A_868] {strides = array<i32>} : memref<64x128xf32, #tpu.memory_space<vmem>>, vector<1x16xf32>,
        %swap3A_870 = vector.shape_cast %swap3A_869 : vector<1x16xf32> to vector<16xf32>
        %swap3A_871 = vector.shape_cast %get3A_402 : vector<16xf32> to vector<1x16xf32>
        tpu.vector_store %arg11[%swap3A_867, %swap3A_868], %swap3A_871 {add = true, strides = array<i32>} : memref<64x128xf32, #tpu.memory_space<vmem>>, vector<1x16xf32>,
        %scan3A_872 = arith.constant 0 : i32
        scf.yield %scan3A_872 : i32
      }
      %scan3A_409 = arith.constant 16 : i32
      %scan3A_410 = arith.constant 0 : i32
      %scan3A_411 = arith.constant 1 : i32
      %mul3A_412 = arith.constant 64 : i32
      %mul3A_413 = arith.muli %add3A_360, %mul3A_412 : i32
      %add3A_414 = arith.addi %mul3A_2, %mul3A_413 : i32
      %dma_start3A_415 = arith.constant 0 : i32
      %dma_start3A_416 = tpu.memref_slice %arg5[%add3A_414, %dma_start3A_415] : memref<131072x128xf32, #tpu.memory_space<hbm>> -> memref<64x128xf32, #tpu.memory_space<hbm>>
      %dma_start3A_417 = arith.constant 0 : i32
      %dma_start3A_418 = tpu.memref_slice %arg5[%add3A_414, %dma_start3A_417] : memref<131072x128xf32, #tpu.memory_space<hbm>> -> memref<64x128xf32, #tpu.memory_space<hbm>>
      tpu.enqueue_dma source(%arg11 : memref<64x128xf32, #tpu.memory_space<vmem>>) target(%dma_start3A_418 : memref<64x128xf32, #tpu.memory_space<hbm>>) target_semaphore(%arg28 : memref<!tpu.dma_semaphore, #tpu.memory_space<semaphore_mem>>)
      %add3A_419 = arith.constant 8 : i32
      %add3A_420 = arith.addi %add3A_360, %add3A_419 : i32
      %sub3A_421 = arith.constant 1 : i32
      %sub3A_422 = arith.subi %add3A_420, %sub3A_421 : i32
      %lt3A_423 = arith.constant 64 : i32
      %lt3A_424 = arith.cmpi slt, %sub3A_422, %lt3A_423 : i32
      %convert_element_type3A_425 = arith.extui %lt3A_424 : i1 to i32
      %cond3A_426 = arith.constant 0 : i32
      %cond3A_427 = arith.cmpi ne, %convert_element_type3A_425, %cond3A_426 : i32
      scf.if %cond3A_427 {
        %ge3A = arith.constant 8 : i32
        %ge3A_642 = arith.cmpi sge, %sub3A_422, %ge3A : i32
        %convert_element_type3A_643 = arith.extui %ge3A_642 : i1 to i32
        %cond3A_644 = arith.constant 0 : i32
        %cond3A_645 = arith.cmpi ne, %convert_element_type3A_643, %cond3A_644 : i32
        scf.if %cond3A_645 {
          %dma_wait3A_652 = arith.constant 0 : i32
          %dma_wait3A_653 = tpu.memref_slice %arg5[%mul3A_2, %dma_wait3A_652] : memref<131072x128xf32, #tpu.memory_space<hbm>> -> memref<64x128xf32, #tpu.memory_space<hbm>>
          %dma_wait3A_654 = arith.constant 0 : i32
          %dma_wait3A_655 = tpu.memref_slice %arg5[%mul3A_2, %dma_wait3A_654] : memref<131072x128xf32, #tpu.memory_space<hbm>> -> memref<64x128xf32, #tpu.memory_space<hbm>>
          tpu.wait_dma2 semaphore(%arg27 : memref<!tpu.dma_semaphore, #tpu.memory_space<semaphore_mem>>) src(%arg10 : memref<64x128xf32, #tpu.memory_space<vmem>>) dst(%dma_wait3A_655 : memref<64x128xf32, #tpu.memory_space<hbm>>)
        } else {
        }
        %mul3A_646 = arith.constant 64 : i32
        %mul3A_647 = arith.muli %sub3A_422, %mul3A_646 : i32
        %dma_start3A_648 = tpu.memref_slice %arg6[%mul3A_647] : memref<4096xi32, #tpu.memory_space<vmem>> -> memref<64xi32, #tpu.memory_space<vmem>>
        %dma_start3A_649 = arith.constant 0 : i32
        %dma_start3A_650 = arith.constant 0 : i32
        %dma_start3A_651 = tpu.memref_slice %arg3[%dma_start3A_649, %dma_start3A_650] : memref<100000x128xf32, #tpu.memory_space<hbm>> -> memref<100000x128xf32, #tpu.memory_space<hbm>>
        tpu.enqueue_indirect_dma source(%dma_start3A_651 : memref<100000x128xf32, #tpu.memory_space<hbm>>) target(%arg10 : memref<64x128xf32, #tpu.memory_space<vmem>>) offsets(%dma_start3A_648 : memref<64xi32, #tpu.memory_space<vmem>>) semaphore(%arg19 : memref<!tpu.dma_semaphore, #tpu.memory_space<semaphore_mem>>)
      } else {
      }
      %mul3A_428 = arith.constant 8 : i32
      %mul3A_429 = arith.muli %scan3A_76, %mul3A_428 : i32
      %add3A_430 = arith.constant 5 : i32
      %add3A_431 = arith.addi %mul3A_429, %add3A_430 : i32
      %dma_wait3A_432 = arith.constant 0 : i32
      %dma_wait3A_433 = tpu.memref_slice %arg6[%dma_wait3A_432] : memref<4096xi32, #tpu.memory_space<vmem>> -> memref<64xi32, #tpu.memory_space<vmem>>
      %dma_wait3A_434 = arith.constant 0 : i32
      %dma_wait3A_435 = arith.constant 0 : i32
      %dma_wait3A_436 = tpu.memref_slice %arg3[%dma_wait3A_434, %dma_wait3A_435] : memref<100000x128xf32, #tpu.memory_space<hbm>> -> memref<100000x128xf32, #tpu.memory_space<hbm>>
      tpu.wait_indirect_dma semaphore(%arg21 : memref<!tpu.dma_semaphore, #tpu.memory_space<semaphore_mem>>) src(%dma_wait3A_436 : memref<100000x128xf32, #tpu.memory_space<hbm>>) dst(%arg12 : memref<64x128xf32, #tpu.memory_space<vmem>>)
      %scan3A_437 = arith.constant 0 : i32
      %scan3A_438 = arith.constant 0 : i32
      %mul3A_439 = arith.constant 1 : i32
      %mul3A_440 = arith.muli %add3A_431, %mul3A_439 : i32
      %add3A_441 = arith.addi %mul3A_440, %scan3A_438 : i32
      %get3A_442 = arith.index_cast %add3A_441 : i32 to index
      %get3A_443 = arith.constant 0 : index
      %get3A_444 = tpu.vector_load %arg15[%get3A_442, %get3A_443] {strides = array<i32>} : memref<64x128xf32, #tpu.memory_space<vmem>>, vector<1x16xf32>,
      %get3A_445 = vector.shape_cast %get3A_444 : vector<1x16xf32> to vector<16xf32>
      %get3A_446 = arith.index_cast %add3A_441 : i32 to index
      %get3A_447 = arith.constant 16 : index
      %get3A_448 = tpu.vector_load %arg15[%get3A_446, %get3A_447] {strides = array<i32>} : memref<64x128xf32, #tpu.memory_space<vmem>>, vector<1x16xf32>,
      %get3A_449 = vector.shape_cast %get3A_448 : vector<1x16xf32> to vector<16xf32>
      %get3A_450 = arith.index_cast %add3A_441 : i32 to index
      %get3A_451 = arith.constant 32 : index
      %get3A_452 = tpu.vector_load %arg15[%get3A_450, %get3A_451] {strides = array<i32>} : memref<64x128xf32, #tpu.memory_space<vmem>>, vector<1x16xf32>,
      %get3A_453 = vector.shape_cast %get3A_452 : vector<1x16xf32> to vector<16xf32>
      %get3A_454 = arith.index_cast %add3A_441 : i32 to index
      %get3A_455 = arith.constant 48 : index
      %get3A_456 = tpu.vector_load %arg15[%get3A_454, %get3A_455] {strides = array<i32>} : memref<64x128xf32, #tpu.memory_space<vmem>>, vector<1x16xf32>,
      %get3A_457 = vector.shape_cast %get3A_456 : vector<1x16xf32> to vector<16xf32>
      %get3A_458 = arith.index_cast %add3A_441 : i32 to index
      %get3A_459 = arith.constant 64 : index
      %get3A_460 = tpu.vector_load %arg15[%get3A_458, %get3A_459] {strides = array<i32>} : memref<64x128xf32, #tpu.memory_space<vmem>>, vector<1x16xf32>,
      %get3A_461 = vector.shape_cast %get3A_460 : vector<1x16xf32> to vector<16xf32>
      %get3A_462 = arith.index_cast %add3A_441 : i32 to index
      %get3A_463 = arith.constant 80 : index
      %get3A_464 = tpu.vector_load %arg15[%get3A_462, %get3A_463] {strides = array<i32>} : memref<64x128xf32, #tpu.memory_space<vmem>>, vector<1x16xf32>,
      %get3A_465 = vector.shape_cast %get3A_464 : vector<1x16xf32> to vector<16xf32>
      %get3A_466 = arith.index_cast %add3A_441 : i32 to index
      %get3A_467 = arith.constant 96 : index
      %get3A_468 = tpu.vector_load %arg15[%get3A_466, %get3A_467] {strides = array<i32>} : memref<64x128xf32, #tpu.memory_space<vmem>>, vector<1x16xf32>,
      %get3A_469 = vector.shape_cast %get3A_468 : vector<1x16xf32> to vector<16xf32>
      %get3A_470 = arith.index_cast %add3A_441 : i32 to index
      %get3A_471 = arith.constant 112 : index
      %get3A_472 = tpu.vector_load %arg15[%get3A_470, %get3A_471] {strides = array<i32>} : memref<64x128xf32, #tpu.memory_space<vmem>>, vector<1x16xf32>,
      %get3A_473 = vector.shape_cast %get3A_472 : vector<1x16xf32> to vector<16xf32>
      %scan3A_474 = arith.constant 0 : i32
      %scan3A_475 = arith.constant 0 : i32
      %scan3A_476 = arith.constant 16 : i32
      %scan3A_477 = arith.addi %scan3A_475, %scan3A_476 : i32
      %scan3A_478 = arith.constant 1 : i32
      %scan3A_479 = scf.for %scan3A_642 = %scan3A_475 to %scan3A_477 step %scan3A_478 iter_args(%scan3A_643 = %scan3A_474) -> (i32)  : i32 {
        %mul3A_644 = arith.constant 64 : i32
        %mul3A_645 = arith.muli %scan3A_438, %mul3A_644 : i32
        %mul3A_646 = arith.constant 4 : i32
        %mul3A_647 = arith.muli %scan3A_642, %mul3A_646 : i32
        %add3A_648 = arith.addi %mul3A_645, %mul3A_647 : i32
        %add3A_649 = arith.constant 0 : i32
        %add3A_650 = arith.addi %add3A_648, %add3A_649 : i32
        %swap3A = arith.index_cast %add3A_650 : i32 to index
        %swap3A_651 = arith.constant 0 : index
        %swap3A_652 = tpu.vector_load %arg12[%swap3A, %swap3A_651] {strides = array<i32>} : memref<64x128xf32, #tpu.memory_space<vmem>>, vector<1x16xf32>,
        %swap3A_653 = vector.shape_cast %swap3A_652 : vector<1x16xf32> to vector<16xf32>
        %swap3A_654 = vector.shape_cast %get3A_445 : vector<16xf32> to vector<1x16xf32>
        tpu.vector_store %arg12[%swap3A, %swap3A_651], %swap3A_654 {add = true, strides = array<i32>} : memref<64x128xf32, #tpu.memory_space<vmem>>, vector<1x16xf32>,
        %add3A_655 = arith.constant 0 : i32
        %add3A_656 = arith.addi %add3A_648, %add3A_655 : i32
        %swap3A_657 = arith.index_cast %add3A_656 : i32 to index
        %swap3A_658 = arith.constant 16 : index
        %swap3A_659 = tpu.vector_load %arg12[%swap3A_657, %swap3A_658] {strides = array<i32>} : memref<64x128xf32, #tpu.memory_space<vmem>>, vector<1x16xf32>,
        %swap3A_660 = vector.shape_cast %swap3A_659 : vector<1x16xf32> to vector<16xf32>
        %swap3A_661 = vector.shape_cast %get3A_449 : vector<16xf32> to vector<1x16xf32>
        tpu.vector_store %arg12[%swap3A_657, %swap3A_658], %swap3A_661 {add = true, strides = array<i32>} : memref<64x128xf32, #tpu.memory_space<vmem>>, vector<1x16xf32>,
        %add3A_662 = arith.constant 0 : i32
        %add3A_663 = arith.addi %add3A_648, %add3A_662 : i32
        %swap3A_664 = arith.index_cast %add3A_663 : i32 to index
        %swap3A_665 = arith.constant 32 : index
        %swap3A_666 = tpu.vector_load %arg12[%swap3A_664, %swap3A_665] {strides = array<i32>} : memref<64x128xf32, #tpu.memory_space<vmem>>, vector<1x16xf32>,
        %swap3A_667 = vector.shape_cast %swap3A_666 : vector<1x16xf32> to vector<16xf32>
        %swap3A_668 = vector.shape_cast %get3A_453 : vector<16xf32> to vector<1x16xf32>
        tpu.vector_store %arg12[%swap3A_664, %swap3A_665], %swap3A_668 {add = true, strides = array<i32>} : memref<64x128xf32, #tpu.memory_space<vmem>>, vector<1x16xf32>,
        %add3A_669 = arith.constant 0 : i32
        %add3A_670 = arith.addi %add3A_648, %add3A_669 : i32
        %swap3A_671 = arith.index_cast %add3A_670 : i32 to index
        %swap3A_672 = arith.constant 48 : index
        %swap3A_673 = tpu.vector_load %arg12[%swap3A_671, %swap3A_672] {strides = array<i32>} : memref<64x128xf32, #tpu.memory_space<vmem>>, vector<1x16xf32>,
        %swap3A_674 = vector.shape_cast %swap3A_673 : vector<1x16xf32> to vector<16xf32>
        %swap3A_675 = vector.shape_cast %get3A_457 : vector<16xf32> to vector<1x16xf32>
        tpu.vector_store %arg12[%swap3A_671, %swap3A_672], %swap3A_675 {add = true, strides = array<i32>} : memref<64x128xf32, #tpu.memory_space<vmem>>, vector<1x16xf32>,
        %add3A_676 = arith.constant 0 : i32
        %add3A_677 = arith.addi %add3A_648, %add3A_676 : i32
        %swap3A_678 = arith.index_cast %add3A_677 : i32 to index
        %swap3A_679 = arith.constant 64 : index
        %swap3A_680 = tpu.vector_load %arg12[%swap3A_678, %swap3A_679] {strides = array<i32>} : memref<64x128xf32, #tpu.memory_space<vmem>>, vector<1x16xf32>,
        %swap3A_681 = vector.shape_cast %swap3A_680 : vector<1x16xf32> to vector<16xf32>
        %swap3A_682 = vector.shape_cast %get3A_461 : vector<16xf32> to vector<1x16xf32>
        tpu.vector_store %arg12[%swap3A_678, %swap3A_679], %swap3A_682 {add = true, strides = array<i32>} : memref<64x128xf32, #tpu.memory_space<vmem>>, vector<1x16xf32>,
        %add3A_683 = arith.constant 0 : i32
        %add3A_684 = arith.addi %add3A_648, %add3A_683 : i32
        %swap3A_685 = arith.index_cast %add3A_684 : i32 to index
        %swap3A_686 = arith.constant 80 : index
        %swap3A_687 = tpu.vector_load %arg12[%swap3A_685, %swap3A_686] {strides = array<i32>} : memref<64x128xf32, #tpu.memory_space<vmem>>, vector<1x16xf32>,
        %swap3A_688 = vector.shape_cast %swap3A_687 : vector<1x16xf32> to vector<16xf32>
        %swap3A_689 = vector.shape_cast %get3A_465 : vector<16xf32> to vector<1x16xf32>
        tpu.vector_store %arg12[%swap3A_685, %swap3A_686], %swap3A_689 {add = true, strides = array<i32>} : memref<64x128xf32, #tpu.memory_space<vmem>>, vector<1x16xf32>,
        %add3A_690 = arith.constant 0 : i32
        %add3A_691 = arith.addi %add3A_648, %add3A_690 : i32
        %swap3A_692 = arith.index_cast %add3A_691 : i32 to index
        %swap3A_693 = arith.constant 96 : index
        %swap3A_694 = tpu.vector_load %arg12[%swap3A_692, %swap3A_693] {strides = array<i32>} : memref<64x128xf32, #tpu.memory_space<vmem>>, vector<1x16xf32>,
        %swap3A_695 = vector.shape_cast %swap3A_694 : vector<1x16xf32> to vector<16xf32>
        %swap3A_696 = vector.shape_cast %get3A_469 : vector<16xf32> to vector<1x16xf32>
        tpu.vector_store %arg12[%swap3A_692, %swap3A_693], %swap3A_696 {add = true, strides = array<i32>} : memref<64x128xf32, #tpu.memory_space<vmem>>, vector<1x16xf32>,
        %add3A_697 = arith.constant 0 : i32
        %add3A_698 = arith.addi %add3A_648, %add3A_697 : i32
        %swap3A_699 = arith.index_cast %add3A_698 : i32 to index
        %swap3A_700 = arith.constant 112 : index
        %swap3A_701 = tpu.vector_load %arg12[%swap3A_699, %swap3A_700] {strides = array<i32>} : memref<64x128xf32, #tpu.memory_space<vmem>>, vector<1x16xf32>,
        %swap3A_702 = vector.shape_cast %swap3A_701 : vector<1x16xf32> to vector<16xf32>
        %swap3A_703 = vector.shape_cast %get3A_473 : vector<16xf32> to vector<1x16xf32>
        tpu.vector_store %arg12[%swap3A_699, %swap3A_700], %swap3A_703 {add = true, strides = array<i32>} : memref<64x128xf32, #tpu.memory_space<vmem>>, vector<1x16xf32>,
        %add3A_704 = arith.constant 1 : i32
        %add3A_705 = arith.addi %add3A_648, %add3A_704 : i32
        %swap3A_706 = arith.index_cast %add3A_705 : i32 to index
        %swap3A_707 = arith.constant 0 : index
        %swap3A_708 = tpu.vector_load %arg12[%swap3A_706, %swap3A_707] {strides = array<i32>} : memref<64x128xf32, #tpu.memory_space<vmem>>, vector<1x16xf32>,
        %swap3A_709 = vector.shape_cast %swap3A_708 : vector<1x16xf32> to vector<16xf32>
        %swap3A_710 = vector.shape_cast %get3A_445 : vector<16xf32> to vector<1x16xf32>
        tpu.vector_store %arg12[%swap3A_706, %swap3A_707], %swap3A_710 {add = true, strides = array<i32>} : memref<64x128xf32, #tpu.memory_space<vmem>>, vector<1x16xf32>,
        %add3A_711 = arith.constant 1 : i32
        %add3A_712 = arith.addi %add3A_648, %add3A_711 : i32
        %swap3A_713 = arith.index_cast %add3A_712 : i32 to index
        %swap3A_714 = arith.constant 16 : index
        %swap3A_715 = tpu.vector_load %arg12[%swap3A_713, %swap3A_714] {strides = array<i32>} : memref<64x128xf32, #tpu.memory_space<vmem>>, vector<1x16xf32>,
        %swap3A_716 = vector.shape_cast %swap3A_715 : vector<1x16xf32> to vector<16xf32>
        %swap3A_717 = vector.shape_cast %get3A_449 : vector<16xf32> to vector<1x16xf32>
        tpu.vector_store %arg12[%swap3A_713, %swap3A_714], %swap3A_717 {add = true, strides = array<i32>} : memref<64x128xf32, #tpu.memory_space<vmem>>, vector<1x16xf32>,
        %add3A_718 = arith.constant 1 : i32
        %add3A_719 = arith.addi %add3A_648, %add3A_718 : i32
        %swap3A_720 = arith.index_cast %add3A_719 : i32 to index
        %swap3A_721 = arith.constant 32 : index
        %swap3A_722 = tpu.vector_load %arg12[%swap3A_720, %swap3A_721] {strides = array<i32>} : memref<64x128xf32, #tpu.memory_space<vmem>>, vector<1x16xf32>,
        %swap3A_723 = vector.shape_cast %swap3A_722 : vector<1x16xf32> to vector<16xf32>
        %swap3A_724 = vector.shape_cast %get3A_453 : vector<16xf32> to vector<1x16xf32>
        tpu.vector_store %arg12[%swap3A_720, %swap3A_721], %swap3A_724 {add = true, strides = array<i32>} : memref<64x128xf32, #tpu.memory_space<vmem>>, vector<1x16xf32>,
        %add3A_725 = arith.constant 1 : i32
        %add3A_726 = arith.addi %add3A_648, %add3A_725 : i32
        %swap3A_727 = arith.index_cast %add3A_726 : i32 to index
        %swap3A_728 = arith.constant 48 : index
        %swap3A_729 = tpu.vector_load %arg12[%swap3A_727, %swap3A_728] {strides = array<i32>} : memref<64x128xf32, #tpu.memory_space<vmem>>, vector<1x16xf32>,
        %swap3A_730 = vector.shape_cast %swap3A_729 : vector<1x16xf32> to vector<16xf32>
        %swap3A_731 = vector.shape_cast %get3A_457 : vector<16xf32> to vector<1x16xf32>
        tpu.vector_store %arg12[%swap3A_727, %swap3A_728], %swap3A_731 {add = true, strides = array<i32>} : memref<64x128xf32, #tpu.memory_space<vmem>>, vector<1x16xf32>,
        %add3A_732 = arith.constant 1 : i32
        %add3A_733 = arith.addi %add3A_648, %add3A_732 : i32
        %swap3A_734 = arith.index_cast %add3A_733 : i32 to index
        %swap3A_735 = arith.constant 64 : index
        %swap3A_736 = tpu.vector_load %arg12[%swap3A_734, %swap3A_735] {strides = array<i32>} : memref<64x128xf32, #tpu.memory_space<vmem>>, vector<1x16xf32>,
        %swap3A_737 = vector.shape_cast %swap3A_736 : vector<1x16xf32> to vector<16xf32>
        %swap3A_738 = vector.shape_cast %get3A_461 : vector<16xf32> to vector<1x16xf32>
        tpu.vector_store %arg12[%swap3A_734, %swap3A_735], %swap3A_738 {add = true, strides = array<i32>} : memref<64x128xf32, #tpu.memory_space<vmem>>, vector<1x16xf32>,
        %add3A_739 = arith.constant 1 : i32
        %add3A_740 = arith.addi %add3A_648, %add3A_739 : i32
        %swap3A_741 = arith.index_cast %add3A_740 : i32 to index
        %swap3A_742 = arith.constant 80 : index
        %swap3A_743 = tpu.vector_load %arg12[%swap3A_741, %swap3A_742] {strides = array<i32>} : memref<64x128xf32, #tpu.memory_space<vmem>>, vector<1x16xf32>,
        %swap3A_744 = vector.shape_cast %swap3A_743 : vector<1x16xf32> to vector<16xf32>
        %swap3A_745 = vector.shape_cast %get3A_465 : vector<16xf32> to vector<1x16xf32>
        tpu.vector_store %arg12[%swap3A_741, %swap3A_742], %swap3A_745 {add = true, strides = array<i32>} : memref<64x128xf32, #tpu.memory_space<vmem>>, vector<1x16xf32>,
        %add3A_746 = arith.constant 1 : i32
        %add3A_747 = arith.addi %add3A_648, %add3A_746 : i32
        %swap3A_748 = arith.index_cast %add3A_747 : i32 to index
        %swap3A_749 = arith.constant 96 : index
        %swap3A_750 = tpu.vector_load %arg12[%swap3A_748, %swap3A_749] {strides = array<i32>} : memref<64x128xf32, #tpu.memory_space<vmem>>, vector<1x16xf32>,
        %swap3A_751 = vector.shape_cast %swap3A_750 : vector<1x16xf32> to vector<16xf32>
        %swap3A_752 = vector.shape_cast %get3A_469 : vector<16xf32> to vector<1x16xf32>
        tpu.vector_store %arg12[%swap3A_748, %swap3A_749], %swap3A_752 {add = true, strides = array<i32>} : memref<64x128xf32, #tpu.memory_space<vmem>>, vector<1x16xf32>,
        %add3A_753 = arith.constant 1 : i32
        %add3A_754 = arith.addi %add3A_648, %add3A_753 : i32
        %swap3A_755 = arith.index_cast %add3A_754 : i32 to index
        %swap3A_756 = arith.constant 112 : index
        %swap3A_757 = tpu.vector_load %arg12[%swap3A_755, %swap3A_756] {strides = array<i32>} : memref<64x128xf32, #tpu.memory_space<vmem>>, vector<1x16xf32>,
        %swap3A_758 = vector.shape_cast %swap3A_757 : vector<1x16xf32> to vector<16xf32>
        %swap3A_759 = vector.shape_cast %get3A_473 : vector<16xf32> to vector<1x16xf32>
        tpu.vector_store %arg12[%swap3A_755, %swap3A_756], %swap3A_759 {add = true, strides = array<i32>} : memref<64x128xf32, #tpu.memory_space<vmem>>, vector<1x16xf32>,
        %add3A_760 = arith.constant 2 : i32
        %add3A_761 = arith.addi %add3A_648, %add3A_760 : i32
        %swap3A_762 = arith.index_cast %add3A_761 : i32 to index
        %swap3A_763 = arith.constant 0 : index
        %swap3A_764 = tpu.vector_load %arg12[%swap3A_762, %swap3A_763] {strides = array<i32>} : memref<64x128xf32, #tpu.memory_space<vmem>>, vector<1x16xf32>,
        %swap3A_765 = vector.shape_cast %swap3A_764 : vector<1x16xf32> to vector<16xf32>
        %swap3A_766 = vector.shape_cast %get3A_445 : vector<16xf32> to vector<1x16xf32>
        tpu.vector_store %arg12[%swap3A_762, %swap3A_763], %swap3A_766 {add = true, strides = array<i32>} : memref<64x128xf32, #tpu.memory_space<vmem>>, vector<1x16xf32>,
        %add3A_767 = arith.constant 2 : i32
        %add3A_768 = arith.addi %add3A_648, %add3A_767 : i32
        %swap3A_769 = arith.index_cast %add3A_768 : i32 to index
        %swap3A_770 = arith.constant 16 : index
        %swap3A_771 = tpu.vector_load %arg12[%swap3A_769, %swap3A_770] {strides = array<i32>} : memref<64x128xf32, #tpu.memory_space<vmem>>, vector<1x16xf32>,
        %swap3A_772 = vector.shape_cast %swap3A_771 : vector<1x16xf32> to vector<16xf32>
        %swap3A_773 = vector.shape_cast %get3A_449 : vector<16xf32> to vector<1x16xf32>
        tpu.vector_store %arg12[%swap3A_769, %swap3A_770], %swap3A_773 {add = true, strides = array<i32>} : memref<64x128xf32, #tpu.memory_space<vmem>>, vector<1x16xf32>,
        %add3A_774 = arith.constant 2 : i32
        %add3A_775 = arith.addi %add3A_648, %add3A_774 : i32
        %swap3A_776 = arith.index_cast %add3A_775 : i32 to index
        %swap3A_777 = arith.constant 32 : index
        %swap3A_778 = tpu.vector_load %arg12[%swap3A_776, %swap3A_777] {strides = array<i32>} : memref<64x128xf32, #tpu.memory_space<vmem>>, vector<1x16xf32>,
        %swap3A_779 = vector.shape_cast %swap3A_778 : vector<1x16xf32> to vector<16xf32>
        %swap3A_780 = vector.shape_cast %get3A_453 : vector<16xf32> to vector<1x16xf32>
        tpu.vector_store %arg12[%swap3A_776, %swap3A_777], %swap3A_780 {add = true, strides = array<i32>} : memref<64x128xf32, #tpu.memory_space<vmem>>, vector<1x16xf32>,
        %add3A_781 = arith.constant 2 : i32
        %add3A_782 = arith.addi %add3A_648, %add3A_781 : i32
        %swap3A_783 = arith.index_cast %add3A_782 : i32 to index
        %swap3A_784 = arith.constant 48 : index
        %swap3A_785 = tpu.vector_load %arg12[%swap3A_783, %swap3A_784] {strides = array<i32>} : memref<64x128xf32, #tpu.memory_space<vmem>>, vector<1x16xf32>,
        %swap3A_786 = vector.shape_cast %swap3A_785 : vector<1x16xf32> to vector<16xf32>
        %swap3A_787 = vector.shape_cast %get3A_457 : vector<16xf32> to vector<1x16xf32>
        tpu.vector_store %arg12[%swap3A_783, %swap3A_784], %swap3A_787 {add = true, strides = array<i32>} : memref<64x128xf32, #tpu.memory_space<vmem>>, vector<1x16xf32>,
        %add3A_788 = arith.constant 2 : i32
        %add3A_789 = arith.addi %add3A_648, %add3A_788 : i32
        %swap3A_790 = arith.index_cast %add3A_789 : i32 to index
        %swap3A_791 = arith.constant 64 : index
        %swap3A_792 = tpu.vector_load %arg12[%swap3A_790, %swap3A_791] {strides = array<i32>} : memref<64x128xf32, #tpu.memory_space<vmem>>, vector<1x16xf32>,
        %swap3A_793 = vector.shape_cast %swap3A_792 : vector<1x16xf32> to vector<16xf32>
        %swap3A_794 = vector.shape_cast %get3A_461 : vector<16xf32> to vector<1x16xf32>
        tpu.vector_store %arg12[%swap3A_790, %swap3A_791], %swap3A_794 {add = true, strides = array<i32>} : memref<64x128xf32, #tpu.memory_space<vmem>>, vector<1x16xf32>,
        %add3A_795 = arith.constant 2 : i32
        %add3A_796 = arith.addi %add3A_648, %add3A_795 : i32
        %swap3A_797 = arith.index_cast %add3A_796 : i32 to index
        %swap3A_798 = arith.constant 80 : index
        %swap3A_799 = tpu.vector_load %arg12[%swap3A_797, %swap3A_798] {strides = array<i32>} : memref<64x128xf32, #tpu.memory_space<vmem>>, vector<1x16xf32>,
        %swap3A_800 = vector.shape_cast %swap3A_799 : vector<1x16xf32> to vector<16xf32>
        %swap3A_801 = vector.shape_cast %get3A_465 : vector<16xf32> to vector<1x16xf32>
        tpu.vector_store %arg12[%swap3A_797, %swap3A_798], %swap3A_801 {add = true, strides = array<i32>} : memref<64x128xf32, #tpu.memory_space<vmem>>, vector<1x16xf32>,
        %add3A_802 = arith.constant 2 : i32
        %add3A_803 = arith.addi %add3A_648, %add3A_802 : i32
        %swap3A_804 = arith.index_cast %add3A_803 : i32 to index
        %swap3A_805 = arith.constant 96 : index
        %swap3A_806 = tpu.vector_load %arg12[%swap3A_804, %swap3A_805] {strides = array<i32>} : memref<64x128xf32, #tpu.memory_space<vmem>>, vector<1x16xf32>,
        %swap3A_807 = vector.shape_cast %swap3A_806 : vector<1x16xf32> to vector<16xf32>
        %swap3A_808 = vector.shape_cast %get3A_469 : vector<16xf32> to vector<1x16xf32>
        tpu.vector_store %arg12[%swap3A_804, %swap3A_805], %swap3A_808 {add = true, strides = array<i32>} : memref<64x128xf32, #tpu.memory_space<vmem>>, vector<1x16xf32>,
        %add3A_809 = arith.constant 2 : i32
        %add3A_810 = arith.addi %add3A_648, %add3A_809 : i32
        %swap3A_811 = arith.index_cast %add3A_810 : i32 to index
        %swap3A_812 = arith.constant 112 : index
        %swap3A_813 = tpu.vector_load %arg12[%swap3A_811, %swap3A_812] {strides = array<i32>} : memref<64x128xf32, #tpu.memory_space<vmem>>, vector<1x16xf32>,
        %swap3A_814 = vector.shape_cast %swap3A_813 : vector<1x16xf32> to vector<16xf32>
        %swap3A_815 = vector.shape_cast %get3A_473 : vector<16xf32> to vector<1x16xf32>
        tpu.vector_store %arg12[%swap3A_811, %swap3A_812], %swap3A_815 {add = true, strides = array<i32>} : memref<64x128xf32, #tpu.memory_space<vmem>>, vector<1x16xf32>,
        %add3A_816 = arith.constant 3 : i32
        %add3A_817 = arith.addi %add3A_648, %add3A_816 : i32
        %swap3A_818 = arith.index_cast %add3A_817 : i32 to index
        %swap3A_819 = arith.constant 0 : index
        %swap3A_820 = tpu.vector_load %arg12[%swap3A_818, %swap3A_819] {strides = array<i32>} : memref<64x128xf32, #tpu.memory_space<vmem>>, vector<1x16xf32>,
        %swap3A_821 = vector.shape_cast %swap3A_820 : vector<1x16xf32> to vector<16xf32>
        %swap3A_822 = vector.shape_cast %get3A_445 : vector<16xf32> to vector<1x16xf32>
        tpu.vector_store %arg12[%swap3A_818, %swap3A_819], %swap3A_822 {add = true, strides = array<i32>} : memref<64x128xf32, #tpu.memory_space<vmem>>, vector<1x16xf32>,
        %add3A_823 = arith.constant 3 : i32
        %add3A_824 = arith.addi %add3A_648, %add3A_823 : i32
        %swap3A_825 = arith.index_cast %add3A_824 : i32 to index
        %swap3A_826 = arith.constant 16 : index
        %swap3A_827 = tpu.vector_load %arg12[%swap3A_825, %swap3A_826] {strides = array<i32>} : memref<64x128xf32, #tpu.memory_space<vmem>>, vector<1x16xf32>,
        %swap3A_828 = vector.shape_cast %swap3A_827 : vector<1x16xf32> to vector<16xf32>
        %swap3A_829 = vector.shape_cast %get3A_449 : vector<16xf32> to vector<1x16xf32>
        tpu.vector_store %arg12[%swap3A_825, %swap3A_826], %swap3A_829 {add = true, strides = array<i32>} : memref<64x128xf32, #tpu.memory_space<vmem>>, vector<1x16xf32>,
        %add3A_830 = arith.constant 3 : i32
        %add3A_831 = arith.addi %add3A_648, %add3A_830 : i32
        %swap3A_832 = arith.index_cast %add3A_831 : i32 to index
        %swap3A_833 = arith.constant 32 : index
        %swap3A_834 = tpu.vector_load %arg12[%swap3A_832, %swap3A_833] {strides = array<i32>} : memref<64x128xf32, #tpu.memory_space<vmem>>, vector<1x16xf32>,
        %swap3A_835 = vector.shape_cast %swap3A_834 : vector<1x16xf32> to vector<16xf32>
        %swap3A_836 = vector.shape_cast %get3A_453 : vector<16xf32> to vector<1x16xf32>
        tpu.vector_store %arg12[%swap3A_832, %swap3A_833], %swap3A_836 {add = true, strides = array<i32>} : memref<64x128xf32, #tpu.memory_space<vmem>>, vector<1x16xf32>,
        %add3A_837 = arith.constant 3 : i32
        %add3A_838 = arith.addi %add3A_648, %add3A_837 : i32
        %swap3A_839 = arith.index_cast %add3A_838 : i32 to index
        %swap3A_840 = arith.constant 48 : index
        %swap3A_841 = tpu.vector_load %arg12[%swap3A_839, %swap3A_840] {strides = array<i32>} : memref<64x128xf32, #tpu.memory_space<vmem>>, vector<1x16xf32>,
        %swap3A_842 = vector.shape_cast %swap3A_841 : vector<1x16xf32> to vector<16xf32>
        %swap3A_843 = vector.shape_cast %get3A_457 : vector<16xf32> to vector<1x16xf32>
        tpu.vector_store %arg12[%swap3A_839, %swap3A_840], %swap3A_843 {add = true, strides = array<i32>} : memref<64x128xf32, #tpu.memory_space<vmem>>, vector<1x16xf32>,
        %add3A_844 = arith.constant 3 : i32
        %add3A_845 = arith.addi %add3A_648, %add3A_844 : i32
        %swap3A_846 = arith.index_cast %add3A_845 : i32 to index
        %swap3A_847 = arith.constant 64 : index
        %swap3A_848 = tpu.vector_load %arg12[%swap3A_846, %swap3A_847] {strides = array<i32>} : memref<64x128xf32, #tpu.memory_space<vmem>>, vector<1x16xf32>,
        %swap3A_849 = vector.shape_cast %swap3A_848 : vector<1x16xf32> to vector<16xf32>
        %swap3A_850 = vector.shape_cast %get3A_461 : vector<16xf32> to vector<1x16xf32>
        tpu.vector_store %arg12[%swap3A_846, %swap3A_847], %swap3A_850 {add = true, strides = array<i32>} : memref<64x128xf32, #tpu.memory_space<vmem>>, vector<1x16xf32>,
        %add3A_851 = arith.constant 3 : i32
        %add3A_852 = arith.addi %add3A_648, %add3A_851 : i32
        %swap3A_853 = arith.index_cast %add3A_852 : i32 to index
        %swap3A_854 = arith.constant 80 : index
        %swap3A_855 = tpu.vector_load %arg12[%swap3A_853, %swap3A_854] {strides = array<i32>} : memref<64x128xf32, #tpu.memory_space<vmem>>, vector<1x16xf32>,
        %swap3A_856 = vector.shape_cast %swap3A_855 : vector<1x16xf32> to vector<16xf32>
        %swap3A_857 = vector.shape_cast %get3A_465 : vector<16xf32> to vector<1x16xf32>
        tpu.vector_store %arg12[%swap3A_853, %swap3A_854], %swap3A_857 {add = true, strides = array<i32>} : memref<64x128xf32, #tpu.memory_space<vmem>>, vector<1x16xf32>,
        %add3A_858 = arith.constant 3 : i32
        %add3A_859 = arith.addi %add3A_648, %add3A_858 : i32
        %swap3A_860 = arith.index_cast %add3A_859 : i32 to index
        %swap3A_861 = arith.constant 96 : index
        %swap3A_862 = tpu.vector_load %arg12[%swap3A_860, %swap3A_861] {strides = array<i32>} : memref<64x128xf32, #tpu.memory_space<vmem>>, vector<1x16xf32>,
        %swap3A_863 = vector.shape_cast %swap3A_862 : vector<1x16xf32> to vector<16xf32>
        %swap3A_864 = vector.shape_cast %get3A_469 : vector<16xf32> to vector<1x16xf32>
        tpu.vector_store %arg12[%swap3A_860, %swap3A_861], %swap3A_864 {add = true, strides = array<i32>} : memref<64x128xf32, #tpu.memory_space<vmem>>, vector<1x16xf32>,
        %add3A_865 = arith.constant 3 : i32
        %add3A_866 = arith.addi %add3A_648, %add3A_865 : i32
        %swap3A_867 = arith.index_cast %add3A_866 : i32 to index
        %swap3A_868 = arith.constant 112 : index
        %swap3A_869 = tpu.vector_load %arg12[%swap3A_867, %swap3A_868] {strides = array<i32>} : memref<64x128xf32, #tpu.memory_space<vmem>>, vector<1x16xf32>,
        %swap3A_870 = vector.shape_cast %swap3A_869 : vector<1x16xf32> to vector<16xf32>
        %swap3A_871 = vector.shape_cast %get3A_473 : vector<16xf32> to vector<1x16xf32>
        tpu.vector_store %arg12[%swap3A_867, %swap3A_868], %swap3A_871 {add = true, strides = array<i32>} : memref<64x128xf32, #tpu.memory_space<vmem>>, vector<1x16xf32>,
        %scan3A_872 = arith.constant 0 : i32
        scf.yield %scan3A_872 : i32
      }
      %scan3A_480 = arith.constant 16 : i32
      %scan3A_481 = arith.constant 0 : i32
      %scan3A_482 = arith.constant 1 : i32
      %mul3A_483 = arith.constant 64 : i32
      %mul3A_484 = arith.muli %add3A_431, %mul3A_483 : i32
      %add3A_485 = arith.addi %mul3A_2, %mul3A_484 : i32
      %dma_start3A_486 = arith.constant 0 : i32
      %dma_start3A_487 = tpu.memref_slice %arg5[%add3A_485, %dma_start3A_486] : memref<131072x128xf32, #tpu.memory_space<hbm>> -> memref<64x128xf32, #tpu.memory_space<hbm>>
      %dma_start3A_488 = arith.constant 0 : i32
      %dma_start3A_489 = tpu.memref_slice %arg5[%add3A_485, %dma_start3A_488] : memref<131072x128xf32, #tpu.memory_space<hbm>> -> memref<64x128xf32, #tpu.memory_space<hbm>>
      tpu.enqueue_dma source(%arg12 : memref<64x128xf32, #tpu.memory_space<vmem>>) target(%dma_start3A_489 : memref<64x128xf32, #tpu.memory_space<hbm>>) target_semaphore(%arg29 : memref<!tpu.dma_semaphore, #tpu.memory_space<semaphore_mem>>)
      %add3A_490 = arith.constant 8 : i32
      %add3A_491 = arith.addi %add3A_431, %add3A_490 : i32
      %sub3A_492 = arith.constant 1 : i32
      %sub3A_493 = arith.subi %add3A_491, %sub3A_492 : i32
      %lt3A_494 = arith.constant 64 : i32
      %lt3A_495 = arith.cmpi slt, %sub3A_493, %lt3A_494 : i32
      %convert_element_type3A_496 = arith.extui %lt3A_495 : i1 to i32
      %cond3A_497 = arith.constant 0 : i32
      %cond3A_498 = arith.cmpi ne, %convert_element_type3A_496, %cond3A_497 : i32
      scf.if %cond3A_498 {
        %ge3A = arith.constant 8 : i32
        %ge3A_642 = arith.cmpi sge, %sub3A_493, %ge3A : i32
        %convert_element_type3A_643 = arith.extui %ge3A_642 : i1 to i32
        %cond3A_644 = arith.constant 0 : i32
        %cond3A_645 = arith.cmpi ne, %convert_element_type3A_643, %cond3A_644 : i32
        scf.if %cond3A_645 {
          %dma_wait3A_652 = arith.constant 0 : i32
          %dma_wait3A_653 = tpu.memref_slice %arg5[%mul3A_2, %dma_wait3A_652] : memref<131072x128xf32, #tpu.memory_space<hbm>> -> memref<64x128xf32, #tpu.memory_space<hbm>>
          %dma_wait3A_654 = arith.constant 0 : i32
          %dma_wait3A_655 = tpu.memref_slice %arg5[%mul3A_2, %dma_wait3A_654] : memref<131072x128xf32, #tpu.memory_space<hbm>> -> memref<64x128xf32, #tpu.memory_space<hbm>>
          tpu.wait_dma2 semaphore(%arg28 : memref<!tpu.dma_semaphore, #tpu.memory_space<semaphore_mem>>) src(%arg11 : memref<64x128xf32, #tpu.memory_space<vmem>>) dst(%dma_wait3A_655 : memref<64x128xf32, #tpu.memory_space<hbm>>)
        } else {
        }
        %mul3A_646 = arith.constant 64 : i32
        %mul3A_647 = arith.muli %sub3A_493, %mul3A_646 : i32
        %dma_start3A_648 = tpu.memref_slice %arg6[%mul3A_647] : memref<4096xi32, #tpu.memory_space<vmem>> -> memref<64xi32, #tpu.memory_space<vmem>>
        %dma_start3A_649 = arith.constant 0 : i32
        %dma_start3A_650 = arith.constant 0 : i32
        %dma_start3A_651 = tpu.memref_slice %arg3[%dma_start3A_649, %dma_start3A_650] : memref<100000x128xf32, #tpu.memory_space<hbm>> -> memref<100000x128xf32, #tpu.memory_space<hbm>>
        tpu.enqueue_indirect_dma source(%dma_start3A_651 : memref<100000x128xf32, #tpu.memory_space<hbm>>) target(%arg11 : memref<64x128xf32, #tpu.memory_space<vmem>>) offsets(%dma_start3A_648 : memref<64xi32, #tpu.memory_space<vmem>>) semaphore(%arg20 : memref<!tpu.dma_semaphore, #tpu.memory_space<semaphore_mem>>)
      } else {
      }
      %mul3A_499 = arith.constant 8 : i32
      %mul3A_500 = arith.muli %scan3A_76, %mul3A_499 : i32
      %add3A_501 = arith.constant 6 : i32
      %add3A_502 = arith.addi %mul3A_500, %add3A_501 : i32
      %dma_wait3A_503 = arith.constant 0 : i32
      %dma_wait3A_504 = tpu.memref_slice %arg6[%dma_wait3A_503] : memref<4096xi32, #tpu.memory_space<vmem>> -> memref<64xi32, #tpu.memory_space<vmem>>
      %dma_wait3A_505 = arith.constant 0 : i32
      %dma_wait3A_506 = arith.constant 0 : i32
      %dma_wait3A_507 = tpu.memref_slice %arg3[%dma_wait3A_505, %dma_wait3A_506] : memref<100000x128xf32, #tpu.memory_space<hbm>> -> memref<100000x128xf32, #tpu.memory_space<hbm>>
      tpu.wait_indirect_dma semaphore(%arg22 : memref<!tpu.dma_semaphore, #tpu.memory_space<semaphore_mem>>) src(%dma_wait3A_507 : memref<100000x128xf32, #tpu.memory_space<hbm>>) dst(%arg13 : memref<64x128xf32, #tpu.memory_space<vmem>>)
      %scan3A_508 = arith.constant 0 : i32
      %scan3A_509 = arith.constant 0 : i32
      %mul3A_510 = arith.constant 1 : i32
      %mul3A_511 = arith.muli %add3A_502, %mul3A_510 : i32
      %add3A_512 = arith.addi %mul3A_511, %scan3A_509 : i32
      %get3A_513 = arith.index_cast %add3A_512 : i32 to index
      %get3A_514 = arith.constant 0 : index
      %get3A_515 = tpu.vector_load %arg15[%get3A_513, %get3A_514] {strides = array<i32>} : memref<64x128xf32, #tpu.memory_space<vmem>>, vector<1x16xf32>,
      %get3A_516 = vector.shape_cast %get3A_515 : vector<1x16xf32> to vector<16xf32>
      %get3A_517 = arith.index_cast %add3A_512 : i32 to index
      %get3A_518 = arith.constant 16 : index
      %get3A_519 = tpu.vector_load %arg15[%get3A_517, %get3A_518] {strides = array<i32>} : memref<64x128xf32, #tpu.memory_space<vmem>>, vector<1x16xf32>,
      %get3A_520 = vector.shape_cast %get3A_519 : vector<1x16xf32> to vector<16xf32>
      %get3A_521 = arith.index_cast %add3A_512 : i32 to index
      %get3A_522 = arith.constant 32 : index
      %get3A_523 = tpu.vector_load %arg15[%get3A_521, %get3A_522] {strides = array<i32>} : memref<64x128xf32, #tpu.memory_space<vmem>>, vector<1x16xf32>,
      %get3A_524 = vector.shape_cast %get3A_523 : vector<1x16xf32> to vector<16xf32>
      %get3A_525 = arith.index_cast %add3A_512 : i32 to index
      %get3A_526 = arith.constant 48 : index
      %get3A_527 = tpu.vector_load %arg15[%get3A_525, %get3A_526] {strides = array<i32>} : memref<64x128xf32, #tpu.memory_space<vmem>>, vector<1x16xf32>,
      %get3A_528 = vector.shape_cast %get3A_527 : vector<1x16xf32> to vector<16xf32>
      %get3A_529 = arith.index_cast %add3A_512 : i32 to index
      %get3A_530 = arith.constant 64 : index
      %get3A_531 = tpu.vector_load %arg15[%get3A_529, %get3A_530] {strides = array<i32>} : memref<64x128xf32, #tpu.memory_space<vmem>>, vector<1x16xf32>,
      %get3A_532 = vector.shape_cast %get3A_531 : vector<1x16xf32> to vector<16xf32>
      %get3A_533 = arith.index_cast %add3A_512 : i32 to index
      %get3A_534 = arith.constant 80 : index
      %get3A_535 = tpu.vector_load %arg15[%get3A_533, %get3A_534] {strides = array<i32>} : memref<64x128xf32, #tpu.memory_space<vmem>>, vector<1x16xf32>,
      %get3A_536 = vector.shape_cast %get3A_535 : vector<1x16xf32> to vector<16xf32>
      %get3A_537 = arith.index_cast %add3A_512 : i32 to index
      %get3A_538 = arith.constant 96 : index
      %get3A_539 = tpu.vector_load %arg15[%get3A_537, %get3A_538] {strides = array<i32>} : memref<64x128xf32, #tpu.memory_space<vmem>>, vector<1x16xf32>,
      %get3A_540 = vector.shape_cast %get3A_539 : vector<1x16xf32> to vector<16xf32>
      %get3A_541 = arith.index_cast %add3A_512 : i32 to index
      %get3A_542 = arith.constant 112 : index
      %get3A_543 = tpu.vector_load %arg15[%get3A_541, %get3A_542] {strides = array<i32>} : memref<64x128xf32, #tpu.memory_space<vmem>>, vector<1x16xf32>,
      %get3A_544 = vector.shape_cast %get3A_543 : vector<1x16xf32> to vector<16xf32>
      %scan3A_545 = arith.constant 0 : i32
      %scan3A_546 = arith.constant 0 : i32
      %scan3A_547 = arith.constant 16 : i32
      %scan3A_548 = arith.addi %scan3A_546, %scan3A_547 : i32
      %scan3A_549 = arith.constant 1 : i32
      %scan3A_550 = scf.for %scan3A_642 = %scan3A_546 to %scan3A_548 step %scan3A_549 iter_args(%scan3A_643 = %scan3A_545) -> (i32)  : i32 {
        %mul3A_644 = arith.constant 64 : i32
        %mul3A_645 = arith.muli %scan3A_509, %mul3A_644 : i32
        %mul3A_646 = arith.constant 4 : i32
        %mul3A_647 = arith.muli %scan3A_642, %mul3A_646 : i32
        %add3A_648 = arith.addi %mul3A_645, %mul3A_647 : i32
        %add3A_649 = arith.constant 0 : i32
        %add3A_650 = arith.addi %add3A_648, %add3A_649 : i32
        %swap3A = arith.index_cast %add3A_650 : i32 to index
        %swap3A_651 = arith.constant 0 : index
        %swap3A_652 = tpu.vector_load %arg13[%swap3A, %swap3A_651] {strides = array<i32>} : memref<64x128xf32, #tpu.memory_space<vmem>>, vector<1x16xf32>,
        %swap3A_653 = vector.shape_cast %swap3A_652 : vector<1x16xf32> to vector<16xf32>
        %swap3A_654 = vector.shape_cast %get3A_516 : vector<16xf32> to vector<1x16xf32>
        tpu.vector_store %arg13[%swap3A, %swap3A_651], %swap3A_654 {add = true, strides = array<i32>} : memref<64x128xf32, #tpu.memory_space<vmem>>, vector<1x16xf32>,
        %add3A_655 = arith.constant 0 : i32
        %add3A_656 = arith.addi %add3A_648, %add3A_655 : i32
        %swap3A_657 = arith.index_cast %add3A_656 : i32 to index
        %swap3A_658 = arith.constant 16 : index
        %swap3A_659 = tpu.vector_load %arg13[%swap3A_657, %swap3A_658] {strides = array<i32>} : memref<64x128xf32, #tpu.memory_space<vmem>>, vector<1x16xf32>,
        %swap3A_660 = vector.shape_cast %swap3A_659 : vector<1x16xf32> to vector<16xf32>
        %swap3A_661 = vector.shape_cast %get3A_520 : vector<16xf32> to vector<1x16xf32>
        tpu.vector_store %arg13[%swap3A_657, %swap3A_658], %swap3A_661 {add = true, strides = array<i32>} : memref<64x128xf32, #tpu.memory_space<vmem>>, vector<1x16xf32>,
        %add3A_662 = arith.constant 0 : i32
        %add3A_663 = arith.addi %add3A_648, %add3A_662 : i32
        %swap3A_664 = arith.index_cast %add3A_663 : i32 to index
        %swap3A_665 = arith.constant 32 : index
        %swap3A_666 = tpu.vector_load %arg13[%swap3A_664, %swap3A_665] {strides = array<i32>} : memref<64x128xf32, #tpu.memory_space<vmem>>, vector<1x16xf32>,
        %swap3A_667 = vector.shape_cast %swap3A_666 : vector<1x16xf32> to vector<16xf32>
        %swap3A_668 = vector.shape_cast %get3A_524 : vector<16xf32> to vector<1x16xf32>
        tpu.vector_store %arg13[%swap3A_664, %swap3A_665], %swap3A_668 {add = true, strides = array<i32>} : memref<64x128xf32, #tpu.memory_space<vmem>>, vector<1x16xf32>,
        %add3A_669 = arith.constant 0 : i32
        %add3A_670 = arith.addi %add3A_648, %add3A_669 : i32
        %swap3A_671 = arith.index_cast %add3A_670 : i32 to index
        %swap3A_672 = arith.constant 48 : index
        %swap3A_673 = tpu.vector_load %arg13[%swap3A_671, %swap3A_672] {strides = array<i32>} : memref<64x128xf32, #tpu.memory_space<vmem>>, vector<1x16xf32>,
        %swap3A_674 = vector.shape_cast %swap3A_673 : vector<1x16xf32> to vector<16xf32>
        %swap3A_675 = vector.shape_cast %get3A_528 : vector<16xf32> to vector<1x16xf32>
        tpu.vector_store %arg13[%swap3A_671, %swap3A_672], %swap3A_675 {add = true, strides = array<i32>} : memref<64x128xf32, #tpu.memory_space<vmem>>, vector<1x16xf32>,
        %add3A_676 = arith.constant 0 : i32
        %add3A_677 = arith.addi %add3A_648, %add3A_676 : i32
        %swap3A_678 = arith.index_cast %add3A_677 : i32 to index
        %swap3A_679 = arith.constant 64 : index
        %swap3A_680 = tpu.vector_load %arg13[%swap3A_678, %swap3A_679] {strides = array<i32>} : memref<64x128xf32, #tpu.memory_space<vmem>>, vector<1x16xf32>,
        %swap3A_681 = vector.shape_cast %swap3A_680 : vector<1x16xf32> to vector<16xf32>
        %swap3A_682 = vector.shape_cast %get3A_532 : vector<16xf32> to vector<1x16xf32>
        tpu.vector_store %arg13[%swap3A_678, %swap3A_679], %swap3A_682 {add = true, strides = array<i32>} : memref<64x128xf32, #tpu.memory_space<vmem>>, vector<1x16xf32>,
        %add3A_683 = arith.constant 0 : i32
        %add3A_684 = arith.addi %add3A_648, %add3A_683 : i32
        %swap3A_685 = arith.index_cast %add3A_684 : i32 to index
        %swap3A_686 = arith.constant 80 : index
        %swap3A_687 = tpu.vector_load %arg13[%swap3A_685, %swap3A_686] {strides = array<i32>} : memref<64x128xf32, #tpu.memory_space<vmem>>, vector<1x16xf32>,
        %swap3A_688 = vector.shape_cast %swap3A_687 : vector<1x16xf32> to vector<16xf32>
        %swap3A_689 = vector.shape_cast %get3A_536 : vector<16xf32> to vector<1x16xf32>
        tpu.vector_store %arg13[%swap3A_685, %swap3A_686], %swap3A_689 {add = true, strides = array<i32>} : memref<64x128xf32, #tpu.memory_space<vmem>>, vector<1x16xf32>,
        %add3A_690 = arith.constant 0 : i32
        %add3A_691 = arith.addi %add3A_648, %add3A_690 : i32
        %swap3A_692 = arith.index_cast %add3A_691 : i32 to index
        %swap3A_693 = arith.constant 96 : index
        %swap3A_694 = tpu.vector_load %arg13[%swap3A_692, %swap3A_693] {strides = array<i32>} : memref<64x128xf32, #tpu.memory_space<vmem>>, vector<1x16xf32>,
        %swap3A_695 = vector.shape_cast %swap3A_694 : vector<1x16xf32> to vector<16xf32>
        %swap3A_696 = vector.shape_cast %get3A_540 : vector<16xf32> to vector<1x16xf32>
        tpu.vector_store %arg13[%swap3A_692, %swap3A_693], %swap3A_696 {add = true, strides = array<i32>} : memref<64x128xf32, #tpu.memory_space<vmem>>, vector<1x16xf32>,
        %add3A_697 = arith.constant 0 : i32
        %add3A_698 = arith.addi %add3A_648, %add3A_697 : i32
        %swap3A_699 = arith.index_cast %add3A_698 : i32 to index
        %swap3A_700 = arith.constant 112 : index
        %swap3A_701 = tpu.vector_load %arg13[%swap3A_699, %swap3A_700] {strides = array<i32>} : memref<64x128xf32, #tpu.memory_space<vmem>>, vector<1x16xf32>,
        %swap3A_702 = vector.shape_cast %swap3A_701 : vector<1x16xf32> to vector<16xf32>
        %swap3A_703 = vector.shape_cast %get3A_544 : vector<16xf32> to vector<1x16xf32>
        tpu.vector_store %arg13[%swap3A_699, %swap3A_700], %swap3A_703 {add = true, strides = array<i32>} : memref<64x128xf32, #tpu.memory_space<vmem>>, vector<1x16xf32>,
        %add3A_704 = arith.constant 1 : i32
        %add3A_705 = arith.addi %add3A_648, %add3A_704 : i32
        %swap3A_706 = arith.index_cast %add3A_705 : i32 to index
        %swap3A_707 = arith.constant 0 : index
        %swap3A_708 = tpu.vector_load %arg13[%swap3A_706, %swap3A_707] {strides = array<i32>} : memref<64x128xf32, #tpu.memory_space<vmem>>, vector<1x16xf32>,
        %swap3A_709 = vector.shape_cast %swap3A_708 : vector<1x16xf32> to vector<16xf32>
        %swap3A_710 = vector.shape_cast %get3A_516 : vector<16xf32> to vector<1x16xf32>
        tpu.vector_store %arg13[%swap3A_706, %swap3A_707], %swap3A_710 {add = true, strides = array<i32>} : memref<64x128xf32, #tpu.memory_space<vmem>>, vector<1x16xf32>,
        %add3A_711 = arith.constant 1 : i32
        %add3A_712 = arith.addi %add3A_648, %add3A_711 : i32
        %swap3A_713 = arith.index_cast %add3A_712 : i32 to index
        %swap3A_714 = arith.constant 16 : index
        %swap3A_715 = tpu.vector_load %arg13[%swap3A_713, %swap3A_714] {strides = array<i32>} : memref<64x128xf32, #tpu.memory_space<vmem>>, vector<1x16xf32>,
        %swap3A_716 = vector.shape_cast %swap3A_715 : vector<1x16xf32> to vector<16xf32>
        %swap3A_717 = vector.shape_cast %get3A_520 : vector<16xf32> to vector<1x16xf32>
        tpu.vector_store %arg13[%swap3A_713, %swap3A_714], %swap3A_717 {add = true, strides = array<i32>} : memref<64x128xf32, #tpu.memory_space<vmem>>, vector<1x16xf32>,
        %add3A_718 = arith.constant 1 : i32
        %add3A_719 = arith.addi %add3A_648, %add3A_718 : i32
        %swap3A_720 = arith.index_cast %add3A_719 : i32 to index
        %swap3A_721 = arith.constant 32 : index
        %swap3A_722 = tpu.vector_load %arg13[%swap3A_720, %swap3A_721] {strides = array<i32>} : memref<64x128xf32, #tpu.memory_space<vmem>>, vector<1x16xf32>,
        %swap3A_723 = vector.shape_cast %swap3A_722 : vector<1x16xf32> to vector<16xf32>
        %swap3A_724 = vector.shape_cast %get3A_524 : vector<16xf32> to vector<1x16xf32>
        tpu.vector_store %arg13[%swap3A_720, %swap3A_721], %swap3A_724 {add = true, strides = array<i32>} : memref<64x128xf32, #tpu.memory_space<vmem>>, vector<1x16xf32>,
        %add3A_725 = arith.constant 1 : i32
        %add3A_726 = arith.addi %add3A_648, %add3A_725 : i32
        %swap3A_727 = arith.index_cast %add3A_726 : i32 to index
        %swap3A_728 = arith.constant 48 : index
        %swap3A_729 = tpu.vector_load %arg13[%swap3A_727, %swap3A_728] {strides = array<i32>} : memref<64x128xf32, #tpu.memory_space<vmem>>, vector<1x16xf32>,
        %swap3A_730 = vector.shape_cast %swap3A_729 : vector<1x16xf32> to vector<16xf32>
        %swap3A_731 = vector.shape_cast %get3A_528 : vector<16xf32> to vector<1x16xf32>
        tpu.vector_store %arg13[%swap3A_727, %swap3A_728], %swap3A_731 {add = true, strides = array<i32>} : memref<64x128xf32, #tpu.memory_space<vmem>>, vector<1x16xf32>,
        %add3A_732 = arith.constant 1 : i32
        %add3A_733 = arith.addi %add3A_648, %add3A_732 : i32
        %swap3A_734 = arith.index_cast %add3A_733 : i32 to index
        %swap3A_735 = arith.constant 64 : index
        %swap3A_736 = tpu.vector_load %arg13[%swap3A_734, %swap3A_735] {strides = array<i32>} : memref<64x128xf32, #tpu.memory_space<vmem>>, vector<1x16xf32>,
        %swap3A_737 = vector.shape_cast %swap3A_736 : vector<1x16xf32> to vector<16xf32>
        %swap3A_738 = vector.shape_cast %get3A_532 : vector<16xf32> to vector<1x16xf32>
        tpu.vector_store %arg13[%swap3A_734, %swap3A_735], %swap3A_738 {add = true, strides = array<i32>} : memref<64x128xf32, #tpu.memory_space<vmem>>, vector<1x16xf32>,
        %add3A_739 = arith.constant 1 : i32
        %add3A_740 = arith.addi %add3A_648, %add3A_739 : i32
        %swap3A_741 = arith.index_cast %add3A_740 : i32 to index
        %swap3A_742 = arith.constant 80 : index
        %swap3A_743 = tpu.vector_load %arg13[%swap3A_741, %swap3A_742] {strides = array<i32>} : memref<64x128xf32, #tpu.memory_space<vmem>>, vector<1x16xf32>,
        %swap3A_744 = vector.shape_cast %swap3A_743 : vector<1x16xf32> to vector<16xf32>
        %swap3A_745 = vector.shape_cast %get3A_536 : vector<16xf32> to vector<1x16xf32>
        tpu.vector_store %arg13[%swap3A_741, %swap3A_742], %swap3A_745 {add = true, strides = array<i32>} : memref<64x128xf32, #tpu.memory_space<vmem>>, vector<1x16xf32>,
        %add3A_746 = arith.constant 1 : i32
        %add3A_747 = arith.addi %add3A_648, %add3A_746 : i32
        %swap3A_748 = arith.index_cast %add3A_747 : i32 to index
        %swap3A_749 = arith.constant 96 : index
        %swap3A_750 = tpu.vector_load %arg13[%swap3A_748, %swap3A_749] {strides = array<i32>} : memref<64x128xf32, #tpu.memory_space<vmem>>, vector<1x16xf32>,
        %swap3A_751 = vector.shape_cast %swap3A_750 : vector<1x16xf32> to vector<16xf32>
        %swap3A_752 = vector.shape_cast %get3A_540 : vector<16xf32> to vector<1x16xf32>
        tpu.vector_store %arg13[%swap3A_748, %swap3A_749], %swap3A_752 {add = true, strides = array<i32>} : memref<64x128xf32, #tpu.memory_space<vmem>>, vector<1x16xf32>,
        %add3A_753 = arith.constant 1 : i32
        %add3A_754 = arith.addi %add3A_648, %add3A_753 : i32
        %swap3A_755 = arith.index_cast %add3A_754 : i32 to index
        %swap3A_756 = arith.constant 112 : index
        %swap3A_757 = tpu.vector_load %arg13[%swap3A_755, %swap3A_756] {strides = array<i32>} : memref<64x128xf32, #tpu.memory_space<vmem>>, vector<1x16xf32>,
        %swap3A_758 = vector.shape_cast %swap3A_757 : vector<1x16xf32> to vector<16xf32>
        %swap3A_759 = vector.shape_cast %get3A_544 : vector<16xf32> to vector<1x16xf32>
        tpu.vector_store %arg13[%swap3A_755, %swap3A_756], %swap3A_759 {add = true, strides = array<i32>} : memref<64x128xf32, #tpu.memory_space<vmem>>, vector<1x16xf32>,
        %add3A_760 = arith.constant 2 : i32
        %add3A_761 = arith.addi %add3A_648, %add3A_760 : i32
        %swap3A_762 = arith.index_cast %add3A_761 : i32 to index
        %swap3A_763 = arith.constant 0 : index
        %swap3A_764 = tpu.vector_load %arg13[%swap3A_762, %swap3A_763] {strides = array<i32>} : memref<64x128xf32, #tpu.memory_space<vmem>>, vector<1x16xf32>,
        %swap3A_765 = vector.shape_cast %swap3A_764 : vector<1x16xf32> to vector<16xf32>
        %swap3A_766 = vector.shape_cast %get3A_516 : vector<16xf32> to vector<1x16xf32>
        tpu.vector_store %arg13[%swap3A_762, %swap3A_763], %swap3A_766 {add = true, strides = array<i32>} : memref<64x128xf32, #tpu.memory_space<vmem>>, vector<1x16xf32>,
        %add3A_767 = arith.constant 2 : i32
        %add3A_768 = arith.addi %add3A_648, %add3A_767 : i32
        %swap3A_769 = arith.index_cast %add3A_768 : i32 to index
        %swap3A_770 = arith.constant 16 : index
        %swap3A_771 = tpu.vector_load %arg13[%swap3A_769, %swap3A_770] {strides = array<i32>} : memref<64x128xf32, #tpu.memory_space<vmem>>, vector<1x16xf32>,
        %swap3A_772 = vector.shape_cast %swap3A_771 : vector<1x16xf32> to vector<16xf32>
        %swap3A_773 = vector.shape_cast %get3A_520 : vector<16xf32> to vector<1x16xf32>
        tpu.vector_store %arg13[%swap3A_769, %swap3A_770], %swap3A_773 {add = true, strides = array<i32>} : memref<64x128xf32, #tpu.memory_space<vmem>>, vector<1x16xf32>,
        %add3A_774 = arith.constant 2 : i32
        %add3A_775 = arith.addi %add3A_648, %add3A_774 : i32
        %swap3A_776 = arith.index_cast %add3A_775 : i32 to index
        %swap3A_777 = arith.constant 32 : index
        %swap3A_778 = tpu.vector_load %arg13[%swap3A_776, %swap3A_777] {strides = array<i32>} : memref<64x128xf32, #tpu.memory_space<vmem>>, vector<1x16xf32>,
        %swap3A_779 = vector.shape_cast %swap3A_778 : vector<1x16xf32> to vector<16xf32>
        %swap3A_780 = vector.shape_cast %get3A_524 : vector<16xf32> to vector<1x16xf32>
        tpu.vector_store %arg13[%swap3A_776, %swap3A_777], %swap3A_780 {add = true, strides = array<i32>} : memref<64x128xf32, #tpu.memory_space<vmem>>, vector<1x16xf32>,
        %add3A_781 = arith.constant 2 : i32
        %add3A_782 = arith.addi %add3A_648, %add3A_781 : i32
        %swap3A_783 = arith.index_cast %add3A_782 : i32 to index
        %swap3A_784 = arith.constant 48 : index
        %swap3A_785 = tpu.vector_load %arg13[%swap3A_783, %swap3A_784] {strides = array<i32>} : memref<64x128xf32, #tpu.memory_space<vmem>>, vector<1x16xf32>,
        %swap3A_786 = vector.shape_cast %swap3A_785 : vector<1x16xf32> to vector<16xf32>
        %swap3A_787 = vector.shape_cast %get3A_528 : vector<16xf32> to vector<1x16xf32>
        tpu.vector_store %arg13[%swap3A_783, %swap3A_784], %swap3A_787 {add = true, strides = array<i32>} : memref<64x128xf32, #tpu.memory_space<vmem>>, vector<1x16xf32>,
        %add3A_788 = arith.constant 2 : i32
        %add3A_789 = arith.addi %add3A_648, %add3A_788 : i32
        %swap3A_790 = arith.index_cast %add3A_789 : i32 to index
        %swap3A_791 = arith.constant 64 : index
        %swap3A_792 = tpu.vector_load %arg13[%swap3A_790, %swap3A_791] {strides = array<i32>} : memref<64x128xf32, #tpu.memory_space<vmem>>, vector<1x16xf32>,
        %swap3A_793 = vector.shape_cast %swap3A_792 : vector<1x16xf32> to vector<16xf32>
        %swap3A_794 = vector.shape_cast %get3A_532 : vector<16xf32> to vector<1x16xf32>
        tpu.vector_store %arg13[%swap3A_790, %swap3A_791], %swap3A_794 {add = true, strides = array<i32>} : memref<64x128xf32, #tpu.memory_space<vmem>>, vector<1x16xf32>,
        %add3A_795 = arith.constant 2 : i32
        %add3A_796 = arith.addi %add3A_648, %add3A_795 : i32
        %swap3A_797 = arith.index_cast %add3A_796 : i32 to index
        %swap3A_798 = arith.constant 80 : index
        %swap3A_799 = tpu.vector_load %arg13[%swap3A_797, %swap3A_798] {strides = array<i32>} : memref<64x128xf32, #tpu.memory_space<vmem>>, vector<1x16xf32>,
        %swap3A_800 = vector.shape_cast %swap3A_799 : vector<1x16xf32> to vector<16xf32>
        %swap3A_801 = vector.shape_cast %get3A_536 : vector<16xf32> to vector<1x16xf32>
        tpu.vector_store %arg13[%swap3A_797, %swap3A_798], %swap3A_801 {add = true, strides = array<i32>} : memref<64x128xf32, #tpu.memory_space<vmem>>, vector<1x16xf32>,
        %add3A_802 = arith.constant 2 : i32
        %add3A_803 = arith.addi %add3A_648, %add3A_802 : i32
        %swap3A_804 = arith.index_cast %add3A_803 : i32 to index
        %swap3A_805 = arith.constant 96 : index
        %swap3A_806 = tpu.vector_load %arg13[%swap3A_804, %swap3A_805] {strides = array<i32>} : memref<64x128xf32, #tpu.memory_space<vmem>>, vector<1x16xf32>,
        %swap3A_807 = vector.shape_cast %swap3A_806 : vector<1x16xf32> to vector<16xf32>
        %swap3A_808 = vector.shape_cast %get3A_540 : vector<16xf32> to vector<1x16xf32>
        tpu.vector_store %arg13[%swap3A_804, %swap3A_805], %swap3A_808 {add = true, strides = array<i32>} : memref<64x128xf32, #tpu.memory_space<vmem>>, vector<1x16xf32>,
        %add3A_809 = arith.constant 2 : i32
        %add3A_810 = arith.addi %add3A_648, %add3A_809 : i32
        %swap3A_811 = arith.index_cast %add3A_810 : i32 to index
        %swap3A_812 = arith.constant 112 : index
        %swap3A_813 = tpu.vector_load %arg13[%swap3A_811, %swap3A_812] {strides = array<i32>} : memref<64x128xf32, #tpu.memory_space<vmem>>, vector<1x16xf32>,
        %swap3A_814 = vector.shape_cast %swap3A_813 : vector<1x16xf32> to vector<16xf32>
        %swap3A_815 = vector.shape_cast %get3A_544 : vector<16xf32> to vector<1x16xf32>
        tpu.vector_store %arg13[%swap3A_811, %swap3A_812], %swap3A_815 {add = true, strides = array<i32>} : memref<64x128xf32, #tpu.memory_space<vmem>>, vector<1x16xf32>,
        %add3A_816 = arith.constant 3 : i32
        %add3A_817 = arith.addi %add3A_648, %add3A_816 : i32
        %swap3A_818 = arith.index_cast %add3A_817 : i32 to index
        %swap3A_819 = arith.constant 0 : index
        %swap3A_820 = tpu.vector_load %arg13[%swap3A_818, %swap3A_819] {strides = array<i32>} : memref<64x128xf32, #tpu.memory_space<vmem>>, vector<1x16xf32>,
        %swap3A_821 = vector.shape_cast %swap3A_820 : vector<1x16xf32> to vector<16xf32>
        %swap3A_822 = vector.shape_cast %get3A_516 : vector<16xf32> to vector<1x16xf32>
        tpu.vector_store %arg13[%swap3A_818, %swap3A_819], %swap3A_822 {add = true, strides = array<i32>} : memref<64x128xf32, #tpu.memory_space<vmem>>, vector<1x16xf32>,
        %add3A_823 = arith.constant 3 : i32
        %add3A_824 = arith.addi %add3A_648, %add3A_823 : i32
        %swap3A_825 = arith.index_cast %add3A_824 : i32 to index
        %swap3A_826 = arith.constant 16 : index
        %swap3A_827 = tpu.vector_load %arg13[%swap3A_825, %swap3A_826] {strides = array<i32>} : memref<64x128xf32, #tpu.memory_space<vmem>>, vector<1x16xf32>,
        %swap3A_828 = vector.shape_cast %swap3A_827 : vector<1x16xf32> to vector<16xf32>
        %swap3A_829 = vector.shape_cast %get3A_520 : vector<16xf32> to vector<1x16xf32>
        tpu.vector_store %arg13[%swap3A_825, %swap3A_826], %swap3A_829 {add = true, strides = array<i32>} : memref<64x128xf32, #tpu.memory_space<vmem>>, vector<1x16xf32>,
        %add3A_830 = arith.constant 3 : i32
        %add3A_831 = arith.addi %add3A_648, %add3A_830 : i32
        %swap3A_832 = arith.index_cast %add3A_831 : i32 to index
        %swap3A_833 = arith.constant 32 : index
        %swap3A_834 = tpu.vector_load %arg13[%swap3A_832, %swap3A_833] {strides = array<i32>} : memref<64x128xf32, #tpu.memory_space<vmem>>, vector<1x16xf32>,
        %swap3A_835 = vector.shape_cast %swap3A_834 : vector<1x16xf32> to vector<16xf32>
        %swap3A_836 = vector.shape_cast %get3A_524 : vector<16xf32> to vector<1x16xf32>
        tpu.vector_store %arg13[%swap3A_832, %swap3A_833], %swap3A_836 {add = true, strides = array<i32>} : memref<64x128xf32, #tpu.memory_space<vmem>>, vector<1x16xf32>,
        %add3A_837 = arith.constant 3 : i32
        %add3A_838 = arith.addi %add3A_648, %add3A_837 : i32
        %swap3A_839 = arith.index_cast %add3A_838 : i32 to index
        %swap3A_840 = arith.constant 48 : index
        %swap3A_841 = tpu.vector_load %arg13[%swap3A_839, %swap3A_840] {strides = array<i32>} : memref<64x128xf32, #tpu.memory_space<vmem>>, vector<1x16xf32>,
        %swap3A_842 = vector.shape_cast %swap3A_841 : vector<1x16xf32> to vector<16xf32>
        %swap3A_843 = vector.shape_cast %get3A_528 : vector<16xf32> to vector<1x16xf32>
        tpu.vector_store %arg13[%swap3A_839, %swap3A_840], %swap3A_843 {add = true, strides = array<i32>} : memref<64x128xf32, #tpu.memory_space<vmem>>, vector<1x16xf32>,
        %add3A_844 = arith.constant 3 : i32
        %add3A_845 = arith.addi %add3A_648, %add3A_844 : i32
        %swap3A_846 = arith.index_cast %add3A_845 : i32 to index
        %swap3A_847 = arith.constant 64 : index
        %swap3A_848 = tpu.vector_load %arg13[%swap3A_846, %swap3A_847] {strides = array<i32>} : memref<64x128xf32, #tpu.memory_space<vmem>>, vector<1x16xf32>,
        %swap3A_849 = vector.shape_cast %swap3A_848 : vector<1x16xf32> to vector<16xf32>
        %swap3A_850 = vector.shape_cast %get3A_532 : vector<16xf32> to vector<1x16xf32>
        tpu.vector_store %arg13[%swap3A_846, %swap3A_847], %swap3A_850 {add = true, strides = array<i32>} : memref<64x128xf32, #tpu.memory_space<vmem>>, vector<1x16xf32>,
        %add3A_851 = arith.constant 3 : i32
        %add3A_852 = arith.addi %add3A_648, %add3A_851 : i32
        %swap3A_853 = arith.index_cast %add3A_852 : i32 to index
        %swap3A_854 = arith.constant 80 : index
        %swap3A_855 = tpu.vector_load %arg13[%swap3A_853, %swap3A_854] {strides = array<i32>} : memref<64x128xf32, #tpu.memory_space<vmem>>, vector<1x16xf32>,
        %swap3A_856 = vector.shape_cast %swap3A_855 : vector<1x16xf32> to vector<16xf32>
        %swap3A_857 = vector.shape_cast %get3A_536 : vector<16xf32> to vector<1x16xf32>
        tpu.vector_store %arg13[%swap3A_853, %swap3A_854], %swap3A_857 {add = true, strides = array<i32>} : memref<64x128xf32, #tpu.memory_space<vmem>>, vector<1x16xf32>,
        %add3A_858 = arith.constant 3 : i32
        %add3A_859 = arith.addi %add3A_648, %add3A_858 : i32
        %swap3A_860 = arith.index_cast %add3A_859 : i32 to index
        %swap3A_861 = arith.constant 96 : index
        %swap3A_862 = tpu.vector_load %arg13[%swap3A_860, %swap3A_861] {strides = array<i32>} : memref<64x128xf32, #tpu.memory_space<vmem>>, vector<1x16xf32>,
        %swap3A_863 = vector.shape_cast %swap3A_862 : vector<1x16xf32> to vector<16xf32>
        %swap3A_864 = vector.shape_cast %get3A_540 : vector<16xf32> to vector<1x16xf32>
        tpu.vector_store %arg13[%swap3A_860, %swap3A_861], %swap3A_864 {add = true, strides = array<i32>} : memref<64x128xf32, #tpu.memory_space<vmem>>, vector<1x16xf32>,
        %add3A_865 = arith.constant 3 : i32
        %add3A_866 = arith.addi %add3A_648, %add3A_865 : i32
        %swap3A_867 = arith.index_cast %add3A_866 : i32 to index
        %swap3A_868 = arith.constant 112 : index
        %swap3A_869 = tpu.vector_load %arg13[%swap3A_867, %swap3A_868] {strides = array<i32>} : memref<64x128xf32, #tpu.memory_space<vmem>>, vector<1x16xf32>,
        %swap3A_870 = vector.shape_cast %swap3A_869 : vector<1x16xf32> to vector<16xf32>
        %swap3A_871 = vector.shape_cast %get3A_544 : vector<16xf32> to vector<1x16xf32>
        tpu.vector_store %arg13[%swap3A_867, %swap3A_868], %swap3A_871 {add = true, strides = array<i32>} : memref<64x128xf32, #tpu.memory_space<vmem>>, vector<1x16xf32>,
        %scan3A_872 = arith.constant 0 : i32
        scf.yield %scan3A_872 : i32
      }
      %scan3A_551 = arith.constant 16 : i32
      %scan3A_552 = arith.constant 0 : i32
      %scan3A_553 = arith.constant 1 : i32
      %mul3A_554 = arith.constant 64 : i32
      %mul3A_555 = arith.muli %add3A_502, %mul3A_554 : i32
      %add3A_556 = arith.addi %mul3A_2, %mul3A_555 : i32
      %dma_start3A_557 = arith.constant 0 : i32
      %dma_start3A_558 = tpu.memref_slice %arg5[%add3A_556, %dma_start3A_557] : memref<131072x128xf32, #tpu.memory_space<hbm>> -> memref<64x128xf32, #tpu.memory_space<hbm>>
      %dma_start3A_559 = arith.constant 0 : i32
      %dma_start3A_560 = tpu.memref_slice %arg5[%add3A_556, %dma_start3A_559] : memref<131072x128xf32, #tpu.memory_space<hbm>> -> memref<64x128xf32, #tpu.memory_space<hbm>>
      tpu.enqueue_dma source(%arg13 : memref<64x128xf32, #tpu.memory_space<vmem>>) target(%dma_start3A_560 : memref<64x128xf32, #tpu.memory_space<hbm>>) target_semaphore(%arg30 : memref<!tpu.dma_semaphore, #tpu.memory_space<semaphore_mem>>)
      %add3A_561 = arith.constant 8 : i32
      %add3A_562 = arith.addi %add3A_502, %add3A_561 : i32
      %sub3A_563 = arith.constant 1 : i32
      %sub3A_564 = arith.subi %add3A_562, %sub3A_563 : i32
      %lt3A_565 = arith.constant 64 : i32
      %lt3A_566 = arith.cmpi slt, %sub3A_564, %lt3A_565 : i32
      %convert_element_type3A_567 = arith.extui %lt3A_566 : i1 to i32
      %cond3A_568 = arith.constant 0 : i32
      %cond3A_569 = arith.cmpi ne, %convert_element_type3A_567, %cond3A_568 : i32
      scf.if %cond3A_569 {
        %ge3A = arith.constant 8 : i32
        %ge3A_642 = arith.cmpi sge, %sub3A_564, %ge3A : i32
        %convert_element_type3A_643 = arith.extui %ge3A_642 : i1 to i32
        %cond3A_644 = arith.constant 0 : i32
        %cond3A_645 = arith.cmpi ne, %convert_element_type3A_643, %cond3A_644 : i32
        scf.if %cond3A_645 {
          %dma_wait3A_652 = arith.constant 0 : i32
          %dma_wait3A_653 = tpu.memref_slice %arg5[%mul3A_2, %dma_wait3A_652] : memref<131072x128xf32, #tpu.memory_space<hbm>> -> memref<64x128xf32, #tpu.memory_space<hbm>>
          %dma_wait3A_654 = arith.constant 0 : i32
          %dma_wait3A_655 = tpu.memref_slice %arg5[%mul3A_2, %dma_wait3A_654] : memref<131072x128xf32, #tpu.memory_space<hbm>> -> memref<64x128xf32, #tpu.memory_space<hbm>>
          tpu.wait_dma2 semaphore(%arg29 : memref<!tpu.dma_semaphore, #tpu.memory_space<semaphore_mem>>) src(%arg12 : memref<64x128xf32, #tpu.memory_space<vmem>>) dst(%dma_wait3A_655 : memref<64x128xf32, #tpu.memory_space<hbm>>)
        } else {
        }
        %mul3A_646 = arith.constant 64 : i32
        %mul3A_647 = arith.muli %sub3A_564, %mul3A_646 : i32
        %dma_start3A_648 = tpu.memref_slice %arg6[%mul3A_647] : memref<4096xi32, #tpu.memory_space<vmem>> -> memref<64xi32, #tpu.memory_space<vmem>>
        %dma_start3A_649 = arith.constant 0 : i32
        %dma_start3A_650 = arith.constant 0 : i32
        %dma_start3A_651 = tpu.memref_slice %arg3[%dma_start3A_649, %dma_start3A_650] : memref<100000x128xf32, #tpu.memory_space<hbm>> -> memref<100000x128xf32, #tpu.memory_space<hbm>>
        tpu.enqueue_indirect_dma source(%dma_start3A_651 : memref<100000x128xf32, #tpu.memory_space<hbm>>) target(%arg12 : memref<64x128xf32, #tpu.memory_space<vmem>>) offsets(%dma_start3A_648 : memref<64xi32, #tpu.memory_space<vmem>>) semaphore(%arg21 : memref<!tpu.dma_semaphore, #tpu.memory_space<semaphore_mem>>)
      } else {
      }
      %mul3A_570 = arith.constant 8 : i32
      %mul3A_571 = arith.muli %scan3A_76, %mul3A_570 : i32
      %add3A_572 = arith.constant 7 : i32
      %add3A_573 = arith.addi %mul3A_571, %add3A_572 : i32
      %dma_wait3A_574 = arith.constant 0 : i32
      %dma_wait3A_575 = tpu.memref_slice %arg6[%dma_wait3A_574] : memref<4096xi32, #tpu.memory_space<vmem>> -> memref<64xi32, #tpu.memory_space<vmem>>
      %dma_wait3A_576 = arith.constant 0 : i32
      %dma_wait3A_577 = arith.constant 0 : i32
      %dma_wait3A_578 = tpu.memref_slice %arg3[%dma_wait3A_576, %dma_wait3A_577] : memref<100000x128xf32, #tpu.memory_space<hbm>> -> memref<100000x128xf32, #tpu.memory_space<hbm>>
      tpu.wait_indirect_dma semaphore(%arg23 : memref<!tpu.dma_semaphore, #tpu.memory_space<semaphore_mem>>) src(%dma_wait3A_578 : memref<100000x128xf32, #tpu.memory_space<hbm>>) dst(%arg14 : memref<64x128xf32, #tpu.memory_space<vmem>>)
      %scan3A_579 = arith.constant 0 : i32
      %scan3A_580 = arith.constant 0 : i32
      %mul3A_581 = arith.constant 1 : i32
      %mul3A_582 = arith.muli %add3A_573, %mul3A_581 : i32
      %add3A_583 = arith.addi %mul3A_582, %scan3A_580 : i32
      %get3A_584 = arith.index_cast %add3A_583 : i32 to index
      %get3A_585 = arith.constant 0 : index
      %get3A_586 = tpu.vector_load %arg15[%get3A_584, %get3A_585] {strides = array<i32>} : memref<64x128xf32, #tpu.memory_space<vmem>>, vector<1x16xf32>,
      %get3A_587 = vector.shape_cast %get3A_586 : vector<1x16xf32> to vector<16xf32>
      %get3A_588 = arith.index_cast %add3A_583 : i32 to index
      %get3A_589 = arith.constant 16 : index
      %get3A_590 = tpu.vector_load %arg15[%get3A_588, %get3A_589] {strides = array<i32>} : memref<64x128xf32, #tpu.memory_space<vmem>>, vector<1x16xf32>,
      %get3A_591 = vector.shape_cast %get3A_590 : vector<1x16xf32> to vector<16xf32>
      %get3A_592 = arith.index_cast %add3A_583 : i32 to index
      %get3A_593 = arith.constant 32 : index
      %get3A_594 = tpu.vector_load %arg15[%get3A_592, %get3A_593] {strides = array<i32>} : memref<64x128xf32, #tpu.memory_space<vmem>>, vector<1x16xf32>,
      %get3A_595 = vector.shape_cast %get3A_594 : vector<1x16xf32> to vector<16xf32>
      %get3A_596 = arith.index_cast %add3A_583 : i32 to index
      %get3A_597 = arith.constant 48 : index
      %get3A_598 = tpu.vector_load %arg15[%get3A_596, %get3A_597] {strides = array<i32>} : memref<64x128xf32, #tpu.memory_space<vmem>>, vector<1x16xf32>,
      %get3A_599 = vector.shape_cast %get3A_598 : vector<1x16xf32> to vector<16xf32>
      %get3A_600 = arith.index_cast %add3A_583 : i32 to index
      %get3A_601 = arith.constant 64 : index
      %get3A_602 = tpu.vector_load %arg15[%get3A_600, %get3A_601] {strides = array<i32>} : memref<64x128xf32, #tpu.memory_space<vmem>>, vector<1x16xf32>,
      %get3A_603 = vector.shape_cast %get3A_602 : vector<1x16xf32> to vector<16xf32>
      %get3A_604 = arith.index_cast %add3A_583 : i32 to index
      %get3A_605 = arith.constant 80 : index
      %get3A_606 = tpu.vector_load %arg15[%get3A_604, %get3A_605] {strides = array<i32>} : memref<64x128xf32, #tpu.memory_space<vmem>>, vector<1x16xf32>,
      %get3A_607 = vector.shape_cast %get3A_606 : vector<1x16xf32> to vector<16xf32>
      %get3A_608 = arith.index_cast %add3A_583 : i32 to index
      %get3A_609 = arith.constant 96 : index
      %get3A_610 = tpu.vector_load %arg15[%get3A_608, %get3A_609] {strides = array<i32>} : memref<64x128xf32, #tpu.memory_space<vmem>>, vector<1x16xf32>,
      %get3A_611 = vector.shape_cast %get3A_610 : vector<1x16xf32> to vector<16xf32>
      %get3A_612 = arith.index_cast %add3A_583 : i32 to index
      %get3A_613 = arith.constant 112 : index
      %get3A_614 = tpu.vector_load %arg15[%get3A_612, %get3A_613] {strides = array<i32>} : memref<64x128xf32, #tpu.memory_space<vmem>>, vector<1x16xf32>,
      %get3A_615 = vector.shape_cast %get3A_614 : vector<1x16xf32> to vector<16xf32>
      %scan3A_616 = arith.constant 0 : i32
      %scan3A_617 = arith.constant 0 : i32
      %scan3A_618 = arith.constant 16 : i32
      %scan3A_619 = arith.addi %scan3A_617, %scan3A_618 : i32
      %scan3A_620 = arith.constant 1 : i32
      %scan3A_621 = scf.for %scan3A_642 = %scan3A_617 to %scan3A_619 step %scan3A_620 iter_args(%scan3A_643 = %scan3A_616) -> (i32)  : i32 {
        %mul3A_644 = arith.constant 64 : i32
        %mul3A_645 = arith.muli %scan3A_580, %mul3A_644 : i32
        %mul3A_646 = arith.constant 4 : i32
        %mul3A_647 = arith.muli %scan3A_642, %mul3A_646 : i32
        %add3A_648 = arith.addi %mul3A_645, %mul3A_647 : i32
        %add3A_649 = arith.constant 0 : i32
        %add3A_650 = arith.addi %add3A_648, %add3A_649 : i32
        %swap3A = arith.index_cast %add3A_650 : i32 to index
        %swap3A_651 = arith.constant 0 : index
        %swap3A_652 = tpu.vector_load %arg14[%swap3A, %swap3A_651] {strides = array<i32>} : memref<64x128xf32, #tpu.memory_space<vmem>>, vector<1x16xf32>,
        %swap3A_653 = vector.shape_cast %swap3A_652 : vector<1x16xf32> to vector<16xf32>
        %swap3A_654 = vector.shape_cast %get3A_587 : vector<16xf32> to vector<1x16xf32>
        tpu.vector_store %arg14[%swap3A, %swap3A_651], %swap3A_654 {add = true, strides = array<i32>} : memref<64x128xf32, #tpu.memory_space<vmem>>, vector<1x16xf32>,
        %add3A_655 = arith.constant 0 : i32
        %add3A_656 = arith.addi %add3A_648, %add3A_655 : i32
        %swap3A_657 = arith.index_cast %add3A_656 : i32 to index
        %swap3A_658 = arith.constant 16 : index
        %swap3A_659 = tpu.vector_load %arg14[%swap3A_657, %swap3A_658] {strides = array<i32>} : memref<64x128xf32, #tpu.memory_space<vmem>>, vector<1x16xf32>,
        %swap3A_660 = vector.shape_cast %swap3A_659 : vector<1x16xf32> to vector<16xf32>
        %swap3A_661 = vector.shape_cast %get3A_591 : vector<16xf32> to vector<1x16xf32>
        tpu.vector_store %arg14[%swap3A_657, %swap3A_658], %swap3A_661 {add = true, strides = array<i32>} : memref<64x128xf32, #tpu.memory_space<vmem>>, vector<1x16xf32>,
        %add3A_662 = arith.constant 0 : i32
        %add3A_663 = arith.addi %add3A_648, %add3A_662 : i32
        %swap3A_664 = arith.index_cast %add3A_663 : i32 to index
        %swap3A_665 = arith.constant 32 : index
        %swap3A_666 = tpu.vector_load %arg14[%swap3A_664, %swap3A_665] {strides = array<i32>} : memref<64x128xf32, #tpu.memory_space<vmem>>, vector<1x16xf32>,
        %swap3A_667 = vector.shape_cast %swap3A_666 : vector<1x16xf32> to vector<16xf32>
        %swap3A_668 = vector.shape_cast %get3A_595 : vector<16xf32> to vector<1x16xf32>
        tpu.vector_store %arg14[%swap3A_664, %swap3A_665], %swap3A_668 {add = true, strides = array<i32>} : memref<64x128xf32, #tpu.memory_space<vmem>>, vector<1x16xf32>,
        %add3A_669 = arith.constant 0 : i32
        %add3A_670 = arith.addi %add3A_648, %add3A_669 : i32
        %swap3A_671 = arith.index_cast %add3A_670 : i32 to index
        %swap3A_672 = arith.constant 48 : index
        %swap3A_673 = tpu.vector_load %arg14[%swap3A_671, %swap3A_672] {strides = array<i32>} : memref<64x128xf32, #tpu.memory_space<vmem>>, vector<1x16xf32>,
        %swap3A_674 = vector.shape_cast %swap3A_673 : vector<1x16xf32> to vector<16xf32>
        %swap3A_675 = vector.shape_cast %get3A_599 : vector<16xf32> to vector<1x16xf32>
        tpu.vector_store %arg14[%swap3A_671, %swap3A_672], %swap3A_675 {add = true, strides = array<i32>} : memref<64x128xf32, #tpu.memory_space<vmem>>, vector<1x16xf32>,
        %add3A_676 = arith.constant 0 : i32
        %add3A_677 = arith.addi %add3A_648, %add3A_676 : i32
        %swap3A_678 = arith.index_cast %add3A_677 : i32 to index
        %swap3A_679 = arith.constant 64 : index
        %swap3A_680 = tpu.vector_load %arg14[%swap3A_678, %swap3A_679] {strides = array<i32>} : memref<64x128xf32, #tpu.memory_space<vmem>>, vector<1x16xf32>,
        %swap3A_681 = vector.shape_cast %swap3A_680 : vector<1x16xf32> to vector<16xf32>
        %swap3A_682 = vector.shape_cast %get3A_603 : vector<16xf32> to vector<1x16xf32>
        tpu.vector_store %arg14[%swap3A_678, %swap3A_679], %swap3A_682 {add = true, strides = array<i32>} : memref<64x128xf32, #tpu.memory_space<vmem>>, vector<1x16xf32>,
        %add3A_683 = arith.constant 0 : i32
        %add3A_684 = arith.addi %add3A_648, %add3A_683 : i32
        %swap3A_685 = arith.index_cast %add3A_684 : i32 to index
        %swap3A_686 = arith.constant 80 : index
        %swap3A_687 = tpu.vector_load %arg14[%swap3A_685, %swap3A_686] {strides = array<i32>} : memref<64x128xf32, #tpu.memory_space<vmem>>, vector<1x16xf32>,
        %swap3A_688 = vector.shape_cast %swap3A_687 : vector<1x16xf32> to vector<16xf32>
        %swap3A_689 = vector.shape_cast %get3A_607 : vector<16xf32> to vector<1x16xf32>
        tpu.vector_store %arg14[%swap3A_685, %swap3A_686], %swap3A_689 {add = true, strides = array<i32>} : memref<64x128xf32, #tpu.memory_space<vmem>>, vector<1x16xf32>,
        %add3A_690 = arith.constant 0 : i32
        %add3A_691 = arith.addi %add3A_648, %add3A_690 : i32
        %swap3A_692 = arith.index_cast %add3A_691 : i32 to index
        %swap3A_693 = arith.constant 96 : index
        %swap3A_694 = tpu.vector_load %arg14[%swap3A_692, %swap3A_693] {strides = array<i32>} : memref<64x128xf32, #tpu.memory_space<vmem>>, vector<1x16xf32>,
        %swap3A_695 = vector.shape_cast %swap3A_694 : vector<1x16xf32> to vector<16xf32>
        %swap3A_696 = vector.shape_cast %get3A_611 : vector<16xf32> to vector<1x16xf32>
        tpu.vector_store %arg14[%swap3A_692, %swap3A_693], %swap3A_696 {add = true, strides = array<i32>} : memref<64x128xf32, #tpu.memory_space<vmem>>, vector<1x16xf32>,
        %add3A_697 = arith.constant 0 : i32
        %add3A_698 = arith.addi %add3A_648, %add3A_697 : i32
        %swap3A_699 = arith.index_cast %add3A_698 : i32 to index
        %swap3A_700 = arith.constant 112 : index
        %swap3A_701 = tpu.vector_load %arg14[%swap3A_699, %swap3A_700] {strides = array<i32>} : memref<64x128xf32, #tpu.memory_space<vmem>>, vector<1x16xf32>,
        %swap3A_702 = vector.shape_cast %swap3A_701 : vector<1x16xf32> to vector<16xf32>
        %swap3A_703 = vector.shape_cast %get3A_615 : vector<16xf32> to vector<1x16xf32>
        tpu.vector_store %arg14[%swap3A_699, %swap3A_700], %swap3A_703 {add = true, strides = array<i32>} : memref<64x128xf32, #tpu.memory_space<vmem>>, vector<1x16xf32>,
        %add3A_704 = arith.constant 1 : i32
        %add3A_705 = arith.addi %add3A_648, %add3A_704 : i32
        %swap3A_706 = arith.index_cast %add3A_705 : i32 to index
        %swap3A_707 = arith.constant 0 : index
        %swap3A_708 = tpu.vector_load %arg14[%swap3A_706, %swap3A_707] {strides = array<i32>} : memref<64x128xf32, #tpu.memory_space<vmem>>, vector<1x16xf32>,
        %swap3A_709 = vector.shape_cast %swap3A_708 : vector<1x16xf32> to vector<16xf32>
        %swap3A_710 = vector.shape_cast %get3A_587 : vector<16xf32> to vector<1x16xf32>
        tpu.vector_store %arg14[%swap3A_706, %swap3A_707], %swap3A_710 {add = true, strides = array<i32>} : memref<64x128xf32, #tpu.memory_space<vmem>>, vector<1x16xf32>,
        %add3A_711 = arith.constant 1 : i32
        %add3A_712 = arith.addi %add3A_648, %add3A_711 : i32
        %swap3A_713 = arith.index_cast %add3A_712 : i32 to index
        %swap3A_714 = arith.constant 16 : index
        %swap3A_715 = tpu.vector_load %arg14[%swap3A_713, %swap3A_714] {strides = array<i32>} : memref<64x128xf32, #tpu.memory_space<vmem>>, vector<1x16xf32>,
        %swap3A_716 = vector.shape_cast %swap3A_715 : vector<1x16xf32> to vector<16xf32>
        %swap3A_717 = vector.shape_cast %get3A_591 : vector<16xf32> to vector<1x16xf32>
        tpu.vector_store %arg14[%swap3A_713, %swap3A_714], %swap3A_717 {add = true, strides = array<i32>} : memref<64x128xf32, #tpu.memory_space<vmem>>, vector<1x16xf32>,
        %add3A_718 = arith.constant 1 : i32
        %add3A_719 = arith.addi %add3A_648, %add3A_718 : i32
        %swap3A_720 = arith.index_cast %add3A_719 : i32 to index
        %swap3A_721 = arith.constant 32 : index
        %swap3A_722 = tpu.vector_load %arg14[%swap3A_720, %swap3A_721] {strides = array<i32>} : memref<64x128xf32, #tpu.memory_space<vmem>>, vector<1x16xf32>,
        %swap3A_723 = vector.shape_cast %swap3A_722 : vector<1x16xf32> to vector<16xf32>
        %swap3A_724 = vector.shape_cast %get3A_595 : vector<16xf32> to vector<1x16xf32>
        tpu.vector_store %arg14[%swap3A_720, %swap3A_721], %swap3A_724 {add = true, strides = array<i32>} : memref<64x128xf32, #tpu.memory_space<vmem>>, vector<1x16xf32>,
        %add3A_725 = arith.constant 1 : i32
        %add3A_726 = arith.addi %add3A_648, %add3A_725 : i32
        %swap3A_727 = arith.index_cast %add3A_726 : i32 to index
        %swap3A_728 = arith.constant 48 : index
        %swap3A_729 = tpu.vector_load %arg14[%swap3A_727, %swap3A_728] {strides = array<i32>} : memref<64x128xf32, #tpu.memory_space<vmem>>, vector<1x16xf32>,
        %swap3A_730 = vector.shape_cast %swap3A_729 : vector<1x16xf32> to vector<16xf32>
        %swap3A_731 = vector.shape_cast %get3A_599 : vector<16xf32> to vector<1x16xf32>
        tpu.vector_store %arg14[%swap3A_727, %swap3A_728], %swap3A_731 {add = true, strides = array<i32>} : memref<64x128xf32, #tpu.memory_space<vmem>>, vector<1x16xf32>,
        %add3A_732 = arith.constant 1 : i32
        %add3A_733 = arith.addi %add3A_648, %add3A_732 : i32
        %swap3A_734 = arith.index_cast %add3A_733 : i32 to index
        %swap3A_735 = arith.constant 64 : index
        %swap3A_736 = tpu.vector_load %arg14[%swap3A_734, %swap3A_735] {strides = array<i32>} : memref<64x128xf32, #tpu.memory_space<vmem>>, vector<1x16xf32>,
        %swap3A_737 = vector.shape_cast %swap3A_736 : vector<1x16xf32> to vector<16xf32>
        %swap3A_738 = vector.shape_cast %get3A_603 : vector<16xf32> to vector<1x16xf32>
        tpu.vector_store %arg14[%swap3A_734, %swap3A_735], %swap3A_738 {add = true, strides = array<i32>} : memref<64x128xf32, #tpu.memory_space<vmem>>, vector<1x16xf32>,
        %add3A_739 = arith.constant 1 : i32
        %add3A_740 = arith.addi %add3A_648, %add3A_739 : i32
        %swap3A_741 = arith.index_cast %add3A_740 : i32 to index
        %swap3A_742 = arith.constant 80 : index
        %swap3A_743 = tpu.vector_load %arg14[%swap3A_741, %swap3A_742] {strides = array<i32>} : memref<64x128xf32, #tpu.memory_space<vmem>>, vector<1x16xf32>,
        %swap3A_744 = vector.shape_cast %swap3A_743 : vector<1x16xf32> to vector<16xf32>
        %swap3A_745 = vector.shape_cast %get3A_607 : vector<16xf32> to vector<1x16xf32>
        tpu.vector_store %arg14[%swap3A_741, %swap3A_742], %swap3A_745 {add = true, strides = array<i32>} : memref<64x128xf32, #tpu.memory_space<vmem>>, vector<1x16xf32>,
        %add3A_746 = arith.constant 1 : i32
        %add3A_747 = arith.addi %add3A_648, %add3A_746 : i32
        %swap3A_748 = arith.index_cast %add3A_747 : i32 to index
        %swap3A_749 = arith.constant 96 : index
        %swap3A_750 = tpu.vector_load %arg14[%swap3A_748, %swap3A_749] {strides = array<i32>} : memref<64x128xf32, #tpu.memory_space<vmem>>, vector<1x16xf32>,
        %swap3A_751 = vector.shape_cast %swap3A_750 : vector<1x16xf32> to vector<16xf32>
        %swap3A_752 = vector.shape_cast %get3A_611 : vector<16xf32> to vector<1x16xf32>
        tpu.vector_store %arg14[%swap3A_748, %swap3A_749], %swap3A_752 {add = true, strides = array<i32>} : memref<64x128xf32, #tpu.memory_space<vmem>>, vector<1x16xf32>,
        %add3A_753 = arith.constant 1 : i32
        %add3A_754 = arith.addi %add3A_648, %add3A_753 : i32
        %swap3A_755 = arith.index_cast %add3A_754 : i32 to index
        %swap3A_756 = arith.constant 112 : index
        %swap3A_757 = tpu.vector_load %arg14[%swap3A_755, %swap3A_756] {strides = array<i32>} : memref<64x128xf32, #tpu.memory_space<vmem>>, vector<1x16xf32>,
        %swap3A_758 = vector.shape_cast %swap3A_757 : vector<1x16xf32> to vector<16xf32>
        %swap3A_759 = vector.shape_cast %get3A_615 : vector<16xf32> to vector<1x16xf32>
        tpu.vector_store %arg14[%swap3A_755, %swap3A_756], %swap3A_759 {add = true, strides = array<i32>} : memref<64x128xf32, #tpu.memory_space<vmem>>, vector<1x16xf32>,
        %add3A_760 = arith.constant 2 : i32
        %add3A_761 = arith.addi %add3A_648, %add3A_760 : i32
        %swap3A_762 = arith.index_cast %add3A_761 : i32 to index
        %swap3A_763 = arith.constant 0 : index
        %swap3A_764 = tpu.vector_load %arg14[%swap3A_762, %swap3A_763] {strides = array<i32>} : memref<64x128xf32, #tpu.memory_space<vmem>>, vector<1x16xf32>,
        %swap3A_765 = vector.shape_cast %swap3A_764 : vector<1x16xf32> to vector<16xf32>
        %swap3A_766 = vector.shape_cast %get3A_587 : vector<16xf32> to vector<1x16xf32>
        tpu.vector_store %arg14[%swap3A_762, %swap3A_763], %swap3A_766 {add = true, strides = array<i32>} : memref<64x128xf32, #tpu.memory_space<vmem>>, vector<1x16xf32>,
        %add3A_767 = arith.constant 2 : i32
        %add3A_768 = arith.addi %add3A_648, %add3A_767 : i32
        %swap3A_769 = arith.index_cast %add3A_768 : i32 to index
        %swap3A_770 = arith.constant 16 : index
        %swap3A_771 = tpu.vector_load %arg14[%swap3A_769, %swap3A_770] {strides = array<i32>} : memref<64x128xf32, #tpu.memory_space<vmem>>, vector<1x16xf32>,
        %swap3A_772 = vector.shape_cast %swap3A_771 : vector<1x16xf32> to vector<16xf32>
        %swap3A_773 = vector.shape_cast %get3A_591 : vector<16xf32> to vector<1x16xf32>
        tpu.vector_store %arg14[%swap3A_769, %swap3A_770], %swap3A_773 {add = true, strides = array<i32>} : memref<64x128xf32, #tpu.memory_space<vmem>>, vector<1x16xf32>,
        %add3A_774 = arith.constant 2 : i32
        %add3A_775 = arith.addi %add3A_648, %add3A_774 : i32
        %swap3A_776 = arith.index_cast %add3A_775 : i32 to index
        %swap3A_777 = arith.constant 32 : index
        %swap3A_778 = tpu.vector_load %arg14[%swap3A_776, %swap3A_777] {strides = array<i32>} : memref<64x128xf32, #tpu.memory_space<vmem>>, vector<1x16xf32>,
        %swap3A_779 = vector.shape_cast %swap3A_778 : vector<1x16xf32> to vector<16xf32>
        %swap3A_780 = vector.shape_cast %get3A_595 : vector<16xf32> to vector<1x16xf32>
        tpu.vector_store %arg14[%swap3A_776, %swap3A_777], %swap3A_780 {add = true, strides = array<i32>} : memref<64x128xf32, #tpu.memory_space<vmem>>, vector<1x16xf32>,
        %add3A_781 = arith.constant 2 : i32
        %add3A_782 = arith.addi %add3A_648, %add3A_781 : i32
        %swap3A_783 = arith.index_cast %add3A_782 : i32 to index
        %swap3A_784 = arith.constant 48 : index
        %swap3A_785 = tpu.vector_load %arg14[%swap3A_783, %swap3A_784] {strides = array<i32>} : memref<64x128xf32, #tpu.memory_space<vmem>>, vector<1x16xf32>,
        %swap3A_786 = vector.shape_cast %swap3A_785 : vector<1x16xf32> to vector<16xf32>
        %swap3A_787 = vector.shape_cast %get3A_599 : vector<16xf32> to vector<1x16xf32>
        tpu.vector_store %arg14[%swap3A_783, %swap3A_784], %swap3A_787 {add = true, strides = array<i32>} : memref<64x128xf32, #tpu.memory_space<vmem>>, vector<1x16xf32>,
        %add3A_788 = arith.constant 2 : i32
        %add3A_789 = arith.addi %add3A_648, %add3A_788 : i32
        %swap3A_790 = arith.index_cast %add3A_789 : i32 to index
        %swap3A_791 = arith.constant 64 : index
        %swap3A_792 = tpu.vector_load %arg14[%swap3A_790, %swap3A_791] {strides = array<i32>} : memref<64x128xf32, #tpu.memory_space<vmem>>, vector<1x16xf32>,
        %swap3A_793 = vector.shape_cast %swap3A_792 : vector<1x16xf32> to vector<16xf32>
        %swap3A_794 = vector.shape_cast %get3A_603 : vector<16xf32> to vector<1x16xf32>
        tpu.vector_store %arg14[%swap3A_790, %swap3A_791], %swap3A_794 {add = true, strides = array<i32>} : memref<64x128xf32, #tpu.memory_space<vmem>>, vector<1x16xf32>,
        %add3A_795 = arith.constant 2 : i32
        %add3A_796 = arith.addi %add3A_648, %add3A_795 : i32
        %swap3A_797 = arith.index_cast %add3A_796 : i32 to index
        %swap3A_798 = arith.constant 80 : index
        %swap3A_799 = tpu.vector_load %arg14[%swap3A_797, %swap3A_798] {strides = array<i32>} : memref<64x128xf32, #tpu.memory_space<vmem>>, vector<1x16xf32>,
        %swap3A_800 = vector.shape_cast %swap3A_799 : vector<1x16xf32> to vector<16xf32>
        %swap3A_801 = vector.shape_cast %get3A_607 : vector<16xf32> to vector<1x16xf32>
        tpu.vector_store %arg14[%swap3A_797, %swap3A_798], %swap3A_801 {add = true, strides = array<i32>} : memref<64x128xf32, #tpu.memory_space<vmem>>, vector<1x16xf32>,
        %add3A_802 = arith.constant 2 : i32
        %add3A_803 = arith.addi %add3A_648, %add3A_802 : i32
        %swap3A_804 = arith.index_cast %add3A_803 : i32 to index
        %swap3A_805 = arith.constant 96 : index
        %swap3A_806 = tpu.vector_load %arg14[%swap3A_804, %swap3A_805] {strides = array<i32>} : memref<64x128xf32, #tpu.memory_space<vmem>>, vector<1x16xf32>,
        %swap3A_807 = vector.shape_cast %swap3A_806 : vector<1x16xf32> to vector<16xf32>
        %swap3A_808 = vector.shape_cast %get3A_611 : vector<16xf32> to vector<1x16xf32>
        tpu.vector_store %arg14[%swap3A_804, %swap3A_805], %swap3A_808 {add = true, strides = array<i32>} : memref<64x128xf32, #tpu.memory_space<vmem>>, vector<1x16xf32>,
        %add3A_809 = arith.constant 2 : i32
        %add3A_810 = arith.addi %add3A_648, %add3A_809 : i32
        %swap3A_811 = arith.index_cast %add3A_810 : i32 to index
        %swap3A_812 = arith.constant 112 : index
        %swap3A_813 = tpu.vector_load %arg14[%swap3A_811, %swap3A_812] {strides = array<i32>} : memref<64x128xf32, #tpu.memory_space<vmem>>, vector<1x16xf32>,
        %swap3A_814 = vector.shape_cast %swap3A_813 : vector<1x16xf32> to vector<16xf32>
        %swap3A_815 = vector.shape_cast %get3A_615 : vector<16xf32> to vector<1x16xf32>
        tpu.vector_store %arg14[%swap3A_811, %swap3A_812], %swap3A_815 {add = true, strides = array<i32>} : memref<64x128xf32, #tpu.memory_space<vmem>>, vector<1x16xf32>,
        %add3A_816 = arith.constant 3 : i32
        %add3A_817 = arith.addi %add3A_648, %add3A_816 : i32
        %swap3A_818 = arith.index_cast %add3A_817 : i32 to index
        %swap3A_819 = arith.constant 0 : index
        %swap3A_820 = tpu.vector_load %arg14[%swap3A_818, %swap3A_819] {strides = array<i32>} : memref<64x128xf32, #tpu.memory_space<vmem>>, vector<1x16xf32>,
        %swap3A_821 = vector.shape_cast %swap3A_820 : vector<1x16xf32> to vector<16xf32>
        %swap3A_822 = vector.shape_cast %get3A_587 : vector<16xf32> to vector<1x16xf32>
        tpu.vector_store %arg14[%swap3A_818, %swap3A_819], %swap3A_822 {add = true, strides = array<i32>} : memref<64x128xf32, #tpu.memory_space<vmem>>, vector<1x16xf32>,
        %add3A_823 = arith.constant 3 : i32
        %add3A_824 = arith.addi %add3A_648, %add3A_823 : i32
        %swap3A_825 = arith.index_cast %add3A_824 : i32 to index
        %swap3A_826 = arith.constant 16 : index
        %swap3A_827 = tpu.vector_load %arg14[%swap3A_825, %swap3A_826] {strides = array<i32>} : memref<64x128xf32, #tpu.memory_space<vmem>>, vector<1x16xf32>,
        %swap3A_828 = vector.shape_cast %swap3A_827 : vector<1x16xf32> to vector<16xf32>
        %swap3A_829 = vector.shape_cast %get3A_591 : vector<16xf32> to vector<1x16xf32>
        tpu.vector_store %arg14[%swap3A_825, %swap3A_826], %swap3A_829 {add = true, strides = array<i32>} : memref<64x128xf32, #tpu.memory_space<vmem>>, vector<1x16xf32>,
        %add3A_830 = arith.constant 3 : i32
        %add3A_831 = arith.addi %add3A_648, %add3A_830 : i32
        %swap3A_832 = arith.index_cast %add3A_831 : i32 to index
        %swap3A_833 = arith.constant 32 : index
        %swap3A_834 = tpu.vector_load %arg14[%swap3A_832, %swap3A_833] {strides = array<i32>} : memref<64x128xf32, #tpu.memory_space<vmem>>, vector<1x16xf32>,
        %swap3A_835 = vector.shape_cast %swap3A_834 : vector<1x16xf32> to vector<16xf32>
        %swap3A_836 = vector.shape_cast %get3A_595 : vector<16xf32> to vector<1x16xf32>
        tpu.vector_store %arg14[%swap3A_832, %swap3A_833], %swap3A_836 {add = true, strides = array<i32>} : memref<64x128xf32, #tpu.memory_space<vmem>>, vector<1x16xf32>,
        %add3A_837 = arith.constant 3 : i32
        %add3A_838 = arith.addi %add3A_648, %add3A_837 : i32
        %swap3A_839 = arith.index_cast %add3A_838 : i32 to index
        %swap3A_840 = arith.constant 48 : index
        %swap3A_841 = tpu.vector_load %arg14[%swap3A_839, %swap3A_840] {strides = array<i32>} : memref<64x128xf32, #tpu.memory_space<vmem>>, vector<1x16xf32>,
        %swap3A_842 = vector.shape_cast %swap3A_841 : vector<1x16xf32> to vector<16xf32>
        %swap3A_843 = vector.shape_cast %get3A_599 : vector<16xf32> to vector<1x16xf32>
        tpu.vector_store %arg14[%swap3A_839, %swap3A_840], %swap3A_843 {add = true, strides = array<i32>} : memref<64x128xf32, #tpu.memory_space<vmem>>, vector<1x16xf32>,
        %add3A_844 = arith.constant 3 : i32
        %add3A_845 = arith.addi %add3A_648, %add3A_844 : i32
        %swap3A_846 = arith.index_cast %add3A_845 : i32 to index
        %swap3A_847 = arith.constant 64 : index
        %swap3A_848 = tpu.vector_load %arg14[%swap3A_846, %swap3A_847] {strides = array<i32>} : memref<64x128xf32, #tpu.memory_space<vmem>>, vector<1x16xf32>,
        %swap3A_849 = vector.shape_cast %swap3A_848 : vector<1x16xf32> to vector<16xf32>
        %swap3A_850 = vector.shape_cast %get3A_603 : vector<16xf32> to vector<1x16xf32>
        tpu.vector_store %arg14[%swap3A_846, %swap3A_847], %swap3A_850 {add = true, strides = array<i32>} : memref<64x128xf32, #tpu.memory_space<vmem>>, vector<1x16xf32>,
        %add3A_851 = arith.constant 3 : i32
        %add3A_852 = arith.addi %add3A_648, %add3A_851 : i32
        %swap3A_853 = arith.index_cast %add3A_852 : i32 to index
        %swap3A_854 = arith.constant 80 : index
        %swap3A_855 = tpu.vector_load %arg14[%swap3A_853, %swap3A_854] {strides = array<i32>} : memref<64x128xf32, #tpu.memory_space<vmem>>, vector<1x16xf32>,
        %swap3A_856 = vector.shape_cast %swap3A_855 : vector<1x16xf32> to vector<16xf32>
        %swap3A_857 = vector.shape_cast %get3A_607 : vector<16xf32> to vector<1x16xf32>
        tpu.vector_store %arg14[%swap3A_853, %swap3A_854], %swap3A_857 {add = true, strides = array<i32>} : memref<64x128xf32, #tpu.memory_space<vmem>>, vector<1x16xf32>,
        %add3A_858 = arith.constant 3 : i32
        %add3A_859 = arith.addi %add3A_648, %add3A_858 : i32
        %swap3A_860 = arith.index_cast %add3A_859 : i32 to index
        %swap3A_861 = arith.constant 96 : index
        %swap3A_862 = tpu.vector_load %arg14[%swap3A_860, %swap3A_861] {strides = array<i32>} : memref<64x128xf32, #tpu.memory_space<vmem>>, vector<1x16xf32>,
        %swap3A_863 = vector.shape_cast %swap3A_862 : vector<1x16xf32> to vector<16xf32>
        %swap3A_864 = vector.shape_cast %get3A_611 : vector<16xf32> to vector<1x16xf32>
        tpu.vector_store %arg14[%swap3A_860, %swap3A_861], %swap3A_864 {add = true, strides = array<i32>} : memref<64x128xf32, #tpu.memory_space<vmem>>, vector<1x16xf32>,
        %add3A_865 = arith.constant 3 : i32
        %add3A_866 = arith.addi %add3A_648, %add3A_865 : i32
        %swap3A_867 = arith.index_cast %add3A_866 : i32 to index
        %swap3A_868 = arith.constant 112 : index
        %swap3A_869 = tpu.vector_load %arg14[%swap3A_867, %swap3A_868] {strides = array<i32>} : memref<64x128xf32, #tpu.memory_space<vmem>>, vector<1x16xf32>,
        %swap3A_870 = vector.shape_cast %swap3A_869 : vector<1x16xf32> to vector<16xf32>
        %swap3A_871 = vector.shape_cast %get3A_615 : vector<16xf32> to vector<1x16xf32>
        tpu.vector_store %arg14[%swap3A_867, %swap3A_868], %swap3A_871 {add = true, strides = array<i32>} : memref<64x128xf32, #tpu.memory_space<vmem>>, vector<1x16xf32>,
        %scan3A_872 = arith.constant 0 : i32
        scf.yield %scan3A_872 : i32
      }
      %scan3A_622 = arith.constant 16 : i32
      %scan3A_623 = arith.constant 0 : i32
      %scan3A_624 = arith.constant 1 : i32
      %mul3A_625 = arith.constant 64 : i32
      %mul3A_626 = arith.muli %add3A_573, %mul3A_625 : i32
      %add3A_627 = arith.addi %mul3A_2, %mul3A_626 : i32
      %dma_start3A_628 = arith.constant 0 : i32
      %dma_start3A_629 = tpu.memref_slice %arg5[%add3A_627, %dma_start3A_628] : memref<131072x128xf32, #tpu.memory_space<hbm>> -> memref<64x128xf32, #tpu.memory_space<hbm>>
      %dma_start3A_630 = arith.constant 0 : i32
      %dma_start3A_631 = tpu.memref_slice %arg5[%add3A_627, %dma_start3A_630] : memref<131072x128xf32, #tpu.memory_space<hbm>> -> memref<64x128xf32, #tpu.memory_space<hbm>>
      tpu.enqueue_dma source(%arg14 : memref<64x128xf32, #tpu.memory_space<vmem>>) target(%dma_start3A_631 : memref<64x128xf32, #tpu.memory_space<hbm>>) target_semaphore(%arg31 : memref<!tpu.dma_semaphore, #tpu.memory_space<semaphore_mem>>)
      %add3A_632 = arith.constant 8 : i32
      %add3A_633 = arith.addi %add3A_573, %add3A_632 : i32
      %sub3A_634 = arith.constant 1 : i32
      %sub3A_635 = arith.subi %add3A_633, %sub3A_634 : i32
      %lt3A_636 = arith.constant 64 : i32
      %lt3A_637 = arith.cmpi slt, %sub3A_635, %lt3A_636 : i32
      %convert_element_type3A_638 = arith.extui %lt3A_637 : i1 to i32
      %cond3A_639 = arith.constant 0 : i32
      %cond3A_640 = arith.cmpi ne, %convert_element_type3A_638, %cond3A_639 : i32
      scf.if %cond3A_640 {
        %ge3A = arith.constant 8 : i32
        %ge3A_642 = arith.cmpi sge, %sub3A_635, %ge3A : i32
        %convert_element_type3A_643 = arith.extui %ge3A_642 : i1 to i32
        %cond3A_644 = arith.constant 0 : i32
        %cond3A_645 = arith.cmpi ne, %convert_element_type3A_643, %cond3A_644 : i32
        scf.if %cond3A_645 {
          %dma_wait3A_652 = arith.constant 0 : i32
          %dma_wait3A_653 = tpu.memref_slice %arg5[%mul3A_2, %dma_wait3A_652] : memref<131072x128xf32, #tpu.memory_space<hbm>> -> memref<64x128xf32, #tpu.memory_space<hbm>>
          %dma_wait3A_654 = arith.constant 0 : i32
          %dma_wait3A_655 = tpu.memref_slice %arg5[%mul3A_2, %dma_wait3A_654] : memref<131072x128xf32, #tpu.memory_space<hbm>> -> memref<64x128xf32, #tpu.memory_space<hbm>>
          tpu.wait_dma2 semaphore(%arg30 : memref<!tpu.dma_semaphore, #tpu.memory_space<semaphore_mem>>) src(%arg13 : memref<64x128xf32, #tpu.memory_space<vmem>>) dst(%dma_wait3A_655 : memref<64x128xf32, #tpu.memory_space<hbm>>)
        } else {
        }
        %mul3A_646 = arith.constant 64 : i32
        %mul3A_647 = arith.muli %sub3A_635, %mul3A_646 : i32
        %dma_start3A_648 = tpu.memref_slice %arg6[%mul3A_647] : memref<4096xi32, #tpu.memory_space<vmem>> -> memref<64xi32, #tpu.memory_space<vmem>>
        %dma_start3A_649 = arith.constant 0 : i32
        %dma_start3A_650 = arith.constant 0 : i32
        %dma_start3A_651 = tpu.memref_slice %arg3[%dma_start3A_649, %dma_start3A_650] : memref<100000x128xf32, #tpu.memory_space<hbm>> -> memref<100000x128xf32, #tpu.memory_space<hbm>>
        tpu.enqueue_indirect_dma source(%dma_start3A_651 : memref<100000x128xf32, #tpu.memory_space<hbm>>) target(%arg13 : memref<64x128xf32, #tpu.memory_space<vmem>>) offsets(%dma_start3A_648 : memref<64xi32, #tpu.memory_space<vmem>>) semaphore(%arg22 : memref<!tpu.dma_semaphore, #tpu.memory_space<semaphore_mem>>)
      } else {
      }
      %scan3A_641 = arith.constant 0 : i32
      scf.yield %scan3A_641 : i32
    }
    %scan3A_44 = arith.constant 8 : i32
    %dma_wait3A = arith.constant 0 : i32
    %dma_wait3A_45 = tpu.memref_slice %arg5[%mul3A_2, %dma_wait3A] : memref<131072x128xf32, #tpu.memory_space<hbm>> -> memref<64x128xf32, #tpu.memory_space<hbm>>
    %dma_wait3A_46 = arith.constant 0 : i32
    %dma_wait3A_47 = tpu.memref_slice %arg5[%mul3A_2, %dma_wait3A_46] : memref<131072x128xf32, #tpu.memory_space<hbm>> -> memref<64x128xf32, #tpu.memory_space<hbm>>
    tpu.wait_dma2 semaphore(%arg24 : memref<!tpu.dma_semaphore, #tpu.memory_space<semaphore_mem>>) src(%arg7 : memref<64x128xf32, #tpu.memory_space<vmem>>) dst(%dma_wait3A_47 : memref<64x128xf32, #tpu.memory_space<hbm>>)
    %dma_wait3A_48 = arith.constant 0 : i32
    %dma_wait3A_49 = tpu.memref_slice %arg5[%mul3A_2, %dma_wait3A_48] : memref<131072x128xf32, #tpu.memory_space<hbm>> -> memref<64x128xf32, #tpu.memory_space<hbm>>
    %dma_wait3A_50 = arith.constant 0 : i32
    %dma_wait3A_51 = tpu.memref_slice %arg5[%mul3A_2, %dma_wait3A_50] : memref<131072x128xf32, #tpu.memory_space<hbm>> -> memref<64x128xf32, #tpu.memory_space<hbm>>
    tpu.wait_dma2 semaphore(%arg25 : memref<!tpu.dma_semaphore, #tpu.memory_space<semaphore_mem>>) src(%arg8 : memref<64x128xf32, #tpu.memory_space<vmem>>) dst(%dma_wait3A_51 : memref<64x128xf32, #tpu.memory_space<hbm>>)
    %dma_wait3A_52 = arith.constant 0 : i32
    %dma_wait3A_53 = tpu.memref_slice %arg5[%mul3A_2, %dma_wait3A_52] : memref<131072x128xf32, #tpu.memory_space<hbm>> -> memref<64x128xf32, #tpu.memory_space<hbm>>
    %dma_wait3A_54 = arith.constant 0 : i32
    %dma_wait3A_55 = tpu.memref_slice %arg5[%mul3A_2, %dma_wait3A_54] : memref<131072x128xf32, #tpu.memory_space<hbm>> -> memref<64x128xf32, #tpu.memory_space<hbm>>
    tpu.wait_dma2 semaphore(%arg26 : memref<!tpu.dma_semaphore, #tpu.memory_space<semaphore_mem>>) src(%arg9 : memref<64x128xf32, #tpu.memory_space<vmem>>) dst(%dma_wait3A_55 : memref<64x128xf32, #tpu.memory_space<hbm>>)
    %dma_wait3A_56 = arith.constant 0 : i32
    %dma_wait3A_57 = tpu.memref_slice %arg5[%mul3A_2, %dma_wait3A_56] : memref<131072x128xf32, #tpu.memory_space<hbm>> -> memref<64x128xf32, #tpu.memory_space<hbm>>
    %dma_wait3A_58 = arith.constant 0 : i32
    %dma_wait3A_59 = tpu.memref_slice %arg5[%mul3A_2, %dma_wait3A_58] : memref<131072x128xf32, #tpu.memory_space<hbm>> -> memref<64x128xf32, #tpu.memory_space<hbm>>
    tpu.wait_dma2 semaphore(%arg27 : memref<!tpu.dma_semaphore, #tpu.memory_space<semaphore_mem>>) src(%arg10 : memref<64x128xf32, #tpu.memory_space<vmem>>) dst(%dma_wait3A_59 : memref<64x128xf32, #tpu.memory_space<hbm>>)
    %dma_wait3A_60 = arith.constant 0 : i32
    %dma_wait3A_61 = tpu.memref_slice %arg5[%mul3A_2, %dma_wait3A_60] : memref<131072x128xf32, #tpu.memory_space<hbm>> -> memref<64x128xf32, #tpu.memory_space<hbm>>
    %dma_wait3A_62 = arith.constant 0 : i32
    %dma_wait3A_63 = tpu.memref_slice %arg5[%mul3A_2, %dma_wait3A_62] : memref<131072x128xf32, #tpu.memory_space<hbm>> -> memref<64x128xf32, #tpu.memory_space<hbm>>
    tpu.wait_dma2 semaphore(%arg28 : memref<!tpu.dma_semaphore, #tpu.memory_space<semaphore_mem>>) src(%arg11 : memref<64x128xf32, #tpu.memory_space<vmem>>) dst(%dma_wait3A_63 : memref<64x128xf32, #tpu.memory_space<hbm>>)
    %dma_wait3A_64 = arith.constant 0 : i32
    %dma_wait3A_65 = tpu.memref_slice %arg5[%mul3A_2, %dma_wait3A_64] : memref<131072x128xf32, #tpu.memory_space<hbm>> -> memref<64x128xf32, #tpu.memory_space<hbm>>
    %dma_wait3A_66 = arith.constant 0 : i32
    %dma_wait3A_67 = tpu.memref_slice %arg5[%mul3A_2, %dma_wait3A_66] : memref<131072x128xf32, #tpu.memory_space<hbm>> -> memref<64x128xf32, #tpu.memory_space<hbm>>
    tpu.wait_dma2 semaphore(%arg29 : memref<!tpu.dma_semaphore, #tpu.memory_space<semaphore_mem>>) src(%arg12 : memref<64x128xf32, #tpu.memory_space<vmem>>) dst(%dma_wait3A_67 : memref<64x128xf32, #tpu.memory_space<hbm>>)
    %dma_wait3A_68 = arith.constant 0 : i32
    %dma_wait3A_69 = tpu.memref_slice %arg5[%mul3A_2, %dma_wait3A_68] : memref<131072x128xf32, #tpu.memory_space<hbm>> -> memref<64x128xf32, #tpu.memory_space<hbm>>
    %dma_wait3A_70 = arith.constant 0 : i32
    %dma_wait3A_71 = tpu.memref_slice %arg5[%mul3A_2, %dma_wait3A_70] : memref<131072x128xf32, #tpu.memory_space<hbm>> -> memref<64x128xf32, #tpu.memory_space<hbm>>
    tpu.wait_dma2 semaphore(%arg30 : memref<!tpu.dma_semaphore, #tpu.memory_space<semaphore_mem>>) src(%arg13 : memref<64x128xf32, #tpu.memory_space<vmem>>) dst(%dma_wait3A_71 : memref<64x128xf32, #tpu.memory_space<hbm>>)
    %dma_wait3A_72 = arith.constant 0 : i32
    %dma_wait3A_73 = tpu.memref_slice %arg5[%mul3A_2, %dma_wait3A_72] : memref<131072x128xf32, #tpu.memory_space<hbm>> -> memref<64x128xf32, #tpu.memory_space<hbm>>
    %dma_wait3A_74 = arith.constant 0 : i32
    %dma_wait3A_75 = tpu.memref_slice %arg5[%mul3A_2, %dma_wait3A_74] : memref<131072x128xf32, #tpu.memory_space<hbm>> -> memref<64x128xf32, #tpu.memory_space<hbm>>
    tpu.wait_dma2 semaphore(%arg31 : memref<!tpu.dma_semaphore, #tpu.memory_space<semaphore_mem>>) src(%arg14 : memref<64x128xf32, #tpu.memory_space<vmem>>) dst(%dma_wait3A_75 : memref<64x128xf32, #tpu.memory_space<hbm>>)
    return
  }
}

</mosaic_0001>

<sc_bundles>
// kernel: kernel.3.cloned.1.call-start
scs
__scs_entry_jumppad:
0x0: {  	(pc) =	sbr.rel $0x88, $3  }
0x1: {  	(tag) =	ssettag $0x0;
	lr =	simm.s32 $0x1  }
0x2: {  	[smem:$0x3F9F] =	sst lr;
	_ =	strace $0xD0000000  }
0x3: {  	_ = 	snop  }
0x4: {  	_ = 	snop  }
0x5: {  	_ = 	snop  }
0x6: {  	_ = 	snop  }
0x7: {  	_ = 	snop  }
__scs_overlays_trampoline_lowered:
0x8: {  	[smem:$0x3FAE] =	sst s0  }
0x9: {  	[smem:$0x3FAF] =	sst s1  }
0xa: {  	[smem:$0x3FB0] =	sst s2  }
0xb: {  	[smem:$0x3FB1] =	sst s3  }
0xc: {  	[smem:$0x3FB2] =	sst s4  }
0xd: {  	[smem:$0x3FB3] =	sst s5  }
0xe: {  	[smem:$0x3FB4] =	sst s6  }
0xf: {  	[smem:$0x3FB5] =	sst s7  }
0x10: {  	[smem:$0x3FB6] =	sst s8  }
0x11: {  	[smem:$0x3FB7] =	sst s9;
	s0 =	simm.s32 @!p0 $0x0  }
0x12: {  	s1 =	sld [smem:$0x3F9D];
	s0 =	simm.s32 @p0 $0x1  }
0x13: {  	[smem:$0x3FB8] =	sst s0;
	s0 =	simm.s32 @!p1 $0x0  }
0x14: {  	s2 =	sld [smem:$0x3F9C];
	s0 =	simm.s32 @p1 $0x1  }
0x15: {  	[smem:$0x3FB9] =	sst s0;
	s0 =	simm.s32 @!p2 $0x0  }
0x16: {  	s3 =	sld [smem:$0x3FDB];
	s0 =	simm.s32 @p2 $0x1  }
0x17: {  	s4 =	simm.s32 $0x1BF5;
	[smem:$0x3FBB] =	sst s0  }
0x18: {  	s0 =	sld [smem:$0x3F9E];
	_ =	swait.ge [sflag:s4], $0x0  }
0x19: {  	s7 =	sld [smem:$0x3F9F]  }
0x1a: {  	s8 =	sadd.s32 $0xFFFFE003, lr  }
0x1b: {  	s9 =	sadd.s32 $0xFFFFFEF7, lr;
	s5 =	simm.s32 $0xFFFFFFFF;
	p2 =	slt.u32 s8, $0xFFFFF086  }
0x1c: {  	p1 =	slt.u32 s9, $0xF7A;
	s5 =	simm.s32 @!p2 $0x0  }
0x1d: {  	s5 =	simm.s32 @p1 $0x1;
	p0 =	seq.s32 s7, s2  }
0x1e: {  	s7 =	smul.u32 @!p0 $0xF7A, s2;
	p2 =	seq.s32 @!p0 s5, $0x0  }
0x1f: {  	s9 =	smul.u32 $0xF7A, s1;
	s8 =	simm.s32 @!p0 $0x1BF5;
	p2 =	por !p2, p0  }
0x20: {  	[sflag:s8] =	ssyncset.s32 @!p0 $0xFFFFF086;
	s6 =	sadd.s32 @!p0 s3, s7;
	s7 =	simm.s32 @!p0 $0x108  }
0x21: {  	s3 =	sadd.s32 s3, s9;
	s6 =	sadd.s32 @!p0 $0x88, s6;
	s7 =	simm.s32 @p2 $0x1082  }
0x22: {  	[simem:s7], [sflag:s8] =	dma.local @!p0 [hbm:s6], $0xF7A  }
0x23: {  	s9 =	sor.u32 $0xD0000000, s2;
	s6 =	simm.s32 $0x108;
	_ =	swait.ge @!p0 [sflag:s8], $0x0  }
0x24: {  	s3 =	sadd.s32 $0x88, s3;
	s6 =	simm.s32 @!p1 $0x1082;
	[sflag:s4] =	ssyncset.s32 $0xFFFFF086  }
0x25: {  	[simem:s6], [sflag:s4] =	dma.local [hbm:s3], $0xF7A  }
0x26: {  	[smem:$0x3F9F] =	sst s1;
	(tag) =	ssettag s2;
	_ =	strace s9  }
0x27: {  	s1 =	sld [smem:$0x3FAF]  }
0x28: {  	s2 =	sld [smem:$0x3FB0]  }
0x29: {  	s4 =	sld [smem:$0x3FB2]  }
0x2a: {  	p0 =	seq.s32 s5, $0x0;
	s5 =	sld [smem:$0x3FB3]  }
0x2b: {  	s6 =	sld [smem:$0x3FB4]  }
0x2c: {  	s7 =	sld [smem:$0x3FB5]  }
0x2d: {  	s3 =	simm.s32 $0x108;
	s8 =	sld [smem:$0x3FB6]  }
0x2e: {  	s3 =	simm.s32 @!p0 $0x1082;
	s9 =	sld [smem:$0x3FB7]  }
0x2f: {  	lr =	sadd.s32 s0, s3;
	s0 =	sld [smem:$0x3FAE]  }
0x30: {  	s3 =	sld [smem:$0x3FB1]  }
0x31: {  	[smem:$0x3FBA] =	sst s10  }
0x32: {  	s10 =	sld [smem:$0x3FB8];
	_ =	sdelay $0x3  }
0x33: {  	p0 =	seq.s32 s10, $0x1;
	s10 =	sld [smem:$0x3FBA];
	_ =	sdelay $0x3  }
0x34: {  	[smem:$0x3FBA] =	sst s10  }
0x35: {  	s10 =	sld [smem:$0x3FB9];
	_ =	sdelay $0x3  }
0x36: {  	p1 =	seq.s32 s10, $0x1;
	s10 =	sld [smem:$0x3FBA];
	_ =	sdelay $0x3  }
0x37: {  	[smem:$0x3FBA] =	sst s10  }
0x38: {  	s10 =	sld [smem:$0x3FBB]  }
0x39: {  	_ = 	snop;
	(pc) =	sbr.ind lr, $3  }
0x3a: {  	_ = 	snop  }
0x3b: {  	_ = 	snop  }
0x3c: {  	p2 =	seq.s32 s10, $0x1;
	s10 =	sld [smem:$0x3FBA]  }
0x3d: {  	_ =	shalt  }
0x3e: {  	_ =	shalt  }
0x3f: {  	_ =	shalt  }
0x40: {  	_ =	shalt  }
0x41: {  	_ =	shalt  }
0x42: {  	_ =	shalt  }
0x43: {  	_ =	shalt  }
0x44: {  	_ =	shalt  }
0x45: {  	_ =	shalt  }
0x46: {  	_ =	shalt  }
0x47: {  	_ =	shalt  }
0x48: {  	_ =	shalt  }
0x49: {  	_ =	shalt  }
0x4a: {  	_ =	shalt  }
0x4b: {  	_ =	shalt  }
0x4c: {  	_ =	shalt  }
0x4d: {  	_ =	shalt  }
0x4e: {  	_ =	shalt  }
0x4f: {  	_ =	shalt  }
0x50: {  	_ =	shalt  }
0x51: {  	_ =	shalt  }
0x52: {  	_ =	shalt  }
0x53: {  	_ =	shalt  }
0x54: {  	_ =	shalt  }
0x55: {  	_ =	shalt  }
0x56: {  	_ =	shalt  }
0x57: {  	_ =	shalt  }
0x58: {  	_ =	shalt  }
0x59: {  	_ =	shalt  }
0x5a: {  	_ =	shalt  }
0x5b: {  	_ =	shalt  }
0x5c: {  	_ =	shalt  }
0x5d: {  	_ =	shalt  }
0x5e: {  	_ =	shalt  }
0x5f: {  	_ =	shalt  }
0x60: {  	_ =	shalt  }
0x61: {  	_ =	shalt  }
0x62: {  	_ =	shalt  }
0x63: {  	_ =	shalt  }
0x64: {  	_ =	shalt  }
0x65: {  	_ =	shalt  }
0x66: {  	_ =	shalt  }
0x67: {  	_ =	shalt  }
0x68: {  	_ =	shalt  }
0x69: {  	_ =	shalt  }
0x6a: {  	_ =	shalt  }
0x6b: {  	_ =	shalt  }
0x6c: {  	_ =	shalt  }
0x6d: {  	_ =	shalt  }
0x6e: {  	_ =	shalt  }
0x6f: {  	_ =	shalt  }
0x70: {  	_ =	shalt  }
0x71: {  	_ =	shalt  }
0x72: {  	_ =	shalt  }
0x73: {  	_ =	shalt  }
0x74: {  	_ =	shalt  }
0x75: {  	_ =	shalt  }
0x76: {  	_ =	shalt  }
0x77: {  	_ =	shalt  }
0x78: {  	_ =	shalt  }
0x79: {  	_ =	shalt  }
0x7a: {  	_ =	shalt  }
0x7b: {  	_ =	shalt  }
0x7c: {  	_ =	shalt  }
0x7d: {  	_ =	shalt  }
0x7e: {  	_ =	shalt  }
0x7f: {  	_ =	shalt  }
0x80: {  	_ =	shalt  }
0x81: {  	_ =	shalt  }
0x82: {  	_ =	shalt  }
0x83: {  	_ =	shalt  }
0x84: {  	_ =	shalt  }
0x85: {  	_ =	shalt  }
0x86: {  	_ =	shalt  }
0x87: {  	_ =	shalt  }
.Lfunc_end0:
.L_simem_size_0:
called_computation_lowered:
.L_overlay_start_0:
0x88: {  	s2 =	sld [smem:$0x3FD9]  }
0x89: {  	s3 =	sld [smem:$0x3FFE];
	_ =	sdelay $0x1  }
0x8a: {  	s1 =	srdreg.scid  }
0x8b: {  	s0 =	sand.u32 $0x1, s1  }
0x8c: {  	s17 =	sshll.u32 s0, $0xA;
	s2 =	sadd.s32 s3, s2  }
0x8d: {  	s2 =	sadd.s32 s2, s17  }
0x8e: {  	[smem:$0x3FC6] =	sst s2  }
0x8f: {  	_ = 	snop  }
0x90: {  	s2 =	sld [smem:$0x3FC8]  }
0x91: {  	s18 =	sld [smem:$0x3FD0];
	(tm) =	ssettm $0x1  }
0x92: {  	s4 =	sld [smem:$0x3FFB];
	_ =	sdelay $0x3  }
0x93: {  	_ =	strace s4  }
0x94: {  	s4 =	sld [smem:$0x3FFC];
	_ =	sdelay $0x3  }
0x95: {  	_ =	strace s4  }
0x96: {  	s4 =	sld [smem:$0x3FFD];
	_ =	sdelay $0x3  }
0x97: {  	_ =	strace s4  }
0x98: {  	_ =	strace $0x8FFFFFFF  }
0x99: {  	s19 =	sld [smem:$0x3FDB];
	_ =	sdelay $0x1  }
0x9a: {  	s5 =	simm.s32 $_scs_section_size  }
0x9b: {  	s6 =	simm.s32 $_size__tile_overlayer_lowered;
	s7 =	simm.s32 $_tile_overlayer_lowered  }
0x9c: {  	s22 =	simm.s32 $0x1BFF;
	s21 =	sshll.u32 s7, $0x1;
	s4 =	sadd.s32 s5, s19  }
0x9d: {  	s8 =	simm.s32 $0x0;
	s20 =	sshll.u32 s6, $0x1;
	s6 =	sadd.s32 s21, s4  }
0x9e: {  	[timem:s8], [sflag:s22] =	dma.local [hbm:s6], s20  }
0x9f: {  	_ =	swait.ge [sflag:s22], s20  }
0xa0: {  	s5 =	ssub.s32 $0x0, s20;
	[sflag:s22] =	ssyncset.done $0x0  }
0xa1: {  	[sflag:s22] =	ssyncadd.s32 s5;
	_ =	sdelay $0x1  }
0xa2: {  	s23 =	simm.s32 $0x1B8B  }
0xa3: {  	_ =	swait.ge [sflag:s23], $0x1  }
0xa4: {  	[sflag:s23] =	ssyncset.done $0x0  }
0xa5: {  	s25 =	simm.s32 $0x1B8E;
	s24 =	sld [smem:$0x3FFE];
	[sflag:s23] =	ssyncadd.s32 $0xFFFFFFFF  }
0xa6: {  	s26 =	simm.s32 $execute0_lowered;
	[smem:$0x3FD2] =	sst s25  }
0xa7: {  	s6 =	sshll.u32 s26, $0x1;
	_ =	strace $0x80000046;
	[dreg:$0x1] =	wrdreg $0xFFFFFFFF  }
0xa8: {  	s28 =	simm.s32 $_size_execute0_lowered;
	s4 =	sadd.s32 s4, s6;
	[dreg:$0x0] =	wrdreg $0x0  }
0xa9: {  	s6 =	sshll.u32 s28, $0x1;
	[dreg:$0x2] =	wrdreg s4  }
0xaa: {  	[dreg:$0x3] =	wrdreg s6  }
0xab: {  	[dreg:$0x4] =	wrdreg $0xC0  }
0xac: {  	_ =	task [dreg:s8], $0x5FFFF  }
0xad: {  	[dreg:$0x1] =	wrdreg $0xFFFFFFFF  }
0xae: {  	[dreg:$0x0] =	wrdreg $0x60  }
0xaf: {  	[dreg:$0x2] =	wrdreg s24  }
0xb0: {  	[dreg:$0x3] =	wrdreg s2  }
0xb1: {  	[dreg:$0x4] =	wrdreg s18  }
0xb2: {  	[dreg:$0x5] =	wrdreg $0x9  }
0xb3: {  	_ =	task.clear_ibuf [dreg:s8], $0x6FFFF;
	_ =	strace $0x90000046  }
0xb4: {  	s29 =	simm.s32 $0x9;
	_ =	strace $0x80000048  }
0xb5: {  	_ =	swait.ge [sflag:s29], $0x1  }
0xb6: {  	[sflag:s29] =	ssyncadd.s32 $0xFFFFFFFF  }
0xb7: {  	_ =	strace $0x90000048  }
0xb8: {  	_ =	sfence  }
0xb9: {  	s30 =	sld [smem:$0x0];
	_ =	sdelay $0x2  }
0xba: {  	s31 =	sshll.u32 s1, $0xD;
	s1 =	sshrl.u32 s1, $0x2  }
0xbb: {  	s3 =	sand.u32 $0x4000, s31;
	s1 =	sadd.s32 s1, s30  }
0xbc: {  	s0 =	sor.u32 s3, s0;
	s1 =	sshll.u32 s1, $0x11  }
0xbd: {  	s0 =	sor.u32 s1, s0  }
0xbe: {  	s0 =	sadd.s32 $0x8F2B, s0  }
0xbf: {  	[sflag:s0] =	ssyncadd.remote.s32 $0x1  }
0xc0: {  	_ =	sfence.sel $0xFFFF  }
0xc1: {  	[dreg:$0x0] =	wrdreg $0xFFFFFFFF;
	(pc) =	sbr.abs _section_cstart, $3  }
0xc2: {  	[dreg:$0x1] =	wrdreg $0xFFFFFFFF  }
0xc3: {  	_ =	task.clear_ibuf [dreg:s8], $0x2FFFF;
	_ =	strace $0x9FFFFFFF  }
0xc4: {  	(tm) =	ssettm $0x7FFFFFFF  }
0xc5: {  	_ =	shalt  }
tec
execute0_lowered:
.L_overlay_start_1:
0x0: {  	(tag) =	ssettag $0x1  }
0x1: {  	s0 =	rddreg [dreg:$0x0]  }
0x2: {  	s1 =	rddreg [dreg:$0x1]  }
0x3: {  	s2 =	rddreg [dreg:$0x2]  }
0x4: {  	s3 =	simm.s32 $0x0;
	s4 =	srdreg.scid;
	s5 =	stileid.u32  }
0x5: {  	s8 =	simm.s32 $0x11;
	s9 =	simm.s32 $0x40;
	s10 =	simm.s32 $0x1000  }
0x6: {  	s11 =	simm.s32 $0x3000;
	s13 =	simm.s32 $0x5000;
	s15 =	simm.s32 $0x7000  }
0x7: {  	s17 =	simm.s32 $0x9000;
	s19 =	simm.s32 $0xB000;
	s21 =	simm.s32 $0xD000  }
0x8: {  	s23 =	simm.s32 $0x1;
	s24 =	simm.s32 $0xF000;
	s28 =	simm.s32 $0x4  }
0x9: {  	s29 =	simm.s32 $0x5;
	s30 =	simm.s32 $0x6;
	s31 =	simm.s32 $0x7  }
0xa: {  	[smem:$0x7FF] =	sst s3;
	s4 =	sand.u32 $0x1, s4;
	s5 =	sshll.u32 s5, $0x1  }
0xb: {  	s22 =	simm.s32 $0xF;
	_ =	strace $0x80000047;
	s5 =	sor.u32 s4, s5  }
0xc: {  	s4 =	ssub.s32 $0x2, s4;
	s6 =	sshll.u32 s5, $0x9;
	s7 =	sshll.u32 s5, $0xA  }
0xd: {  	s25 =	sshrl.u32 s4, $0x1;
	s5 =	sshll.u32 s5, $0x10;
	s6 =	sadd.s32 s6, s0  }
.Ltmp0:
0xe: {  	s0 =	sadd.s32 s7, s0;
	s6 =	sadd.s32 $0x400, s6;
	(pc) =	sbr.rel .LBB2_1-.Ltmp0, $4  }
0xf: {  	s4 =	ssub.s32 s4, s25;
	s0 =	sadd.s32 $0x4400, s0;
	[dreg:$0x4] =	wrdreg s6  }
0x10: {  	s25 =	simm.s32 $0x2;
	s26 =	smax.u32 s4, $0x1;
	[dreg:$0x5] =	wrdreg s0  }
0x11: {  	s4 =	simm.s32 $0x10;
	s6 =	sadd.s32 s2, s5;
	[dreg:$0x6] =	wrdreg s26  }
0x12: {  	s26 =	simm.s32 $0x3;
	s0 =	simm.s32 $0x8;
	s5 =	simm.s32 $0x0  }
.LBB2_20:
0x13: {  	s2 =	simm.s32 $0x9  }
0x14: {  	_ =	swait.ge [sflag:s2], $0x2000  }
0x15: {  	[sflag:s2] =	ssyncset.done $0x0  }
0x16: {  	s7 =	simm.s32 $0xA;
	[sflag:s2] =	ssyncadd.s32 $0xFFFFE000  }
0x17: {  	_ =	swait.ge [sflag:s7], $0x2000  }
0x18: {  	[sflag:s7] =	ssyncset.done $0x0  }
0x19: {  	s12 =	simm.s32 $0xB;
	[sflag:s7] =	ssyncadd.s32 $0xFFFFE000  }
0x1a: {  	_ =	swait.ge [sflag:s12], $0x2000  }
0x1b: {  	[sflag:s12] =	ssyncset.done $0x0  }
0x1c: {  	s14 =	simm.s32 $0xC;
	[sflag:s12] =	ssyncadd.s32 $0xFFFFE000  }
0x1d: {  	_ =	swait.ge [sflag:s14], $0x2000  }
0x1e: {  	[sflag:s14] =	ssyncset.done $0x0  }
0x1f: {  	s16 =	simm.s32 $0xD;
	[sflag:s14] =	ssyncadd.s32 $0xFFFFE000  }
0x20: {  	_ =	swait.ge [sflag:s16], $0x2000  }
0x21: {  	[sflag:s16] =	ssyncset.done $0x0  }
0x22: {  	s18 =	simm.s32 $0xE;
	[sflag:s16] =	ssyncadd.s32 $0xFFFFE000  }
0x23: {  	_ =	swait.ge [sflag:s18], $0x2000  }
0x24: {  	[sflag:s18] =	ssyncset.done $0x0  }
0x25: {  	[sflag:s18] =	ssyncadd.s32 $0xFFFFE000  }
0x26: {  	_ =	swait.ge [sflag:s22], $0x2000  }
0x27: {  	[sflag:s22] =	ssyncset.done $0x0  }
0x28: {  	[sflag:s22] =	ssyncadd.s32 $0xFFFFE000  }
0x29: {  	_ =	swait.ge [sflag:s4], $0x2000  }
0x2a: {  	s5 =	sadd.s32 $0x1, s5;
	s20 =	rddreg [dreg:$0x6]  }
0x2b: {  	p0 =	sne.s32 s5, s20  }
.Ltmp1:
0x2c: {  	_ = 	snop;
	(pc) =	sbr.rel @!p0 .LBB2_21-.Ltmp1, $3  }
0x2d: {  	_ =	sdelay $0x1  }
0x2e: {  	[sflag:s4] =	ssyncset.done $0x0  }
0x2f: {  	[sflag:s4] =	ssyncadd.s32 $0xFFFFE000  }
.LBB2_1:
0x30: {  	s2 =	rddreg [dreg:$0x4]  }
0x31: {  	[tilespmem:s3], [sflag:$0x11] =	stream.linear.gather [hbm4b:s2+s3], $0x1000, $0x38;
	[tilespmem:$0x13000] =	vst v63  }
0x32: {  	_ =	swait.ge [sflag:s8], $0x1000  }
0x33: {  	[sflag:s8] =	ssyncset.done $0x0  }
0x34: {  	[sflag:s8] =	ssyncadd.s32 $0xFFFFF000  }
0x35: {  	[tilespmem:s10], [sflag:$0x1] =	stream.indirect.gather [hbm4b:s1+s9], $0x80, s3, s9, $0xb8;
	[tilespmem:$0x13000] =	vst v63  }
0x36: {  	_ = 	snop  }
0x37: {  	[tilespmem:s11], [sflag:$0x2] =	stream.indirect.gather [hbm4b:s1+s9], $0x80, s9, s9, $0xb8;
	[tilespmem:$0x13000] =	vst v63  }
0x38: {  	s7 =	simm.s32 $0x80  }
0x39: {  	[tilespmem:s13], [sflag:$0x3] =	stream.indirect.gather [hbm4b:s1+s9], $0x80, s7, s9, $0xb8;
	[tilespmem:$0x13000] =	vst v63  }
0x3a: {  	s12 =	simm.s32 $0xC0  }
0x3b: {  	[tilespmem:s15], [sflag:$0x4] =	stream.indirect.gather [hbm4b:s1+s9], $0x80, s12, s9, $0xb8;
	[tilespmem:$0x13000] =	vst v63  }
0x3c: {  	s14 =	simm.s32 $0x100  }
0x3d: {  	[tilespmem:s17], [sflag:$0x5] =	stream.indirect.gather [hbm4b:s1+s9], $0x80, s14, s9, $0xb8;
	[tilespmem:$0x13000] =	vst v63  }
0x3e: {  	s16 =	simm.s32 $0x140  }
0x3f: {  	[tilespmem:s19], [sflag:$0x6] =	stream.indirect.gather [hbm4b:s1+s9], $0x80, s16, s9, $0xb8;
	[tilespmem:$0x13000] =	vst v63  }
0x40: {  	s18 =	simm.s32 $0x180  }
0x41: {  	[tilespmem:s21], [sflag:$0x7] =	stream.indirect.gather [hbm4b:s1+s9], $0x80, s18, s9, $0xb8;
	[tilespmem:$0x13000] =	vst v63  }
0x42: {  	s20 =	rddreg [dreg:$0x5];
	s7 =	simm.s32 $0x11000  }
0x43: {  	[tilespmem:s7], [sflag:$0x11] =	stream.linear.gather [hbm4b:s20+s3], $0x2000, $0x38;
	[tilespmem:$0x13000] =	vst v63  }
0x44: {  	_ =	swait.ge [sflag:s8], $0x2000  }
0x45: {  	[sflag:s8] =	ssyncset.done $0x0  }
0x46: {  	s7 =	simm.s32 $0x0;
	[sflag:s8] =	ssyncadd.s32 $0xFFFFE000  }
.LBB2_2:
0x47: {  	_ =	swait.ge [sflag:s23], $0x2000  }
0x48: {  	s2 =	sshll.u32 s7, $0xA;
	[sflag:s23] =	ssyncset.done $0x0  }
0x49: {  	s2 =	sand.u32 $0x3FFFFC00, s2;
	[sflag:s23] =	ssyncadd.s32 $0xFFFFE000  }
0x4a: {  	v1 =	vld [tilespmem:s2+$0x11000]  }
0x4b: {  	v2 =	vld [tilespmem:s2+$0x11010]  }
0x4c: {  	v3 =	vld [tilespmem:s2+$0x11020]  }
0x4d: {  	v7 =	vld [tilespmem:s2+$0x11070]  }
0x4e: {  	v4 =	vld [tilespmem:s2+$0x11030]  }
0x4f: {  	v5 =	vld [tilespmem:s2+$0x11040]  }
0x50: {  	v6 =	vld [tilespmem:s2+$0x11050]  }
0x51: {  	s12 =	simm.s32 $0x800;
	v0 =	vld [tilespmem:s2+$0x11060];
	s2 =	simm.s32 $0x0  }
.LBB2_3:
0x52: {  	p0 =	sne.s32 s12, $0x7800;
	[tilespmem:s2+$0x11F0] =	vst.add.f32.msk $0xffff, v7  }
0x53: {  	[tilespmem:s2+$0x1000] =	vst.add.f32.msk $0xffff, v1  }
0x54: {  	[tilespmem:s2+$0x1010] =	vst.add.f32.msk $0xffff, v2  }
0x55: {  	[tilespmem:s2+$0x1020] =	vst.add.f32.msk $0xffff, v3  }
0x56: {  	[tilespmem:s2+$0x1030] =	vst.add.f32.msk $0xffff, v4  }
0x57: {  	[tilespmem:s2+$0x1040] =	vst.add.f32.msk $0xffff, v5  }
0x58: {  	[tilespmem:s2+$0x1050] =	vst.add.f32.msk $0xffff, v6  }
0x59: {  	[tilespmem:s2+$0x1060] =	vst.add.f32.msk $0xffff, v0  }
0x5a: {  	[tilespmem:s2+$0x1070] =	vst.add.f32.msk $0xffff, v7  }
0x5b: {  	[tilespmem:s2+$0x1080] =	vst.add.f32.msk $0xffff, v1  }
0x5c: {  	[tilespmem:s2+$0x1090] =	vst.add.f32.msk $0xffff, v2  }
0x5d: {  	[tilespmem:s2+$0x10A0] =	vst.add.f32.msk $0xffff, v3  }
0x5e: {  	[tilespmem:s2+$0x10B0] =	vst.add.f32.msk $0xffff, v4  }
0x5f: {  	[tilespmem:s2+$0x10C0] =	vst.add.f32.msk $0xffff, v5  }
0x60: {  	[tilespmem:s2+$0x10D0] =	vst.add.f32.msk $0xffff, v6  }
0x61: {  	[tilespmem:s2+$0x10E0] =	vst.add.f32.msk $0xffff, v0  }
0x62: {  	[tilespmem:s2+$0x10F0] =	vst.add.f32.msk $0xffff, v7  }
0x63: {  	[tilespmem:s2+$0x1100] =	vst.add.f32.msk $0xffff, v1  }
0x64: {  	[tilespmem:s2+$0x1110] =	vst.add.f32.msk $0xffff, v2  }
0x65: {  	[tilespmem:s2+$0x1120] =	vst.add.f32.msk $0xffff, v3  }
0x66: {  	[tilespmem:s2+$0x1130] =	vst.add.f32.msk $0xffff, v4  }
0x67: {  	[tilespmem:s2+$0x1140] =	vst.add.f32.msk $0xffff, v5  }
0x68: {  	[tilespmem:s2+$0x1150] =	vst.add.f32.msk $0xffff, v6  }
0x69: {  	[tilespmem:s2+$0x1160] =	vst.add.f32.msk $0xffff, v0  }
0x6a: {  	[tilespmem:s2+$0x1170] =	vst.add.f32.msk $0xffff, v7  }
0x6b: {  	[tilespmem:s2+$0x1180] =	vst.add.f32.msk $0xffff, v1  }
0x6c: {  	[tilespmem:s2+$0x1190] =	vst.add.f32.msk $0xffff, v2  }
.Ltmp2:
0x6d: {  	[tilespmem:s2+$0x11A0] =	vst.add.f32.msk $0xffff, v3;
	(pc) =	sbr.rel @p0 .LBB2_3-.Ltmp2, $4  }
0x6e: {  	[tilespmem:s2+$0x11B0] =	vst.add.f32.msk $0xffff, v4  }
0x6f: {  	[tilespmem:s2+$0x11C0] =	vst.add.f32.msk $0xffff, v5  }
0x70: {  	[tilespmem:s2+$0x11D0] =	vst.add.f32.msk $0xffff, v6  }
0x71: {  	[tilespmem:s2+$0x11E0] =	vst.add.f32.msk $0xffff, v0;
	s2 =	sshra.s32 s12, $0x2;
	s12 =	sadd.s32 $0x800, s12  }
0x72: {  	[tilespmem:s2+$0x11F0] =	vst.add.f32.msk $0xffff, v7  }
0x73: {  	[tilespmem:s2+$0x1000] =	vst.add.f32.msk $0xffff, v1  }
0x74: {  	[tilespmem:s2+$0x1010] =	vst.add.f32.msk $0xffff, v2  }
0x75: {  	[tilespmem:s2+$0x1020] =	vst.add.f32.msk $0xffff, v3  }
0x76: {  	[tilespmem:s2+$0x1030] =	vst.add.f32.msk $0xffff, v4  }
0x77: {  	[tilespmem:s2+$0x1040] =	vst.add.f32.msk $0xffff, v5  }
0x78: {  	[tilespmem:s2+$0x1050] =	vst.add.f32.msk $0xffff, v6  }
0x79: {  	[tilespmem:s2+$0x1060] =	vst.add.f32.msk $0xffff, v0  }
0x7a: {  	[tilespmem:s2+$0x1070] =	vst.add.f32.msk $0xffff, v7  }
0x7b: {  	[tilespmem:s2+$0x1080] =	vst.add.f32.msk $0xffff, v1  }
0x7c: {  	[tilespmem:s2+$0x1090] =	vst.add.f32.msk $0xffff, v2  }
0x7d: {  	[tilespmem:s2+$0x10A0] =	vst.add.f32.msk $0xffff, v3  }
0x7e: {  	[tilespmem:s2+$0x10B0] =	vst.add.f32.msk $0xffff, v4  }
0x7f: {  	[tilespmem:s2+$0x10C0] =	vst.add.f32.msk $0xffff, v5  }
0x80: {  	[tilespmem:s2+$0x10D0] =	vst.add.f32.msk $0xffff, v6  }
0x81: {  	[tilespmem:s2+$0x10E0] =	vst.add.f32.msk $0xffff, v0  }
0x82: {  	[tilespmem:s2+$0x10F0] =	vst.add.f32.msk $0xffff, v7  }
0x83: {  	[tilespmem:s2+$0x1100] =	vst.add.f32.msk $0xffff, v1  }
0x84: {  	[tilespmem:s2+$0x1110] =	vst.add.f32.msk $0xffff, v2  }
0x85: {  	[tilespmem:s2+$0x1120] =	vst.add.f32.msk $0xffff, v3  }
0x86: {  	[tilespmem:s2+$0x1130] =	vst.add.f32.msk $0xffff, v4  }
0x87: {  	[tilespmem:s2+$0x1140] =	vst.add.f32.msk $0xffff, v5  }
0x88: {  	[tilespmem:s2+$0x1150] =	vst.add.f32.msk $0xffff, v6  }
0x89: {  	[tilespmem:s2+$0x1160] =	vst.add.f32.msk $0xffff, v0  }
0x8a: {  	[tilespmem:s2+$0x1170] =	vst.add.f32.msk $0xffff, v7  }
0x8b: {  	[tilespmem:s2+$0x1180] =	vst.add.f32.msk $0xffff, v1  }
0x8c: {  	[tilespmem:s2+$0x1190] =	vst.add.f32.msk $0xffff, v2  }
0x8d: {  	[tilespmem:s2+$0x11A0] =	vst.add.f32.msk $0xffff, v3  }
0x8e: {  	[tilespmem:s2+$0x11B0] =	vst.add.f32.msk $0xffff, v4  }
0x8f: {  	[tilespmem:s2+$0x11C0] =	vst.add.f32.msk $0xffff, v5  }
0x90: {  	[tilespmem:s2+$0x11D0] =	vst.add.f32.msk $0xffff, v6;
	s12 =	sshll.u32 s7, $0xD;
	p0 =	seq.s32 s7, $0x0  }
0x91: {  	[tilespmem:s2+$0x11E0] =	vst.add.f32.msk $0xffff, v0;
	s16 =	sadd.s32 s12, s6;
	s14 =	simm.s32 @!p0 $0x10  }
0x92: {  	[hbm4b:s16+s3] =	stream.linear.scatter [tilespmem:s10], [sflag:$0x9], $0x2000, $0x38;
	[tilespmem:$0x13000] =	vst v63  }
0x93: {  	s2 =	sshllo.u32 s7, $0x3;
	_ =	swait.ge @!p0 [sflag:s14], $0x2000  }
0x94: {  	s16 =	sshll.u32 s2, $0x6;
	[sflag:s14] =	ssyncset.done @!p0 $0x0  }
0x95: {  	s12 =	sshll.u32 s7, $0x3;
	s18 =	sand.u32 $0x3FFFFFC0, s16;
	[sflag:s14] =	ssyncadd.s32 @!p0 $0xFFFFE000  }
0x96: {  	[tilespmem:s24], [sflag:$0x8] =	stream.indirect.gather [hbm4b:s1+s9], $0x80, s18, s9, $0xb8;
	[tilespmem:$0x13000] =	vst v63  }
0x97: {  	s14 =	sor.u32 $0x1, s12;
	_ =	swait.ge [sflag:s25], $0x2000  }
0x98: {  	s20 =	sshll.u32 s14, $0x7;
	[sflag:s25] =	ssyncset.done $0x0  }
0x99: {  	s16 =	sand.u32 $0x3FFFFF80, s20;
	[sflag:s25] =	ssyncadd.s32 $0xFFFFE000  }
0x9a: {  	v1 =	vld [tilespmem:s16+$0x11000]  }
0x9b: {  	v2 =	vld [tilespmem:s16+$0x11010]  }
0x9c: {  	v3 =	vld [tilespmem:s16+$0x11020]  }
0x9d: {  	v7 =	vld [tilespmem:s16+$0x11070]  }
0x9e: {  	v4 =	vld [tilespmem:s16+$0x11030]  }
0x9f: {  	v5 =	vld [tilespmem:s16+$0x11040]  }
0xa0: {  	v6 =	vld [tilespmem:s16+$0x11050]  }
0xa1: {  	s18 =	simm.s32 $0x800;
	v0 =	vld [tilespmem:s16+$0x11060];
	s16 =	simm.s32 $0x0  }
.LBB2_5:
0xa2: {  	p0 =	sne.s32 s18, $0x7800;
	[tilespmem:s16+$0x31F0] =	vst.add.f32.msk $0xffff, v7  }
0xa3: {  	[tilespmem:s16+$0x3000] =	vst.add.f32.msk $0xffff, v1  }
0xa4: {  	[tilespmem:s16+$0x3010] =	vst.add.f32.msk $0xffff, v2  }
0xa5: {  	[tilespmem:s16+$0x3020] =	vst.add.f32.msk $0xffff, v3  }
0xa6: {  	[tilespmem:s16+$0x3030] =	vst.add.f32.msk $0xffff, v4  }
0xa7: {  	[tilespmem:s16+$0x3040] =	vst.add.f32.msk $0xffff, v5  }
0xa8: {  	[tilespmem:s16+$0x3050] =	vst.add.f32.msk $0xffff, v6  }
0xa9: {  	[tilespmem:s16+$0x3060] =	vst.add.f32.msk $0xffff, v0  }
0xaa: {  	[tilespmem:s16+$0x3070] =	vst.add.f32.msk $0xffff, v7  }
0xab: {  	[tilespmem:s16+$0x3080] =	vst.add.f32.msk $0xffff, v1  }
0xac: {  	[tilespmem:s16+$0x3090] =	vst.add.f32.msk $0xffff, v2  }
0xad: {  	[tilespmem:s16+$0x30A0] =	vst.add.f32.msk $0xffff, v3  }
0xae: {  	[tilespmem:s16+$0x30B0] =	vst.add.f32.msk $0xffff, v4  }
0xaf: {  	[tilespmem:s16+$0x30C0] =	vst.add.f32.msk $0xffff, v5  }
0xb0: {  	[tilespmem:s16+$0x30D0] =	vst.add.f32.msk $0xffff, v6  }
0xb1: {  	[tilespmem:s16+$0x30E0] =	vst.add.f32.msk $0xffff, v0  }
0xb2: {  	[tilespmem:s16+$0x30F0] =	vst.add.f32.msk $0xffff, v7  }
0xb3: {  	[tilespmem:s16+$0x3100] =	vst.add.f32.msk $0xffff, v1  }
0xb4: {  	[tilespmem:s16+$0x3110] =	vst.add.f32.msk $0xffff, v2  }
0xb5: {  	[tilespmem:s16+$0x3120] =	vst.add.f32.msk $0xffff, v3  }
0xb6: {  	[tilespmem:s16+$0x3130] =	vst.add.f32.msk $0xffff, v4  }
0xb7: {  	[tilespmem:s16+$0x3140] =	vst.add.f32.msk $0xffff, v5  }
0xb8: {  	[tilespmem:s16+$0x3150] =	vst.add.f32.msk $0xffff, v6  }
0xb9: {  	[tilespmem:s16+$0x3160] =	vst.add.f32.msk $0xffff, v0  }
0xba: {  	[tilespmem:s16+$0x3170] =	vst.add.f32.msk $0xffff, v7  }
0xbb: {  	[tilespmem:s16+$0x3180] =	vst.add.f32.msk $0xffff, v1  }
0xbc: {  	[tilespmem:s16+$0x3190] =	vst.add.f32.msk $0xffff, v2  }
.Ltmp3:
0xbd: {  	[tilespmem:s16+$0x31A0] =	vst.add.f32.msk $0xffff, v3;
	(pc) =	sbr.rel @p0 .LBB2_5-.Ltmp3, $4  }
0xbe: {  	[tilespmem:s16+$0x31B0] =	vst.add.f32.msk $0xffff, v4  }
0xbf: {  	[tilespmem:s16+$0x31C0] =	vst.add.f32.msk $0xffff, v5  }
0xc0: {  	[tilespmem:s16+$0x31D0] =	vst.add.f32.msk $0xffff, v6  }
0xc1: {  	[tilespmem:s16+$0x31E0] =	vst.add.f32.msk $0xffff, v0;
	s16 =	sshra.s32 s18, $0x2;
	s18 =	sadd.s32 $0x800, s18  }
0xc2: {  	[tilespmem:s16+$0x31F0] =	vst.add.f32.msk $0xffff, v7  }
0xc3: {  	[tilespmem:s16+$0x3000] =	vst.add.f32.msk $0xffff, v1  }
0xc4: {  	[tilespmem:s16+$0x3010] =	vst.add.f32.msk $0xffff, v2  }
0xc5: {  	[tilespmem:s16+$0x3020] =	vst.add.f32.msk $0xffff, v3  }
0xc6: {  	[tilespmem:s16+$0x3030] =	vst.add.f32.msk $0xffff, v4  }
0xc7: {  	[tilespmem:s16+$0x3040] =	vst.add.f32.msk $0xffff, v5  }
0xc8: {  	[tilespmem:s16+$0x3050] =	vst.add.f32.msk $0xffff, v6  }
0xc9: {  	[tilespmem:s16+$0x3060] =	vst.add.f32.msk $0xffff, v0  }
0xca: {  	[tilespmem:s16+$0x3070] =	vst.add.f32.msk $0xffff, v7  }
0xcb: {  	[tilespmem:s16+$0x3080] =	vst.add.f32.msk $0xffff, v1  }
0xcc: {  	[tilespmem:s16+$0x3090] =	vst.add.f32.msk $0xffff, v2  }
0xcd: {  	[tilespmem:s16+$0x30A0] =	vst.add.f32.msk $0xffff, v3  }
0xce: {  	[tilespmem:s16+$0x30B0] =	vst.add.f32.msk $0xffff, v4  }
0xcf: {  	[tilespmem:s16+$0x30C0] =	vst.add.f32.msk $0xffff, v5  }
0xd0: {  	[tilespmem:s16+$0x30D0] =	vst.add.f32.msk $0xffff, v6  }
0xd1: {  	[tilespmem:s16+$0x30E0] =	vst.add.f32.msk $0xffff, v0  }
0xd2: {  	[tilespmem:s16+$0x30F0] =	vst.add.f32.msk $0xffff, v7  }
0xd3: {  	[tilespmem:s16+$0x3100] =	vst.add.f32.msk $0xffff, v1  }
0xd4: {  	[tilespmem:s16+$0x3110] =	vst.add.f32.msk $0xffff, v2  }
0xd5: {  	[tilespmem:s16+$0x3120] =	vst.add.f32.msk $0xffff, v3  }
0xd6: {  	[tilespmem:s16+$0x3130] =	vst.add.f32.msk $0xffff, v4  }
0xd7: {  	[tilespmem:s16+$0x3140] =	vst.add.f32.msk $0xffff, v5  }
0xd8: {  	[tilespmem:s16+$0x3150] =	vst.add.f32.msk $0xffff, v6  }
0xd9: {  	[tilespmem:s16+$0x3160] =	vst.add.f32.msk $0xffff, v0  }
0xda: {  	[tilespmem:s16+$0x3170] =	vst.add.f32.msk $0xffff, v7  }
0xdb: {  	[tilespmem:s16+$0x3180] =	vst.add.f32.msk $0xffff, v1  }
0xdc: {  	[tilespmem:s16+$0x3190] =	vst.add.f32.msk $0xffff, v2  }
0xdd: {  	[tilespmem:s16+$0x31A0] =	vst.add.f32.msk $0xffff, v3  }
0xde: {  	[tilespmem:s16+$0x31B0] =	vst.add.f32.msk $0xffff, v4  }
0xdf: {  	[tilespmem:s16+$0x31C0] =	vst.add.f32.msk $0xffff, v5  }
0xe0: {  	[tilespmem:s16+$0x31D0] =	vst.add.f32.msk $0xffff, v6;
	s14 =	sshll.u32 s14, $0xA  }
0xe1: {  	[tilespmem:s16+$0x31E0] =	vst.add.f32.msk $0xffff, v0;
	p0 =	seq.s32 s7, $0x7;
	s14 =	sadd.s32 s14, s6  }
0xe2: {  	[hbm4b:s14+s3] =	stream.linear.scatter [tilespmem:s11], [sflag:$0xA], $0x2000, $0x38;
	[tilespmem:$0x13000] =	vst v63  }
0xe3: {  	s14 =	simm.s32 @!p0 $0x9  }
0xe4: {  	_ =	swait.ge @!p0 [sflag:s14], $0x2000  }
0xe5: {  	s16 =	sshll.u32 @!p0 s7, $0x9;
	[sflag:s14] =	ssyncset.done @!p0 $0x0  }
0xe6: {  	[sflag:s14] =	ssyncadd.s32 @!p0 $0xFFFFE000;
	s14 =	sand.u32 @!p0 $0x3FFFFE00, s16  }
0xe7: {  	s18 =	simm.s32 @!p0 $0x40;
	s20 =	simm.s32 @!p0 $0x1000;
	s16 =	sadd.s32 @!p0 $0x200, s14  }
0xe8: {  	[tilespmem:s20], [sflag:$0x1] =	stream.indirect.gather @!p0 [hbm4b:s1+s18], $0x80, s16, s18, $0xb8;
	[tilespmem:$0x13000] =	vst v63  }
0xe9: {  	s16 =	sor.u32 $0x2, s12;
	_ =	swait.ge [sflag:s26], $0x2000  }
0xea: {  	s20 =	sshll.u32 s16, $0x7;
	[sflag:s26] =	ssyncset.done $0x0  }
0xeb: {  	s18 =	sand.u32 $0x3FFFFF80, s20;
	[sflag:s26] =	ssyncadd.s32 $0xFFFFE000  }
0xec: {  	v1 =	vld [tilespmem:s18+$0x11000]  }
0xed: {  	v2 =	vld [tilespmem:s18+$0x11010]  }
0xee: {  	v3 =	vld [tilespmem:s18+$0x11020]  }
0xef: {  	v7 =	vld [tilespmem:s18+$0x11070]  }
0xf0: {  	v4 =	vld [tilespmem:s18+$0x11030]  }
0xf1: {  	v5 =	vld [tilespmem:s18+$0x11040]  }
0xf2: {  	v6 =	vld [tilespmem:s18+$0x11050]  }
0xf3: {  	s20 =	simm.s32 $0x800;
	v0 =	vld [tilespmem:s18+$0x11060];
	s18 =	simm.s32 $0x0  }
.LBB2_7:
0xf4: {  	p1 =	sne.s32 s20, $0x7800;
	[tilespmem:s18+$0x51F0] =	vst.add.f32.msk $0xffff, v7  }
0xf5: {  	[tilespmem:s18+$0x5000] =	vst.add.f32.msk $0xffff, v1  }
0xf6: {  	[tilespmem:s18+$0x5010] =	vst.add.f32.msk $0xffff, v2  }
0xf7: {  	[tilespmem:s18+$0x5020] =	vst.add.f32.msk $0xffff, v3  }
0xf8: {  	[tilespmem:s18+$0x5030] =	vst.add.f32.msk $0xffff, v4  }
0xf9: {  	[tilespmem:s18+$0x5040] =	vst.add.f32.msk $0xffff, v5  }
0xfa: {  	[tilespmem:s18+$0x5050] =	vst.add.f32.msk $0xffff, v6  }
0xfb: {  	[tilespmem:s18+$0x5060] =	vst.add.f32.msk $0xffff, v0  }
0xfc: {  	[tilespmem:s18+$0x5070] =	vst.add.f32.msk $0xffff, v7  }
0xfd: {  	[tilespmem:s18+$0x5080] =	vst.add.f32.msk $0xffff, v1  }
0xfe: {  	[tilespmem:s18+$0x5090] =	vst.add.f32.msk $0xffff, v2  }
0xff: {  	[tilespmem:s18+$0x50A0] =	vst.add.f32.msk $0xffff, v3  }
0x100: {  	[tilespmem:s18+$0x50B0] =	vst.add.f32.msk $0xffff, v4  }
0x101: {  	[tilespmem:s18+$0x50C0] =	vst.add.f32.msk $0xffff, v5  }
0x102: {  	[tilespmem:s18+$0x50D0] =	vst.add.f32.msk $0xffff, v6  }
0x103: {  	[tilespmem:s18+$0x50E0] =	vst.add.f32.msk $0xffff, v0  }
0x104: {  	[tilespmem:s18+$0x50F0] =	vst.add.f32.msk $0xffff, v7  }
0x105: {  	[tilespmem:s18+$0x5100] =	vst.add.f32.msk $0xffff, v1  }
0x106: {  	[tilespmem:s18+$0x5110] =	vst.add.f32.msk $0xffff, v2  }
0x107: {  	[tilespmem:s18+$0x5120] =	vst.add.f32.msk $0xffff, v3  }
0x108: {  	[tilespmem:s18+$0x5130] =	vst.add.f32.msk $0xffff, v4  }
0x109: {  	[tilespmem:s18+$0x5140] =	vst.add.f32.msk $0xffff, v5  }
0x10a: {  	[tilespmem:s18+$0x5150] =	vst.add.f32.msk $0xffff, v6  }
0x10b: {  	[tilespmem:s18+$0x5160] =	vst.add.f32.msk $0xffff, v0  }
0x10c: {  	[tilespmem:s18+$0x5170] =	vst.add.f32.msk $0xffff, v7  }
0x10d: {  	[tilespmem:s18+$0x5180] =	vst.add.f32.msk $0xffff, v1  }
0x10e: {  	[tilespmem:s18+$0x5190] =	vst.add.f32.msk $0xffff, v2  }
.Ltmp4:
0x10f: {  	[tilespmem:s18+$0x51A0] =	vst.add.f32.msk $0xffff, v3;
	(pc) =	sbr.rel @p1 .LBB2_7-.Ltmp4, $4  }
0x110: {  	[tilespmem:s18+$0x51B0] =	vst.add.f32.msk $0xffff, v4  }
0x111: {  	[tilespmem:s18+$0x51C0] =	vst.add.f32.msk $0xffff, v5  }
0x112: {  	[tilespmem:s18+$0x51D0] =	vst.add.f32.msk $0xffff, v6  }
0x113: {  	[tilespmem:s18+$0x51E0] =	vst.add.f32.msk $0xffff, v0;
	s18 =	sshra.s32 s20, $0x2;
	s20 =	sadd.s32 $0x800, s20  }
0x114: {  	[tilespmem:s18+$0x51F0] =	vst.add.f32.msk $0xffff, v7  }
0x115: {  	[tilespmem:s18+$0x5000] =	vst.add.f32.msk $0xffff, v1  }
0x116: {  	[tilespmem:s18+$0x5010] =	vst.add.f32.msk $0xffff, v2  }
0x117: {  	[tilespmem:s18+$0x5020] =	vst.add.f32.msk $0xffff, v3  }
0x118: {  	[tilespmem:s18+$0x5030] =	vst.add.f32.msk $0xffff, v4  }
0x119: {  	[tilespmem:s18+$0x5040] =	vst.add.f32.msk $0xffff, v5  }
0x11a: {  	[tilespmem:s18+$0x5050] =	vst.add.f32.msk $0xffff, v6  }
0x11b: {  	[tilespmem:s18+$0x5060] =	vst.add.f32.msk $0xffff, v0  }
0x11c: {  	[tilespmem:s18+$0x5070] =	vst.add.f32.msk $0xffff, v7  }
0x11d: {  	[tilespmem:s18+$0x5080] =	vst.add.f32.msk $0xffff, v1  }
0x11e: {  	[tilespmem:s18+$0x5090] =	vst.add.f32.msk $0xffff, v2  }
0x11f: {  	[tilespmem:s18+$0x50A0] =	vst.add.f32.msk $0xffff, v3  }
0x120: {  	[tilespmem:s18+$0x50B0] =	vst.add.f32.msk $0xffff, v4  }
0x121: {  	[tilespmem:s18+$0x50C0] =	vst.add.f32.msk $0xffff, v5  }
0x122: {  	[tilespmem:s18+$0x50D0] =	vst.add.f32.msk $0xffff, v6  }
0x123: {  	[tilespmem:s18+$0x50E0] =	vst.add.f32.msk $0xffff, v0  }
0x124: {  	[tilespmem:s18+$0x50F0] =	vst.add.f32.msk $0xffff, v7  }
0x125: {  	[tilespmem:s18+$0x5100] =	vst.add.f32.msk $0xffff, v1  }
0x126: {  	[tilespmem:s18+$0x5110] =	vst.add.f32.msk $0xffff, v2  }
0x127: {  	[tilespmem:s18+$0x5120] =	vst.add.f32.msk $0xffff, v3  }
0x128: {  	[tilespmem:s18+$0x5130] =	vst.add.f32.msk $0xffff, v4  }
0x129: {  	[tilespmem:s18+$0x5140] =	vst.add.f32.msk $0xffff, v5  }
0x12a: {  	[tilespmem:s18+$0x5150] =	vst.add.f32.msk $0xffff, v6  }
0x12b: {  	[tilespmem:s18+$0x5160] =	vst.add.f32.msk $0xffff, v0  }
0x12c: {  	[tilespmem:s18+$0x5170] =	vst.add.f32.msk $0xffff, v7  }
0x12d: {  	[tilespmem:s18+$0x5180] =	vst.add.f32.msk $0xffff, v1  }
0x12e: {  	[tilespmem:s18+$0x5190] =	vst.add.f32.msk $0xffff, v2  }
0x12f: {  	[tilespmem:s18+$0x51A0] =	vst.add.f32.msk $0xffff, v3  }
0x130: {  	[tilespmem:s18+$0x51B0] =	vst.add.f32.msk $0xffff, v4  }
0x131: {  	[tilespmem:s18+$0x51C0] =	vst.add.f32.msk $0xffff, v5  }
0x132: {  	[tilespmem:s18+$0x51D0] =	vst.add.f32.msk $0xffff, v6;
	s16 =	sshll.u32 s16, $0xA  }
0x133: {  	[tilespmem:s18+$0x51E0] =	vst.add.f32.msk $0xffff, v0;
	s16 =	sadd.s32 s16, s6  }
0x134: {  	[hbm4b:s16+s3] =	stream.linear.scatter [tilespmem:s13], [sflag:$0xB], $0x2000, $0x38;
	[tilespmem:$0x13000] =	vst v63  }
0x135: {  	s16 =	simm.s32 @!p0 $0xA  }
0x136: {  	_ =	swait.ge @!p0 [sflag:s16], $0x2000  }
0x137: {  	s18 =	simm.s32 @!p0 $0x40;
	[sflag:s16] =	ssyncset.done @!p0 $0x0  }
0x138: {  	s20 =	simm.s32 @!p0 $0x3000;
	[sflag:s16] =	ssyncadd.s32 @!p0 $0xFFFFE000;
	s16 =	sadd.s32 @!p0 $0x240, s14  }
0x139: {  	[tilespmem:s20], [sflag:$0x2] =	stream.indirect.gather @!p0 [hbm4b:s1+s18], $0x80, s16, s18, $0xb8;
	[tilespmem:$0x13000] =	vst v63  }
0x13a: {  	s16 =	sor.u32 $0x3, s12;
	_ =	swait.ge [sflag:s28], $0x2000  }
0x13b: {  	s20 =	sshll.u32 s16, $0x7;
	[sflag:s28] =	ssyncset.done $0x0  }
0x13c: {  	s18 =	sand.u32 $0x3FFFFF80, s20;
	[sflag:s28] =	ssyncadd.s32 $0xFFFFE000  }
0x13d: {  	v1 =	vld [tilespmem:s18+$0x11000]  }
0x13e: {  	v2 =	vld [tilespmem:s18+$0x11010]  }
0x13f: {  	v3 =	vld [tilespmem:s18+$0x11020]  }
0x140: {  	v7 =	vld [tilespmem:s18+$0x11070]  }
0x141: {  	v4 =	vld [tilespmem:s18+$0x11030]  }
0x142: {  	v5 =	vld [tilespmem:s18+$0x11040]  }
0x143: {  	v6 =	vld [tilespmem:s18+$0x11050]  }
0x144: {  	s20 =	simm.s32 $0x800;
	v0 =	vld [tilespmem:s18+$0x11060];
	s18 =	simm.s32 $0x0  }
.LBB2_9:
0x145: {  	p1 =	sne.s32 s20, $0x7800;
	[tilespmem:s18+$0x71F0] =	vst.add.f32.msk $0xffff, v7  }
0x146: {  	[tilespmem:s18+$0x7000] =	vst.add.f32.msk $0xffff, v1  }
0x147: {  	[tilespmem:s18+$0x7010] =	vst.add.f32.msk $0xffff, v2  }
0x148: {  	[tilespmem:s18+$0x7020] =	vst.add.f32.msk $0xffff, v3  }
0x149: {  	[tilespmem:s18+$0x7030] =	vst.add.f32.msk $0xffff, v4  }
0x14a: {  	[tilespmem:s18+$0x7040] =	vst.add.f32.msk $0xffff, v5  }
0x14b: {  	[tilespmem:s18+$0x7050] =	vst.add.f32.msk $0xffff, v6  }
0x14c: {  	[tilespmem:s18+$0x7060] =	vst.add.f32.msk $0xffff, v0  }
0x14d: {  	[tilespmem:s18+$0x7070] =	vst.add.f32.msk $0xffff, v7  }
0x14e: {  	[tilespmem:s18+$0x7080] =	vst.add.f32.msk $0xffff, v1  }
0x14f: {  	[tilespmem:s18+$0x7090] =	vst.add.f32.msk $0xffff, v2  }
0x150: {  	[tilespmem:s18+$0x70A0] =	vst.add.f32.msk $0xffff, v3  }
0x151: {  	[tilespmem:s18+$0x70B0] =	vst.add.f32.msk $0xffff, v4  }
0x152: {  	[tilespmem:s18+$0x70C0] =	vst.add.f32.msk $0xffff, v5  }
0x153: {  	[tilespmem:s18+$0x70D0] =	vst.add.f32.msk $0xffff, v6  }
0x154: {  	[tilespmem:s18+$0x70E0] =	vst.add.f32.msk $0xffff, v0  }
0x155: {  	[tilespmem:s18+$0x70F0] =	vst.add.f32.msk $0xffff, v7  }
0x156: {  	[tilespmem:s18+$0x7100] =	vst.add.f32.msk $0xffff, v1  }
0x157: {  	[tilespmem:s18+$0x7110] =	vst.add.f32.msk $0xffff, v2  }
0x158: {  	[tilespmem:s18+$0x7120] =	vst.add.f32.msk $0xffff, v3  }
0x159: {  	[tilespmem:s18+$0x7130] =	vst.add.f32.msk $0xffff, v4  }
0x15a: {  	[tilespmem:s18+$0x7140] =	vst.add.f32.msk $0xffff, v5  }
0x15b: {  	[tilespmem:s18+$0x7150] =	vst.add.f32.msk $0xffff, v6  }
0x15c: {  	[tilespmem:s18+$0x7160] =	vst.add.f32.msk $0xffff, v0  }
0x15d: {  	[tilespmem:s18+$0x7170] =	vst.add.f32.msk $0xffff, v7  }
0x15e: {  	[tilespmem:s18+$0x7180] =	vst.add.f32.msk $0xffff, v1  }
0x15f: {  	[tilespmem:s18+$0x7190] =	vst.add.f32.msk $0xffff, v2  }
.Ltmp5:
0x160: {  	[tilespmem:s18+$0x71A0] =	vst.add.f32.msk $0xffff, v3;
	(pc) =	sbr.rel @p1 .LBB2_9-.Ltmp5, $4  }
0x161: {  	[tilespmem:s18+$0x71B0] =	vst.add.f32.msk $0xffff, v4  }
0x162: {  	[tilespmem:s18+$0x71C0] =	vst.add.f32.msk $0xffff, v5  }
0x163: {  	[tilespmem:s18+$0x71D0] =	vst.add.f32.msk $0xffff, v6  }
0x164: {  	[tilespmem:s18+$0x71E0] =	vst.add.f32.msk $0xffff, v0;
	s18 =	sshra.s32 s20, $0x2;
	s20 =	sadd.s32 $0x800, s20  }
0x165: {  	[tilespmem:s18+$0x71F0] =	vst.add.f32.msk $0xffff, v7  }
0x166: {  	[tilespmem:s18+$0x7000] =	vst.add.f32.msk $0xffff, v1  }
0x167: {  	[tilespmem:s18+$0x7010] =	vst.add.f32.msk $0xffff, v2  }
0x168: {  	[tilespmem:s18+$0x7020] =	vst.add.f32.msk $0xffff, v3  }
0x169: {  	[tilespmem:s18+$0x7030] =	vst.add.f32.msk $0xffff, v4  }
0x16a: {  	[tilespmem:s18+$0x7040] =	vst.add.f32.msk $0xffff, v5  }
0x16b: {  	[tilespmem:s18+$0x7050] =	vst.add.f32.msk $0xffff, v6  }
0x16c: {  	[tilespmem:s18+$0x7060] =	vst.add.f32.msk $0xffff, v0  }
0x16d: {  	[tilespmem:s18+$0x7070] =	vst.add.f32.msk $0xffff, v7  }
0x16e: {  	[tilespmem:s18+$0x7080] =	vst.add.f32.msk $0xffff, v1  }
0x16f: {  	[tilespmem:s18+$0x7090] =	vst.add.f32.msk $0xffff, v2  }
0x170: {  	[tilespmem:s18+$0x70A0] =	vst.add.f32.msk $0xffff, v3  }
0x171: {  	[tilespmem:s18+$0x70B0] =	vst.add.f32.msk $0xffff, v4  }
0x172: {  	[tilespmem:s18+$0x70C0] =	vst.add.f32.msk $0xffff, v5  }
0x173: {  	[tilespmem:s18+$0x70D0] =	vst.add.f32.msk $0xffff, v6  }
0x174: {  	[tilespmem:s18+$0x70E0] =	vst.add.f32.msk $0xffff, v0  }
0x175: {  	[tilespmem:s18+$0x70F0] =	vst.add.f32.msk $0xffff, v7  }
0x176: {  	[tilespmem:s18+$0x7100] =	vst.add.f32.msk $0xffff, v1  }
0x177: {  	[tilespmem:s18+$0x7110] =	vst.add.f32.msk $0xffff, v2  }
0x178: {  	[tilespmem:s18+$0x7120] =	vst.add.f32.msk $0xffff, v3  }
0x179: {  	[tilespmem:s18+$0x7130] =	vst.add.f32.msk $0xffff, v4  }
0x17a: {  	[tilespmem:s18+$0x7140] =	vst.add.f32.msk $0xffff, v5  }
0x17b: {  	[tilespmem:s18+$0x7150] =	vst.add.f32.msk $0xffff, v6  }
0x17c: {  	[tilespmem:s18+$0x7160] =	vst.add.f32.msk $0xffff, v0  }
0x17d: {  	[tilespmem:s18+$0x7170] =	vst.add.f32.msk $0xffff, v7  }
0x17e: {  	[tilespmem:s18+$0x7180] =	vst.add.f32.msk $0xffff, v1  }
0x17f: {  	[tilespmem:s18+$0x7190] =	vst.add.f32.msk $0xffff, v2  }
0x180: {  	[tilespmem:s18+$0x71A0] =	vst.add.f32.msk $0xffff, v3  }
0x181: {  	[tilespmem:s18+$0x71B0] =	vst.add.f32.msk $0xffff, v4  }
0x182: {  	[tilespmem:s18+$0x71C0] =	vst.add.f32.msk $0xffff, v5  }
0x183: {  	[tilespmem:s18+$0x71D0] =	vst.add.f32.msk $0xffff, v6;
	s16 =	sshll.u32 s16, $0xA  }
0x184: {  	[tilespmem:s18+$0x71E0] =	vst.add.f32.msk $0xffff, v0;
	s16 =	sadd.s32 s16, s6  }
0x185: {  	[hbm4b:s16+s3] =	stream.linear.scatter [tilespmem:s15], [sflag:$0xC], $0x2000, $0x38;
	[tilespmem:$0x13000] =	vst v63  }
0x186: {  	s16 =	simm.s32 @!p0 $0xB  }
0x187: {  	_ =	swait.ge @!p0 [sflag:s16], $0x2000  }
0x188: {  	s18 =	simm.s32 @!p0 $0x40;
	[sflag:s16] =	ssyncset.done @!p0 $0x0  }
0x189: {  	s20 =	simm.s32 @!p0 $0x5000;
	[sflag:s16] =	ssyncadd.s32 @!p0 $0xFFFFE000;
	s16 =	sadd.s32 @!p0 $0x280, s14  }
0x18a: {  	[tilespmem:s20], [sflag:$0x3] =	stream.indirect.gather @!p0 [hbm4b:s1+s18], $0x80, s16, s18, $0xb8;
	[tilespmem:$0x13000] =	vst v63  }
0x18b: {  	s16 =	sor.u32 $0x4, s12;
	_ =	swait.ge [sflag:s29], $0x2000  }
0x18c: {  	s20 =	sshll.u32 s16, $0x7;
	[sflag:s29] =	ssyncset.done $0x0  }
0x18d: {  	s18 =	sand.u32 $0x3FFFFF80, s20;
	[sflag:s29] =	ssyncadd.s32 $0xFFFFE000  }
0x18e: {  	v1 =	vld [tilespmem:s18+$0x11000]  }
0x18f: {  	v2 =	vld [tilespmem:s18+$0x11010]  }
0x190: {  	v3 =	vld [tilespmem:s18+$0x11020]  }
0x191: {  	v7 =	vld [tilespmem:s18+$0x11070]  }
0x192: {  	v4 =	vld [tilespmem:s18+$0x11030]  }
0x193: {  	v5 =	vld [tilespmem:s18+$0x11040]  }
0x194: {  	v6 =	vld [tilespmem:s18+$0x11050]  }
0x195: {  	s20 =	simm.s32 $0x800;
	v0 =	vld [tilespmem:s18+$0x11060];
	s18 =	simm.s32 $0x0  }
.LBB2_11:
0x196: {  	p1 =	sne.s32 s20, $0x7800;
	[tilespmem:s18+$0x91F0] =	vst.add.f32.msk $0xffff, v7  }
0x197: {  	[tilespmem:s18+$0x9000] =	vst.add.f32.msk $0xffff, v1  }
0x198: {  	[tilespmem:s18+$0x9010] =	vst.add.f32.msk $0xffff, v2  }
0x199: {  	[tilespmem:s18+$0x9020] =	vst.add.f32.msk $0xffff, v3  }
0x19a: {  	[tilespmem:s18+$0x9030] =	vst.add.f32.msk $0xffff, v4  }
0x19b: {  	[tilespmem:s18+$0x9040] =	vst.add.f32.msk $0xffff, v5  }
0x19c: {  	[tilespmem:s18+$0x9050] =	vst.add.f32.msk $0xffff, v6  }
0x19d: {  	[tilespmem:s18+$0x9060] =	vst.add.f32.msk $0xffff, v0  }
0x19e: {  	[tilespmem:s18+$0x9070] =	vst.add.f32.msk $0xffff, v7  }
0x19f: {  	[tilespmem:s18+$0x9080] =	vst.add.f32.msk $0xffff, v1  }
0x1a0: {  	[tilespmem:s18+$0x9090] =	vst.add.f32.msk $0xffff, v2  }
0x1a1: {  	[tilespmem:s18+$0x90A0] =	vst.add.f32.msk $0xffff, v3  }
0x1a2: {  	[tilespmem:s18+$0x90B0] =	vst.add.f32.msk $0xffff, v4  }
0x1a3: {  	[tilespmem:s18+$0x90C0] =	vst.add.f32.msk $0xffff, v5  }
0x1a4: {  	[tilespmem:s18+$0x90D0] =	vst.add.f32.msk $0xffff, v6  }
0x1a5: {  	[tilespmem:s18+$0x90E0] =	vst.add.f32.msk $0xffff, v0  }
0x1a6: {  	[tilespmem:s18+$0x90F0] =	vst.add.f32.msk $0xffff, v7  }
0x1a7: {  	[tilespmem:s18+$0x9100] =	vst.add.f32.msk $0xffff, v1  }
0x1a8: {  	[tilespmem:s18+$0x9110] =	vst.add.f32.msk $0xffff, v2  }
0x1a9: {  	[tilespmem:s18+$0x9120] =	vst.add.f32.msk $0xffff, v3  }
0x1aa: {  	[tilespmem:s18+$0x9130] =	vst.add.f32.msk $0xffff, v4  }
0x1ab: {  	[tilespmem:s18+$0x9140] =	vst.add.f32.msk $0xffff, v5  }
0x1ac: {  	[tilespmem:s18+$0x9150] =	vst.add.f32.msk $0xffff, v6  }
0x1ad: {  	[tilespmem:s18+$0x9160] =	vst.add.f32.msk $0xffff, v0  }
0x1ae: {  	[tilespmem:s18+$0x9170] =	vst.add.f32.msk $0xffff, v7  }
0x1af: {  	[tilespmem:s18+$0x9180] =	vst.add.f32.msk $0xffff, v1  }
0x1b0: {  	[tilespmem:s18+$0x9190] =	vst.add.f32.msk $0xffff, v2  }
.Ltmp6:
0x1b1: {  	[tilespmem:s18+$0x91A0] =	vst.add.f32.msk $0xffff, v3;
	(pc) =	sbr.rel @p1 .LBB2_11-.Ltmp6, $4  }
0x1b2: {  	[tilespmem:s18+$0x91B0] =	vst.add.f32.msk $0xffff, v4  }
0x1b3: {  	[tilespmem:s18+$0x91C0] =	vst.add.f32.msk $0xffff, v5  }
0x1b4: {  	[tilespmem:s18+$0x91D0] =	vst.add.f32.msk $0xffff, v6  }
0x1b5: {  	[tilespmem:s18+$0x91E0] =	vst.add.f32.msk $0xffff, v0;
	s18 =	sshra.s32 s20, $0x2;
	s20 =	sadd.s32 $0x800, s20  }
0x1b6: {  	[tilespmem:s18+$0x91F0] =	vst.add.f32.msk $0xffff, v7  }
0x1b7: {  	[tilespmem:s18+$0x9000] =	vst.add.f32.msk $0xffff, v1  }
0x1b8: {  	[tilespmem:s18+$0x9010] =	vst.add.f32.msk $0xffff, v2  }
0x1b9: {  	[tilespmem:s18+$0x9020] =	vst.add.f32.msk $0xffff, v3  }
0x1ba: {  	[tilespmem:s18+$0x9030] =	vst.add.f32.msk $0xffff, v4  }
0x1bb: {  	[tilespmem:s18+$0x9040] =	vst.add.f32.msk $0xffff, v5  }
0x1bc: {  	[tilespmem:s18+$0x9050] =	vst.add.f32.msk $0xffff, v6  }
0x1bd: {  	[tilespmem:s18+$0x9060] =	vst.add.f32.msk $0xffff, v0  }
0x1be: {  	[tilespmem:s18+$0x9070] =	vst.add.f32.msk $0xffff, v7  }
0x1bf: {  	[tilespmem:s18+$0x9080] =	vst.add.f32.msk $0xffff, v1  }
0x1c0: {  	[tilespmem:s18+$0x9090] =	vst.add.f32.msk $0xffff, v2  }
0x1c1: {  	[tilespmem:s18+$0x90A0] =	vst.add.f32.msk $0xffff, v3  }
0x1c2: {  	[tilespmem:s18+$0x90B0] =	vst.add.f32.msk $0xffff, v4  }
0x1c3: {  	[tilespmem:s18+$0x90C0] =	vst.add.f32.msk $0xffff, v5  }
0x1c4: {  	[tilespmem:s18+$0x90D0] =	vst.add.f32.msk $0xffff, v6  }
0x1c5: {  	[tilespmem:s18+$0x90E0] =	vst.add.f32.msk $0xffff, v0  }
0x1c6: {  	[tilespmem:s18+$0x90F0] =	vst.add.f32.msk $0xffff, v7  }
0x1c7: {  	[tilespmem:s18+$0x9100] =	vst.add.f32.msk $0xffff, v1  }
0x1c8: {  	[tilespmem:s18+$0x9110] =	vst.add.f32.msk $0xffff, v2  }
0x1c9: {  	[tilespmem:s18+$0x9120] =	vst.add.f32.msk $0xffff, v3  }
0x1ca: {  	[tilespmem:s18+$0x9130] =	vst.add.f32.msk $0xffff, v4  }
0x1cb: {  	[tilespmem:s18+$0x9140] =	vst.add.f32.msk $0xffff, v5  }
0x1cc: {  	[tilespmem:s18+$0x9150] =	vst.add.f32.msk $0xffff, v6  }
0x1cd: {  	[tilespmem:s18+$0x9160] =	vst.add.f32.msk $0xffff, v0  }
0x1ce: {  	[tilespmem:s18+$0x9170] =	vst.add.f32.msk $0xffff, v7  }
0x1cf: {  	[tilespmem:s18+$0x9180] =	vst.add.f32.msk $0xffff, v1  }
0x1d0: {  	[tilespmem:s18+$0x9190] =	vst.add.f32.msk $0xffff, v2  }
0x1d1: {  	[tilespmem:s18+$0x91A0] =	vst.add.f32.msk $0xffff, v3  }
0x1d2: {  	[tilespmem:s18+$0x91B0] =	vst.add.f32.msk $0xffff, v4  }
0x1d3: {  	[tilespmem:s18+$0x91C0] =	vst.add.f32.msk $0xffff, v5  }
0x1d4: {  	[tilespmem:s18+$0x91D0] =	vst.add.f32.msk $0xffff, v6;
	s16 =	sshll.u32 s16, $0xA  }
0x1d5: {  	[tilespmem:s18+$0x91E0] =	vst.add.f32.msk $0xffff, v0;
	s16 =	sadd.s32 s16, s6  }
0x1d6: {  	[hbm4b:s16+s3] =	stream.linear.scatter [tilespmem:s17], [sflag:$0xD], $0x2000, $0x38;
	[tilespmem:$0x13000] =	vst v63  }
0x1d7: {  	s16 =	simm.s32 @!p0 $0xC  }
0x1d8: {  	_ =	swait.ge @!p0 [sflag:s16], $0x2000  }
0x1d9: {  	s18 =	simm.s32 @!p0 $0x40;
	[sflag:s16] =	ssyncset.done @!p0 $0x0  }
0x1da: {  	s20 =	simm.s32 @!p0 $0x7000;
	[sflag:s16] =	ssyncadd.s32 @!p0 $0xFFFFE000;
	s16 =	sadd.s32 @!p0 $0x2C0, s14  }
0x1db: {  	[tilespmem:s20], [sflag:$0x4] =	stream.indirect.gather @!p0 [hbm4b:s1+s18], $0x80, s16, s18, $0xb8;
	[tilespmem:$0x13000] =	vst v63  }
0x1dc: {  	s16 =	sor.u32 $0x5, s12;
	_ =	swait.ge [sflag:s30], $0x2000  }
0x1dd: {  	s20 =	sshll.u32 s16, $0x7;
	[sflag:s30] =	ssyncset.done $0x0  }
0x1de: {  	s18 =	sand.u32 $0x3FFFFF80, s20;
	[sflag:s30] =	ssyncadd.s32 $0xFFFFE000  }
0x1df: {  	v1 =	vld [tilespmem:s18+$0x11000]  }
0x1e0: {  	v2 =	vld [tilespmem:s18+$0x11010]  }
0x1e1: {  	v3 =	vld [tilespmem:s18+$0x11020]  }
0x1e2: {  	v7 =	vld [tilespmem:s18+$0x11070]  }
0x1e3: {  	v4 =	vld [tilespmem:s18+$0x11030]  }
0x1e4: {  	v5 =	vld [tilespmem:s18+$0x11040]  }
0x1e5: {  	v6 =	vld [tilespmem:s18+$0x11050]  }
0x1e6: {  	s20 =	simm.s32 $0x800;
	v0 =	vld [tilespmem:s18+$0x11060];
	s18 =	simm.s32 $0x0  }
.LBB2_13:
0x1e7: {  	p1 =	sne.s32 s20, $0x7800;
	[tilespmem:s18+$0xB1F0] =	vst.add.f32.msk $0xffff, v7  }
0x1e8: {  	[tilespmem:s18+$0xB000] =	vst.add.f32.msk $0xffff, v1  }
0x1e9: {  	[tilespmem:s18+$0xB010] =	vst.add.f32.msk $0xffff, v2  }
0x1ea: {  	[tilespmem:s18+$0xB020] =	vst.add.f32.msk $0xffff, v3  }
0x1eb: {  	[tilespmem:s18+$0xB030] =	vst.add.f32.msk $0xffff, v4  }
0x1ec: {  	[tilespmem:s18+$0xB040] =	vst.add.f32.msk $0xffff, v5  }
0x1ed: {  	[tilespmem:s18+$0xB050] =	vst.add.f32.msk $0xffff, v6  }
0x1ee: {  	[tilespmem:s18+$0xB060] =	vst.add.f32.msk $0xffff, v0  }
0x1ef: {  	[tilespmem:s18+$0xB070] =	vst.add.f32.msk $0xffff, v7  }
0x1f0: {  	[tilespmem:s18+$0xB080] =	vst.add.f32.msk $0xffff, v1  }
0x1f1: {  	[tilespmem:s18+$0xB090] =	vst.add.f32.msk $0xffff, v2  }
0x1f2: {  	[tilespmem:s18+$0xB0A0] =	vst.add.f32.msk $0xffff, v3  }
0x1f3: {  	[tilespmem:s18+$0xB0B0] =	vst.add.f32.msk $0xffff, v4  }
0x1f4: {  	[tilespmem:s18+$0xB0C0] =	vst.add.f32.msk $0xffff, v5  }
0x1f5: {  	[tilespmem:s18+$0xB0D0] =	vst.add.f32.msk $0xffff, v6  }
0x1f6: {  	[tilespmem:s18+$0xB0E0] =	vst.add.f32.msk $0xffff, v0  }
0x1f7: {  	[tilespmem:s18+$0xB0F0] =	vst.add.f32.msk $0xffff, v7  }
0x1f8: {  	[tilespmem:s18+$0xB100] =	vst.add.f32.msk $0xffff, v1  }
0x1f9: {  	[tilespmem:s18+$0xB110] =	vst.add.f32.msk $0xffff, v2  }
0x1fa: {  	[tilespmem:s18+$0xB120] =	vst.add.f32.msk $0xffff, v3  }
0x1fb: {  	[tilespmem:s18+$0xB130] =	vst.add.f32.msk $0xffff, v4  }
0x1fc: {  	[tilespmem:s18+$0xB140] =	vst.add.f32.msk $0xffff, v5  }
0x1fd: {  	[tilespmem:s18+$0xB150] =	vst.add.f32.msk $0xffff, v6  }
0x1fe: {  	[tilespmem:s18+$0xB160] =	vst.add.f32.msk $0xffff, v0  }
0x1ff: {  	[tilespmem:s18+$0xB170] =	vst.add.f32.msk $0xffff, v7  }
0x200: {  	[tilespmem:s18+$0xB180] =	vst.add.f32.msk $0xffff, v1  }
0x201: {  	[tilespmem:s18+$0xB190] =	vst.add.f32.msk $0xffff, v2  }
.Ltmp7:
0x202: {  	[tilespmem:s18+$0xB1A0] =	vst.add.f32.msk $0xffff, v3;
	(pc) =	sbr.rel @p1 .LBB2_13-.Ltmp7, $4  }
0x203: {  	[tilespmem:s18+$0xB1B0] =	vst.add.f32.msk $0xffff, v4  }
0x204: {  	[tilespmem:s18+$0xB1C0] =	vst.add.f32.msk $0xffff, v5  }
0x205: {  	[tilespmem:s18+$0xB1D0] =	vst.add.f32.msk $0xffff, v6  }
0x206: {  	[tilespmem:s18+$0xB1E0] =	vst.add.f32.msk $0xffff, v0;
	s18 =	sshra.s32 s20, $0x2;
	s20 =	sadd.s32 $0x800, s20  }
0x207: {  	[tilespmem:s18+$0xB1F0] =	vst.add.f32.msk $0xffff, v7  }
0x208: {  	[tilespmem:s18+$0xB000] =	vst.add.f32.msk $0xffff, v1  }
0x209: {  	[tilespmem:s18+$0xB010] =	vst.add.f32.msk $0xffff, v2  }
0x20a: {  	[tilespmem:s18+$0xB020] =	vst.add.f32.msk $0xffff, v3  }
0x20b: {  	[tilespmem:s18+$0xB030] =	vst.add.f32.msk $0xffff, v4  }
0x20c: {  	[tilespmem:s18+$0xB040] =	vst.add.f32.msk $0xffff, v5  }
0x20d: {  	[tilespmem:s18+$0xB050] =	vst.add.f32.msk $0xffff, v6  }
0x20e: {  	[tilespmem:s18+$0xB060] =	vst.add.f32.msk $0xffff, v0  }
0x20f: {  	[tilespmem:s18+$0xB070] =	vst.add.f32.msk $0xffff, v7  }
0x210: {  	[tilespmem:s18+$0xB080] =	vst.add.f32.msk $0xffff, v1  }
0x211: {  	[tilespmem:s18+$0xB090] =	vst.add.f32.msk $0xffff, v2  }
0x212: {  	[tilespmem:s18+$0xB0A0] =	vst.add.f32.msk $0xffff, v3  }
0x213: {  	[tilespmem:s18+$0xB0B0] =	vst.add.f32.msk $0xffff, v4  }
0x214: {  	[tilespmem:s18+$0xB0C0] =	vst.add.f32.msk $0xffff, v5  }
0x215: {  	[tilespmem:s18+$0xB0D0] =	vst.add.f32.msk $0xffff, v6  }
0x216: {  	[tilespmem:s18+$0xB0E0] =	vst.add.f32.msk $0xffff, v0  }
0x217: {  	[tilespmem:s18+$0xB0F0] =	vst.add.f32.msk $0xffff, v7  }
0x218: {  	[tilespmem:s18+$0xB100] =	vst.add.f32.msk $0xffff, v1  }
0x219: {  	[tilespmem:s18+$0xB110] =	vst.add.f32.msk $0xffff, v2  }
0x21a: {  	[tilespmem:s18+$0xB120] =	vst.add.f32.msk $0xffff, v3  }
0x21b: {  	[tilespmem:s18+$0xB130] =	vst.add.f32.msk $0xffff, v4  }
0x21c: {  	[tilespmem:s18+$0xB140] =	vst.add.f32.msk $0xffff, v5  }
0x21d: {  	[tilespmem:s18+$0xB150] =	vst.add.f32.msk $0xffff, v6  }
0x21e: {  	[tilespmem:s18+$0xB160] =	vst.add.f32.msk $0xffff, v0  }
0x21f: {  	[tilespmem:s18+$0xB170] =	vst.add.f32.msk $0xffff, v7  }
0x220: {  	[tilespmem:s18+$0xB180] =	vst.add.f32.msk $0xffff, v1  }
0x221: {  	[tilespmem:s18+$0xB190] =	vst.add.f32.msk $0xffff, v2  }
0x222: {  	[tilespmem:s18+$0xB1A0] =	vst.add.f32.msk $0xffff, v3  }
0x223: {  	[tilespmem:s18+$0xB1B0] =	vst.add.f32.msk $0xffff, v4  }
0x224: {  	[tilespmem:s18+$0xB1C0] =	vst.add.f32.msk $0xffff, v5  }
0x225: {  	[tilespmem:s18+$0xB1D0] =	vst.add.f32.msk $0xffff, v6;
	s16 =	sshll.u32 s16, $0xA  }
0x226: {  	[tilespmem:s18+$0xB1E0] =	vst.add.f32.msk $0xffff, v0;
	s16 =	sadd.s32 s16, s6  }
0x227: {  	[hbm4b:s16+s3] =	stream.linear.scatter [tilespmem:s19], [sflag:$0xE], $0x2000, $0x38;
	[tilespmem:$0x13000] =	vst v63  }
0x228: {  	s16 =	simm.s32 @!p0 $0xD  }
0x229: {  	_ =	swait.ge @!p0 [sflag:s16], $0x2000  }
0x22a: {  	s18 =	simm.s32 @!p0 $0x40;
	[sflag:s16] =	ssyncset.done @!p0 $0x0  }
0x22b: {  	s20 =	simm.s32 @!p0 $0x9000;
	[sflag:s16] =	ssyncadd.s32 @!p0 $0xFFFFE000;
	s16 =	sadd.s32 @!p0 $0x300, s14  }
0x22c: {  	[tilespmem:s20], [sflag:$0x5] =	stream.indirect.gather @!p0 [hbm4b:s1+s18], $0x80, s16, s18, $0xb8;
	[tilespmem:$0x13000] =	vst v63  }
0x22d: {  	s12 =	sor.u32 $0x6, s12;
	_ =	swait.ge [sflag:s31], $0x2000  }
0x22e: {  	s20 =	sshll.u32 s12, $0x7;
	[sflag:s31] =	ssyncset.done $0x0  }
0x22f: {  	s16 =	sand.u32 $0x3FFFFF80, s20;
	[sflag:s31] =	ssyncadd.s32 $0xFFFFE000  }
0x230: {  	v1 =	vld [tilespmem:s16+$0x11000]  }
0x231: {  	v2 =	vld [tilespmem:s16+$0x11010]  }
0x232: {  	v3 =	vld [tilespmem:s16+$0x11020]  }
0x233: {  	v7 =	vld [tilespmem:s16+$0x11070]  }
0x234: {  	v4 =	vld [tilespmem:s16+$0x11030]  }
0x235: {  	v5 =	vld [tilespmem:s16+$0x11040]  }
0x236: {  	v6 =	vld [tilespmem:s16+$0x11050]  }
0x237: {  	s18 =	simm.s32 $0x800;
	v0 =	vld [tilespmem:s16+$0x11060];
	s16 =	simm.s32 $0x0  }
.LBB2_15:
0x238: {  	p1 =	sne.s32 s18, $0x7800;
	[tilespmem:s16+$0xD1F0] =	vst.add.f32.msk $0xffff, v7  }
0x239: {  	[tilespmem:s16+$0xD000] =	vst.add.f32.msk $0xffff, v1  }
0x23a: {  	[tilespmem:s16+$0xD010] =	vst.add.f32.msk $0xffff, v2  }
0x23b: {  	[tilespmem:s16+$0xD020] =	vst.add.f32.msk $0xffff, v3  }
0x23c: {  	[tilespmem:s16+$0xD030] =	vst.add.f32.msk $0xffff, v4  }
0x23d: {  	[tilespmem:s16+$0xD040] =	vst.add.f32.msk $0xffff, v5  }
0x23e: {  	[tilespmem:s16+$0xD050] =	vst.add.f32.msk $0xffff, v6  }
0x23f: {  	[tilespmem:s16+$0xD060] =	vst.add.f32.msk $0xffff, v0  }
0x240: {  	[tilespmem:s16+$0xD070] =	vst.add.f32.msk $0xffff, v7  }
0x241: {  	[tilespmem:s16+$0xD080] =	vst.add.f32.msk $0xffff, v1  }
0x242: {  	[tilespmem:s16+$0xD090] =	vst.add.f32.msk $0xffff, v2  }
0x243: {  	[tilespmem:s16+$0xD0A0] =	vst.add.f32.msk $0xffff, v3  }
0x244: {  	[tilespmem:s16+$0xD0B0] =	vst.add.f32.msk $0xffff, v4  }
0x245: {  	[tilespmem:s16+$0xD0C0] =	vst.add.f32.msk $0xffff, v5  }
0x246: {  	[tilespmem:s16+$0xD0D0] =	vst.add.f32.msk $0xffff, v6  }
0x247: {  	[tilespmem:s16+$0xD0E0] =	vst.add.f32.msk $0xffff, v0  }
0x248: {  	[tilespmem:s16+$0xD0F0] =	vst.add.f32.msk $0xffff, v7  }
0x249: {  	[tilespmem:s16+$0xD100] =	vst.add.f32.msk $0xffff, v1  }
0x24a: {  	[tilespmem:s16+$0xD110] =	vst.add.f32.msk $0xffff, v2  }
0x24b: {  	[tilespmem:s16+$0xD120] =	vst.add.f32.msk $0xffff, v3  }
0x24c: {  	[tilespmem:s16+$0xD130] =	vst.add.f32.msk $0xffff, v4  }
0x24d: {  	[tilespmem:s16+$0xD140] =	vst.add.f32.msk $0xffff, v5  }
0x24e: {  	[tilespmem:s16+$0xD150] =	vst.add.f32.msk $0xffff, v6  }
0x24f: {  	[tilespmem:s16+$0xD160] =	vst.add.f32.msk $0xffff, v0  }
0x250: {  	[tilespmem:s16+$0xD170] =	vst.add.f32.msk $0xffff, v7  }
0x251: {  	[tilespmem:s16+$0xD180] =	vst.add.f32.msk $0xffff, v1  }
0x252: {  	[tilespmem:s16+$0xD190] =	vst.add.f32.msk $0xffff, v2  }
.Ltmp8:
0x253: {  	[tilespmem:s16+$0xD1A0] =	vst.add.f32.msk $0xffff, v3;
	(pc) =	sbr.rel @p1 .LBB2_15-.Ltmp8, $4  }
0x254: {  	[tilespmem:s16+$0xD1B0] =	vst.add.f32.msk $0xffff, v4  }
0x255: {  	[tilespmem:s16+$0xD1C0] =	vst.add.f32.msk $0xffff, v5  }
0x256: {  	[tilespmem:s16+$0xD1D0] =	vst.add.f32.msk $0xffff, v6  }
0x257: {  	[tilespmem:s16+$0xD1E0] =	vst.add.f32.msk $0xffff, v0;
	s16 =	sshra.s32 s18, $0x2;
	s18 =	sadd.s32 $0x800, s18  }
0x258: {  	[tilespmem:s16+$0xD1F0] =	vst.add.f32.msk $0xffff, v7  }
0x259: {  	[tilespmem:s16+$0xD000] =	vst.add.f32.msk $0xffff, v1  }
0x25a: {  	[tilespmem:s16+$0xD010] =	vst.add.f32.msk $0xffff, v2  }
0x25b: {  	[tilespmem:s16+$0xD020] =	vst.add.f32.msk $0xffff, v3  }
0x25c: {  	[tilespmem:s16+$0xD030] =	vst.add.f32.msk $0xffff, v4  }
0x25d: {  	[tilespmem:s16+$0xD040] =	vst.add.f32.msk $0xffff, v5  }
0x25e: {  	[tilespmem:s16+$0xD050] =	vst.add.f32.msk $0xffff, v6  }
0x25f: {  	[tilespmem:s16+$0xD060] =	vst.add.f32.msk $0xffff, v0  }
0x260: {  	[tilespmem:s16+$0xD070] =	vst.add.f32.msk $0xffff, v7  }
0x261: {  	[tilespmem:s16+$0xD080] =	vst.add.f32.msk $0xffff, v1  }
0x262: {  	[tilespmem:s16+$0xD090] =	vst.add.f32.msk $0xffff, v2  }
0x263: {  	[tilespmem:s16+$0xD0A0] =	vst.add.f32.msk $0xffff, v3  }
0x264: {  	[tilespmem:s16+$0xD0B0] =	vst.add.f32.msk $0xffff, v4  }
0x265: {  	[tilespmem:s16+$0xD0C0] =	vst.add.f32.msk $0xffff, v5  }
0x266: {  	[tilespmem:s16+$0xD0D0] =	vst.add.f32.msk $0xffff, v6  }
0x267: {  	[tilespmem:s16+$0xD0E0] =	vst.add.f32.msk $0xffff, v0  }
0x268: {  	[tilespmem:s16+$0xD0F0] =	vst.add.f32.msk $0xffff, v7  }
0x269: {  	[tilespmem:s16+$0xD100] =	vst.add.f32.msk $0xffff, v1  }
0x26a: {  	[tilespmem:s16+$0xD110] =	vst.add.f32.msk $0xffff, v2  }
0x26b: {  	[tilespmem:s16+$0xD120] =	vst.add.f32.msk $0xffff, v3  }
0x26c: {  	[tilespmem:s16+$0xD130] =	vst.add.f32.msk $0xffff, v4  }
0x26d: {  	[tilespmem:s16+$0xD140] =	vst.add.f32.msk $0xffff, v5  }
0x26e: {  	[tilespmem:s16+$0xD150] =	vst.add.f32.msk $0xffff, v6  }
0x26f: {  	[tilespmem:s16+$0xD160] =	vst.add.f32.msk $0xffff, v0  }
0x270: {  	[tilespmem:s16+$0xD170] =	vst.add.f32.msk $0xffff, v7  }
0x271: {  	[tilespmem:s16+$0xD180] =	vst.add.f32.msk $0xffff, v1  }
0x272: {  	[tilespmem:s16+$0xD190] =	vst.add.f32.msk $0xffff, v2  }
0x273: {  	[tilespmem:s16+$0xD1A0] =	vst.add.f32.msk $0xffff, v3  }
0x274: {  	[tilespmem:s16+$0xD1B0] =	vst.add.f32.msk $0xffff, v4  }
0x275: {  	[tilespmem:s16+$0xD1C0] =	vst.add.f32.msk $0xffff, v5  }
0x276: {  	[tilespmem:s16+$0xD1D0] =	vst.add.f32.msk $0xffff, v6;
	s12 =	sshll.u32 s12, $0xA  }
0x277: {  	[tilespmem:s16+$0xD1E0] =	vst.add.f32.msk $0xffff, v0;
	s12 =	sadd.s32 s12, s6  }
0x278: {  	[hbm4b:s12+s3] =	stream.linear.scatter [tilespmem:s21], [sflag:$0xF], $0x2000, $0x38;
	[tilespmem:$0x13000] =	vst v63  }
0x279: {  	s12 =	simm.s32 @!p0 $0xE  }
0x27a: {  	_ =	swait.ge @!p0 [sflag:s12], $0x2000  }
0x27b: {  	s16 =	simm.s32 @!p0 $0xB000;
	[sflag:s12] =	ssyncset.done @!p0 $0x0  }
0x27c: {  	[sflag:s12] =	ssyncadd.s32 @!p0 $0xFFFFE000;
	s12 =	sadd.s32 @!p0 $0x340, s14;
	s14 =	simm.s32 @!p0 $0x40  }
0x27d: {  	[tilespmem:s16], [sflag:$0x6] =	stream.indirect.gather @!p0 [hbm4b:s1+s14], $0x80, s12, s14, $0xb8;
	[tilespmem:$0x13000] =	vst v63  }
0x27e: {  	_ =	swait.ge [sflag:s0], $0x2000  }
0x27f: {  	s20 =	sshll.u32 s2, $0x7;
	[sflag:s0] =	ssyncset.done $0x0  }
0x280: {  	s12 =	sand.u32 $0x3FFFFF80, s20;
	[sflag:s0] =	ssyncadd.s32 $0xFFFFE000  }
0x281: {  	v1 =	vld [tilespmem:s12+$0x11000]  }
0x282: {  	v2 =	vld [tilespmem:s12+$0x11010]  }
0x283: {  	v3 =	vld [tilespmem:s12+$0x11020]  }
0x284: {  	v7 =	vld [tilespmem:s12+$0x11070]  }
0x285: {  	v4 =	vld [tilespmem:s12+$0x11030]  }
0x286: {  	v5 =	vld [tilespmem:s12+$0x11040]  }
0x287: {  	v6 =	vld [tilespmem:s12+$0x11050]  }
0x288: {  	s14 =	simm.s32 $0x800;
	v0 =	vld [tilespmem:s12+$0x11060];
	s12 =	simm.s32 $0x0  }
.LBB2_17:
0x289: {  	p1 =	sne.s32 s14, $0x7800;
	[tilespmem:s12+$0xF1F0] =	vst.add.f32.msk $0xffff, v7  }
0x28a: {  	[tilespmem:s12+$0xF000] =	vst.add.f32.msk $0xffff, v1  }
0x28b: {  	[tilespmem:s12+$0xF010] =	vst.add.f32.msk $0xffff, v2  }
0x28c: {  	[tilespmem:s12+$0xF020] =	vst.add.f32.msk $0xffff, v3  }
0x28d: {  	[tilespmem:s12+$0xF030] =	vst.add.f32.msk $0xffff, v4  }
0x28e: {  	[tilespmem:s12+$0xF040] =	vst.add.f32.msk $0xffff, v5  }
0x28f: {  	[tilespmem:s12+$0xF050] =	vst.add.f32.msk $0xffff, v6  }
0x290: {  	[tilespmem:s12+$0xF060] =	vst.add.f32.msk $0xffff, v0  }
0x291: {  	[tilespmem:s12+$0xF070] =	vst.add.f32.msk $0xffff, v7  }
0x292: {  	[tilespmem:s12+$0xF080] =	vst.add.f32.msk $0xffff, v1  }
0x293: {  	[tilespmem:s12+$0xF090] =	vst.add.f32.msk $0xffff, v2  }
0x294: {  	[tilespmem:s12+$0xF0A0] =	vst.add.f32.msk $0xffff, v3  }
0x295: {  	[tilespmem:s12+$0xF0B0] =	vst.add.f32.msk $0xffff, v4  }
0x296: {  	[tilespmem:s12+$0xF0C0] =	vst.add.f32.msk $0xffff, v5  }
0x297: {  	[tilespmem:s12+$0xF0D0] =	vst.add.f32.msk $0xffff, v6  }
0x298: {  	[tilespmem:s12+$0xF0E0] =	vst.add.f32.msk $0xffff, v0  }
0x299: {  	[tilespmem:s12+$0xF0F0] =	vst.add.f32.msk $0xffff, v7  }
0x29a: {  	[tilespmem:s12+$0xF100] =	vst.add.f32.msk $0xffff, v1  }
0x29b: {  	[tilespmem:s12+$0xF110] =	vst.add.f32.msk $0xffff, v2  }
0x29c: {  	[tilespmem:s12+$0xF120] =	vst.add.f32.msk $0xffff, v3  }
0x29d: {  	[tilespmem:s12+$0xF130] =	vst.add.f32.msk $0xffff, v4  }
0x29e: {  	[tilespmem:s12+$0xF140] =	vst.add.f32.msk $0xffff, v5  }
0x29f: {  	[tilespmem:s12+$0xF150] =	vst.add.f32.msk $0xffff, v6  }
0x2a0: {  	[tilespmem:s12+$0xF160] =	vst.add.f32.msk $0xffff, v0  }
0x2a1: {  	[tilespmem:s12+$0xF170] =	vst.add.f32.msk $0xffff, v7  }
0x2a2: {  	[tilespmem:s12+$0xF180] =	vst.add.f32.msk $0xffff, v1  }
0x2a3: {  	[tilespmem:s12+$0xF190] =	vst.add.f32.msk $0xffff, v2  }
.Ltmp9:
0x2a4: {  	[tilespmem:s12+$0xF1A0] =	vst.add.f32.msk $0xffff, v3;
	(pc) =	sbr.rel @p1 .LBB2_17-.Ltmp9, $4  }
0x2a5: {  	[tilespmem:s12+$0xF1B0] =	vst.add.f32.msk $0xffff, v4  }
0x2a6: {  	[tilespmem:s12+$0xF1C0] =	vst.add.f32.msk $0xffff, v5  }
0x2a7: {  	[tilespmem:s12+$0xF1D0] =	vst.add.f32.msk $0xffff, v6  }
0x2a8: {  	[tilespmem:s12+$0xF1E0] =	vst.add.f32.msk $0xffff, v0;
	s12 =	sshra.s32 s14, $0x2;
	s14 =	sadd.s32 $0x800, s14  }
0x2a9: {  	[tilespmem:s12+$0xF1F0] =	vst.add.f32.msk $0xffff, v7  }
0x2aa: {  	[tilespmem:s12+$0xF000] =	vst.add.f32.msk $0xffff, v1  }
0x2ab: {  	[tilespmem:s12+$0xF010] =	vst.add.f32.msk $0xffff, v2  }
0x2ac: {  	[tilespmem:s12+$0xF020] =	vst.add.f32.msk $0xffff, v3  }
0x2ad: {  	[tilespmem:s12+$0xF030] =	vst.add.f32.msk $0xffff, v4  }
0x2ae: {  	[tilespmem:s12+$0xF040] =	vst.add.f32.msk $0xffff, v5  }
0x2af: {  	[tilespmem:s12+$0xF050] =	vst.add.f32.msk $0xffff, v6  }
0x2b0: {  	[tilespmem:s12+$0xF060] =	vst.add.f32.msk $0xffff, v0  }
0x2b1: {  	[tilespmem:s12+$0xF070] =	vst.add.f32.msk $0xffff, v7  }
0x2b2: {  	[tilespmem:s12+$0xF080] =	vst.add.f32.msk $0xffff, v1  }
0x2b3: {  	[tilespmem:s12+$0xF090] =	vst.add.f32.msk $0xffff, v2  }
0x2b4: {  	[tilespmem:s12+$0xF0A0] =	vst.add.f32.msk $0xffff, v3  }
0x2b5: {  	[tilespmem:s12+$0xF0B0] =	vst.add.f32.msk $0xffff, v4  }
0x2b6: {  	[tilespmem:s12+$0xF0C0] =	vst.add.f32.msk $0xffff, v5  }
0x2b7: {  	[tilespmem:s12+$0xF0D0] =	vst.add.f32.msk $0xffff, v6  }
0x2b8: {  	[tilespmem:s12+$0xF0E0] =	vst.add.f32.msk $0xffff, v0  }
0x2b9: {  	[tilespmem:s12+$0xF0F0] =	vst.add.f32.msk $0xffff, v7  }
0x2ba: {  	[tilespmem:s12+$0xF100] =	vst.add.f32.msk $0xffff, v1  }
0x2bb: {  	[tilespmem:s12+$0xF110] =	vst.add.f32.msk $0xffff, v2  }
0x2bc: {  	[tilespmem:s12+$0xF120] =	vst.add.f32.msk $0xffff, v3  }
0x2bd: {  	[tilespmem:s12+$0xF130] =	vst.add.f32.msk $0xffff, v4  }
0x2be: {  	[tilespmem:s12+$0xF140] =	vst.add.f32.msk $0xffff, v5  }
0x2bf: {  	[tilespmem:s12+$0xF150] =	vst.add.f32.msk $0xffff, v6  }
0x2c0: {  	[tilespmem:s12+$0xF160] =	vst.add.f32.msk $0xffff, v0  }
0x2c1: {  	[tilespmem:s12+$0xF170] =	vst.add.f32.msk $0xffff, v7  }
0x2c2: {  	[tilespmem:s12+$0xF180] =	vst.add.f32.msk $0xffff, v1  }
0x2c3: {  	[tilespmem:s12+$0xF190] =	vst.add.f32.msk $0xffff, v2  }
0x2c4: {  	[tilespmem:s12+$0xF1A0] =	vst.add.f32.msk $0xffff, v3  }
.Ltmp10:
0x2c5: {  	[tilespmem:s12+$0xF1B0] =	vst.add.f32.msk $0xffff, v4;
	(pc) =	sbr.rel @p0 .LBB2_20-.Ltmp10, $4  }
0x2c6: {  	[tilespmem:s12+$0xF1C0] =	vst.add.f32.msk $0xffff, v5  }
0x2c7: {  	[tilespmem:s12+$0xF1D0] =	vst.add.f32.msk $0xffff, v6;
	s2 =	sshll.u32 s2, $0xA  }
0x2c8: {  	[tilespmem:s12+$0xF1E0] =	vst.add.f32.msk $0xffff, v0;
	s2 =	sadd.s32 s2, s6  }
0x2c9: {  	[hbm4b:s2+s3] =	stream.linear.scatter [tilespmem:s24], [sflag:$0x10], $0x2000, $0x38;
	[tilespmem:$0x13000] =	vst v63  }
.Ltmp11:
0x2ca: {  	(pc) =	sbr.rel .LBB2_2-.Ltmp11, $4  }
0x2cb: {  	_ =	swait.ge [sflag:s22], $0x2000;
	s2 =	sshll.u32 s7, $0x9  }
0x2cc: {  	[sflag:s22] =	ssyncset.done $0x0;
	s2 =	sand.u32 $0x3FFFFE00, s2  }
0x2cd: {  	s7 =	sadd.s32 $0x1, s7;
	[sflag:s22] =	ssyncadd.s32 $0xFFFFE000;
	s2 =	sadd.s32 $0x380, s2  }
0x2ce: {  	[tilespmem:s21], [sflag:$0x7] =	stream.indirect.gather [hbm4b:s1+s9], $0x80, s2, s9, $0xb8;
	[tilespmem:$0x13000] =	vst v63  }
.LBB2_21:
0x2cf: {  	_ =	sfence.sel $0x180000  }
0x2d0: {  	[bflag:$0x0] =	sbarrier.arrive $0xFFFF  }
0x2d1: {  	_ =	strace $0x90000047  }
0x2d2: {  	s0 =	stileid.u32;
	[bflag:$0x2] =	sbarrier.arrive $0xFFFF  }
0x2d3: {  	p0 =	sne.s32 s0, $0x0;
	s0 =	rddreg [dreg:$0x3]  }
0x2d4: {  	s0 =	sadd.s32 @!p0 $0x100000, s0  }
0x2d5: {  	[sflag:s0] =	ssyncadd.tile.s32 @!p0 $0x1;
	_ =	shalt  }
.Lfunc_end2:
_tile_overlayer_lowered:
.L_overlay_start_2:
0x2d6: {  	(tag) =	ssettag $0x2  }
0x2d7: {  	s0 =	rddreg [dreg:$0x0];
	s2 =	stileid.u32  }
0x2d8: {  	s1 =	rddreg [dreg:$0x1];
	p0 =	sne.s32 s2, $0x0  }
0x2d9: {  	s3 =	rddreg [dreg:$0x2];
	[bflag:$0x3] =	sbarrier.arrive $0xFFFF;
	s2 =	simm.s32 @!p0 $0x1C11  }
0x2da: {  	[timem:s3], [sflag:s2] =	dma.local @!p0 [hbm:s0], s1  }
0x2db: {  	s0 =	simm.s32 @!p0 $0x11  }
0x2dc: {  	_ =	swait.ge @!p0 [sflag:s0], s1  }
0x2dd: {  	s1 =	ssub.s32 @!p0 $0x0, s1;
	[sflag:s0] =	ssyncset.done @!p0 $0x0  }
0x2de: {  	[sflag:s0] =	ssyncadd.s32 @!p0 s1  }
0x2df: {  	[bflag:$0x3] =	sbarrier.arrive $0xFFFF  }
0x2e0: {  	_ =	shalt  }

</sc_bundles>
